<compile_context>
chip_gen: v7x
topology: tpu7x:2x2x1
jax: 0.10.2.dev20260603
libtpu: 0.0.44.dev20260713+nightly
codegen_flags: <defaults>
</compile_context>

<pallas_src>
import functools

import jax
import jax.numpy as jnp
from jax import lax
from jax.experimental import pallas as pl
from jax.experimental.pallas import tpu as pltpu
from jax.experimental.pallas import tpu_sc as plsc

PW = 64
BW = PW + 8
NB = 4
PREF = 3


def kernel(images, positions, widths):
    del widths
    n = positions.shape[0]
    info = plsc.get_sparse_core_info()
    nw = info.num_cores * info.num_subcores
    n_per = n // nw
    pos_flat = positions.reshape(-1)

    mesh = plsc.VectorSubcoreMesh(core_axis_name="c", subcore_axis_name="s")

    @functools.partial(
        pl.kernel,
        out_type=jax.ShapeDtypeStruct((n, PW, PW), jnp.float32),
        mesh=mesh,
        compiler_params=pltpu.CompilerParams(
            use_tc_tiling_on_sc=False, needs_layout_passes=False
        ),
        scratch_types=[
            pltpu.VMEM((2 * n_per,), jnp.int32),
            pltpu.VMEM((NB * PW, BW), jnp.float32),
            pltpu.VMEM((2, PW, PW), jnp.float32),
            pltpu.SemaphoreType.DMA,
            pltpu.SemaphoreType.DMA,
        ],
    )
    def patch_kernel(images_h, pos_h, out_h, pos_v, buf_v, obuf_v, in_sem,
                     out_sem):
        wid = lax.axis_index("s") * info.num_cores + lax.axis_index("c")
        base = wid * n_per
        pltpu.sync_copy(pos_h.at[pl.ds(base * 2, 2 * n_per)], pos_v)
        iota = lax.iota(jnp.int32, 16)

        def read_pos(p):
            pv = plsc.load_gather(pos_v, [iota + 2 * p])
            return pv[0], pv[1]

        def fire_in(p):
            r, c = read_pos(p)
            c8 = pl.multiple_of(jnp.bitwise_and(c, -8), 8)
            pltpu.async_copy(
                images_h.at[pl.ds(r, PW), pl.ds(c8, BW)],
                buf_v.at[pl.ds((p % NB) * PW, PW)],
                in_sem,
            )

        for p in range(PREF):
            fire_in(p)

        def body(p, carry):
            del carry
            pf = p + PREF

            @pl.when(pf < n_per)
            def _():
                fire_in(pf)

            pltpu.make_async_copy(
                images_h.at[pl.ds(0, PW), pl.ds(0, BW)],
                buf_v.at[pl.ds((p % NB) * PW, PW)],
                in_sem,
            ).wait()

            @pl.when(p >= 2)
            def _():
                pltpu.make_async_copy(
                    obuf_v.at[0], out_h.at[0], out_sem
                ).wait()

            _, c = read_pos(p)
            svec = jnp.bitwise_and(jnp.full((16,), c, jnp.int32), 7)
            slot_row = (p % NB) * PW
            ob = p % 2
            col_idx = [svec + iota + 16 * k for k in range(4)]
            for row in range(PW):
                row_vec = jnp.full((16,), slot_row + row, jnp.int32)
                for k in range(4):
                    v = plsc.load_gather(buf_v, [row_vec, col_idx[k]])
                    obuf_v[ob, row, pl.ds(16 * k, 16)] = v

            pltpu.async_copy(obuf_v.at[ob], out_h.at[base + p], out_sem)
            return 0

        lax.fori_loop(0, n_per, body, 0)

        for _ in range(2):
            pltpu.make_async_copy(obuf_v.at[0], out_h.at[0], out_sem).wait()

    return patch_kernel(images, pos_flat)

# --- scband reference (transcript-rebuilt; emitter-appended) ---
"""Pipeline reference for scband-patch-6279242187487 (READ-ONLY COPY).

The authoritative reference and input builder live on the scoring server;
editing this copy changes nothing except your own understanding.
"""

import jax, jax.numpy as jnp
import numpy as np

H, W = 4096, 4096
N = 8192
WIDTHS = (64, 64)


def setup_inputs(seed: int = 0) -> dict:
    key = jax.random.key(seed)
    k1, k2 = jax.random.split(key)
    images = jax.random.normal(k1, (H, W), dtype=jnp.float32)
    positions = jax.random.randint(k2, (N, 2), 0, H - WIDTHS[0], dtype=jnp.int32)
    return {"images": images, "positions": positions, "widths": WIDTHS}


def reference(images, positions, widths):
    # Faithful translation: extract widths[0] x widths[1] patches whose
    # minimum corner is given by each row of `positions`.
    # vmapped dynamic_slice lowers to a batched gather (SparseCore-friendly).
    widths_flat = jnp.atleast_1d(jnp.asarray(widths))
    static_widths = tuple(int(w) for w in np.atleast_1d(np.asarray(WIDTHS)).tolist())
    if len(static_widths) == 1:
        static_widths = (static_widths[0], static_widths[0])
    if widths_flat.shape[0] == 1:
        widths_flat = jnp.concatenate([widths_flat, widths_flat])
    off0 = widths_flat[0].astype(positions.dtype) - static_widths[0]
    off1 = widths_flat[1].astype(positions.dtype) - static_widths[1]

    def extract(pos):
        return jax.lax.dynamic_slice(
            images, (pos[0] + off0, pos[1] + off1), static_widths
        )

    return jax.vmap(extract)(positions)

if __name__ == "__main__":
    import jax
    _d = setup_inputs()
    print(jax.jit(kernel)(*tuple(_d.values())))

</pallas_src>

<mosaic_0001>
#map = affine_map<(d0, d1) -> (0, 0)>
#map1 = affine_map<(d0, d1) -> (0)>
#map2 = affine_map<(d0, d1) -> (0, 0, 0)>
module attributes {stable_mosaic.version = 14 : i64} {
  func.func @patch_kernel(%arg0: i32, %arg1: i32, %arg2: memref<4096x4096xf32, #tpu.memory_space<hbm>>, %arg3: memref<16384xi32, #tpu.memory_space<hbm>>, %arg4: memref<8192x64x64xf32, #tpu.memory_space<hbm>>, %arg5: memref<512xi32, #tpu.memory_space<vmem>>, %arg6: memref<256x72xf32, #tpu.memory_space<vmem>>, %arg7: memref<2x64x64xf32, #tpu.memory_space<vmem>>, %arg8: memref<!tpu.dma_semaphore, #tpu.memory_space<semaphore_mem>>, %arg9: memref<!tpu.dma_semaphore, #tpu.memory_space<semaphore_mem>>) attributes {dimension_semantics = [#tpu.dimension_semantics<core_parallel>, #tpu.dimension_semantics<subcore_parallel>], iteration_bounds = array<i64: 2, 16>, scalar_prefetch = 0 : i64, scratch_operands = 5 : i64, tpu.core_type = #tpu.core_type<sc_vector_subcore>, window_params = [{transform_indices = #map}, {transform_indices = #map1}, {transform_indices = #map2}]} {
    %mul3A = arith.constant 2 : i32
    %mul3A_0 = arith.muli %arg1, %mul3A : i32
    %add3A = arith.addi %mul3A_0, %arg0 : i32
    %mul3A_1 = arith.constant 256 : i32
    %mul3A_2 = arith.muli %add3A, %mul3A_1 : i32
    %mul3A_3 = arith.constant 2 : i32
    %mul3A_4 = arith.muli %mul3A_2, %mul3A_3 : i32
    "tpu.region"() ({
      %run_scoped3A = tpu.sem_alloc : memref<!tpu.dma_semaphore, #tpu.memory_space<semaphore_mem>>
      %dma_start3A_97 = tpu.memref_slice %arg3[%mul3A_4] : memref<16384xi32, #tpu.memory_space<hbm>> -> memref<512xi32, #tpu.memory_space<hbm>>
      %dma_start3A_98 = tpu.memref_slice %arg3[%mul3A_4] : memref<16384xi32, #tpu.memory_space<hbm>> -> memref<512xi32, #tpu.memory_space<hbm>>
      tpu.enqueue_dma source(%dma_start3A_98 : memref<512xi32, #tpu.memory_space<hbm>>) target(%arg5 : memref<512xi32, #tpu.memory_space<vmem>>) target_semaphore(%run_scoped3A : memref<!tpu.dma_semaphore, #tpu.memory_space<semaphore_mem>>)
      %dma_wait3A_99 = tpu.memref_slice %arg3[%mul3A_4] : memref<16384xi32, #tpu.memory_space<hbm>> -> memref<512xi32, #tpu.memory_space<hbm>>
      %dma_wait3A_100 = tpu.memref_slice %arg3[%mul3A_4] : memref<16384xi32, #tpu.memory_space<hbm>> -> memref<512xi32, #tpu.memory_space<hbm>>
      tpu.wait_dma2 semaphore(%run_scoped3A : memref<!tpu.dma_semaphore, #tpu.memory_space<semaphore_mem>>) src(%dma_wait3A_100 : memref<512xi32, #tpu.memory_space<hbm>>) dst(%arg5 : memref<512xi32, #tpu.memory_space<vmem>>)
      tpu.yield
    }) : () -> ()
    %iota3A = tpu.iota {dimensions = array<i32: 0>} : vector<16xi32>
    %add3A_5 = arith.constant 0 : i32
    %add3A_6 = vector.broadcast %add3A_5 : i32 to vector<16xi32>
    %add3A_7 = arith.addi %iota3A, %add3A_6 : vector<16xi32>
    %gather3A = tpu.vector_load_idx %arg5[%add3A_7] : memref<512xi32, #tpu.memory_space<vmem>>[vector<16xi32>], vector<16xi32>,
    %slice3A = vector.extract_strided_slice %gather3A {offsets = [0], sizes = [1], strides = [1]} : vector<16xi32> to vector<1xi32>
    %squeeze3A = vector.extract %slice3A[0] : i32 from vector<1xi32>
    %slice3A_8 = vector.extract_strided_slice %gather3A {offsets = [1], sizes = [1], strides = [1]} : vector<16xi32> to vector<1xi32>
    %squeeze3A_9 = vector.extract %slice3A_8[0] : i32 from vector<1xi32>
    %and3A = arith.constant -8 : i32
    %and3A_10 = arith.andi %squeeze3A_9, %and3A : i32
    %multiple_of3A = tpu.assume_multiple %and3A_10, 8 : i32
    %dma_start3A = arith.constant 0 : i32
    %dma_start3A_11 = arith.constant 0 : i32
    %dma_start3A_12 = tpu.memref_slice %arg6[%dma_start3A, %dma_start3A_11] : memref<256x72xf32, #tpu.memory_space<vmem>> -> memref<64x72xf32, #tpu.memory_space<vmem>>
    %dma_start3A_13 = tpu.memref_slice %arg2[%squeeze3A, %multiple_of3A] : memref<4096x4096xf32, #tpu.memory_space<hbm>> -> memref<64x72xf32, #tpu.memory_space<hbm>>
    %dma_start3A_14 = arith.constant 0 : i32
    %dma_start3A_15 = arith.constant 0 : i32
    %dma_start3A_16 = tpu.memref_slice %arg6[%dma_start3A_14, %dma_start3A_15] : memref<256x72xf32, #tpu.memory_space<vmem>> -> memref<64x72xf32, #tpu.memory_space<vmem>>
    %dma_start3A_17 = tpu.memref_slice %arg2[%squeeze3A, %multiple_of3A] : memref<4096x4096xf32, #tpu.memory_space<hbm>> -> memref<64x72xf32, #tpu.memory_space<hbm>>
    tpu.enqueue_dma source(%dma_start3A_17 : memref<64x72xf32, #tpu.memory_space<hbm>>) target(%dma_start3A_16 : memref<64x72xf32, #tpu.memory_space<vmem>>) target_semaphore(%arg8 : memref<!tpu.dma_semaphore, #tpu.memory_space<semaphore_mem>>)
    %add3A_18 = arith.constant 2 : i32
    %add3A_19 = vector.broadcast %add3A_18 : i32 to vector<16xi32>
    %add3A_20 = arith.addi %iota3A, %add3A_19 : vector<16xi32>
    %gather3A_21 = tpu.vector_load_idx %arg5[%add3A_20] : memref<512xi32, #tpu.memory_space<vmem>>[vector<16xi32>], vector<16xi32>,
    %slice3A_22 = vector.extract_strided_slice %gather3A_21 {offsets = [0], sizes = [1], strides = [1]} : vector<16xi32> to vector<1xi32>
    %squeeze3A_23 = vector.extract %slice3A_22[0] : i32 from vector<1xi32>
    %slice3A_24 = vector.extract_strided_slice %gather3A_21 {offsets = [1], sizes = [1], strides = [1]} : vector<16xi32> to vector<1xi32>
    %squeeze3A_25 = vector.extract %slice3A_24[0] : i32 from vector<1xi32>
    %and3A_26 = arith.constant -8 : i32
    %and3A_27 = arith.andi %squeeze3A_25, %and3A_26 : i32
    %multiple_of3A_28 = tpu.assume_multiple %and3A_27, 8 : i32
    %dma_start3A_29 = arith.constant 64 : i32
    %dma_start3A_30 = arith.constant 0 : i32
    %dma_start3A_31 = tpu.memref_slice %arg6[%dma_start3A_29, %dma_start3A_30] : memref<256x72xf32, #tpu.memory_space<vmem>> -> memref<64x72xf32, #tpu.memory_space<vmem>>
    %dma_start3A_32 = tpu.memref_slice %arg2[%squeeze3A_23, %multiple_of3A_28] : memref<4096x4096xf32, #tpu.memory_space<hbm>> -> memref<64x72xf32, #tpu.memory_space<hbm>>
    %dma_start3A_33 = arith.constant 64 : i32
    %dma_start3A_34 = arith.constant 0 : i32
    %dma_start3A_35 = tpu.memref_slice %arg6[%dma_start3A_33, %dma_start3A_34] : memref<256x72xf32, #tpu.memory_space<vmem>> -> memref<64x72xf32, #tpu.memory_space<vmem>>
    %dma_start3A_36 = tpu.memref_slice %arg2[%squeeze3A_23, %multiple_of3A_28] : memref<4096x4096xf32, #tpu.memory_space<hbm>> -> memref<64x72xf32, #tpu.memory_space<hbm>>
    tpu.enqueue_dma source(%dma_start3A_36 : memref<64x72xf32, #tpu.memory_space<hbm>>) target(%dma_start3A_35 : memref<64x72xf32, #tpu.memory_space<vmem>>) target_semaphore(%arg8 : memref<!tpu.dma_semaphore, #tpu.memory_space<semaphore_mem>>)
    %add3A_37 = arith.constant 4 : i32
    %add3A_38 = vector.broadcast %add3A_37 : i32 to vector<16xi32>
    %add3A_39 = arith.addi %iota3A, %add3A_38 : vector<16xi32>
    %gather3A_40 = tpu.vector_load_idx %arg5[%add3A_39] : memref<512xi32, #tpu.memory_space<vmem>>[vector<16xi32>], vector<16xi32>,
    %slice3A_41 = vector.extract_strided_slice %gather3A_40 {offsets = [0], sizes = [1], strides = [1]} : vector<16xi32> to vector<1xi32>
    %squeeze3A_42 = vector.extract %slice3A_41[0] : i32 from vector<1xi32>
    %slice3A_43 = vector.extract_strided_slice %gather3A_40 {offsets = [1], sizes = [1], strides = [1]} : vector<16xi32> to vector<1xi32>
    %squeeze3A_44 = vector.extract %slice3A_43[0] : i32 from vector<1xi32>
    %and3A_45 = arith.constant -8 : i32
    %and3A_46 = arith.andi %squeeze3A_44, %and3A_45 : i32
    %multiple_of3A_47 = tpu.assume_multiple %and3A_46, 8 : i32
    %dma_start3A_48 = arith.constant 128 : i32
    %dma_start3A_49 = arith.constant 0 : i32
    %dma_start3A_50 = tpu.memref_slice %arg6[%dma_start3A_48, %dma_start3A_49] : memref<256x72xf32, #tpu.memory_space<vmem>> -> memref<64x72xf32, #tpu.memory_space<vmem>>
    %dma_start3A_51 = tpu.memref_slice %arg2[%squeeze3A_42, %multiple_of3A_47] : memref<4096x4096xf32, #tpu.memory_space<hbm>> -> memref<64x72xf32, #tpu.memory_space<hbm>>
    %dma_start3A_52 = arith.constant 128 : i32
    %dma_start3A_53 = arith.constant 0 : i32
    %dma_start3A_54 = tpu.memref_slice %arg6[%dma_start3A_52, %dma_start3A_53] : memref<256x72xf32, #tpu.memory_space<vmem>> -> memref<64x72xf32, #tpu.memory_space<vmem>>
    %dma_start3A_55 = tpu.memref_slice %arg2[%squeeze3A_42, %multiple_of3A_47] : memref<4096x4096xf32, #tpu.memory_space<hbm>> -> memref<64x72xf32, #tpu.memory_space<hbm>>
    tpu.enqueue_dma source(%dma_start3A_55 : memref<64x72xf32, #tpu.memory_space<hbm>>) target(%dma_start3A_54 : memref<64x72xf32, #tpu.memory_space<vmem>>) target_semaphore(%arg8 : memref<!tpu.dma_semaphore, #tpu.memory_space<semaphore_mem>>)
    %scan3A = arith.constant 0 : i32
    %scan3A_56 = arith.constant 0 : i32
    %scan3A_57 = arith.constant 256 : i32
    %scan3A_58 = arith.addi %scan3A_56, %scan3A_57 : i32
    %scan3A_59 = arith.constant 1 : i32
    %scan3A_60 = scf.for %scan3A_97 = %scan3A_56 to %scan3A_58 step %scan3A_59 iter_args(%scan3A_98 = %scan3A) -> (i32)  : i32 {
      %add3A_99 = arith.constant 3 : i32
      %add3A_100 = arith.addi %scan3A_97, %add3A_99 : i32
      %lt3A = arith.constant 256 : i32
      %lt3A_101 = arith.cmpi slt, %add3A_100, %lt3A : i32
      %convert_element_type3A = arith.extui %lt3A_101 : i1 to i32
      %cond3A = arith.constant 0 : i32
      %cond3A_102 = arith.cmpi ne, %convert_element_type3A, %cond3A : i32
      scf.if %cond3A_102 {
        %mul3A_1937 = arith.constant 2 : i32
        %mul3A_1938 = arith.muli %mul3A_1937, %add3A_100 : i32
        %add3A_1939 = vector.broadcast %mul3A_1938 : i32 to vector<16xi32>
        %add3A_1940 = arith.addi %iota3A, %add3A_1939 : vector<16xi32>
        %gather3A_1941 = tpu.vector_load_idx %arg5[%add3A_1940] : memref<512xi32, #tpu.memory_space<vmem>>[vector<16xi32>], vector<16xi32>,
        %slice3A_1942 = vector.extract_strided_slice %gather3A_1941 {offsets = [0], sizes = [1], strides = [1]} : vector<16xi32> to vector<1xi32>
        %squeeze3A_1943 = vector.extract %slice3A_1942[0] : i32 from vector<1xi32>
        %slice3A_1944 = vector.extract_strided_slice %gather3A_1941 {offsets = [1], sizes = [1], strides = [1]} : vector<16xi32> to vector<1xi32>
        %squeeze3A_1945 = vector.extract %slice3A_1944[0] : i32 from vector<1xi32>
        %and3A_1946 = arith.constant -8 : i32
        %and3A_1947 = arith.andi %squeeze3A_1945, %and3A_1946 : i32
        %multiple_of3A_1948 = tpu.assume_multiple %and3A_1947, 8 : i32
        %jit3A_1949 = arith.constant 4 : i32
        %eq3A_1950 = arith.constant 0 : i32
        %eq3A_1951 = arith.cmpi eq, %jit3A_1949, %eq3A_1950 : i32
        %jit3A_1952 = arith.constant 1 : i32
        %select_n3A_1953 = arith.select %eq3A_1951, %jit3A_1952, %jit3A_1949 : i32
        %rem3A_1954 = arith.remsi %add3A_100, %select_n3A_1953 : i32
        %ne3A_1955 = arith.constant 0 : i32
        %ne3A_1956 = arith.cmpi ne, %rem3A_1954, %ne3A_1955 : i32
        %lt3A_1957 = arith.constant 0 : i32
        %lt3A_1958 = arith.cmpi slt, %rem3A_1954, %lt3A_1957 : i32
        %lt3A_1959 = arith.constant 0 : i32
        %lt3A_1960 = arith.cmpi slt, %select_n3A_1953, %lt3A_1959 : i32
        %ne3A_1961 = arith.xori %lt3A_1958, %lt3A_1960 : i1
        %and3A_1962 = arith.andi %ne3A_1961, %ne3A_1956 : i1
        %add3A_1963 = arith.addi %rem3A_1954, %select_n3A_1953 : i32
        %select_n3A_1964 = arith.select %and3A_1962, %add3A_1963, %rem3A_1954 : i32
        %mul3A_1965 = arith.constant 64 : i32
        %mul3A_1966 = arith.muli %select_n3A_1964, %mul3A_1965 : i32
        %dma_start3A_1967 = arith.constant 0 : i32
        %dma_start3A_1968 = tpu.memref_slice %arg6[%mul3A_1966, %dma_start3A_1967] : memref<256x72xf32, #tpu.memory_space<vmem>> -> memref<64x72xf32, #tpu.memory_space<vmem>>
        %dma_start3A_1969 = tpu.memref_slice %arg2[%squeeze3A_1943, %multiple_of3A_1948] : memref<4096x4096xf32, #tpu.memory_space<hbm>> -> memref<64x72xf32, #tpu.memory_space<hbm>>
        %dma_start3A_1970 = arith.constant 0 : i32
        %dma_start3A_1971 = tpu.memref_slice %arg6[%mul3A_1966, %dma_start3A_1970] : memref<256x72xf32, #tpu.memory_space<vmem>> -> memref<64x72xf32, #tpu.memory_space<vmem>>
        %dma_start3A_1972 = tpu.memref_slice %arg2[%squeeze3A_1943, %multiple_of3A_1948] : memref<4096x4096xf32, #tpu.memory_space<hbm>> -> memref<64x72xf32, #tpu.memory_space<hbm>>
        tpu.enqueue_dma source(%dma_start3A_1972 : memref<64x72xf32, #tpu.memory_space<hbm>>) target(%dma_start3A_1971 : memref<64x72xf32, #tpu.memory_space<vmem>>) target_semaphore(%arg8 : memref<!tpu.dma_semaphore, #tpu.memory_space<semaphore_mem>>)
      } else {
      }
      %jit3A = arith.constant 4 : i32
      %eq3A = arith.constant 0 : i32
      %eq3A_103 = arith.cmpi eq, %jit3A, %eq3A : i32
      %jit3A_104 = arith.constant 1 : i32
      %select_n3A = arith.select %eq3A_103, %jit3A_104, %jit3A : i32
      %rem3A = arith.remsi %scan3A_97, %select_n3A : i32
      %ne3A = arith.constant 0 : i32
      %ne3A_105 = arith.cmpi ne, %rem3A, %ne3A : i32
      %lt3A_106 = arith.constant 0 : i32
      %lt3A_107 = arith.cmpi slt, %rem3A, %lt3A_106 : i32
      %lt3A_108 = arith.constant 0 : i32
      %lt3A_109 = arith.cmpi slt, %select_n3A, %lt3A_108 : i32
      %ne3A_110 = arith.xori %lt3A_107, %lt3A_109 : i1
      %and3A_111 = arith.andi %ne3A_110, %ne3A_105 : i1
      %add3A_112 = arith.addi %rem3A, %select_n3A : i32
      %select_n3A_113 = arith.select %and3A_111, %add3A_112, %rem3A : i32
      %mul3A_114 = arith.constant 64 : i32
      %mul3A_115 = arith.muli %select_n3A_113, %mul3A_114 : i32
      %dma_wait3A_116 = arith.constant 0 : i32
      %dma_wait3A_117 = tpu.memref_slice %arg6[%mul3A_115, %dma_wait3A_116] : memref<256x72xf32, #tpu.memory_space<vmem>> -> memref<64x72xf32, #tpu.memory_space<vmem>>
      %dma_wait3A_118 = arith.constant 0 : i32
      %dma_wait3A_119 = arith.constant 0 : i32
      %dma_wait3A_120 = tpu.memref_slice %arg2[%dma_wait3A_118, %dma_wait3A_119] : memref<4096x4096xf32, #tpu.memory_space<hbm>> -> memref<64x72xf32, #tpu.memory_space<hbm>>
      %dma_wait3A_121 = arith.constant 0 : i32
      %dma_wait3A_122 = tpu.memref_slice %arg6[%mul3A_115, %dma_wait3A_121] : memref<256x72xf32, #tpu.memory_space<vmem>> -> memref<64x72xf32, #tpu.memory_space<vmem>>
      %dma_wait3A_123 = arith.constant 0 : i32
      %dma_wait3A_124 = arith.constant 0 : i32
      %dma_wait3A_125 = tpu.memref_slice %arg2[%dma_wait3A_123, %dma_wait3A_124] : memref<4096x4096xf32, #tpu.memory_space<hbm>> -> memref<64x72xf32, #tpu.memory_space<hbm>>
      tpu.wait_dma2 semaphore(%arg8 : memref<!tpu.dma_semaphore, #tpu.memory_space<semaphore_mem>>) src(%dma_wait3A_125 : memref<64x72xf32, #tpu.memory_space<hbm>>) dst(%dma_wait3A_122 : memref<64x72xf32, #tpu.memory_space<vmem>>)
      %ge3A = arith.constant 2 : i32
      %ge3A_126 = arith.cmpi sge, %scan3A_97, %ge3A : i32
      %convert_element_type3A_127 = arith.extui %ge3A_126 : i1 to i32
      %cond3A_128 = arith.constant 0 : i32
      %cond3A_129 = arith.cmpi ne, %convert_element_type3A_127, %cond3A_128 : i32
      scf.if %cond3A_129 {
        %dma_wait3A_1937 = arith.constant 0 : i32
        %dma_wait3A_1938 = arith.constant 0 : i32
        %dma_wait3A_1939 = arith.constant 0 : i32
        %dma_wait3A_1940 = arith.constant 0 : i32
        %dma_wait3A_1941 = tpu.memref_slice %arg7[%dma_wait3A_1937, %dma_wait3A_1939, %dma_wait3A_1940] : memref<2x64x64xf32, #tpu.memory_space<vmem>> -> memref<1x64x64xf32, #tpu.memory_space<vmem>>
        %dma_wait3A_1942 = tpu.memref_squeeze %dma_wait3A_1941 : memref<1x64x64xf32, #tpu.memory_space<vmem>> -> memref<64x64xf32, #tpu.memory_space<vmem>>
        %dma_wait3A_1943 = arith.constant 0 : i32
        %dma_wait3A_1944 = arith.constant 0 : i32
        %dma_wait3A_1945 = tpu.memref_slice %arg4[%dma_wait3A_1938, %dma_wait3A_1943, %dma_wait3A_1944] : memref<8192x64x64xf32, #tpu.memory_space<hbm>> -> memref<1x64x64xf32, #tpu.memory_space<hbm>>
        %dma_wait3A_1946 = tpu.memref_squeeze %dma_wait3A_1945 : memref<1x64x64xf32, #tpu.memory_space<hbm>> -> memref<64x64xf32, #tpu.memory_space<hbm>>
        %dma_wait3A_1947 = arith.constant 0 : i32
        %dma_wait3A_1948 = arith.constant 0 : i32
        %dma_wait3A_1949 = tpu.memref_slice %arg4[%dma_wait3A_1938, %dma_wait3A_1947, %dma_wait3A_1948] : memref<8192x64x64xf32, #tpu.memory_space<hbm>> -> memref<1x64x64xf32, #tpu.memory_space<hbm>>
        %dma_wait3A_1950 = tpu.memref_squeeze %dma_wait3A_1949 : memref<1x64x64xf32, #tpu.memory_space<hbm>> -> memref<64x64xf32, #tpu.memory_space<hbm>>
        %dma_wait3A_1951 = arith.constant 0 : i32
        %dma_wait3A_1952 = arith.constant 0 : i32
        %dma_wait3A_1953 = tpu.memref_slice %arg7[%dma_wait3A_1937, %dma_wait3A_1951, %dma_wait3A_1952] : memref<2x64x64xf32, #tpu.memory_space<vmem>> -> memref<1x64x64xf32, #tpu.memory_space<vmem>>
        %dma_wait3A_1954 = tpu.memref_squeeze %dma_wait3A_1953 : memref<1x64x64xf32, #tpu.memory_space<vmem>> -> memref<64x64xf32, #tpu.memory_space<vmem>>
        tpu.wait_dma2 semaphore(%arg9 : memref<!tpu.dma_semaphore, #tpu.memory_space<semaphore_mem>>) src(%dma_wait3A_1954 : memref<64x64xf32, #tpu.memory_space<vmem>>) dst(%dma_wait3A_1950 : memref<64x64xf32, #tpu.memory_space<hbm>>)
      } else {
      }
      %mul3A_130 = arith.constant 2 : i32
      %mul3A_131 = arith.muli %mul3A_130, %scan3A_97 : i32
      %add3A_132 = vector.broadcast %mul3A_131 : i32 to vector<16xi32>
      %add3A_133 = arith.addi %iota3A, %add3A_132 : vector<16xi32>
      %gather3A_134 = tpu.vector_load_idx %arg5[%add3A_133] : memref<512xi32, #tpu.memory_space<vmem>>[vector<16xi32>], vector<16xi32>,
      %slice3A_135 = vector.extract_strided_slice %gather3A_134 {offsets = [0], sizes = [1], strides = [1]} : vector<16xi32> to vector<1xi32>
      %squeeze3A_136 = vector.extract %slice3A_135[0] : i32 from vector<1xi32>
      %slice3A_137 = vector.extract_strided_slice %gather3A_134 {offsets = [1], sizes = [1], strides = [1]} : vector<16xi32> to vector<1xi32>
      %squeeze3A_138 = vector.extract %slice3A_137[0] : i32 from vector<1xi32>
      %broadcast_in_dim3A = vector.broadcast %squeeze3A_138 : i32 to vector<16xi32>
      %and3A_139 = arith.constant 7 : i32
      %and3A_140 = vector.broadcast %and3A_139 : i32 to vector<16xi32>
      %and3A_141 = arith.andi %broadcast_in_dim3A, %and3A_140 : vector<16xi32>
      %jit3A_142 = arith.constant 4 : i32
      %eq3A_143 = arith.constant 0 : i32
      %eq3A_144 = arith.cmpi eq, %jit3A_142, %eq3A_143 : i32
      %jit3A_145 = arith.constant 1 : i32
      %select_n3A_146 = arith.select %eq3A_144, %jit3A_145, %jit3A_142 : i32
      %rem3A_147 = arith.remsi %scan3A_97, %select_n3A_146 : i32
      %ne3A_148 = arith.constant 0 : i32
      %ne3A_149 = arith.cmpi ne, %rem3A_147, %ne3A_148 : i32
      %lt3A_150 = arith.constant 0 : i32
      %lt3A_151 = arith.cmpi slt, %rem3A_147, %lt3A_150 : i32
      %lt3A_152 = arith.constant 0 : i32
      %lt3A_153 = arith.cmpi slt, %select_n3A_146, %lt3A_152 : i32
      %ne3A_154 = arith.xori %lt3A_151, %lt3A_153 : i1
      %and3A_155 = arith.andi %ne3A_154, %ne3A_149 : i1
      %add3A_156 = arith.addi %rem3A_147, %select_n3A_146 : i32
      %select_n3A_157 = arith.select %and3A_155, %add3A_156, %rem3A_147 : i32
      %mul3A_158 = arith.constant 64 : i32
      %mul3A_159 = arith.muli %select_n3A_157, %mul3A_158 : i32
      %jit3A_160 = arith.constant 2 : i32
      %eq3A_161 = arith.constant 0 : i32
      %eq3A_162 = arith.cmpi eq, %jit3A_160, %eq3A_161 : i32
      %jit3A_163 = arith.constant 1 : i32
      %select_n3A_164 = arith.select %eq3A_162, %jit3A_163, %jit3A_160 : i32
      %rem3A_165 = arith.remsi %scan3A_97, %select_n3A_164 : i32
      %ne3A_166 = arith.constant 0 : i32
      %ne3A_167 = arith.cmpi ne, %rem3A_165, %ne3A_166 : i32
      %lt3A_168 = arith.constant 0 : i32
      %lt3A_169 = arith.cmpi slt, %rem3A_165, %lt3A_168 : i32
      %lt3A_170 = arith.constant 0 : i32
      %lt3A_171 = arith.cmpi slt, %select_n3A_164, %lt3A_170 : i32
      %ne3A_172 = arith.xori %lt3A_169, %lt3A_171 : i1
      %and3A_173 = arith.andi %ne3A_172, %ne3A_167 : i1
      %add3A_174 = arith.addi %rem3A_165, %select_n3A_164 : i32
      %select_n3A_175 = arith.select %and3A_173, %add3A_174, %rem3A_165 : i32
      %add3A_176 = arith.addi %and3A_141, %iota3A : vector<16xi32>
      %add3A_177 = arith.constant 0 : i32
      %add3A_178 = vector.broadcast %add3A_177 : i32 to vector<16xi32>
      %add3A_179 = arith.addi %add3A_176, %add3A_178 : vector<16xi32>
      %add3A_180 = arith.addi %and3A_141, %iota3A : vector<16xi32>
      %add3A_181 = arith.constant 16 : i32
      %add3A_182 = vector.broadcast %add3A_181 : i32 to vector<16xi32>
      %add3A_183 = arith.addi %add3A_180, %add3A_182 : vector<16xi32>
      %add3A_184 = arith.addi %and3A_141, %iota3A : vector<16xi32>
      %add3A_185 = arith.constant 32 : i32
      %add3A_186 = vector.broadcast %add3A_185 : i32 to vector<16xi32>
      %add3A_187 = arith.addi %add3A_184, %add3A_186 : vector<16xi32>
      %add3A_188 = arith.addi %and3A_141, %iota3A : vector<16xi32>
      %add3A_189 = arith.constant 48 : i32
      %add3A_190 = vector.broadcast %add3A_189 : i32 to vector<16xi32>
      %add3A_191 = arith.addi %add3A_188, %add3A_190 : vector<16xi32>
      %add3A_192 = arith.constant 0 : i32
      %add3A_193 = arith.addi %mul3A_159, %add3A_192 : i32
      %broadcast_in_dim3A_194 = vector.broadcast %add3A_193 : i32 to vector<16xi32>
      %gather3A_195 = tpu.vector_load_idx %arg6[%broadcast_in_dim3A_194, %add3A_179] : memref<256x72xf32, #tpu.memory_space<vmem>>[vector<16xi32>, vector<16xi32>], vector<16xf32>,
      %swap3A = arith.constant 0 : i32
      %swap3A_196 = arith.index_cast %select_n3A_175 : i32 to index
      %swap3A_197 = arith.index_cast %swap3A : i32 to index
      %swap3A_198 = arith.constant 0 : index
      %swap3A_199 = tpu.vector_load %arg7[%swap3A_196, %swap3A_197, %swap3A_198] {strides = array<i32>} : memref<2x64x64xf32, #tpu.memory_space<vmem>>, vector<16xf32>,
      tpu.vector_store %arg7[%swap3A_196, %swap3A_197, %swap3A_198], %gather3A_195 {strides = array<i32>} : memref<2x64x64xf32, #tpu.memory_space<vmem>>, vector<16xf32>,
      %gather3A_200 = tpu.vector_load_idx %arg6[%broadcast_in_dim3A_194, %add3A_183] : memref<256x72xf32, #tpu.memory_space<vmem>>[vector<16xi32>, vector<16xi32>], vector<16xf32>,
      %swap3A_201 = arith.constant 0 : i32
      %swap3A_202 = arith.index_cast %select_n3A_175 : i32 to index
      %swap3A_203 = arith.index_cast %swap3A_201 : i32 to index
      %swap3A_204 = arith.constant 16 : index
      %swap3A_205 = tpu.vector_load %arg7[%swap3A_202, %swap3A_203, %swap3A_204] {strides = array<i32>} : memref<2x64x64xf32, #tpu.memory_space<vmem>>, vector<16xf32>,
      tpu.vector_store %arg7[%swap3A_202, %swap3A_203, %swap3A_204], %gather3A_200 {strides = array<i32>} : memref<2x64x64xf32, #tpu.memory_space<vmem>>, vector<16xf32>,
      %gather3A_206 = tpu.vector_load_idx %arg6[%broadcast_in_dim3A_194, %add3A_187] : memref<256x72xf32, #tpu.memory_space<vmem>>[vector<16xi32>, vector<16xi32>], vector<16xf32>,
      %swap3A_207 = arith.constant 0 : i32
      %swap3A_208 = arith.index_cast %select_n3A_175 : i32 to index
      %swap3A_209 = arith.index_cast %swap3A_207 : i32 to index
      %swap3A_210 = arith.constant 32 : index
      %swap3A_211 = tpu.vector_load %arg7[%swap3A_208, %swap3A_209, %swap3A_210] {strides = array<i32>} : memref<2x64x64xf32, #tpu.memory_space<vmem>>, vector<16xf32>,
      tpu.vector_store %arg7[%swap3A_208, %swap3A_209, %swap3A_210], %gather3A_206 {strides = array<i32>} : memref<2x64x64xf32, #tpu.memory_space<vmem>>, vector<16xf32>,
      %gather3A_212 = tpu.vector_load_idx %arg6[%broadcast_in_dim3A_194, %add3A_191] : memref<256x72xf32, #tpu.memory_space<vmem>>[vector<16xi32>, vector<16xi32>], vector<16xf32>,
      %swap3A_213 = arith.constant 0 : i32
      %swap3A_214 = arith.index_cast %select_n3A_175 : i32 to index
      %swap3A_215 = arith.index_cast %swap3A_213 : i32 to index
      %swap3A_216 = arith.constant 48 : index
      %swap3A_217 = tpu.vector_load %arg7[%swap3A_214, %swap3A_215, %swap3A_216] {strides = array<i32>} : memref<2x64x64xf32, #tpu.memory_space<vmem>>, vector<16xf32>,
      tpu.vector_store %arg7[%swap3A_214, %swap3A_215, %swap3A_216], %gather3A_212 {strides = array<i32>} : memref<2x64x64xf32, #tpu.memory_space<vmem>>, vector<16xf32>,
      %add3A_218 = arith.constant 1 : i32
      %add3A_219 = arith.addi %mul3A_159, %add3A_218 : i32
      %broadcast_in_dim3A_220 = vector.broadcast %add3A_219 : i32 to vector<16xi32>
      %gather3A_221 = tpu.vector_load_idx %arg6[%broadcast_in_dim3A_220, %add3A_179] : memref<256x72xf32, #tpu.memory_space<vmem>>[vector<16xi32>, vector<16xi32>], vector<16xf32>,
      %swap3A_222 = arith.constant 1 : i32
      %swap3A_223 = arith.index_cast %select_n3A_175 : i32 to index
      %swap3A_224 = arith.index_cast %swap3A_222 : i32 to index
      %swap3A_225 = arith.constant 0 : index
      %swap3A_226 = tpu.vector_load %arg7[%swap3A_223, %swap3A_224, %swap3A_225] {strides = array<i32>} : memref<2x64x64xf32, #tpu.memory_space<vmem>>, vector<16xf32>,
      tpu.vector_store %arg7[%swap3A_223, %swap3A_224, %swap3A_225], %gather3A_221 {strides = array<i32>} : memref<2x64x64xf32, #tpu.memory_space<vmem>>, vector<16xf32>,
      %gather3A_227 = tpu.vector_load_idx %arg6[%broadcast_in_dim3A_220, %add3A_183] : memref<256x72xf32, #tpu.memory_space<vmem>>[vector<16xi32>, vector<16xi32>], vector<16xf32>,
      %swap3A_228 = arith.constant 1 : i32
      %swap3A_229 = arith.index_cast %select_n3A_175 : i32 to index
      %swap3A_230 = arith.index_cast %swap3A_228 : i32 to index
      %swap3A_231 = arith.constant 16 : index
      %swap3A_232 = tpu.vector_load %arg7[%swap3A_229, %swap3A_230, %swap3A_231] {strides = array<i32>} : memref<2x64x64xf32, #tpu.memory_space<vmem>>, vector<16xf32>,
      tpu.vector_store %arg7[%swap3A_229, %swap3A_230, %swap3A_231], %gather3A_227 {strides = array<i32>} : memref<2x64x64xf32, #tpu.memory_space<vmem>>, vector<16xf32>,
      %gather3A_233 = tpu.vector_load_idx %arg6[%broadcast_in_dim3A_220, %add3A_187] : memref<256x72xf32, #tpu.memory_space<vmem>>[vector<16xi32>, vector<16xi32>], vector<16xf32>,
      %swap3A_234 = arith.constant 1 : i32
      %swap3A_235 = arith.index_cast %select_n3A_175 : i32 to index
      %swap3A_236 = arith.index_cast %swap3A_234 : i32 to index
      %swap3A_237 = arith.constant 32 : index
      %swap3A_238 = tpu.vector_load %arg7[%swap3A_235, %swap3A_236, %swap3A_237] {strides = array<i32>} : memref<2x64x64xf32, #tpu.memory_space<vmem>>, vector<16xf32>,
      tpu.vector_store %arg7[%swap3A_235, %swap3A_236, %swap3A_237], %gather3A_233 {strides = array<i32>} : memref<2x64x64xf32, #tpu.memory_space<vmem>>, vector<16xf32>,
      %gather3A_239 = tpu.vector_load_idx %arg6[%broadcast_in_dim3A_220, %add3A_191] : memref<256x72xf32, #tpu.memory_space<vmem>>[vector<16xi32>, vector<16xi32>], vector<16xf32>,
      %swap3A_240 = arith.constant 1 : i32
      %swap3A_241 = arith.index_cast %select_n3A_175 : i32 to index
      %swap3A_242 = arith.index_cast %swap3A_240 : i32 to index
      %swap3A_243 = arith.constant 48 : index
      %swap3A_244 = tpu.vector_load %arg7[%swap3A_241, %swap3A_242, %swap3A_243] {strides = array<i32>} : memref<2x64x64xf32, #tpu.memory_space<vmem>>, vector<16xf32>,
      tpu.vector_store %arg7[%swap3A_241, %swap3A_242, %swap3A_243], %gather3A_239 {strides = array<i32>} : memref<2x64x64xf32, #tpu.memory_space<vmem>>, vector<16xf32>,
      %add3A_245 = arith.constant 2 : i32
      %add3A_246 = arith.addi %mul3A_159, %add3A_245 : i32
      %broadcast_in_dim3A_247 = vector.broadcast %add3A_246 : i32 to vector<16xi32>
      %gather3A_248 = tpu.vector_load_idx %arg6[%broadcast_in_dim3A_247, %add3A_179] : memref<256x72xf32, #tpu.memory_space<vmem>>[vector<16xi32>, vector<16xi32>], vector<16xf32>,
      %swap3A_249 = arith.constant 2 : i32
      %swap3A_250 = arith.index_cast %select_n3A_175 : i32 to index
      %swap3A_251 = arith.index_cast %swap3A_249 : i32 to index
      %swap3A_252 = arith.constant 0 : index
      %swap3A_253 = tpu.vector_load %arg7[%swap3A_250, %swap3A_251, %swap3A_252] {strides = array<i32>} : memref<2x64x64xf32, #tpu.memory_space<vmem>>, vector<16xf32>,
      tpu.vector_store %arg7[%swap3A_250, %swap3A_251, %swap3A_252], %gather3A_248 {strides = array<i32>} : memref<2x64x64xf32, #tpu.memory_space<vmem>>, vector<16xf32>,
      %gather3A_254 = tpu.vector_load_idx %arg6[%broadcast_in_dim3A_247, %add3A_183] : memref<256x72xf32, #tpu.memory_space<vmem>>[vector<16xi32>, vector<16xi32>], vector<16xf32>,
      %swap3A_255 = arith.constant 2 : i32
      %swap3A_256 = arith.index_cast %select_n3A_175 : i32 to index
      %swap3A_257 = arith.index_cast %swap3A_255 : i32 to index
      %swap3A_258 = arith.constant 16 : index
      %swap3A_259 = tpu.vector_load %arg7[%swap3A_256, %swap3A_257, %swap3A_258] {strides = array<i32>} : memref<2x64x64xf32, #tpu.memory_space<vmem>>, vector<16xf32>,
      tpu.vector_store %arg7[%swap3A_256, %swap3A_257, %swap3A_258], %gather3A_254 {strides = array<i32>} : memref<2x64x64xf32, #tpu.memory_space<vmem>>, vector<16xf32>,
      %gather3A_260 = tpu.vector_load_idx %arg6[%broadcast_in_dim3A_247, %add3A_187] : memref<256x72xf32, #tpu.memory_space<vmem>>[vector<16xi32>, vector<16xi32>], vector<16xf32>,
      %swap3A_261 = arith.constant 2 : i32
      %swap3A_262 = arith.index_cast %select_n3A_175 : i32 to index
      %swap3A_263 = arith.index_cast %swap3A_261 : i32 to index
      %swap3A_264 = arith.constant 32 : index
      %swap3A_265 = tpu.vector_load %arg7[%swap3A_262, %swap3A_263, %swap3A_264] {strides = array<i32>} : memref<2x64x64xf32, #tpu.memory_space<vmem>>, vector<16xf32>,
      tpu.vector_store %arg7[%swap3A_262, %swap3A_263, %swap3A_264], %gather3A_260 {strides = array<i32>} : memref<2x64x64xf32, #tpu.memory_space<vmem>>, vector<16xf32>,
      %gather3A_266 = tpu.vector_load_idx %arg6[%broadcast_in_dim3A_247, %add3A_191] : memref<256x72xf32, #tpu.memory_space<vmem>>[vector<16xi32>, vector<16xi32>], vector<16xf32>,
      %swap3A_267 = arith.constant 2 : i32
      %swap3A_268 = arith.index_cast %select_n3A_175 : i32 to index
      %swap3A_269 = arith.index_cast %swap3A_267 : i32 to index
      %swap3A_270 = arith.constant 48 : index
      %swap3A_271 = tpu.vector_load %arg7[%swap3A_268, %swap3A_269, %swap3A_270] {strides = array<i32>} : memref<2x64x64xf32, #tpu.memory_space<vmem>>, vector<16xf32>,
      tpu.vector_store %arg7[%swap3A_268, %swap3A_269, %swap3A_270], %gather3A_266 {strides = array<i32>} : memref<2x64x64xf32, #tpu.memory_space<vmem>>, vector<16xf32>,
      %add3A_272 = arith.constant 3 : i32
      %add3A_273 = arith.addi %mul3A_159, %add3A_272 : i32
      %broadcast_in_dim3A_274 = vector.broadcast %add3A_273 : i32 to vector<16xi32>
      %gather3A_275 = tpu.vector_load_idx %arg6[%broadcast_in_dim3A_274, %add3A_179] : memref<256x72xf32, #tpu.memory_space<vmem>>[vector<16xi32>, vector<16xi32>], vector<16xf32>,
      %swap3A_276 = arith.constant 3 : i32
      %swap3A_277 = arith.index_cast %select_n3A_175 : i32 to index
      %swap3A_278 = arith.index_cast %swap3A_276 : i32 to index
      %swap3A_279 = arith.constant 0 : index
      %swap3A_280 = tpu.vector_load %arg7[%swap3A_277, %swap3A_278, %swap3A_279] {strides = array<i32>} : memref<2x64x64xf32, #tpu.memory_space<vmem>>, vector<16xf32>,
      tpu.vector_store %arg7[%swap3A_277, %swap3A_278, %swap3A_279], %gather3A_275 {strides = array<i32>} : memref<2x64x64xf32, #tpu.memory_space<vmem>>, vector<16xf32>,
      %gather3A_281 = tpu.vector_load_idx %arg6[%broadcast_in_dim3A_274, %add3A_183] : memref<256x72xf32, #tpu.memory_space<vmem>>[vector<16xi32>, vector<16xi32>], vector<16xf32>,
      %swap3A_282 = arith.constant 3 : i32
      %swap3A_283 = arith.index_cast %select_n3A_175 : i32 to index
      %swap3A_284 = arith.index_cast %swap3A_282 : i32 to index
      %swap3A_285 = arith.constant 16 : index
      %swap3A_286 = tpu.vector_load %arg7[%swap3A_283, %swap3A_284, %swap3A_285] {strides = array<i32>} : memref<2x64x64xf32, #tpu.memory_space<vmem>>, vector<16xf32>,
      tpu.vector_store %arg7[%swap3A_283, %swap3A_284, %swap3A_285], %gather3A_281 {strides = array<i32>} : memref<2x64x64xf32, #tpu.memory_space<vmem>>, vector<16xf32>,
      %gather3A_287 = tpu.vector_load_idx %arg6[%broadcast_in_dim3A_274, %add3A_187] : memref<256x72xf32, #tpu.memory_space<vmem>>[vector<16xi32>, vector<16xi32>], vector<16xf32>,
      %swap3A_288 = arith.constant 3 : i32
      %swap3A_289 = arith.index_cast %select_n3A_175 : i32 to index
      %swap3A_290 = arith.index_cast %swap3A_288 : i32 to index
      %swap3A_291 = arith.constant 32 : index
      %swap3A_292 = tpu.vector_load %arg7[%swap3A_289, %swap3A_290, %swap3A_291] {strides = array<i32>} : memref<2x64x64xf32, #tpu.memory_space<vmem>>, vector<16xf32>,
      tpu.vector_store %arg7[%swap3A_289, %swap3A_290, %swap3A_291], %gather3A_287 {strides = array<i32>} : memref<2x64x64xf32, #tpu.memory_space<vmem>>, vector<16xf32>,
      %gather3A_293 = tpu.vector_load_idx %arg6[%broadcast_in_dim3A_274, %add3A_191] : memref<256x72xf32, #tpu.memory_space<vmem>>[vector<16xi32>, vector<16xi32>], vector<16xf32>,
      %swap3A_294 = arith.constant 3 : i32
      %swap3A_295 = arith.index_cast %select_n3A_175 : i32 to index
      %swap3A_296 = arith.index_cast %swap3A_294 : i32 to index
      %swap3A_297 = arith.constant 48 : index
      %swap3A_298 = tpu.vector_load %arg7[%swap3A_295, %swap3A_296, %swap3A_297] {strides = array<i32>} : memref<2x64x64xf32, #tpu.memory_space<vmem>>, vector<16xf32>,
      tpu.vector_store %arg7[%swap3A_295, %swap3A_296, %swap3A_297], %gather3A_293 {strides = array<i32>} : memref<2x64x64xf32, #tpu.memory_space<vmem>>, vector<16xf32>,
      %add3A_299 = arith.constant 4 : i32
      %add3A_300 = arith.addi %mul3A_159, %add3A_299 : i32
      %broadcast_in_dim3A_301 = vector.broadcast %add3A_300 : i32 to vector<16xi32>
      %gather3A_302 = tpu.vector_load_idx %arg6[%broadcast_in_dim3A_301, %add3A_179] : memref<256x72xf32, #tpu.memory_space<vmem>>[vector<16xi32>, vector<16xi32>], vector<16xf32>,
      %swap3A_303 = arith.constant 4 : i32
      %swap3A_304 = arith.index_cast %select_n3A_175 : i32 to index
      %swap3A_305 = arith.index_cast %swap3A_303 : i32 to index
      %swap3A_306 = arith.constant 0 : index
      %swap3A_307 = tpu.vector_load %arg7[%swap3A_304, %swap3A_305, %swap3A_306] {strides = array<i32>} : memref<2x64x64xf32, #tpu.memory_space<vmem>>, vector<16xf32>,
      tpu.vector_store %arg7[%swap3A_304, %swap3A_305, %swap3A_306], %gather3A_302 {strides = array<i32>} : memref<2x64x64xf32, #tpu.memory_space<vmem>>, vector<16xf32>,
      %gather3A_308 = tpu.vector_load_idx %arg6[%broadcast_in_dim3A_301, %add3A_183] : memref<256x72xf32, #tpu.memory_space<vmem>>[vector<16xi32>, vector<16xi32>], vector<16xf32>,
      %swap3A_309 = arith.constant 4 : i32
      %swap3A_310 = arith.index_cast %select_n3A_175 : i32 to index
      %swap3A_311 = arith.index_cast %swap3A_309 : i32 to index
      %swap3A_312 = arith.constant 16 : index
      %swap3A_313 = tpu.vector_load %arg7[%swap3A_310, %swap3A_311, %swap3A_312] {strides = array<i32>} : memref<2x64x64xf32, #tpu.memory_space<vmem>>, vector<16xf32>,
      tpu.vector_store %arg7[%swap3A_310, %swap3A_311, %swap3A_312], %gather3A_308 {strides = array<i32>} : memref<2x64x64xf32, #tpu.memory_space<vmem>>, vector<16xf32>,
      %gather3A_314 = tpu.vector_load_idx %arg6[%broadcast_in_dim3A_301, %add3A_187] : memref<256x72xf32, #tpu.memory_space<vmem>>[vector<16xi32>, vector<16xi32>], vector<16xf32>,
      %swap3A_315 = arith.constant 4 : i32
      %swap3A_316 = arith.index_cast %select_n3A_175 : i32 to index
      %swap3A_317 = arith.index_cast %swap3A_315 : i32 to index
      %swap3A_318 = arith.constant 32 : index
      %swap3A_319 = tpu.vector_load %arg7[%swap3A_316, %swap3A_317, %swap3A_318] {strides = array<i32>} : memref<2x64x64xf32, #tpu.memory_space<vmem>>, vector<16xf32>,
      tpu.vector_store %arg7[%swap3A_316, %swap3A_317, %swap3A_318], %gather3A_314 {strides = array<i32>} : memref<2x64x64xf32, #tpu.memory_space<vmem>>, vector<16xf32>,
      %gather3A_320 = tpu.vector_load_idx %arg6[%broadcast_in_dim3A_301, %add3A_191] : memref<256x72xf32, #tpu.memory_space<vmem>>[vector<16xi32>, vector<16xi32>], vector<16xf32>,
      %swap3A_321 = arith.constant 4 : i32
      %swap3A_322 = arith.index_cast %select_n3A_175 : i32 to index
      %swap3A_323 = arith.index_cast %swap3A_321 : i32 to index
      %swap3A_324 = arith.constant 48 : index
      %swap3A_325 = tpu.vector_load %arg7[%swap3A_322, %swap3A_323, %swap3A_324] {strides = array<i32>} : memref<2x64x64xf32, #tpu.memory_space<vmem>>, vector<16xf32>,
      tpu.vector_store %arg7[%swap3A_322, %swap3A_323, %swap3A_324], %gather3A_320 {strides = array<i32>} : memref<2x64x64xf32, #tpu.memory_space<vmem>>, vector<16xf32>,
      %add3A_326 = arith.constant 5 : i32
      %add3A_327 = arith.addi %mul3A_159, %add3A_326 : i32
      %broadcast_in_dim3A_328 = vector.broadcast %add3A_327 : i32 to vector<16xi32>
      %gather3A_329 = tpu.vector_load_idx %arg6[%broadcast_in_dim3A_328, %add3A_179] : memref<256x72xf32, #tpu.memory_space<vmem>>[vector<16xi32>, vector<16xi32>], vector<16xf32>,
      %swap3A_330 = arith.constant 5 : i32
      %swap3A_331 = arith.index_cast %select_n3A_175 : i32 to index
      %swap3A_332 = arith.index_cast %swap3A_330 : i32 to index
      %swap3A_333 = arith.constant 0 : index
      %swap3A_334 = tpu.vector_load %arg7[%swap3A_331, %swap3A_332, %swap3A_333] {strides = array<i32>} : memref<2x64x64xf32, #tpu.memory_space<vmem>>, vector<16xf32>,
      tpu.vector_store %arg7[%swap3A_331, %swap3A_332, %swap3A_333], %gather3A_329 {strides = array<i32>} : memref<2x64x64xf32, #tpu.memory_space<vmem>>, vector<16xf32>,
      %gather3A_335 = tpu.vector_load_idx %arg6[%broadcast_in_dim3A_328, %add3A_183] : memref<256x72xf32, #tpu.memory_space<vmem>>[vector<16xi32>, vector<16xi32>], vector<16xf32>,
      %swap3A_336 = arith.constant 5 : i32
      %swap3A_337 = arith.index_cast %select_n3A_175 : i32 to index
      %swap3A_338 = arith.index_cast %swap3A_336 : i32 to index
      %swap3A_339 = arith.constant 16 : index
      %swap3A_340 = tpu.vector_load %arg7[%swap3A_337, %swap3A_338, %swap3A_339] {strides = array<i32>} : memref<2x64x64xf32, #tpu.memory_space<vmem>>, vector<16xf32>,
      tpu.vector_store %arg7[%swap3A_337, %swap3A_338, %swap3A_339], %gather3A_335 {strides = array<i32>} : memref<2x64x64xf32, #tpu.memory_space<vmem>>, vector<16xf32>,
      %gather3A_341 = tpu.vector_load_idx %arg6[%broadcast_in_dim3A_328, %add3A_187] : memref<256x72xf32, #tpu.memory_space<vmem>>[vector<16xi32>, vector<16xi32>], vector<16xf32>,
      %swap3A_342 = arith.constant 5 : i32
      %swap3A_343 = arith.index_cast %select_n3A_175 : i32 to index
      %swap3A_344 = arith.index_cast %swap3A_342 : i32 to index
      %swap3A_345 = arith.constant 32 : index
      %swap3A_346 = tpu.vector_load %arg7[%swap3A_343, %swap3A_344, %swap3A_345] {strides = array<i32>} : memref<2x64x64xf32, #tpu.memory_space<vmem>>, vector<16xf32>,
      tpu.vector_store %arg7[%swap3A_343, %swap3A_344, %swap3A_345], %gather3A_341 {strides = array<i32>} : memref<2x64x64xf32, #tpu.memory_space<vmem>>, vector<16xf32>,
      %gather3A_347 = tpu.vector_load_idx %arg6[%broadcast_in_dim3A_328, %add3A_191] : memref<256x72xf32, #tpu.memory_space<vmem>>[vector<16xi32>, vector<16xi32>], vector<16xf32>,
      %swap3A_348 = arith.constant 5 : i32
      %swap3A_349 = arith.index_cast %select_n3A_175 : i32 to index
      %swap3A_350 = arith.index_cast %swap3A_348 : i32 to index
      %swap3A_351 = arith.constant 48 : index
      %swap3A_352 = tpu.vector_load %arg7[%swap3A_349, %swap3A_350, %swap3A_351] {strides = array<i32>} : memref<2x64x64xf32, #tpu.memory_space<vmem>>, vector<16xf32>,
      tpu.vector_store %arg7[%swap3A_349, %swap3A_350, %swap3A_351], %gather3A_347 {strides = array<i32>} : memref<2x64x64xf32, #tpu.memory_space<vmem>>, vector<16xf32>,
      %add3A_353 = arith.constant 6 : i32
      %add3A_354 = arith.addi %mul3A_159, %add3A_353 : i32
      %broadcast_in_dim3A_355 = vector.broadcast %add3A_354 : i32 to vector<16xi32>
      %gather3A_356 = tpu.vector_load_idx %arg6[%broadcast_in_dim3A_355, %add3A_179] : memref<256x72xf32, #tpu.memory_space<vmem>>[vector<16xi32>, vector<16xi32>], vector<16xf32>,
      %swap3A_357 = arith.constant 6 : i32
      %swap3A_358 = arith.index_cast %select_n3A_175 : i32 to index
      %swap3A_359 = arith.index_cast %swap3A_357 : i32 to index
      %swap3A_360 = arith.constant 0 : index
      %swap3A_361 = tpu.vector_load %arg7[%swap3A_358, %swap3A_359, %swap3A_360] {strides = array<i32>} : memref<2x64x64xf32, #tpu.memory_space<vmem>>, vector<16xf32>,
      tpu.vector_store %arg7[%swap3A_358, %swap3A_359, %swap3A_360], %gather3A_356 {strides = array<i32>} : memref<2x64x64xf32, #tpu.memory_space<vmem>>, vector<16xf32>,
      %gather3A_362 = tpu.vector_load_idx %arg6[%broadcast_in_dim3A_355, %add3A_183] : memref<256x72xf32, #tpu.memory_space<vmem>>[vector<16xi32>, vector<16xi32>], vector<16xf32>,
      %swap3A_363 = arith.constant 6 : i32
      %swap3A_364 = arith.index_cast %select_n3A_175 : i32 to index
      %swap3A_365 = arith.index_cast %swap3A_363 : i32 to index
      %swap3A_366 = arith.constant 16 : index
      %swap3A_367 = tpu.vector_load %arg7[%swap3A_364, %swap3A_365, %swap3A_366] {strides = array<i32>} : memref<2x64x64xf32, #tpu.memory_space<vmem>>, vector<16xf32>,
      tpu.vector_store %arg7[%swap3A_364, %swap3A_365, %swap3A_366], %gather3A_362 {strides = array<i32>} : memref<2x64x64xf32, #tpu.memory_space<vmem>>, vector<16xf32>,
      %gather3A_368 = tpu.vector_load_idx %arg6[%broadcast_in_dim3A_355, %add3A_187] : memref<256x72xf32, #tpu.memory_space<vmem>>[vector<16xi32>, vector<16xi32>], vector<16xf32>,
      %swap3A_369 = arith.constant 6 : i32
      %swap3A_370 = arith.index_cast %select_n3A_175 : i32 to index
      %swap3A_371 = arith.index_cast %swap3A_369 : i32 to index
      %swap3A_372 = arith.constant 32 : index
      %swap3A_373 = tpu.vector_load %arg7[%swap3A_370, %swap3A_371, %swap3A_372] {strides = array<i32>} : memref<2x64x64xf32, #tpu.memory_space<vmem>>, vector<16xf32>,
      tpu.vector_store %arg7[%swap3A_370, %swap3A_371, %swap3A_372], %gather3A_368 {strides = array<i32>} : memref<2x64x64xf32, #tpu.memory_space<vmem>>, vector<16xf32>,
      %gather3A_374 = tpu.vector_load_idx %arg6[%broadcast_in_dim3A_355, %add3A_191] : memref<256x72xf32, #tpu.memory_space<vmem>>[vector<16xi32>, vector<16xi32>], vector<16xf32>,
      %swap3A_375 = arith.constant 6 : i32
      %swap3A_376 = arith.index_cast %select_n3A_175 : i32 to index
      %swap3A_377 = arith.index_cast %swap3A_375 : i32 to index
      %swap3A_378 = arith.constant 48 : index
      %swap3A_379 = tpu.vector_load %arg7[%swap3A_376, %swap3A_377, %swap3A_378] {strides = array<i32>} : memref<2x64x64xf32, #tpu.memory_space<vmem>>, vector<16xf32>,
      tpu.vector_store %arg7[%swap3A_376, %swap3A_377, %swap3A_378], %gather3A_374 {strides = array<i32>} : memref<2x64x64xf32, #tpu.memory_space<vmem>>, vector<16xf32>,
      %add3A_380 = arith.constant 7 : i32
      %add3A_381 = arith.addi %mul3A_159, %add3A_380 : i32
      %broadcast_in_dim3A_382 = vector.broadcast %add3A_381 : i32 to vector<16xi32>
      %gather3A_383 = tpu.vector_load_idx %arg6[%broadcast_in_dim3A_382, %add3A_179] : memref<256x72xf32, #tpu.memory_space<vmem>>[vector<16xi32>, vector<16xi32>], vector<16xf32>,
      %swap3A_384 = arith.constant 7 : i32
      %swap3A_385 = arith.index_cast %select_n3A_175 : i32 to index
      %swap3A_386 = arith.index_cast %swap3A_384 : i32 to index
      %swap3A_387 = arith.constant 0 : index
      %swap3A_388 = tpu.vector_load %arg7[%swap3A_385, %swap3A_386, %swap3A_387] {strides = array<i32>} : memref<2x64x64xf32, #tpu.memory_space<vmem>>, vector<16xf32>,
      tpu.vector_store %arg7[%swap3A_385, %swap3A_386, %swap3A_387], %gather3A_383 {strides = array<i32>} : memref<2x64x64xf32, #tpu.memory_space<vmem>>, vector<16xf32>,
      %gather3A_389 = tpu.vector_load_idx %arg6[%broadcast_in_dim3A_382, %add3A_183] : memref<256x72xf32, #tpu.memory_space<vmem>>[vector<16xi32>, vector<16xi32>], vector<16xf32>,
      %swap3A_390 = arith.constant 7 : i32
      %swap3A_391 = arith.index_cast %select_n3A_175 : i32 to index
      %swap3A_392 = arith.index_cast %swap3A_390 : i32 to index
      %swap3A_393 = arith.constant 16 : index
      %swap3A_394 = tpu.vector_load %arg7[%swap3A_391, %swap3A_392, %swap3A_393] {strides = array<i32>} : memref<2x64x64xf32, #tpu.memory_space<vmem>>, vector<16xf32>,
      tpu.vector_store %arg7[%swap3A_391, %swap3A_392, %swap3A_393], %gather3A_389 {strides = array<i32>} : memref<2x64x64xf32, #tpu.memory_space<vmem>>, vector<16xf32>,
      %gather3A_395 = tpu.vector_load_idx %arg6[%broadcast_in_dim3A_382, %add3A_187] : memref<256x72xf32, #tpu.memory_space<vmem>>[vector<16xi32>, vector<16xi32>], vector<16xf32>,
      %swap3A_396 = arith.constant 7 : i32
      %swap3A_397 = arith.index_cast %select_n3A_175 : i32 to index
      %swap3A_398 = arith.index_cast %swap3A_396 : i32 to index
      %swap3A_399 = arith.constant 32 : index
      %swap3A_400 = tpu.vector_load %arg7[%swap3A_397, %swap3A_398, %swap3A_399] {strides = array<i32>} : memref<2x64x64xf32, #tpu.memory_space<vmem>>, vector<16xf32>,
      tpu.vector_store %arg7[%swap3A_397, %swap3A_398, %swap3A_399], %gather3A_395 {strides = array<i32>} : memref<2x64x64xf32, #tpu.memory_space<vmem>>, vector<16xf32>,
      %gather3A_401 = tpu.vector_load_idx %arg6[%broadcast_in_dim3A_382, %add3A_191] : memref<256x72xf32, #tpu.memory_space<vmem>>[vector<16xi32>, vector<16xi32>], vector<16xf32>,
      %swap3A_402 = arith.constant 7 : i32
      %swap3A_403 = arith.index_cast %select_n3A_175 : i32 to index
      %swap3A_404 = arith.index_cast %swap3A_402 : i32 to index
      %swap3A_405 = arith.constant 48 : index
      %swap3A_406 = tpu.vector_load %arg7[%swap3A_403, %swap3A_404, %swap3A_405] {strides = array<i32>} : memref<2x64x64xf32, #tpu.memory_space<vmem>>, vector<16xf32>,
      tpu.vector_store %arg7[%swap3A_403, %swap3A_404, %swap3A_405], %gather3A_401 {strides = array<i32>} : memref<2x64x64xf32, #tpu.memory_space<vmem>>, vector<16xf32>,
      %add3A_407 = arith.constant 8 : i32
      %add3A_408 = arith.addi %mul3A_159, %add3A_407 : i32
      %broadcast_in_dim3A_409 = vector.broadcast %add3A_408 : i32 to vector<16xi32>
      %gather3A_410 = tpu.vector_load_idx %arg6[%broadcast_in_dim3A_409, %add3A_179] : memref<256x72xf32, #tpu.memory_space<vmem>>[vector<16xi32>, vector<16xi32>], vector<16xf32>,
      %swap3A_411 = arith.constant 8 : i32
      %swap3A_412 = arith.index_cast %select_n3A_175 : i32 to index
      %swap3A_413 = arith.index_cast %swap3A_411 : i32 to index
      %swap3A_414 = arith.constant 0 : index
      %swap3A_415 = tpu.vector_load %arg7[%swap3A_412, %swap3A_413, %swap3A_414] {strides = array<i32>} : memref<2x64x64xf32, #tpu.memory_space<vmem>>, vector<16xf32>,
      tpu.vector_store %arg7[%swap3A_412, %swap3A_413, %swap3A_414], %gather3A_410 {strides = array<i32>} : memref<2x64x64xf32, #tpu.memory_space<vmem>>, vector<16xf32>,
      %gather3A_416 = tpu.vector_load_idx %arg6[%broadcast_in_dim3A_409, %add3A_183] : memref<256x72xf32, #tpu.memory_space<vmem>>[vector<16xi32>, vector<16xi32>], vector<16xf32>,
      %swap3A_417 = arith.constant 8 : i32
      %swap3A_418 = arith.index_cast %select_n3A_175 : i32 to index
      %swap3A_419 = arith.index_cast %swap3A_417 : i32 to index
      %swap3A_420 = arith.constant 16 : index
      %swap3A_421 = tpu.vector_load %arg7[%swap3A_418, %swap3A_419, %swap3A_420] {strides = array<i32>} : memref<2x64x64xf32, #tpu.memory_space<vmem>>, vector<16xf32>,
      tpu.vector_store %arg7[%swap3A_418, %swap3A_419, %swap3A_420], %gather3A_416 {strides = array<i32>} : memref<2x64x64xf32, #tpu.memory_space<vmem>>, vector<16xf32>,
      %gather3A_422 = tpu.vector_load_idx %arg6[%broadcast_in_dim3A_409, %add3A_187] : memref<256x72xf32, #tpu.memory_space<vmem>>[vector<16xi32>, vector<16xi32>], vector<16xf32>,
      %swap3A_423 = arith.constant 8 : i32
      %swap3A_424 = arith.index_cast %select_n3A_175 : i32 to index
      %swap3A_425 = arith.index_cast %swap3A_423 : i32 to index
      %swap3A_426 = arith.constant 32 : index
      %swap3A_427 = tpu.vector_load %arg7[%swap3A_424, %swap3A_425, %swap3A_426] {strides = array<i32>} : memref<2x64x64xf32, #tpu.memory_space<vmem>>, vector<16xf32>,
      tpu.vector_store %arg7[%swap3A_424, %swap3A_425, %swap3A_426], %gather3A_422 {strides = array<i32>} : memref<2x64x64xf32, #tpu.memory_space<vmem>>, vector<16xf32>,
      %gather3A_428 = tpu.vector_load_idx %arg6[%broadcast_in_dim3A_409, %add3A_191] : memref<256x72xf32, #tpu.memory_space<vmem>>[vector<16xi32>, vector<16xi32>], vector<16xf32>,
      %swap3A_429 = arith.constant 8 : i32
      %swap3A_430 = arith.index_cast %select_n3A_175 : i32 to index
      %swap3A_431 = arith.index_cast %swap3A_429 : i32 to index
      %swap3A_432 = arith.constant 48 : index
      %swap3A_433 = tpu.vector_load %arg7[%swap3A_430, %swap3A_431, %swap3A_432] {strides = array<i32>} : memref<2x64x64xf32, #tpu.memory_space<vmem>>, vector<16xf32>,
      tpu.vector_store %arg7[%swap3A_430, %swap3A_431, %swap3A_432], %gather3A_428 {strides = array<i32>} : memref<2x64x64xf32, #tpu.memory_space<vmem>>, vector<16xf32>,
      %add3A_434 = arith.constant 9 : i32
      %add3A_435 = arith.addi %mul3A_159, %add3A_434 : i32
      %broadcast_in_dim3A_436 = vector.broadcast %add3A_435 : i32 to vector<16xi32>
      %gather3A_437 = tpu.vector_load_idx %arg6[%broadcast_in_dim3A_436, %add3A_179] : memref<256x72xf32, #tpu.memory_space<vmem>>[vector<16xi32>, vector<16xi32>], vector<16xf32>,
      %swap3A_438 = arith.constant 9 : i32
      %swap3A_439 = arith.index_cast %select_n3A_175 : i32 to index
      %swap3A_440 = arith.index_cast %swap3A_438 : i32 to index
      %swap3A_441 = arith.constant 0 : index
      %swap3A_442 = tpu.vector_load %arg7[%swap3A_439, %swap3A_440, %swap3A_441] {strides = array<i32>} : memref<2x64x64xf32, #tpu.memory_space<vmem>>, vector<16xf32>,
      tpu.vector_store %arg7[%swap3A_439, %swap3A_440, %swap3A_441], %gather3A_437 {strides = array<i32>} : memref<2x64x64xf32, #tpu.memory_space<vmem>>, vector<16xf32>,
      %gather3A_443 = tpu.vector_load_idx %arg6[%broadcast_in_dim3A_436, %add3A_183] : memref<256x72xf32, #tpu.memory_space<vmem>>[vector<16xi32>, vector<16xi32>], vector<16xf32>,
      %swap3A_444 = arith.constant 9 : i32
      %swap3A_445 = arith.index_cast %select_n3A_175 : i32 to index
      %swap3A_446 = arith.index_cast %swap3A_444 : i32 to index
      %swap3A_447 = arith.constant 16 : index
      %swap3A_448 = tpu.vector_load %arg7[%swap3A_445, %swap3A_446, %swap3A_447] {strides = array<i32>} : memref<2x64x64xf32, #tpu.memory_space<vmem>>, vector<16xf32>,
      tpu.vector_store %arg7[%swap3A_445, %swap3A_446, %swap3A_447], %gather3A_443 {strides = array<i32>} : memref<2x64x64xf32, #tpu.memory_space<vmem>>, vector<16xf32>,
      %gather3A_449 = tpu.vector_load_idx %arg6[%broadcast_in_dim3A_436, %add3A_187] : memref<256x72xf32, #tpu.memory_space<vmem>>[vector<16xi32>, vector<16xi32>], vector<16xf32>,
      %swap3A_450 = arith.constant 9 : i32
      %swap3A_451 = arith.index_cast %select_n3A_175 : i32 to index
      %swap3A_452 = arith.index_cast %swap3A_450 : i32 to index
      %swap3A_453 = arith.constant 32 : index
      %swap3A_454 = tpu.vector_load %arg7[%swap3A_451, %swap3A_452, %swap3A_453] {strides = array<i32>} : memref<2x64x64xf32, #tpu.memory_space<vmem>>, vector<16xf32>,
      tpu.vector_store %arg7[%swap3A_451, %swap3A_452, %swap3A_453], %gather3A_449 {strides = array<i32>} : memref<2x64x64xf32, #tpu.memory_space<vmem>>, vector<16xf32>,
      %gather3A_455 = tpu.vector_load_idx %arg6[%broadcast_in_dim3A_436, %add3A_191] : memref<256x72xf32, #tpu.memory_space<vmem>>[vector<16xi32>, vector<16xi32>], vector<16xf32>,
      %swap3A_456 = arith.constant 9 : i32
      %swap3A_457 = arith.index_cast %select_n3A_175 : i32 to index
      %swap3A_458 = arith.index_cast %swap3A_456 : i32 to index
      %swap3A_459 = arith.constant 48 : index
      %swap3A_460 = tpu.vector_load %arg7[%swap3A_457, %swap3A_458, %swap3A_459] {strides = array<i32>} : memref<2x64x64xf32, #tpu.memory_space<vmem>>, vector<16xf32>,
      tpu.vector_store %arg7[%swap3A_457, %swap3A_458, %swap3A_459], %gather3A_455 {strides = array<i32>} : memref<2x64x64xf32, #tpu.memory_space<vmem>>, vector<16xf32>,
      %add3A_461 = arith.constant 10 : i32
      %add3A_462 = arith.addi %mul3A_159, %add3A_461 : i32
      %broadcast_in_dim3A_463 = vector.broadcast %add3A_462 : i32 to vector<16xi32>
      %gather3A_464 = tpu.vector_load_idx %arg6[%broadcast_in_dim3A_463, %add3A_179] : memref<256x72xf32, #tpu.memory_space<vmem>>[vector<16xi32>, vector<16xi32>], vector<16xf32>,
      %swap3A_465 = arith.constant 10 : i32
      %swap3A_466 = arith.index_cast %select_n3A_175 : i32 to index
      %swap3A_467 = arith.index_cast %swap3A_465 : i32 to index
      %swap3A_468 = arith.constant 0 : index
      %swap3A_469 = tpu.vector_load %arg7[%swap3A_466, %swap3A_467, %swap3A_468] {strides = array<i32>} : memref<2x64x64xf32, #tpu.memory_space<vmem>>, vector<16xf32>,
      tpu.vector_store %arg7[%swap3A_466, %swap3A_467, %swap3A_468], %gather3A_464 {strides = array<i32>} : memref<2x64x64xf32, #tpu.memory_space<vmem>>, vector<16xf32>,
      %gather3A_470 = tpu.vector_load_idx %arg6[%broadcast_in_dim3A_463, %add3A_183] : memref<256x72xf32, #tpu.memory_space<vmem>>[vector<16xi32>, vector<16xi32>], vector<16xf32>,
      %swap3A_471 = arith.constant 10 : i32
      %swap3A_472 = arith.index_cast %select_n3A_175 : i32 to index
      %swap3A_473 = arith.index_cast %swap3A_471 : i32 to index
      %swap3A_474 = arith.constant 16 : index
      %swap3A_475 = tpu.vector_load %arg7[%swap3A_472, %swap3A_473, %swap3A_474] {strides = array<i32>} : memref<2x64x64xf32, #tpu.memory_space<vmem>>, vector<16xf32>,
      tpu.vector_store %arg7[%swap3A_472, %swap3A_473, %swap3A_474], %gather3A_470 {strides = array<i32>} : memref<2x64x64xf32, #tpu.memory_space<vmem>>, vector<16xf32>,
      %gather3A_476 = tpu.vector_load_idx %arg6[%broadcast_in_dim3A_463, %add3A_187] : memref<256x72xf32, #tpu.memory_space<vmem>>[vector<16xi32>, vector<16xi32>], vector<16xf32>,
      %swap3A_477 = arith.constant 10 : i32
      %swap3A_478 = arith.index_cast %select_n3A_175 : i32 to index
      %swap3A_479 = arith.index_cast %swap3A_477 : i32 to index
      %swap3A_480 = arith.constant 32 : index
      %swap3A_481 = tpu.vector_load %arg7[%swap3A_478, %swap3A_479, %swap3A_480] {strides = array<i32>} : memref<2x64x64xf32, #tpu.memory_space<vmem>>, vector<16xf32>,
      tpu.vector_store %arg7[%swap3A_478, %swap3A_479, %swap3A_480], %gather3A_476 {strides = array<i32>} : memref<2x64x64xf32, #tpu.memory_space<vmem>>, vector<16xf32>,
      %gather3A_482 = tpu.vector_load_idx %arg6[%broadcast_in_dim3A_463, %add3A_191] : memref<256x72xf32, #tpu.memory_space<vmem>>[vector<16xi32>, vector<16xi32>], vector<16xf32>,
      %swap3A_483 = arith.constant 10 : i32
      %swap3A_484 = arith.index_cast %select_n3A_175 : i32 to index
      %swap3A_485 = arith.index_cast %swap3A_483 : i32 to index
      %swap3A_486 = arith.constant 48 : index
      %swap3A_487 = tpu.vector_load %arg7[%swap3A_484, %swap3A_485, %swap3A_486] {strides = array<i32>} : memref<2x64x64xf32, #tpu.memory_space<vmem>>, vector<16xf32>,
      tpu.vector_store %arg7[%swap3A_484, %swap3A_485, %swap3A_486], %gather3A_482 {strides = array<i32>} : memref<2x64x64xf32, #tpu.memory_space<vmem>>, vector<16xf32>,
      %add3A_488 = arith.constant 11 : i32
      %add3A_489 = arith.addi %mul3A_159, %add3A_488 : i32
      %broadcast_in_dim3A_490 = vector.broadcast %add3A_489 : i32 to vector<16xi32>
      %gather3A_491 = tpu.vector_load_idx %arg6[%broadcast_in_dim3A_490, %add3A_179] : memref<256x72xf32, #tpu.memory_space<vmem>>[vector<16xi32>, vector<16xi32>], vector<16xf32>,
      %swap3A_492 = arith.constant 11 : i32
      %swap3A_493 = arith.index_cast %select_n3A_175 : i32 to index
      %swap3A_494 = arith.index_cast %swap3A_492 : i32 to index
      %swap3A_495 = arith.constant 0 : index
      %swap3A_496 = tpu.vector_load %arg7[%swap3A_493, %swap3A_494, %swap3A_495] {strides = array<i32>} : memref<2x64x64xf32, #tpu.memory_space<vmem>>, vector<16xf32>,
      tpu.vector_store %arg7[%swap3A_493, %swap3A_494, %swap3A_495], %gather3A_491 {strides = array<i32>} : memref<2x64x64xf32, #tpu.memory_space<vmem>>, vector<16xf32>,
      %gather3A_497 = tpu.vector_load_idx %arg6[%broadcast_in_dim3A_490, %add3A_183] : memref<256x72xf32, #tpu.memory_space<vmem>>[vector<16xi32>, vector<16xi32>], vector<16xf32>,
      %swap3A_498 = arith.constant 11 : i32
      %swap3A_499 = arith.index_cast %select_n3A_175 : i32 to index
      %swap3A_500 = arith.index_cast %swap3A_498 : i32 to index
      %swap3A_501 = arith.constant 16 : index
      %swap3A_502 = tpu.vector_load %arg7[%swap3A_499, %swap3A_500, %swap3A_501] {strides = array<i32>} : memref<2x64x64xf32, #tpu.memory_space<vmem>>, vector<16xf32>,
      tpu.vector_store %arg7[%swap3A_499, %swap3A_500, %swap3A_501], %gather3A_497 {strides = array<i32>} : memref<2x64x64xf32, #tpu.memory_space<vmem>>, vector<16xf32>,
      %gather3A_503 = tpu.vector_load_idx %arg6[%broadcast_in_dim3A_490, %add3A_187] : memref<256x72xf32, #tpu.memory_space<vmem>>[vector<16xi32>, vector<16xi32>], vector<16xf32>,
      %swap3A_504 = arith.constant 11 : i32
      %swap3A_505 = arith.index_cast %select_n3A_175 : i32 to index
      %swap3A_506 = arith.index_cast %swap3A_504 : i32 to index
      %swap3A_507 = arith.constant 32 : index
      %swap3A_508 = tpu.vector_load %arg7[%swap3A_505, %swap3A_506, %swap3A_507] {strides = array<i32>} : memref<2x64x64xf32, #tpu.memory_space<vmem>>, vector<16xf32>,
      tpu.vector_store %arg7[%swap3A_505, %swap3A_506, %swap3A_507], %gather3A_503 {strides = array<i32>} : memref<2x64x64xf32, #tpu.memory_space<vmem>>, vector<16xf32>,
      %gather3A_509 = tpu.vector_load_idx %arg6[%broadcast_in_dim3A_490, %add3A_191] : memref<256x72xf32, #tpu.memory_space<vmem>>[vector<16xi32>, vector<16xi32>], vector<16xf32>,
      %swap3A_510 = arith.constant 11 : i32
      %swap3A_511 = arith.index_cast %select_n3A_175 : i32 to index
      %swap3A_512 = arith.index_cast %swap3A_510 : i32 to index
      %swap3A_513 = arith.constant 48 : index
      %swap3A_514 = tpu.vector_load %arg7[%swap3A_511, %swap3A_512, %swap3A_513] {strides = array<i32>} : memref<2x64x64xf32, #tpu.memory_space<vmem>>, vector<16xf32>,
      tpu.vector_store %arg7[%swap3A_511, %swap3A_512, %swap3A_513], %gather3A_509 {strides = array<i32>} : memref<2x64x64xf32, #tpu.memory_space<vmem>>, vector<16xf32>,
      %add3A_515 = arith.constant 12 : i32
      %add3A_516 = arith.addi %mul3A_159, %add3A_515 : i32
      %broadcast_in_dim3A_517 = vector.broadcast %add3A_516 : i32 to vector<16xi32>
      %gather3A_518 = tpu.vector_load_idx %arg6[%broadcast_in_dim3A_517, %add3A_179] : memref<256x72xf32, #tpu.memory_space<vmem>>[vector<16xi32>, vector<16xi32>], vector<16xf32>,
      %swap3A_519 = arith.constant 12 : i32
      %swap3A_520 = arith.index_cast %select_n3A_175 : i32 to index
      %swap3A_521 = arith.index_cast %swap3A_519 : i32 to index
      %swap3A_522 = arith.constant 0 : index
      %swap3A_523 = tpu.vector_load %arg7[%swap3A_520, %swap3A_521, %swap3A_522] {strides = array<i32>} : memref<2x64x64xf32, #tpu.memory_space<vmem>>, vector<16xf32>,
      tpu.vector_store %arg7[%swap3A_520, %swap3A_521, %swap3A_522], %gather3A_518 {strides = array<i32>} : memref<2x64x64xf32, #tpu.memory_space<vmem>>, vector<16xf32>,
      %gather3A_524 = tpu.vector_load_idx %arg6[%broadcast_in_dim3A_517, %add3A_183] : memref<256x72xf32, #tpu.memory_space<vmem>>[vector<16xi32>, vector<16xi32>], vector<16xf32>,
      %swap3A_525 = arith.constant 12 : i32
      %swap3A_526 = arith.index_cast %select_n3A_175 : i32 to index
      %swap3A_527 = arith.index_cast %swap3A_525 : i32 to index
      %swap3A_528 = arith.constant 16 : index
      %swap3A_529 = tpu.vector_load %arg7[%swap3A_526, %swap3A_527, %swap3A_528] {strides = array<i32>} : memref<2x64x64xf32, #tpu.memory_space<vmem>>, vector<16xf32>,
      tpu.vector_store %arg7[%swap3A_526, %swap3A_527, %swap3A_528], %gather3A_524 {strides = array<i32>} : memref<2x64x64xf32, #tpu.memory_space<vmem>>, vector<16xf32>,
      %gather3A_530 = tpu.vector_load_idx %arg6[%broadcast_in_dim3A_517, %add3A_187] : memref<256x72xf32, #tpu.memory_space<vmem>>[vector<16xi32>, vector<16xi32>], vector<16xf32>,
      %swap3A_531 = arith.constant 12 : i32
      %swap3A_532 = arith.index_cast %select_n3A_175 : i32 to index
      %swap3A_533 = arith.index_cast %swap3A_531 : i32 to index
      %swap3A_534 = arith.constant 32 : index
      %swap3A_535 = tpu.vector_load %arg7[%swap3A_532, %swap3A_533, %swap3A_534] {strides = array<i32>} : memref<2x64x64xf32, #tpu.memory_space<vmem>>, vector<16xf32>,
      tpu.vector_store %arg7[%swap3A_532, %swap3A_533, %swap3A_534], %gather3A_530 {strides = array<i32>} : memref<2x64x64xf32, #tpu.memory_space<vmem>>, vector<16xf32>,
      %gather3A_536 = tpu.vector_load_idx %arg6[%broadcast_in_dim3A_517, %add3A_191] : memref<256x72xf32, #tpu.memory_space<vmem>>[vector<16xi32>, vector<16xi32>], vector<16xf32>,
      %swap3A_537 = arith.constant 12 : i32
      %swap3A_538 = arith.index_cast %select_n3A_175 : i32 to index
      %swap3A_539 = arith.index_cast %swap3A_537 : i32 to index
      %swap3A_540 = arith.constant 48 : index
      %swap3A_541 = tpu.vector_load %arg7[%swap3A_538, %swap3A_539, %swap3A_540] {strides = array<i32>} : memref<2x64x64xf32, #tpu.memory_space<vmem>>, vector<16xf32>,
      tpu.vector_store %arg7[%swap3A_538, %swap3A_539, %swap3A_540], %gather3A_536 {strides = array<i32>} : memref<2x64x64xf32, #tpu.memory_space<vmem>>, vector<16xf32>,
      %add3A_542 = arith.constant 13 : i32
      %add3A_543 = arith.addi %mul3A_159, %add3A_542 : i32
      %broadcast_in_dim3A_544 = vector.broadcast %add3A_543 : i32 to vector<16xi32>
      %gather3A_545 = tpu.vector_load_idx %arg6[%broadcast_in_dim3A_544, %add3A_179] : memref<256x72xf32, #tpu.memory_space<vmem>>[vector<16xi32>, vector<16xi32>], vector<16xf32>,
      %swap3A_546 = arith.constant 13 : i32
      %swap3A_547 = arith.index_cast %select_n3A_175 : i32 to index
      %swap3A_548 = arith.index_cast %swap3A_546 : i32 to index
      %swap3A_549 = arith.constant 0 : index
      %swap3A_550 = tpu.vector_load %arg7[%swap3A_547, %swap3A_548, %swap3A_549] {strides = array<i32>} : memref<2x64x64xf32, #tpu.memory_space<vmem>>, vector<16xf32>,
      tpu.vector_store %arg7[%swap3A_547, %swap3A_548, %swap3A_549], %gather3A_545 {strides = array<i32>} : memref<2x64x64xf32, #tpu.memory_space<vmem>>, vector<16xf32>,
      %gather3A_551 = tpu.vector_load_idx %arg6[%broadcast_in_dim3A_544, %add3A_183] : memref<256x72xf32, #tpu.memory_space<vmem>>[vector<16xi32>, vector<16xi32>], vector<16xf32>,
      %swap3A_552 = arith.constant 13 : i32
      %swap3A_553 = arith.index_cast %select_n3A_175 : i32 to index
      %swap3A_554 = arith.index_cast %swap3A_552 : i32 to index
      %swap3A_555 = arith.constant 16 : index
      %swap3A_556 = tpu.vector_load %arg7[%swap3A_553, %swap3A_554, %swap3A_555] {strides = array<i32>} : memref<2x64x64xf32, #tpu.memory_space<vmem>>, vector<16xf32>,
      tpu.vector_store %arg7[%swap3A_553, %swap3A_554, %swap3A_555], %gather3A_551 {strides = array<i32>} : memref<2x64x64xf32, #tpu.memory_space<vmem>>, vector<16xf32>,
      %gather3A_557 = tpu.vector_load_idx %arg6[%broadcast_in_dim3A_544, %add3A_187] : memref<256x72xf32, #tpu.memory_space<vmem>>[vector<16xi32>, vector<16xi32>], vector<16xf32>,
      %swap3A_558 = arith.constant 13 : i32
      %swap3A_559 = arith.index_cast %select_n3A_175 : i32 to index
      %swap3A_560 = arith.index_cast %swap3A_558 : i32 to index
      %swap3A_561 = arith.constant 32 : index
      %swap3A_562 = tpu.vector_load %arg7[%swap3A_559, %swap3A_560, %swap3A_561] {strides = array<i32>} : memref<2x64x64xf32, #tpu.memory_space<vmem>>, vector<16xf32>,
      tpu.vector_store %arg7[%swap3A_559, %swap3A_560, %swap3A_561], %gather3A_557 {strides = array<i32>} : memref<2x64x64xf32, #tpu.memory_space<vmem>>, vector<16xf32>,
      %gather3A_563 = tpu.vector_load_idx %arg6[%broadcast_in_dim3A_544, %add3A_191] : memref<256x72xf32, #tpu.memory_space<vmem>>[vector<16xi32>, vector<16xi32>], vector<16xf32>,
      %swap3A_564 = arith.constant 13 : i32
      %swap3A_565 = arith.index_cast %select_n3A_175 : i32 to index
      %swap3A_566 = arith.index_cast %swap3A_564 : i32 to index
      %swap3A_567 = arith.constant 48 : index
      %swap3A_568 = tpu.vector_load %arg7[%swap3A_565, %swap3A_566, %swap3A_567] {strides = array<i32>} : memref<2x64x64xf32, #tpu.memory_space<vmem>>, vector<16xf32>,
      tpu.vector_store %arg7[%swap3A_565, %swap3A_566, %swap3A_567], %gather3A_563 {strides = array<i32>} : memref<2x64x64xf32, #tpu.memory_space<vmem>>, vector<16xf32>,
      %add3A_569 = arith.constant 14 : i32
      %add3A_570 = arith.addi %mul3A_159, %add3A_569 : i32
      %broadcast_in_dim3A_571 = vector.broadcast %add3A_570 : i32 to vector<16xi32>
      %gather3A_572 = tpu.vector_load_idx %arg6[%broadcast_in_dim3A_571, %add3A_179] : memref<256x72xf32, #tpu.memory_space<vmem>>[vector<16xi32>, vector<16xi32>], vector<16xf32>,
      %swap3A_573 = arith.constant 14 : i32
      %swap3A_574 = arith.index_cast %select_n3A_175 : i32 to index
      %swap3A_575 = arith.index_cast %swap3A_573 : i32 to index
      %swap3A_576 = arith.constant 0 : index
      %swap3A_577 = tpu.vector_load %arg7[%swap3A_574, %swap3A_575, %swap3A_576] {strides = array<i32>} : memref<2x64x64xf32, #tpu.memory_space<vmem>>, vector<16xf32>,
      tpu.vector_store %arg7[%swap3A_574, %swap3A_575, %swap3A_576], %gather3A_572 {strides = array<i32>} : memref<2x64x64xf32, #tpu.memory_space<vmem>>, vector<16xf32>,
      %gather3A_578 = tpu.vector_load_idx %arg6[%broadcast_in_dim3A_571, %add3A_183] : memref<256x72xf32, #tpu.memory_space<vmem>>[vector<16xi32>, vector<16xi32>], vector<16xf32>,
      %swap3A_579 = arith.constant 14 : i32
      %swap3A_580 = arith.index_cast %select_n3A_175 : i32 to index
      %swap3A_581 = arith.index_cast %swap3A_579 : i32 to index
      %swap3A_582 = arith.constant 16 : index
      %swap3A_583 = tpu.vector_load %arg7[%swap3A_580, %swap3A_581, %swap3A_582] {strides = array<i32>} : memref<2x64x64xf32, #tpu.memory_space<vmem>>, vector<16xf32>,
      tpu.vector_store %arg7[%swap3A_580, %swap3A_581, %swap3A_582], %gather3A_578 {strides = array<i32>} : memref<2x64x64xf32, #tpu.memory_space<vmem>>, vector<16xf32>,
      %gather3A_584 = tpu.vector_load_idx %arg6[%broadcast_in_dim3A_571, %add3A_187] : memref<256x72xf32, #tpu.memory_space<vmem>>[vector<16xi32>, vector<16xi32>], vector<16xf32>,
      %swap3A_585 = arith.constant 14 : i32
      %swap3A_586 = arith.index_cast %select_n3A_175 : i32 to index
      %swap3A_587 = arith.index_cast %swap3A_585 : i32 to index
      %swap3A_588 = arith.constant 32 : index
      %swap3A_589 = tpu.vector_load %arg7[%swap3A_586, %swap3A_587, %swap3A_588] {strides = array<i32>} : memref<2x64x64xf32, #tpu.memory_space<vmem>>, vector<16xf32>,
      tpu.vector_store %arg7[%swap3A_586, %swap3A_587, %swap3A_588], %gather3A_584 {strides = array<i32>} : memref<2x64x64xf32, #tpu.memory_space<vmem>>, vector<16xf32>,
      %gather3A_590 = tpu.vector_load_idx %arg6[%broadcast_in_dim3A_571, %add3A_191] : memref<256x72xf32, #tpu.memory_space<vmem>>[vector<16xi32>, vector<16xi32>], vector<16xf32>,
      %swap3A_591 = arith.constant 14 : i32
      %swap3A_592 = arith.index_cast %select_n3A_175 : i32 to index
      %swap3A_593 = arith.index_cast %swap3A_591 : i32 to index
      %swap3A_594 = arith.constant 48 : index
      %swap3A_595 = tpu.vector_load %arg7[%swap3A_592, %swap3A_593, %swap3A_594] {strides = array<i32>} : memref<2x64x64xf32, #tpu.memory_space<vmem>>, vector<16xf32>,
      tpu.vector_store %arg7[%swap3A_592, %swap3A_593, %swap3A_594], %gather3A_590 {strides = array<i32>} : memref<2x64x64xf32, #tpu.memory_space<vmem>>, vector<16xf32>,
      %add3A_596 = arith.constant 15 : i32
      %add3A_597 = arith.addi %mul3A_159, %add3A_596 : i32
      %broadcast_in_dim3A_598 = vector.broadcast %add3A_597 : i32 to vector<16xi32>
      %gather3A_599 = tpu.vector_load_idx %arg6[%broadcast_in_dim3A_598, %add3A_179] : memref<256x72xf32, #tpu.memory_space<vmem>>[vector<16xi32>, vector<16xi32>], vector<16xf32>,
      %swap3A_600 = arith.constant 15 : i32
      %swap3A_601 = arith.index_cast %select_n3A_175 : i32 to index
      %swap3A_602 = arith.index_cast %swap3A_600 : i32 to index
      %swap3A_603 = arith.constant 0 : index
      %swap3A_604 = tpu.vector_load %arg7[%swap3A_601, %swap3A_602, %swap3A_603] {strides = array<i32>} : memref<2x64x64xf32, #tpu.memory_space<vmem>>, vector<16xf32>,
      tpu.vector_store %arg7[%swap3A_601, %swap3A_602, %swap3A_603], %gather3A_599 {strides = array<i32>} : memref<2x64x64xf32, #tpu.memory_space<vmem>>, vector<16xf32>,
      %gather3A_605 = tpu.vector_load_idx %arg6[%broadcast_in_dim3A_598, %add3A_183] : memref<256x72xf32, #tpu.memory_space<vmem>>[vector<16xi32>, vector<16xi32>], vector<16xf32>,
      %swap3A_606 = arith.constant 15 : i32
      %swap3A_607 = arith.index_cast %select_n3A_175 : i32 to index
      %swap3A_608 = arith.index_cast %swap3A_606 : i32 to index
      %swap3A_609 = arith.constant 16 : index
      %swap3A_610 = tpu.vector_load %arg7[%swap3A_607, %swap3A_608, %swap3A_609] {strides = array<i32>} : memref<2x64x64xf32, #tpu.memory_space<vmem>>, vector<16xf32>,
      tpu.vector_store %arg7[%swap3A_607, %swap3A_608, %swap3A_609], %gather3A_605 {strides = array<i32>} : memref<2x64x64xf32, #tpu.memory_space<vmem>>, vector<16xf32>,
      %gather3A_611 = tpu.vector_load_idx %arg6[%broadcast_in_dim3A_598, %add3A_187] : memref<256x72xf32, #tpu.memory_space<vmem>>[vector<16xi32>, vector<16xi32>], vector<16xf32>,
      %swap3A_612 = arith.constant 15 : i32
      %swap3A_613 = arith.index_cast %select_n3A_175 : i32 to index
      %swap3A_614 = arith.index_cast %swap3A_612 : i32 to index
      %swap3A_615 = arith.constant 32 : index
      %swap3A_616 = tpu.vector_load %arg7[%swap3A_613, %swap3A_614, %swap3A_615] {strides = array<i32>} : memref<2x64x64xf32, #tpu.memory_space<vmem>>, vector<16xf32>,
      tpu.vector_store %arg7[%swap3A_613, %swap3A_614, %swap3A_615], %gather3A_611 {strides = array<i32>} : memref<2x64x64xf32, #tpu.memory_space<vmem>>, vector<16xf32>,
      %gather3A_617 = tpu.vector_load_idx %arg6[%broadcast_in_dim3A_598, %add3A_191] : memref<256x72xf32, #tpu.memory_space<vmem>>[vector<16xi32>, vector<16xi32>], vector<16xf32>,
      %swap3A_618 = arith.constant 15 : i32
      %swap3A_619 = arith.index_cast %select_n3A_175 : i32 to index
      %swap3A_620 = arith.index_cast %swap3A_618 : i32 to index
      %swap3A_621 = arith.constant 48 : index
      %swap3A_622 = tpu.vector_load %arg7[%swap3A_619, %swap3A_620, %swap3A_621] {strides = array<i32>} : memref<2x64x64xf32, #tpu.memory_space<vmem>>, vector<16xf32>,
      tpu.vector_store %arg7[%swap3A_619, %swap3A_620, %swap3A_621], %gather3A_617 {strides = array<i32>} : memref<2x64x64xf32, #tpu.memory_space<vmem>>, vector<16xf32>,
      %add3A_623 = arith.constant 16 : i32
      %add3A_624 = arith.addi %mul3A_159, %add3A_623 : i32
      %broadcast_in_dim3A_625 = vector.broadcast %add3A_624 : i32 to vector<16xi32>
      %gather3A_626 = tpu.vector_load_idx %arg6[%broadcast_in_dim3A_625, %add3A_179] : memref<256x72xf32, #tpu.memory_space<vmem>>[vector<16xi32>, vector<16xi32>], vector<16xf32>,
      %swap3A_627 = arith.constant 16 : i32
      %swap3A_628 = arith.index_cast %select_n3A_175 : i32 to index
      %swap3A_629 = arith.index_cast %swap3A_627 : i32 to index
      %swap3A_630 = arith.constant 0 : index
      %swap3A_631 = tpu.vector_load %arg7[%swap3A_628, %swap3A_629, %swap3A_630] {strides = array<i32>} : memref<2x64x64xf32, #tpu.memory_space<vmem>>, vector<16xf32>,
      tpu.vector_store %arg7[%swap3A_628, %swap3A_629, %swap3A_630], %gather3A_626 {strides = array<i32>} : memref<2x64x64xf32, #tpu.memory_space<vmem>>, vector<16xf32>,
      %gather3A_632 = tpu.vector_load_idx %arg6[%broadcast_in_dim3A_625, %add3A_183] : memref<256x72xf32, #tpu.memory_space<vmem>>[vector<16xi32>, vector<16xi32>], vector<16xf32>,
      %swap3A_633 = arith.constant 16 : i32
      %swap3A_634 = arith.index_cast %select_n3A_175 : i32 to index
      %swap3A_635 = arith.index_cast %swap3A_633 : i32 to index
      %swap3A_636 = arith.constant 16 : index
      %swap3A_637 = tpu.vector_load %arg7[%swap3A_634, %swap3A_635, %swap3A_636] {strides = array<i32>} : memref<2x64x64xf32, #tpu.memory_space<vmem>>, vector<16xf32>,
      tpu.vector_store %arg7[%swap3A_634, %swap3A_635, %swap3A_636], %gather3A_632 {strides = array<i32>} : memref<2x64x64xf32, #tpu.memory_space<vmem>>, vector<16xf32>,
      %gather3A_638 = tpu.vector_load_idx %arg6[%broadcast_in_dim3A_625, %add3A_187] : memref<256x72xf32, #tpu.memory_space<vmem>>[vector<16xi32>, vector<16xi32>], vector<16xf32>,
      %swap3A_639 = arith.constant 16 : i32
      %swap3A_640 = arith.index_cast %select_n3A_175 : i32 to index
      %swap3A_641 = arith.index_cast %swap3A_639 : i32 to index
      %swap3A_642 = arith.constant 32 : index
      %swap3A_643 = tpu.vector_load %arg7[%swap3A_640, %swap3A_641, %swap3A_642] {strides = array<i32>} : memref<2x64x64xf32, #tpu.memory_space<vmem>>, vector<16xf32>,
      tpu.vector_store %arg7[%swap3A_640, %swap3A_641, %swap3A_642], %gather3A_638 {strides = array<i32>} : memref<2x64x64xf32, #tpu.memory_space<vmem>>, vector<16xf32>,
      %gather3A_644 = tpu.vector_load_idx %arg6[%broadcast_in_dim3A_625, %add3A_191] : memref<256x72xf32, #tpu.memory_space<vmem>>[vector<16xi32>, vector<16xi32>], vector<16xf32>,
      %swap3A_645 = arith.constant 16 : i32
      %swap3A_646 = arith.index_cast %select_n3A_175 : i32 to index
      %swap3A_647 = arith.index_cast %swap3A_645 : i32 to index
      %swap3A_648 = arith.constant 48 : index
      %swap3A_649 = tpu.vector_load %arg7[%swap3A_646, %swap3A_647, %swap3A_648] {strides = array<i32>} : memref<2x64x64xf32, #tpu.memory_space<vmem>>, vector<16xf32>,
      tpu.vector_store %arg7[%swap3A_646, %swap3A_647, %swap3A_648], %gather3A_644 {strides = array<i32>} : memref<2x64x64xf32, #tpu.memory_space<vmem>>, vector<16xf32>,
      %add3A_650 = arith.constant 17 : i32
      %add3A_651 = arith.addi %mul3A_159, %add3A_650 : i32
      %broadcast_in_dim3A_652 = vector.broadcast %add3A_651 : i32 to vector<16xi32>
      %gather3A_653 = tpu.vector_load_idx %arg6[%broadcast_in_dim3A_652, %add3A_179] : memref<256x72xf32, #tpu.memory_space<vmem>>[vector<16xi32>, vector<16xi32>], vector<16xf32>,
      %swap3A_654 = arith.constant 17 : i32
      %swap3A_655 = arith.index_cast %select_n3A_175 : i32 to index
      %swap3A_656 = arith.index_cast %swap3A_654 : i32 to index
      %swap3A_657 = arith.constant 0 : index
      %swap3A_658 = tpu.vector_load %arg7[%swap3A_655, %swap3A_656, %swap3A_657] {strides = array<i32>} : memref<2x64x64xf32, #tpu.memory_space<vmem>>, vector<16xf32>,
      tpu.vector_store %arg7[%swap3A_655, %swap3A_656, %swap3A_657], %gather3A_653 {strides = array<i32>} : memref<2x64x64xf32, #tpu.memory_space<vmem>>, vector<16xf32>,
      %gather3A_659 = tpu.vector_load_idx %arg6[%broadcast_in_dim3A_652, %add3A_183] : memref<256x72xf32, #tpu.memory_space<vmem>>[vector<16xi32>, vector<16xi32>], vector<16xf32>,
      %swap3A_660 = arith.constant 17 : i32
      %swap3A_661 = arith.index_cast %select_n3A_175 : i32 to index
      %swap3A_662 = arith.index_cast %swap3A_660 : i32 to index
      %swap3A_663 = arith.constant 16 : index
      %swap3A_664 = tpu.vector_load %arg7[%swap3A_661, %swap3A_662, %swap3A_663] {strides = array<i32>} : memref<2x64x64xf32, #tpu.memory_space<vmem>>, vector<16xf32>,
      tpu.vector_store %arg7[%swap3A_661, %swap3A_662, %swap3A_663], %gather3A_659 {strides = array<i32>} : memref<2x64x64xf32, #tpu.memory_space<vmem>>, vector<16xf32>,
      %gather3A_665 = tpu.vector_load_idx %arg6[%broadcast_in_dim3A_652, %add3A_187] : memref<256x72xf32, #tpu.memory_space<vmem>>[vector<16xi32>, vector<16xi32>], vector<16xf32>,
      %swap3A_666 = arith.constant 17 : i32
      %swap3A_667 = arith.index_cast %select_n3A_175 : i32 to index
      %swap3A_668 = arith.index_cast %swap3A_666 : i32 to index
      %swap3A_669 = arith.constant 32 : index
      %swap3A_670 = tpu.vector_load %arg7[%swap3A_667, %swap3A_668, %swap3A_669] {strides = array<i32>} : memref<2x64x64xf32, #tpu.memory_space<vmem>>, vector<16xf32>,
      tpu.vector_store %arg7[%swap3A_667, %swap3A_668, %swap3A_669], %gather3A_665 {strides = array<i32>} : memref<2x64x64xf32, #tpu.memory_space<vmem>>, vector<16xf32>,
      %gather3A_671 = tpu.vector_load_idx %arg6[%broadcast_in_dim3A_652, %add3A_191] : memref<256x72xf32, #tpu.memory_space<vmem>>[vector<16xi32>, vector<16xi32>], vector<16xf32>,
      %swap3A_672 = arith.constant 17 : i32
      %swap3A_673 = arith.index_cast %select_n3A_175 : i32 to index
      %swap3A_674 = arith.index_cast %swap3A_672 : i32 to index
      %swap3A_675 = arith.constant 48 : index
      %swap3A_676 = tpu.vector_load %arg7[%swap3A_673, %swap3A_674, %swap3A_675] {strides = array<i32>} : memref<2x64x64xf32, #tpu.memory_space<vmem>>, vector<16xf32>,
      tpu.vector_store %arg7[%swap3A_673, %swap3A_674, %swap3A_675], %gather3A_671 {strides = array<i32>} : memref<2x64x64xf32, #tpu.memory_space<vmem>>, vector<16xf32>,
      %add3A_677 = arith.constant 18 : i32
      %add3A_678 = arith.addi %mul3A_159, %add3A_677 : i32
      %broadcast_in_dim3A_679 = vector.broadcast %add3A_678 : i32 to vector<16xi32>
      %gather3A_680 = tpu.vector_load_idx %arg6[%broadcast_in_dim3A_679, %add3A_179] : memref<256x72xf32, #tpu.memory_space<vmem>>[vector<16xi32>, vector<16xi32>], vector<16xf32>,
      %swap3A_681 = arith.constant 18 : i32
      %swap3A_682 = arith.index_cast %select_n3A_175 : i32 to index
      %swap3A_683 = arith.index_cast %swap3A_681 : i32 to index
      %swap3A_684 = arith.constant 0 : index
      %swap3A_685 = tpu.vector_load %arg7[%swap3A_682, %swap3A_683, %swap3A_684] {strides = array<i32>} : memref<2x64x64xf32, #tpu.memory_space<vmem>>, vector<16xf32>,
      tpu.vector_store %arg7[%swap3A_682, %swap3A_683, %swap3A_684], %gather3A_680 {strides = array<i32>} : memref<2x64x64xf32, #tpu.memory_space<vmem>>, vector<16xf32>,
      %gather3A_686 = tpu.vector_load_idx %arg6[%broadcast_in_dim3A_679, %add3A_183] : memref<256x72xf32, #tpu.memory_space<vmem>>[vector<16xi32>, vector<16xi32>], vector<16xf32>,
      %swap3A_687 = arith.constant 18 : i32
      %swap3A_688 = arith.index_cast %select_n3A_175 : i32 to index
      %swap3A_689 = arith.index_cast %swap3A_687 : i32 to index
      %swap3A_690 = arith.constant 16 : index
      %swap3A_691 = tpu.vector_load %arg7[%swap3A_688, %swap3A_689, %swap3A_690] {strides = array<i32>} : memref<2x64x64xf32, #tpu.memory_space<vmem>>, vector<16xf32>,
      tpu.vector_store %arg7[%swap3A_688, %swap3A_689, %swap3A_690], %gather3A_686 {strides = array<i32>} : memref<2x64x64xf32, #tpu.memory_space<vmem>>, vector<16xf32>,
      %gather3A_692 = tpu.vector_load_idx %arg6[%broadcast_in_dim3A_679, %add3A_187] : memref<256x72xf32, #tpu.memory_space<vmem>>[vector<16xi32>, vector<16xi32>], vector<16xf32>,
      %swap3A_693 = arith.constant 18 : i32
      %swap3A_694 = arith.index_cast %select_n3A_175 : i32 to index
      %swap3A_695 = arith.index_cast %swap3A_693 : i32 to index
      %swap3A_696 = arith.constant 32 : index
      %swap3A_697 = tpu.vector_load %arg7[%swap3A_694, %swap3A_695, %swap3A_696] {strides = array<i32>} : memref<2x64x64xf32, #tpu.memory_space<vmem>>, vector<16xf32>,
      tpu.vector_store %arg7[%swap3A_694, %swap3A_695, %swap3A_696], %gather3A_692 {strides = array<i32>} : memref<2x64x64xf32, #tpu.memory_space<vmem>>, vector<16xf32>,
      %gather3A_698 = tpu.vector_load_idx %arg6[%broadcast_in_dim3A_679, %add3A_191] : memref<256x72xf32, #tpu.memory_space<vmem>>[vector<16xi32>, vector<16xi32>], vector<16xf32>,
      %swap3A_699 = arith.constant 18 : i32
      %swap3A_700 = arith.index_cast %select_n3A_175 : i32 to index
      %swap3A_701 = arith.index_cast %swap3A_699 : i32 to index
      %swap3A_702 = arith.constant 48 : index
      %swap3A_703 = tpu.vector_load %arg7[%swap3A_700, %swap3A_701, %swap3A_702] {strides = array<i32>} : memref<2x64x64xf32, #tpu.memory_space<vmem>>, vector<16xf32>,
      tpu.vector_store %arg7[%swap3A_700, %swap3A_701, %swap3A_702], %gather3A_698 {strides = array<i32>} : memref<2x64x64xf32, #tpu.memory_space<vmem>>, vector<16xf32>,
      %add3A_704 = arith.constant 19 : i32
      %add3A_705 = arith.addi %mul3A_159, %add3A_704 : i32
      %broadcast_in_dim3A_706 = vector.broadcast %add3A_705 : i32 to vector<16xi32>
      %gather3A_707 = tpu.vector_load_idx %arg6[%broadcast_in_dim3A_706, %add3A_179] : memref<256x72xf32, #tpu.memory_space<vmem>>[vector<16xi32>, vector<16xi32>], vector<16xf32>,
      %swap3A_708 = arith.constant 19 : i32
      %swap3A_709 = arith.index_cast %select_n3A_175 : i32 to index
      %swap3A_710 = arith.index_cast %swap3A_708 : i32 to index
      %swap3A_711 = arith.constant 0 : index
      %swap3A_712 = tpu.vector_load %arg7[%swap3A_709, %swap3A_710, %swap3A_711] {strides = array<i32>} : memref<2x64x64xf32, #tpu.memory_space<vmem>>, vector<16xf32>,
      tpu.vector_store %arg7[%swap3A_709, %swap3A_710, %swap3A_711], %gather3A_707 {strides = array<i32>} : memref<2x64x64xf32, #tpu.memory_space<vmem>>, vector<16xf32>,
      %gather3A_713 = tpu.vector_load_idx %arg6[%broadcast_in_dim3A_706, %add3A_183] : memref<256x72xf32, #tpu.memory_space<vmem>>[vector<16xi32>, vector<16xi32>], vector<16xf32>,
      %swap3A_714 = arith.constant 19 : i32
      %swap3A_715 = arith.index_cast %select_n3A_175 : i32 to index
      %swap3A_716 = arith.index_cast %swap3A_714 : i32 to index
      %swap3A_717 = arith.constant 16 : index
      %swap3A_718 = tpu.vector_load %arg7[%swap3A_715, %swap3A_716, %swap3A_717] {strides = array<i32>} : memref<2x64x64xf32, #tpu.memory_space<vmem>>, vector<16xf32>,
      tpu.vector_store %arg7[%swap3A_715, %swap3A_716, %swap3A_717], %gather3A_713 {strides = array<i32>} : memref<2x64x64xf32, #tpu.memory_space<vmem>>, vector<16xf32>,
      %gather3A_719 = tpu.vector_load_idx %arg6[%broadcast_in_dim3A_706, %add3A_187] : memref<256x72xf32, #tpu.memory_space<vmem>>[vector<16xi32>, vector<16xi32>], vector<16xf32>,
      %swap3A_720 = arith.constant 19 : i32
      %swap3A_721 = arith.index_cast %select_n3A_175 : i32 to index
      %swap3A_722 = arith.index_cast %swap3A_720 : i32 to index
      %swap3A_723 = arith.constant 32 : index
      %swap3A_724 = tpu.vector_load %arg7[%swap3A_721, %swap3A_722, %swap3A_723] {strides = array<i32>} : memref<2x64x64xf32, #tpu.memory_space<vmem>>, vector<16xf32>,
      tpu.vector_store %arg7[%swap3A_721, %swap3A_722, %swap3A_723], %gather3A_719 {strides = array<i32>} : memref<2x64x64xf32, #tpu.memory_space<vmem>>, vector<16xf32>,
      %gather3A_725 = tpu.vector_load_idx %arg6[%broadcast_in_dim3A_706, %add3A_191] : memref<256x72xf32, #tpu.memory_space<vmem>>[vector<16xi32>, vector<16xi32>], vector<16xf32>,
      %swap3A_726 = arith.constant 19 : i32
      %swap3A_727 = arith.index_cast %select_n3A_175 : i32 to index
      %swap3A_728 = arith.index_cast %swap3A_726 : i32 to index
      %swap3A_729 = arith.constant 48 : index
      %swap3A_730 = tpu.vector_load %arg7[%swap3A_727, %swap3A_728, %swap3A_729] {strides = array<i32>} : memref<2x64x64xf32, #tpu.memory_space<vmem>>, vector<16xf32>,
      tpu.vector_store %arg7[%swap3A_727, %swap3A_728, %swap3A_729], %gather3A_725 {strides = array<i32>} : memref<2x64x64xf32, #tpu.memory_space<vmem>>, vector<16xf32>,
      %add3A_731 = arith.constant 20 : i32
      %add3A_732 = arith.addi %mul3A_159, %add3A_731 : i32
      %broadcast_in_dim3A_733 = vector.broadcast %add3A_732 : i32 to vector<16xi32>
      %gather3A_734 = tpu.vector_load_idx %arg6[%broadcast_in_dim3A_733, %add3A_179] : memref<256x72xf32, #tpu.memory_space<vmem>>[vector<16xi32>, vector<16xi32>], vector<16xf32>,
      %swap3A_735 = arith.constant 20 : i32
      %swap3A_736 = arith.index_cast %select_n3A_175 : i32 to index
      %swap3A_737 = arith.index_cast %swap3A_735 : i32 to index
      %swap3A_738 = arith.constant 0 : index
      %swap3A_739 = tpu.vector_load %arg7[%swap3A_736, %swap3A_737, %swap3A_738] {strides = array<i32>} : memref<2x64x64xf32, #tpu.memory_space<vmem>>, vector<16xf32>,
      tpu.vector_store %arg7[%swap3A_736, %swap3A_737, %swap3A_738], %gather3A_734 {strides = array<i32>} : memref<2x64x64xf32, #tpu.memory_space<vmem>>, vector<16xf32>,
      %gather3A_740 = tpu.vector_load_idx %arg6[%broadcast_in_dim3A_733, %add3A_183] : memref<256x72xf32, #tpu.memory_space<vmem>>[vector<16xi32>, vector<16xi32>], vector<16xf32>,
      %swap3A_741 = arith.constant 20 : i32
      %swap3A_742 = arith.index_cast %select_n3A_175 : i32 to index
      %swap3A_743 = arith.index_cast %swap3A_741 : i32 to index
      %swap3A_744 = arith.constant 16 : index
      %swap3A_745 = tpu.vector_load %arg7[%swap3A_742, %swap3A_743, %swap3A_744] {strides = array<i32>} : memref<2x64x64xf32, #tpu.memory_space<vmem>>, vector<16xf32>,
      tpu.vector_store %arg7[%swap3A_742, %swap3A_743, %swap3A_744], %gather3A_740 {strides = array<i32>} : memref<2x64x64xf32, #tpu.memory_space<vmem>>, vector<16xf32>,
      %gather3A_746 = tpu.vector_load_idx %arg6[%broadcast_in_dim3A_733, %add3A_187] : memref<256x72xf32, #tpu.memory_space<vmem>>[vector<16xi32>, vector<16xi32>], vector<16xf32>,
      %swap3A_747 = arith.constant 20 : i32
      %swap3A_748 = arith.index_cast %select_n3A_175 : i32 to index
      %swap3A_749 = arith.index_cast %swap3A_747 : i32 to index
      %swap3A_750 = arith.constant 32 : index
      %swap3A_751 = tpu.vector_load %arg7[%swap3A_748, %swap3A_749, %swap3A_750] {strides = array<i32>} : memref<2x64x64xf32, #tpu.memory_space<vmem>>, vector<16xf32>,
      tpu.vector_store %arg7[%swap3A_748, %swap3A_749, %swap3A_750], %gather3A_746 {strides = array<i32>} : memref<2x64x64xf32, #tpu.memory_space<vmem>>, vector<16xf32>,
      %gather3A_752 = tpu.vector_load_idx %arg6[%broadcast_in_dim3A_733, %add3A_191] : memref<256x72xf32, #tpu.memory_space<vmem>>[vector<16xi32>, vector<16xi32>], vector<16xf32>,
      %swap3A_753 = arith.constant 20 : i32
      %swap3A_754 = arith.index_cast %select_n3A_175 : i32 to index
      %swap3A_755 = arith.index_cast %swap3A_753 : i32 to index
      %swap3A_756 = arith.constant 48 : index
      %swap3A_757 = tpu.vector_load %arg7[%swap3A_754, %swap3A_755, %swap3A_756] {strides = array<i32>} : memref<2x64x64xf32, #tpu.memory_space<vmem>>, vector<16xf32>,
      tpu.vector_store %arg7[%swap3A_754, %swap3A_755, %swap3A_756], %gather3A_752 {strides = array<i32>} : memref<2x64x64xf32, #tpu.memory_space<vmem>>, vector<16xf32>,
      %add3A_758 = arith.constant 21 : i32
      %add3A_759 = arith.addi %mul3A_159, %add3A_758 : i32
      %broadcast_in_dim3A_760 = vector.broadcast %add3A_759 : i32 to vector<16xi32>
      %gather3A_761 = tpu.vector_load_idx %arg6[%broadcast_in_dim3A_760, %add3A_179] : memref<256x72xf32, #tpu.memory_space<vmem>>[vector<16xi32>, vector<16xi32>], vector<16xf32>,
      %swap3A_762 = arith.constant 21 : i32
      %swap3A_763 = arith.index_cast %select_n3A_175 : i32 to index
      %swap3A_764 = arith.index_cast %swap3A_762 : i32 to index
      %swap3A_765 = arith.constant 0 : index
      %swap3A_766 = tpu.vector_load %arg7[%swap3A_763, %swap3A_764, %swap3A_765] {strides = array<i32>} : memref<2x64x64xf32, #tpu.memory_space<vmem>>, vector<16xf32>,
      tpu.vector_store %arg7[%swap3A_763, %swap3A_764, %swap3A_765], %gather3A_761 {strides = array<i32>} : memref<2x64x64xf32, #tpu.memory_space<vmem>>, vector<16xf32>,
      %gather3A_767 = tpu.vector_load_idx %arg6[%broadcast_in_dim3A_760, %add3A_183] : memref<256x72xf32, #tpu.memory_space<vmem>>[vector<16xi32>, vector<16xi32>], vector<16xf32>,
      %swap3A_768 = arith.constant 21 : i32
      %swap3A_769 = arith.index_cast %select_n3A_175 : i32 to index
      %swap3A_770 = arith.index_cast %swap3A_768 : i32 to index
      %swap3A_771 = arith.constant 16 : index
      %swap3A_772 = tpu.vector_load %arg7[%swap3A_769, %swap3A_770, %swap3A_771] {strides = array<i32>} : memref<2x64x64xf32, #tpu.memory_space<vmem>>, vector<16xf32>,
      tpu.vector_store %arg7[%swap3A_769, %swap3A_770, %swap3A_771], %gather3A_767 {strides = array<i32>} : memref<2x64x64xf32, #tpu.memory_space<vmem>>, vector<16xf32>,
      %gather3A_773 = tpu.vector_load_idx %arg6[%broadcast_in_dim3A_760, %add3A_187] : memref<256x72xf32, #tpu.memory_space<vmem>>[vector<16xi32>, vector<16xi32>], vector<16xf32>,
      %swap3A_774 = arith.constant 21 : i32
      %swap3A_775 = arith.index_cast %select_n3A_175 : i32 to index
      %swap3A_776 = arith.index_cast %swap3A_774 : i32 to index
      %swap3A_777 = arith.constant 32 : index
      %swap3A_778 = tpu.vector_load %arg7[%swap3A_775, %swap3A_776, %swap3A_777] {strides = array<i32>} : memref<2x64x64xf32, #tpu.memory_space<vmem>>, vector<16xf32>,
      tpu.vector_store %arg7[%swap3A_775, %swap3A_776, %swap3A_777], %gather3A_773 {strides = array<i32>} : memref<2x64x64xf32, #tpu.memory_space<vmem>>, vector<16xf32>,
      %gather3A_779 = tpu.vector_load_idx %arg6[%broadcast_in_dim3A_760, %add3A_191] : memref<256x72xf32, #tpu.memory_space<vmem>>[vector<16xi32>, vector<16xi32>], vector<16xf32>,
      %swap3A_780 = arith.constant 21 : i32
      %swap3A_781 = arith.index_cast %select_n3A_175 : i32 to index
      %swap3A_782 = arith.index_cast %swap3A_780 : i32 to index
      %swap3A_783 = arith.constant 48 : index
      %swap3A_784 = tpu.vector_load %arg7[%swap3A_781, %swap3A_782, %swap3A_783] {strides = array<i32>} : memref<2x64x64xf32, #tpu.memory_space<vmem>>, vector<16xf32>,
      tpu.vector_store %arg7[%swap3A_781, %swap3A_782, %swap3A_783], %gather3A_779 {strides = array<i32>} : memref<2x64x64xf32, #tpu.memory_space<vmem>>, vector<16xf32>,
      %add3A_785 = arith.constant 22 : i32
      %add3A_786 = arith.addi %mul3A_159, %add3A_785 : i32
      %broadcast_in_dim3A_787 = vector.broadcast %add3A_786 : i32 to vector<16xi32>
      %gather3A_788 = tpu.vector_load_idx %arg6[%broadcast_in_dim3A_787, %add3A_179] : memref<256x72xf32, #tpu.memory_space<vmem>>[vector<16xi32>, vector<16xi32>], vector<16xf32>,
      %swap3A_789 = arith.constant 22 : i32
      %swap3A_790 = arith.index_cast %select_n3A_175 : i32 to index
      %swap3A_791 = arith.index_cast %swap3A_789 : i32 to index
      %swap3A_792 = arith.constant 0 : index
      %swap3A_793 = tpu.vector_load %arg7[%swap3A_790, %swap3A_791, %swap3A_792] {strides = array<i32>} : memref<2x64x64xf32, #tpu.memory_space<vmem>>, vector<16xf32>,
      tpu.vector_store %arg7[%swap3A_790, %swap3A_791, %swap3A_792], %gather3A_788 {strides = array<i32>} : memref<2x64x64xf32, #tpu.memory_space<vmem>>, vector<16xf32>,
      %gather3A_794 = tpu.vector_load_idx %arg6[%broadcast_in_dim3A_787, %add3A_183] : memref<256x72xf32, #tpu.memory_space<vmem>>[vector<16xi32>, vector<16xi32>], vector<16xf32>,
      %swap3A_795 = arith.constant 22 : i32
      %swap3A_796 = arith.index_cast %select_n3A_175 : i32 to index
      %swap3A_797 = arith.index_cast %swap3A_795 : i32 to index
      %swap3A_798 = arith.constant 16 : index
      %swap3A_799 = tpu.vector_load %arg7[%swap3A_796, %swap3A_797, %swap3A_798] {strides = array<i32>} : memref<2x64x64xf32, #tpu.memory_space<vmem>>, vector<16xf32>,
      tpu.vector_store %arg7[%swap3A_796, %swap3A_797, %swap3A_798], %gather3A_794 {strides = array<i32>} : memref<2x64x64xf32, #tpu.memory_space<vmem>>, vector<16xf32>,
      %gather3A_800 = tpu.vector_load_idx %arg6[%broadcast_in_dim3A_787, %add3A_187] : memref<256x72xf32, #tpu.memory_space<vmem>>[vector<16xi32>, vector<16xi32>], vector<16xf32>,
      %swap3A_801 = arith.constant 22 : i32
      %swap3A_802 = arith.index_cast %select_n3A_175 : i32 to index
      %swap3A_803 = arith.index_cast %swap3A_801 : i32 to index
      %swap3A_804 = arith.constant 32 : index
      %swap3A_805 = tpu.vector_load %arg7[%swap3A_802, %swap3A_803, %swap3A_804] {strides = array<i32>} : memref<2x64x64xf32, #tpu.memory_space<vmem>>, vector<16xf32>,
      tpu.vector_store %arg7[%swap3A_802, %swap3A_803, %swap3A_804], %gather3A_800 {strides = array<i32>} : memref<2x64x64xf32, #tpu.memory_space<vmem>>, vector<16xf32>,
      %gather3A_806 = tpu.vector_load_idx %arg6[%broadcast_in_dim3A_787, %add3A_191] : memref<256x72xf32, #tpu.memory_space<vmem>>[vector<16xi32>, vector<16xi32>], vector<16xf32>,
      %swap3A_807 = arith.constant 22 : i32
      %swap3A_808 = arith.index_cast %select_n3A_175 : i32 to index
      %swap3A_809 = arith.index_cast %swap3A_807 : i32 to index
      %swap3A_810 = arith.constant 48 : index
      %swap3A_811 = tpu.vector_load %arg7[%swap3A_808, %swap3A_809, %swap3A_810] {strides = array<i32>} : memref<2x64x64xf32, #tpu.memory_space<vmem>>, vector<16xf32>,
      tpu.vector_store %arg7[%swap3A_808, %swap3A_809, %swap3A_810], %gather3A_806 {strides = array<i32>} : memref<2x64x64xf32, #tpu.memory_space<vmem>>, vector<16xf32>,
      %add3A_812 = arith.constant 23 : i32
      %add3A_813 = arith.addi %mul3A_159, %add3A_812 : i32
      %broadcast_in_dim3A_814 = vector.broadcast %add3A_813 : i32 to vector<16xi32>
      %gather3A_815 = tpu.vector_load_idx %arg6[%broadcast_in_dim3A_814, %add3A_179] : memref<256x72xf32, #tpu.memory_space<vmem>>[vector<16xi32>, vector<16xi32>], vector<16xf32>,
      %swap3A_816 = arith.constant 23 : i32
      %swap3A_817 = arith.index_cast %select_n3A_175 : i32 to index
      %swap3A_818 = arith.index_cast %swap3A_816 : i32 to index
      %swap3A_819 = arith.constant 0 : index
      %swap3A_820 = tpu.vector_load %arg7[%swap3A_817, %swap3A_818, %swap3A_819] {strides = array<i32>} : memref<2x64x64xf32, #tpu.memory_space<vmem>>, vector<16xf32>,
      tpu.vector_store %arg7[%swap3A_817, %swap3A_818, %swap3A_819], %gather3A_815 {strides = array<i32>} : memref<2x64x64xf32, #tpu.memory_space<vmem>>, vector<16xf32>,
      %gather3A_821 = tpu.vector_load_idx %arg6[%broadcast_in_dim3A_814, %add3A_183] : memref<256x72xf32, #tpu.memory_space<vmem>>[vector<16xi32>, vector<16xi32>], vector<16xf32>,
      %swap3A_822 = arith.constant 23 : i32
      %swap3A_823 = arith.index_cast %select_n3A_175 : i32 to index
      %swap3A_824 = arith.index_cast %swap3A_822 : i32 to index
      %swap3A_825 = arith.constant 16 : index
      %swap3A_826 = tpu.vector_load %arg7[%swap3A_823, %swap3A_824, %swap3A_825] {strides = array<i32>} : memref<2x64x64xf32, #tpu.memory_space<vmem>>, vector<16xf32>,
      tpu.vector_store %arg7[%swap3A_823, %swap3A_824, %swap3A_825], %gather3A_821 {strides = array<i32>} : memref<2x64x64xf32, #tpu.memory_space<vmem>>, vector<16xf32>,
      %gather3A_827 = tpu.vector_load_idx %arg6[%broadcast_in_dim3A_814, %add3A_187] : memref<256x72xf32, #tpu.memory_space<vmem>>[vector<16xi32>, vector<16xi32>], vector<16xf32>,
      %swap3A_828 = arith.constant 23 : i32
      %swap3A_829 = arith.index_cast %select_n3A_175 : i32 to index
      %swap3A_830 = arith.index_cast %swap3A_828 : i32 to index
      %swap3A_831 = arith.constant 32 : index
      %swap3A_832 = tpu.vector_load %arg7[%swap3A_829, %swap3A_830, %swap3A_831] {strides = array<i32>} : memref<2x64x64xf32, #tpu.memory_space<vmem>>, vector<16xf32>,
      tpu.vector_store %arg7[%swap3A_829, %swap3A_830, %swap3A_831], %gather3A_827 {strides = array<i32>} : memref<2x64x64xf32, #tpu.memory_space<vmem>>, vector<16xf32>,
      %gather3A_833 = tpu.vector_load_idx %arg6[%broadcast_in_dim3A_814, %add3A_191] : memref<256x72xf32, #tpu.memory_space<vmem>>[vector<16xi32>, vector<16xi32>], vector<16xf32>,
      %swap3A_834 = arith.constant 23 : i32
      %swap3A_835 = arith.index_cast %select_n3A_175 : i32 to index
      %swap3A_836 = arith.index_cast %swap3A_834 : i32 to index
      %swap3A_837 = arith.constant 48 : index
      %swap3A_838 = tpu.vector_load %arg7[%swap3A_835, %swap3A_836, %swap3A_837] {strides = array<i32>} : memref<2x64x64xf32, #tpu.memory_space<vmem>>, vector<16xf32>,
      tpu.vector_store %arg7[%swap3A_835, %swap3A_836, %swap3A_837], %gather3A_833 {strides = array<i32>} : memref<2x64x64xf32, #tpu.memory_space<vmem>>, vector<16xf32>,
      %add3A_839 = arith.constant 24 : i32
      %add3A_840 = arith.addi %mul3A_159, %add3A_839 : i32
      %broadcast_in_dim3A_841 = vector.broadcast %add3A_840 : i32 to vector<16xi32>
      %gather3A_842 = tpu.vector_load_idx %arg6[%broadcast_in_dim3A_841, %add3A_179] : memref<256x72xf32, #tpu.memory_space<vmem>>[vector<16xi32>, vector<16xi32>], vector<16xf32>,
      %swap3A_843 = arith.constant 24 : i32
      %swap3A_844 = arith.index_cast %select_n3A_175 : i32 to index
      %swap3A_845 = arith.index_cast %swap3A_843 : i32 to index
      %swap3A_846 = arith.constant 0 : index
      %swap3A_847 = tpu.vector_load %arg7[%swap3A_844, %swap3A_845, %swap3A_846] {strides = array<i32>} : memref<2x64x64xf32, #tpu.memory_space<vmem>>, vector<16xf32>,
      tpu.vector_store %arg7[%swap3A_844, %swap3A_845, %swap3A_846], %gather3A_842 {strides = array<i32>} : memref<2x64x64xf32, #tpu.memory_space<vmem>>, vector<16xf32>,
      %gather3A_848 = tpu.vector_load_idx %arg6[%broadcast_in_dim3A_841, %add3A_183] : memref<256x72xf32, #tpu.memory_space<vmem>>[vector<16xi32>, vector<16xi32>], vector<16xf32>,
      %swap3A_849 = arith.constant 24 : i32
      %swap3A_850 = arith.index_cast %select_n3A_175 : i32 to index
      %swap3A_851 = arith.index_cast %swap3A_849 : i32 to index
      %swap3A_852 = arith.constant 16 : index
      %swap3A_853 = tpu.vector_load %arg7[%swap3A_850, %swap3A_851, %swap3A_852] {strides = array<i32>} : memref<2x64x64xf32, #tpu.memory_space<vmem>>, vector<16xf32>,
      tpu.vector_store %arg7[%swap3A_850, %swap3A_851, %swap3A_852], %gather3A_848 {strides = array<i32>} : memref<2x64x64xf32, #tpu.memory_space<vmem>>, vector<16xf32>,
      %gather3A_854 = tpu.vector_load_idx %arg6[%broadcast_in_dim3A_841, %add3A_187] : memref<256x72xf32, #tpu.memory_space<vmem>>[vector<16xi32>, vector<16xi32>], vector<16xf32>,
      %swap3A_855 = arith.constant 24 : i32
      %swap3A_856 = arith.index_cast %select_n3A_175 : i32 to index
      %swap3A_857 = arith.index_cast %swap3A_855 : i32 to index
      %swap3A_858 = arith.constant 32 : index
      %swap3A_859 = tpu.vector_load %arg7[%swap3A_856, %swap3A_857, %swap3A_858] {strides = array<i32>} : memref<2x64x64xf32, #tpu.memory_space<vmem>>, vector<16xf32>,
      tpu.vector_store %arg7[%swap3A_856, %swap3A_857, %swap3A_858], %gather3A_854 {strides = array<i32>} : memref<2x64x64xf32, #tpu.memory_space<vmem>>, vector<16xf32>,
      %gather3A_860 = tpu.vector_load_idx %arg6[%broadcast_in_dim3A_841, %add3A_191] : memref<256x72xf32, #tpu.memory_space<vmem>>[vector<16xi32>, vector<16xi32>], vector<16xf32>,
      %swap3A_861 = arith.constant 24 : i32
      %swap3A_862 = arith.index_cast %select_n3A_175 : i32 to index
      %swap3A_863 = arith.index_cast %swap3A_861 : i32 to index
      %swap3A_864 = arith.constant 48 : index
      %swap3A_865 = tpu.vector_load %arg7[%swap3A_862, %swap3A_863, %swap3A_864] {strides = array<i32>} : memref<2x64x64xf32, #tpu.memory_space<vmem>>, vector<16xf32>,
      tpu.vector_store %arg7[%swap3A_862, %swap3A_863, %swap3A_864], %gather3A_860 {strides = array<i32>} : memref<2x64x64xf32, #tpu.memory_space<vmem>>, vector<16xf32>,
      %add3A_866 = arith.constant 25 : i32
      %add3A_867 = arith.addi %mul3A_159, %add3A_866 : i32
      %broadcast_in_dim3A_868 = vector.broadcast %add3A_867 : i32 to vector<16xi32>
      %gather3A_869 = tpu.vector_load_idx %arg6[%broadcast_in_dim3A_868, %add3A_179] : memref<256x72xf32, #tpu.memory_space<vmem>>[vector<16xi32>, vector<16xi32>], vector<16xf32>,
      %swap3A_870 = arith.constant 25 : i32
      %swap3A_871 = arith.index_cast %select_n3A_175 : i32 to index
      %swap3A_872 = arith.index_cast %swap3A_870 : i32 to index
      %swap3A_873 = arith.constant 0 : index
      %swap3A_874 = tpu.vector_load %arg7[%swap3A_871, %swap3A_872, %swap3A_873] {strides = array<i32>} : memref<2x64x64xf32, #tpu.memory_space<vmem>>, vector<16xf32>,
      tpu.vector_store %arg7[%swap3A_871, %swap3A_872, %swap3A_873], %gather3A_869 {strides = array<i32>} : memref<2x64x64xf32, #tpu.memory_space<vmem>>, vector<16xf32>,
      %gather3A_875 = tpu.vector_load_idx %arg6[%broadcast_in_dim3A_868, %add3A_183] : memref<256x72xf32, #tpu.memory_space<vmem>>[vector<16xi32>, vector<16xi32>], vector<16xf32>,
      %swap3A_876 = arith.constant 25 : i32
      %swap3A_877 = arith.index_cast %select_n3A_175 : i32 to index
      %swap3A_878 = arith.index_cast %swap3A_876 : i32 to index
      %swap3A_879 = arith.constant 16 : index
      %swap3A_880 = tpu.vector_load %arg7[%swap3A_877, %swap3A_878, %swap3A_879] {strides = array<i32>} : memref<2x64x64xf32, #tpu.memory_space<vmem>>, vector<16xf32>,
      tpu.vector_store %arg7[%swap3A_877, %swap3A_878, %swap3A_879], %gather3A_875 {strides = array<i32>} : memref<2x64x64xf32, #tpu.memory_space<vmem>>, vector<16xf32>,
      %gather3A_881 = tpu.vector_load_idx %arg6[%broadcast_in_dim3A_868, %add3A_187] : memref<256x72xf32, #tpu.memory_space<vmem>>[vector<16xi32>, vector<16xi32>], vector<16xf32>,
      %swap3A_882 = arith.constant 25 : i32
      %swap3A_883 = arith.index_cast %select_n3A_175 : i32 to index
      %swap3A_884 = arith.index_cast %swap3A_882 : i32 to index
      %swap3A_885 = arith.constant 32 : index
      %swap3A_886 = tpu.vector_load %arg7[%swap3A_883, %swap3A_884, %swap3A_885] {strides = array<i32>} : memref<2x64x64xf32, #tpu.memory_space<vmem>>, vector<16xf32>,
      tpu.vector_store %arg7[%swap3A_883, %swap3A_884, %swap3A_885], %gather3A_881 {strides = array<i32>} : memref<2x64x64xf32, #tpu.memory_space<vmem>>, vector<16xf32>,
      %gather3A_887 = tpu.vector_load_idx %arg6[%broadcast_in_dim3A_868, %add3A_191] : memref<256x72xf32, #tpu.memory_space<vmem>>[vector<16xi32>, vector<16xi32>], vector<16xf32>,
      %swap3A_888 = arith.constant 25 : i32
      %swap3A_889 = arith.index_cast %select_n3A_175 : i32 to index
      %swap3A_890 = arith.index_cast %swap3A_888 : i32 to index
      %swap3A_891 = arith.constant 48 : index
      %swap3A_892 = tpu.vector_load %arg7[%swap3A_889, %swap3A_890, %swap3A_891] {strides = array<i32>} : memref<2x64x64xf32, #tpu.memory_space<vmem>>, vector<16xf32>,
      tpu.vector_store %arg7[%swap3A_889, %swap3A_890, %swap3A_891], %gather3A_887 {strides = array<i32>} : memref<2x64x64xf32, #tpu.memory_space<vmem>>, vector<16xf32>,
      %add3A_893 = arith.constant 26 : i32
      %add3A_894 = arith.addi %mul3A_159, %add3A_893 : i32
      %broadcast_in_dim3A_895 = vector.broadcast %add3A_894 : i32 to vector<16xi32>
      %gather3A_896 = tpu.vector_load_idx %arg6[%broadcast_in_dim3A_895, %add3A_179] : memref<256x72xf32, #tpu.memory_space<vmem>>[vector<16xi32>, vector<16xi32>], vector<16xf32>,
      %swap3A_897 = arith.constant 26 : i32
      %swap3A_898 = arith.index_cast %select_n3A_175 : i32 to index
      %swap3A_899 = arith.index_cast %swap3A_897 : i32 to index
      %swap3A_900 = arith.constant 0 : index
      %swap3A_901 = tpu.vector_load %arg7[%swap3A_898, %swap3A_899, %swap3A_900] {strides = array<i32>} : memref<2x64x64xf32, #tpu.memory_space<vmem>>, vector<16xf32>,
      tpu.vector_store %arg7[%swap3A_898, %swap3A_899, %swap3A_900], %gather3A_896 {strides = array<i32>} : memref<2x64x64xf32, #tpu.memory_space<vmem>>, vector<16xf32>,
      %gather3A_902 = tpu.vector_load_idx %arg6[%broadcast_in_dim3A_895, %add3A_183] : memref<256x72xf32, #tpu.memory_space<vmem>>[vector<16xi32>, vector<16xi32>], vector<16xf32>,
      %swap3A_903 = arith.constant 26 : i32
      %swap3A_904 = arith.index_cast %select_n3A_175 : i32 to index
      %swap3A_905 = arith.index_cast %swap3A_903 : i32 to index
      %swap3A_906 = arith.constant 16 : index
      %swap3A_907 = tpu.vector_load %arg7[%swap3A_904, %swap3A_905, %swap3A_906] {strides = array<i32>} : memref<2x64x64xf32, #tpu.memory_space<vmem>>, vector<16xf32>,
      tpu.vector_store %arg7[%swap3A_904, %swap3A_905, %swap3A_906], %gather3A_902 {strides = array<i32>} : memref<2x64x64xf32, #tpu.memory_space<vmem>>, vector<16xf32>,
      %gather3A_908 = tpu.vector_load_idx %arg6[%broadcast_in_dim3A_895, %add3A_187] : memref<256x72xf32, #tpu.memory_space<vmem>>[vector<16xi32>, vector<16xi32>], vector<16xf32>,
      %swap3A_909 = arith.constant 26 : i32
      %swap3A_910 = arith.index_cast %select_n3A_175 : i32 to index
      %swap3A_911 = arith.index_cast %swap3A_909 : i32 to index
      %swap3A_912 = arith.constant 32 : index
      %swap3A_913 = tpu.vector_load %arg7[%swap3A_910, %swap3A_911, %swap3A_912] {strides = array<i32>} : memref<2x64x64xf32, #tpu.memory_space<vmem>>, vector<16xf32>,
      tpu.vector_store %arg7[%swap3A_910, %swap3A_911, %swap3A_912], %gather3A_908 {strides = array<i32>} : memref<2x64x64xf32, #tpu.memory_space<vmem>>, vector<16xf32>,
      %gather3A_914 = tpu.vector_load_idx %arg6[%broadcast_in_dim3A_895, %add3A_191] : memref<256x72xf32, #tpu.memory_space<vmem>>[vector<16xi32>, vector<16xi32>], vector<16xf32>,
      %swap3A_915 = arith.constant 26 : i32
      %swap3A_916 = arith.index_cast %select_n3A_175 : i32 to index
      %swap3A_917 = arith.index_cast %swap3A_915 : i32 to index
      %swap3A_918 = arith.constant 48 : index
      %swap3A_919 = tpu.vector_load %arg7[%swap3A_916, %swap3A_917, %swap3A_918] {strides = array<i32>} : memref<2x64x64xf32, #tpu.memory_space<vmem>>, vector<16xf32>,
      tpu.vector_store %arg7[%swap3A_916, %swap3A_917, %swap3A_918], %gather3A_914 {strides = array<i32>} : memref<2x64x64xf32, #tpu.memory_space<vmem>>, vector<16xf32>,
      %add3A_920 = arith.constant 27 : i32
      %add3A_921 = arith.addi %mul3A_159, %add3A_920 : i32
      %broadcast_in_dim3A_922 = vector.broadcast %add3A_921 : i32 to vector<16xi32>
      %gather3A_923 = tpu.vector_load_idx %arg6[%broadcast_in_dim3A_922, %add3A_179] : memref<256x72xf32, #tpu.memory_space<vmem>>[vector<16xi32>, vector<16xi32>], vector<16xf32>,
      %swap3A_924 = arith.constant 27 : i32
      %swap3A_925 = arith.index_cast %select_n3A_175 : i32 to index
      %swap3A_926 = arith.index_cast %swap3A_924 : i32 to index
      %swap3A_927 = arith.constant 0 : index
      %swap3A_928 = tpu.vector_load %arg7[%swap3A_925, %swap3A_926, %swap3A_927] {strides = array<i32>} : memref<2x64x64xf32, #tpu.memory_space<vmem>>, vector<16xf32>,
      tpu.vector_store %arg7[%swap3A_925, %swap3A_926, %swap3A_927], %gather3A_923 {strides = array<i32>} : memref<2x64x64xf32, #tpu.memory_space<vmem>>, vector<16xf32>,
      %gather3A_929 = tpu.vector_load_idx %arg6[%broadcast_in_dim3A_922, %add3A_183] : memref<256x72xf32, #tpu.memory_space<vmem>>[vector<16xi32>, vector<16xi32>], vector<16xf32>,
      %swap3A_930 = arith.constant 27 : i32
      %swap3A_931 = arith.index_cast %select_n3A_175 : i32 to index
      %swap3A_932 = arith.index_cast %swap3A_930 : i32 to index
      %swap3A_933 = arith.constant 16 : index
      %swap3A_934 = tpu.vector_load %arg7[%swap3A_931, %swap3A_932, %swap3A_933] {strides = array<i32>} : memref<2x64x64xf32, #tpu.memory_space<vmem>>, vector<16xf32>,
      tpu.vector_store %arg7[%swap3A_931, %swap3A_932, %swap3A_933], %gather3A_929 {strides = array<i32>} : memref<2x64x64xf32, #tpu.memory_space<vmem>>, vector<16xf32>,
      %gather3A_935 = tpu.vector_load_idx %arg6[%broadcast_in_dim3A_922, %add3A_187] : memref<256x72xf32, #tpu.memory_space<vmem>>[vector<16xi32>, vector<16xi32>], vector<16xf32>,
      %swap3A_936 = arith.constant 27 : i32
      %swap3A_937 = arith.index_cast %select_n3A_175 : i32 to index
      %swap3A_938 = arith.index_cast %swap3A_936 : i32 to index
      %swap3A_939 = arith.constant 32 : index
      %swap3A_940 = tpu.vector_load %arg7[%swap3A_937, %swap3A_938, %swap3A_939] {strides = array<i32>} : memref<2x64x64xf32, #tpu.memory_space<vmem>>, vector<16xf32>,
      tpu.vector_store %arg7[%swap3A_937, %swap3A_938, %swap3A_939], %gather3A_935 {strides = array<i32>} : memref<2x64x64xf32, #tpu.memory_space<vmem>>, vector<16xf32>,
      %gather3A_941 = tpu.vector_load_idx %arg6[%broadcast_in_dim3A_922, %add3A_191] : memref<256x72xf32, #tpu.memory_space<vmem>>[vector<16xi32>, vector<16xi32>], vector<16xf32>,
      %swap3A_942 = arith.constant 27 : i32
      %swap3A_943 = arith.index_cast %select_n3A_175 : i32 to index
      %swap3A_944 = arith.index_cast %swap3A_942 : i32 to index
      %swap3A_945 = arith.constant 48 : index
      %swap3A_946 = tpu.vector_load %arg7[%swap3A_943, %swap3A_944, %swap3A_945] {strides = array<i32>} : memref<2x64x64xf32, #tpu.memory_space<vmem>>, vector<16xf32>,
      tpu.vector_store %arg7[%swap3A_943, %swap3A_944, %swap3A_945], %gather3A_941 {strides = array<i32>} : memref<2x64x64xf32, #tpu.memory_space<vmem>>, vector<16xf32>,
      %add3A_947 = arith.constant 28 : i32
      %add3A_948 = arith.addi %mul3A_159, %add3A_947 : i32
      %broadcast_in_dim3A_949 = vector.broadcast %add3A_948 : i32 to vector<16xi32>
      %gather3A_950 = tpu.vector_load_idx %arg6[%broadcast_in_dim3A_949, %add3A_179] : memref<256x72xf32, #tpu.memory_space<vmem>>[vector<16xi32>, vector<16xi32>], vector<16xf32>,
      %swap3A_951 = arith.constant 28 : i32
      %swap3A_952 = arith.index_cast %select_n3A_175 : i32 to index
      %swap3A_953 = arith.index_cast %swap3A_951 : i32 to index
      %swap3A_954 = arith.constant 0 : index
      %swap3A_955 = tpu.vector_load %arg7[%swap3A_952, %swap3A_953, %swap3A_954] {strides = array<i32>} : memref<2x64x64xf32, #tpu.memory_space<vmem>>, vector<16xf32>,
      tpu.vector_store %arg7[%swap3A_952, %swap3A_953, %swap3A_954], %gather3A_950 {strides = array<i32>} : memref<2x64x64xf32, #tpu.memory_space<vmem>>, vector<16xf32>,
      %gather3A_956 = tpu.vector_load_idx %arg6[%broadcast_in_dim3A_949, %add3A_183] : memref<256x72xf32, #tpu.memory_space<vmem>>[vector<16xi32>, vector<16xi32>], vector<16xf32>,
      %swap3A_957 = arith.constant 28 : i32
      %swap3A_958 = arith.index_cast %select_n3A_175 : i32 to index
      %swap3A_959 = arith.index_cast %swap3A_957 : i32 to index
      %swap3A_960 = arith.constant 16 : index
      %swap3A_961 = tpu.vector_load %arg7[%swap3A_958, %swap3A_959, %swap3A_960] {strides = array<i32>} : memref<2x64x64xf32, #tpu.memory_space<vmem>>, vector<16xf32>,
      tpu.vector_store %arg7[%swap3A_958, %swap3A_959, %swap3A_960], %gather3A_956 {strides = array<i32>} : memref<2x64x64xf32, #tpu.memory_space<vmem>>, vector<16xf32>,
      %gather3A_962 = tpu.vector_load_idx %arg6[%broadcast_in_dim3A_949, %add3A_187] : memref<256x72xf32, #tpu.memory_space<vmem>>[vector<16xi32>, vector<16xi32>], vector<16xf32>,
      %swap3A_963 = arith.constant 28 : i32
      %swap3A_964 = arith.index_cast %select_n3A_175 : i32 to index
      %swap3A_965 = arith.index_cast %swap3A_963 : i32 to index
      %swap3A_966 = arith.constant 32 : index
      %swap3A_967 = tpu.vector_load %arg7[%swap3A_964, %swap3A_965, %swap3A_966] {strides = array<i32>} : memref<2x64x64xf32, #tpu.memory_space<vmem>>, vector<16xf32>,
      tpu.vector_store %arg7[%swap3A_964, %swap3A_965, %swap3A_966], %gather3A_962 {strides = array<i32>} : memref<2x64x64xf32, #tpu.memory_space<vmem>>, vector<16xf32>,
      %gather3A_968 = tpu.vector_load_idx %arg6[%broadcast_in_dim3A_949, %add3A_191] : memref<256x72xf32, #tpu.memory_space<vmem>>[vector<16xi32>, vector<16xi32>], vector<16xf32>,
      %swap3A_969 = arith.constant 28 : i32
      %swap3A_970 = arith.index_cast %select_n3A_175 : i32 to index
      %swap3A_971 = arith.index_cast %swap3A_969 : i32 to index
      %swap3A_972 = arith.constant 48 : index
      %swap3A_973 = tpu.vector_load %arg7[%swap3A_970, %swap3A_971, %swap3A_972] {strides = array<i32>} : memref<2x64x64xf32, #tpu.memory_space<vmem>>, vector<16xf32>,
      tpu.vector_store %arg7[%swap3A_970, %swap3A_971, %swap3A_972], %gather3A_968 {strides = array<i32>} : memref<2x64x64xf32, #tpu.memory_space<vmem>>, vector<16xf32>,
      %add3A_974 = arith.constant 29 : i32
      %add3A_975 = arith.addi %mul3A_159, %add3A_974 : i32
      %broadcast_in_dim3A_976 = vector.broadcast %add3A_975 : i32 to vector<16xi32>
      %gather3A_977 = tpu.vector_load_idx %arg6[%broadcast_in_dim3A_976, %add3A_179] : memref<256x72xf32, #tpu.memory_space<vmem>>[vector<16xi32>, vector<16xi32>], vector<16xf32>,
      %swap3A_978 = arith.constant 29 : i32
      %swap3A_979 = arith.index_cast %select_n3A_175 : i32 to index
      %swap3A_980 = arith.index_cast %swap3A_978 : i32 to index
      %swap3A_981 = arith.constant 0 : index
      %swap3A_982 = tpu.vector_load %arg7[%swap3A_979, %swap3A_980, %swap3A_981] {strides = array<i32>} : memref<2x64x64xf32, #tpu.memory_space<vmem>>, vector<16xf32>,
      tpu.vector_store %arg7[%swap3A_979, %swap3A_980, %swap3A_981], %gather3A_977 {strides = array<i32>} : memref<2x64x64xf32, #tpu.memory_space<vmem>>, vector<16xf32>,
      %gather3A_983 = tpu.vector_load_idx %arg6[%broadcast_in_dim3A_976, %add3A_183] : memref<256x72xf32, #tpu.memory_space<vmem>>[vector<16xi32>, vector<16xi32>], vector<16xf32>,
      %swap3A_984 = arith.constant 29 : i32
      %swap3A_985 = arith.index_cast %select_n3A_175 : i32 to index
      %swap3A_986 = arith.index_cast %swap3A_984 : i32 to index
      %swap3A_987 = arith.constant 16 : index
      %swap3A_988 = tpu.vector_load %arg7[%swap3A_985, %swap3A_986, %swap3A_987] {strides = array<i32>} : memref<2x64x64xf32, #tpu.memory_space<vmem>>, vector<16xf32>,
      tpu.vector_store %arg7[%swap3A_985, %swap3A_986, %swap3A_987], %gather3A_983 {strides = array<i32>} : memref<2x64x64xf32, #tpu.memory_space<vmem>>, vector<16xf32>,
      %gather3A_989 = tpu.vector_load_idx %arg6[%broadcast_in_dim3A_976, %add3A_187] : memref<256x72xf32, #tpu.memory_space<vmem>>[vector<16xi32>, vector<16xi32>], vector<16xf32>,
      %swap3A_990 = arith.constant 29 : i32
      %swap3A_991 = arith.index_cast %select_n3A_175 : i32 to index
      %swap3A_992 = arith.index_cast %swap3A_990 : i32 to index
      %swap3A_993 = arith.constant 32 : index
      %swap3A_994 = tpu.vector_load %arg7[%swap3A_991, %swap3A_992, %swap3A_993] {strides = array<i32>} : memref<2x64x64xf32, #tpu.memory_space<vmem>>, vector<16xf32>,
      tpu.vector_store %arg7[%swap3A_991, %swap3A_992, %swap3A_993], %gather3A_989 {strides = array<i32>} : memref<2x64x64xf32, #tpu.memory_space<vmem>>, vector<16xf32>,
      %gather3A_995 = tpu.vector_load_idx %arg6[%broadcast_in_dim3A_976, %add3A_191] : memref<256x72xf32, #tpu.memory_space<vmem>>[vector<16xi32>, vector<16xi32>], vector<16xf32>,
      %swap3A_996 = arith.constant 29 : i32
      %swap3A_997 = arith.index_cast %select_n3A_175 : i32 to index
      %swap3A_998 = arith.index_cast %swap3A_996 : i32 to index
      %swap3A_999 = arith.constant 48 : index
      %swap3A_1000 = tpu.vector_load %arg7[%swap3A_997, %swap3A_998, %swap3A_999] {strides = array<i32>} : memref<2x64x64xf32, #tpu.memory_space<vmem>>, vector<16xf32>,
      tpu.vector_store %arg7[%swap3A_997, %swap3A_998, %swap3A_999], %gather3A_995 {strides = array<i32>} : memref<2x64x64xf32, #tpu.memory_space<vmem>>, vector<16xf32>,
      %add3A_1001 = arith.constant 30 : i32
      %add3A_1002 = arith.addi %mul3A_159, %add3A_1001 : i32
      %broadcast_in_dim3A_1003 = vector.broadcast %add3A_1002 : i32 to vector<16xi32>
      %gather3A_1004 = tpu.vector_load_idx %arg6[%broadcast_in_dim3A_1003, %add3A_179] : memref<256x72xf32, #tpu.memory_space<vmem>>[vector<16xi32>, vector<16xi32>], vector<16xf32>,
      %swap3A_1005 = arith.constant 30 : i32
      %swap3A_1006 = arith.index_cast %select_n3A_175 : i32 to index
      %swap3A_1007 = arith.index_cast %swap3A_1005 : i32 to index
      %swap3A_1008 = arith.constant 0 : index
      %swap3A_1009 = tpu.vector_load %arg7[%swap3A_1006, %swap3A_1007, %swap3A_1008] {strides = array<i32>} : memref<2x64x64xf32, #tpu.memory_space<vmem>>, vector<16xf32>,
      tpu.vector_store %arg7[%swap3A_1006, %swap3A_1007, %swap3A_1008], %gather3A_1004 {strides = array<i32>} : memref<2x64x64xf32, #tpu.memory_space<vmem>>, vector<16xf32>,
      %gather3A_1010 = tpu.vector_load_idx %arg6[%broadcast_in_dim3A_1003, %add3A_183] : memref<256x72xf32, #tpu.memory_space<vmem>>[vector<16xi32>, vector<16xi32>], vector<16xf32>,
      %swap3A_1011 = arith.constant 30 : i32
      %swap3A_1012 = arith.index_cast %select_n3A_175 : i32 to index
      %swap3A_1013 = arith.index_cast %swap3A_1011 : i32 to index
      %swap3A_1014 = arith.constant 16 : index
      %swap3A_1015 = tpu.vector_load %arg7[%swap3A_1012, %swap3A_1013, %swap3A_1014] {strides = array<i32>} : memref<2x64x64xf32, #tpu.memory_space<vmem>>, vector<16xf32>,
      tpu.vector_store %arg7[%swap3A_1012, %swap3A_1013, %swap3A_1014], %gather3A_1010 {strides = array<i32>} : memref<2x64x64xf32, #tpu.memory_space<vmem>>, vector<16xf32>,
      %gather3A_1016 = tpu.vector_load_idx %arg6[%broadcast_in_dim3A_1003, %add3A_187] : memref<256x72xf32, #tpu.memory_space<vmem>>[vector<16xi32>, vector<16xi32>], vector<16xf32>,
      %swap3A_1017 = arith.constant 30 : i32
      %swap3A_1018 = arith.index_cast %select_n3A_175 : i32 to index
      %swap3A_1019 = arith.index_cast %swap3A_1017 : i32 to index
      %swap3A_1020 = arith.constant 32 : index
      %swap3A_1021 = tpu.vector_load %arg7[%swap3A_1018, %swap3A_1019, %swap3A_1020] {strides = array<i32>} : memref<2x64x64xf32, #tpu.memory_space<vmem>>, vector<16xf32>,
      tpu.vector_store %arg7[%swap3A_1018, %swap3A_1019, %swap3A_1020], %gather3A_1016 {strides = array<i32>} : memref<2x64x64xf32, #tpu.memory_space<vmem>>, vector<16xf32>,
      %gather3A_1022 = tpu.vector_load_idx %arg6[%broadcast_in_dim3A_1003, %add3A_191] : memref<256x72xf32, #tpu.memory_space<vmem>>[vector<16xi32>, vector<16xi32>], vector<16xf32>,
      %swap3A_1023 = arith.constant 30 : i32
      %swap3A_1024 = arith.index_cast %select_n3A_175 : i32 to index
      %swap3A_1025 = arith.index_cast %swap3A_1023 : i32 to index
      %swap3A_1026 = arith.constant 48 : index
      %swap3A_1027 = tpu.vector_load %arg7[%swap3A_1024, %swap3A_1025, %swap3A_1026] {strides = array<i32>} : memref<2x64x64xf32, #tpu.memory_space<vmem>>, vector<16xf32>,
      tpu.vector_store %arg7[%swap3A_1024, %swap3A_1025, %swap3A_1026], %gather3A_1022 {strides = array<i32>} : memref<2x64x64xf32, #tpu.memory_space<vmem>>, vector<16xf32>,
      %add3A_1028 = arith.constant 31 : i32
      %add3A_1029 = arith.addi %mul3A_159, %add3A_1028 : i32
      %broadcast_in_dim3A_1030 = vector.broadcast %add3A_1029 : i32 to vector<16xi32>
      %gather3A_1031 = tpu.vector_load_idx %arg6[%broadcast_in_dim3A_1030, %add3A_179] : memref<256x72xf32, #tpu.memory_space<vmem>>[vector<16xi32>, vector<16xi32>], vector<16xf32>,
      %swap3A_1032 = arith.constant 31 : i32
      %swap3A_1033 = arith.index_cast %select_n3A_175 : i32 to index
      %swap3A_1034 = arith.index_cast %swap3A_1032 : i32 to index
      %swap3A_1035 = arith.constant 0 : index
      %swap3A_1036 = tpu.vector_load %arg7[%swap3A_1033, %swap3A_1034, %swap3A_1035] {strides = array<i32>} : memref<2x64x64xf32, #tpu.memory_space<vmem>>, vector<16xf32>,
      tpu.vector_store %arg7[%swap3A_1033, %swap3A_1034, %swap3A_1035], %gather3A_1031 {strides = array<i32>} : memref<2x64x64xf32, #tpu.memory_space<vmem>>, vector<16xf32>,
      %gather3A_1037 = tpu.vector_load_idx %arg6[%broadcast_in_dim3A_1030, %add3A_183] : memref<256x72xf32, #tpu.memory_space<vmem>>[vector<16xi32>, vector<16xi32>], vector<16xf32>,
      %swap3A_1038 = arith.constant 31 : i32
      %swap3A_1039 = arith.index_cast %select_n3A_175 : i32 to index
      %swap3A_1040 = arith.index_cast %swap3A_1038 : i32 to index
      %swap3A_1041 = arith.constant 16 : index
      %swap3A_1042 = tpu.vector_load %arg7[%swap3A_1039, %swap3A_1040, %swap3A_1041] {strides = array<i32>} : memref<2x64x64xf32, #tpu.memory_space<vmem>>, vector<16xf32>,
      tpu.vector_store %arg7[%swap3A_1039, %swap3A_1040, %swap3A_1041], %gather3A_1037 {strides = array<i32>} : memref<2x64x64xf32, #tpu.memory_space<vmem>>, vector<16xf32>,
      %gather3A_1043 = tpu.vector_load_idx %arg6[%broadcast_in_dim3A_1030, %add3A_187] : memref<256x72xf32, #tpu.memory_space<vmem>>[vector<16xi32>, vector<16xi32>], vector<16xf32>,
      %swap3A_1044 = arith.constant 31 : i32
      %swap3A_1045 = arith.index_cast %select_n3A_175 : i32 to index
      %swap3A_1046 = arith.index_cast %swap3A_1044 : i32 to index
      %swap3A_1047 = arith.constant 32 : index
      %swap3A_1048 = tpu.vector_load %arg7[%swap3A_1045, %swap3A_1046, %swap3A_1047] {strides = array<i32>} : memref<2x64x64xf32, #tpu.memory_space<vmem>>, vector<16xf32>,
      tpu.vector_store %arg7[%swap3A_1045, %swap3A_1046, %swap3A_1047], %gather3A_1043 {strides = array<i32>} : memref<2x64x64xf32, #tpu.memory_space<vmem>>, vector<16xf32>,
      %gather3A_1049 = tpu.vector_load_idx %arg6[%broadcast_in_dim3A_1030, %add3A_191] : memref<256x72xf32, #tpu.memory_space<vmem>>[vector<16xi32>, vector<16xi32>], vector<16xf32>,
      %swap3A_1050 = arith.constant 31 : i32
      %swap3A_1051 = arith.index_cast %select_n3A_175 : i32 to index
      %swap3A_1052 = arith.index_cast %swap3A_1050 : i32 to index
      %swap3A_1053 = arith.constant 48 : index
      %swap3A_1054 = tpu.vector_load %arg7[%swap3A_1051, %swap3A_1052, %swap3A_1053] {strides = array<i32>} : memref<2x64x64xf32, #tpu.memory_space<vmem>>, vector<16xf32>,
      tpu.vector_store %arg7[%swap3A_1051, %swap3A_1052, %swap3A_1053], %gather3A_1049 {strides = array<i32>} : memref<2x64x64xf32, #tpu.memory_space<vmem>>, vector<16xf32>,
      %add3A_1055 = arith.constant 32 : i32
      %add3A_1056 = arith.addi %mul3A_159, %add3A_1055 : i32
      %broadcast_in_dim3A_1057 = vector.broadcast %add3A_1056 : i32 to vector<16xi32>
      %gather3A_1058 = tpu.vector_load_idx %arg6[%broadcast_in_dim3A_1057, %add3A_179] : memref<256x72xf32, #tpu.memory_space<vmem>>[vector<16xi32>, vector<16xi32>], vector<16xf32>,
      %swap3A_1059 = arith.constant 32 : i32
      %swap3A_1060 = arith.index_cast %select_n3A_175 : i32 to index
      %swap3A_1061 = arith.index_cast %swap3A_1059 : i32 to index
      %swap3A_1062 = arith.constant 0 : index
      %swap3A_1063 = tpu.vector_load %arg7[%swap3A_1060, %swap3A_1061, %swap3A_1062] {strides = array<i32>} : memref<2x64x64xf32, #tpu.memory_space<vmem>>, vector<16xf32>,
      tpu.vector_store %arg7[%swap3A_1060, %swap3A_1061, %swap3A_1062], %gather3A_1058 {strides = array<i32>} : memref<2x64x64xf32, #tpu.memory_space<vmem>>, vector<16xf32>,
      %gather3A_1064 = tpu.vector_load_idx %arg6[%broadcast_in_dim3A_1057, %add3A_183] : memref<256x72xf32, #tpu.memory_space<vmem>>[vector<16xi32>, vector<16xi32>], vector<16xf32>,
      %swap3A_1065 = arith.constant 32 : i32
      %swap3A_1066 = arith.index_cast %select_n3A_175 : i32 to index
      %swap3A_1067 = arith.index_cast %swap3A_1065 : i32 to index
      %swap3A_1068 = arith.constant 16 : index
      %swap3A_1069 = tpu.vector_load %arg7[%swap3A_1066, %swap3A_1067, %swap3A_1068] {strides = array<i32>} : memref<2x64x64xf32, #tpu.memory_space<vmem>>, vector<16xf32>,
      tpu.vector_store %arg7[%swap3A_1066, %swap3A_1067, %swap3A_1068], %gather3A_1064 {strides = array<i32>} : memref<2x64x64xf32, #tpu.memory_space<vmem>>, vector<16xf32>,
      %gather3A_1070 = tpu.vector_load_idx %arg6[%broadcast_in_dim3A_1057, %add3A_187] : memref<256x72xf32, #tpu.memory_space<vmem>>[vector<16xi32>, vector<16xi32>], vector<16xf32>,
      %swap3A_1071 = arith.constant 32 : i32
      %swap3A_1072 = arith.index_cast %select_n3A_175 : i32 to index
      %swap3A_1073 = arith.index_cast %swap3A_1071 : i32 to index
      %swap3A_1074 = arith.constant 32 : index
      %swap3A_1075 = tpu.vector_load %arg7[%swap3A_1072, %swap3A_1073, %swap3A_1074] {strides = array<i32>} : memref<2x64x64xf32, #tpu.memory_space<vmem>>, vector<16xf32>,
      tpu.vector_store %arg7[%swap3A_1072, %swap3A_1073, %swap3A_1074], %gather3A_1070 {strides = array<i32>} : memref<2x64x64xf32, #tpu.memory_space<vmem>>, vector<16xf32>,
      %gather3A_1076 = tpu.vector_load_idx %arg6[%broadcast_in_dim3A_1057, %add3A_191] : memref<256x72xf32, #tpu.memory_space<vmem>>[vector<16xi32>, vector<16xi32>], vector<16xf32>,
      %swap3A_1077 = arith.constant 32 : i32
      %swap3A_1078 = arith.index_cast %select_n3A_175 : i32 to index
      %swap3A_1079 = arith.index_cast %swap3A_1077 : i32 to index
      %swap3A_1080 = arith.constant 48 : index
      %swap3A_1081 = tpu.vector_load %arg7[%swap3A_1078, %swap3A_1079, %swap3A_1080] {strides = array<i32>} : memref<2x64x64xf32, #tpu.memory_space<vmem>>, vector<16xf32>,
      tpu.vector_store %arg7[%swap3A_1078, %swap3A_1079, %swap3A_1080], %gather3A_1076 {strides = array<i32>} : memref<2x64x64xf32, #tpu.memory_space<vmem>>, vector<16xf32>,
      %add3A_1082 = arith.constant 33 : i32
      %add3A_1083 = arith.addi %mul3A_159, %add3A_1082 : i32
      %broadcast_in_dim3A_1084 = vector.broadcast %add3A_1083 : i32 to vector<16xi32>
      %gather3A_1085 = tpu.vector_load_idx %arg6[%broadcast_in_dim3A_1084, %add3A_179] : memref<256x72xf32, #tpu.memory_space<vmem>>[vector<16xi32>, vector<16xi32>], vector<16xf32>,
      %swap3A_1086 = arith.constant 33 : i32
      %swap3A_1087 = arith.index_cast %select_n3A_175 : i32 to index
      %swap3A_1088 = arith.index_cast %swap3A_1086 : i32 to index
      %swap3A_1089 = arith.constant 0 : index
      %swap3A_1090 = tpu.vector_load %arg7[%swap3A_1087, %swap3A_1088, %swap3A_1089] {strides = array<i32>} : memref<2x64x64xf32, #tpu.memory_space<vmem>>, vector<16xf32>,
      tpu.vector_store %arg7[%swap3A_1087, %swap3A_1088, %swap3A_1089], %gather3A_1085 {strides = array<i32>} : memref<2x64x64xf32, #tpu.memory_space<vmem>>, vector<16xf32>,
      %gather3A_1091 = tpu.vector_load_idx %arg6[%broadcast_in_dim3A_1084, %add3A_183] : memref<256x72xf32, #tpu.memory_space<vmem>>[vector<16xi32>, vector<16xi32>], vector<16xf32>,
      %swap3A_1092 = arith.constant 33 : i32
      %swap3A_1093 = arith.index_cast %select_n3A_175 : i32 to index
      %swap3A_1094 = arith.index_cast %swap3A_1092 : i32 to index
      %swap3A_1095 = arith.constant 16 : index
      %swap3A_1096 = tpu.vector_load %arg7[%swap3A_1093, %swap3A_1094, %swap3A_1095] {strides = array<i32>} : memref<2x64x64xf32, #tpu.memory_space<vmem>>, vector<16xf32>,
      tpu.vector_store %arg7[%swap3A_1093, %swap3A_1094, %swap3A_1095], %gather3A_1091 {strides = array<i32>} : memref<2x64x64xf32, #tpu.memory_space<vmem>>, vector<16xf32>,
      %gather3A_1097 = tpu.vector_load_idx %arg6[%broadcast_in_dim3A_1084, %add3A_187] : memref<256x72xf32, #tpu.memory_space<vmem>>[vector<16xi32>, vector<16xi32>], vector<16xf32>,
      %swap3A_1098 = arith.constant 33 : i32
      %swap3A_1099 = arith.index_cast %select_n3A_175 : i32 to index
      %swap3A_1100 = arith.index_cast %swap3A_1098 : i32 to index
      %swap3A_1101 = arith.constant 32 : index
      %swap3A_1102 = tpu.vector_load %arg7[%swap3A_1099, %swap3A_1100, %swap3A_1101] {strides = array<i32>} : memref<2x64x64xf32, #tpu.memory_space<vmem>>, vector<16xf32>,
      tpu.vector_store %arg7[%swap3A_1099, %swap3A_1100, %swap3A_1101], %gather3A_1097 {strides = array<i32>} : memref<2x64x64xf32, #tpu.memory_space<vmem>>, vector<16xf32>,
      %gather3A_1103 = tpu.vector_load_idx %arg6[%broadcast_in_dim3A_1084, %add3A_191] : memref<256x72xf32, #tpu.memory_space<vmem>>[vector<16xi32>, vector<16xi32>], vector<16xf32>,
      %swap3A_1104 = arith.constant 33 : i32
      %swap3A_1105 = arith.index_cast %select_n3A_175 : i32 to index
      %swap3A_1106 = arith.index_cast %swap3A_1104 : i32 to index
      %swap3A_1107 = arith.constant 48 : index
      %swap3A_1108 = tpu.vector_load %arg7[%swap3A_1105, %swap3A_1106, %swap3A_1107] {strides = array<i32>} : memref<2x64x64xf32, #tpu.memory_space<vmem>>, vector<16xf32>,
      tpu.vector_store %arg7[%swap3A_1105, %swap3A_1106, %swap3A_1107], %gather3A_1103 {strides = array<i32>} : memref<2x64x64xf32, #tpu.memory_space<vmem>>, vector<16xf32>,
      %add3A_1109 = arith.constant 34 : i32
      %add3A_1110 = arith.addi %mul3A_159, %add3A_1109 : i32
      %broadcast_in_dim3A_1111 = vector.broadcast %add3A_1110 : i32 to vector<16xi32>
      %gather3A_1112 = tpu.vector_load_idx %arg6[%broadcast_in_dim3A_1111, %add3A_179] : memref<256x72xf32, #tpu.memory_space<vmem>>[vector<16xi32>, vector<16xi32>], vector<16xf32>,
      %swap3A_1113 = arith.constant 34 : i32
      %swap3A_1114 = arith.index_cast %select_n3A_175 : i32 to index
      %swap3A_1115 = arith.index_cast %swap3A_1113 : i32 to index
      %swap3A_1116 = arith.constant 0 : index
      %swap3A_1117 = tpu.vector_load %arg7[%swap3A_1114, %swap3A_1115, %swap3A_1116] {strides = array<i32>} : memref<2x64x64xf32, #tpu.memory_space<vmem>>, vector<16xf32>,
      tpu.vector_store %arg7[%swap3A_1114, %swap3A_1115, %swap3A_1116], %gather3A_1112 {strides = array<i32>} : memref<2x64x64xf32, #tpu.memory_space<vmem>>, vector<16xf32>,
      %gather3A_1118 = tpu.vector_load_idx %arg6[%broadcast_in_dim3A_1111, %add3A_183] : memref<256x72xf32, #tpu.memory_space<vmem>>[vector<16xi32>, vector<16xi32>], vector<16xf32>,
      %swap3A_1119 = arith.constant 34 : i32
      %swap3A_1120 = arith.index_cast %select_n3A_175 : i32 to index
      %swap3A_1121 = arith.index_cast %swap3A_1119 : i32 to index
      %swap3A_1122 = arith.constant 16 : index
      %swap3A_1123 = tpu.vector_load %arg7[%swap3A_1120, %swap3A_1121, %swap3A_1122] {strides = array<i32>} : memref<2x64x64xf32, #tpu.memory_space<vmem>>, vector<16xf32>,
      tpu.vector_store %arg7[%swap3A_1120, %swap3A_1121, %swap3A_1122], %gather3A_1118 {strides = array<i32>} : memref<2x64x64xf32, #tpu.memory_space<vmem>>, vector<16xf32>,
      %gather3A_1124 = tpu.vector_load_idx %arg6[%broadcast_in_dim3A_1111, %add3A_187] : memref<256x72xf32, #tpu.memory_space<vmem>>[vector<16xi32>, vector<16xi32>], vector<16xf32>,
      %swap3A_1125 = arith.constant 34 : i32
      %swap3A_1126 = arith.index_cast %select_n3A_175 : i32 to index
      %swap3A_1127 = arith.index_cast %swap3A_1125 : i32 to index
      %swap3A_1128 = arith.constant 32 : index
      %swap3A_1129 = tpu.vector_load %arg7[%swap3A_1126, %swap3A_1127, %swap3A_1128] {strides = array<i32>} : memref<2x64x64xf32, #tpu.memory_space<vmem>>, vector<16xf32>,
      tpu.vector_store %arg7[%swap3A_1126, %swap3A_1127, %swap3A_1128], %gather3A_1124 {strides = array<i32>} : memref<2x64x64xf32, #tpu.memory_space<vmem>>, vector<16xf32>,
      %gather3A_1130 = tpu.vector_load_idx %arg6[%broadcast_in_dim3A_1111, %add3A_191] : memref<256x72xf32, #tpu.memory_space<vmem>>[vector<16xi32>, vector<16xi32>], vector<16xf32>,
      %swap3A_1131 = arith.constant 34 : i32
      %swap3A_1132 = arith.index_cast %select_n3A_175 : i32 to index
      %swap3A_1133 = arith.index_cast %swap3A_1131 : i32 to index
      %swap3A_1134 = arith.constant 48 : index
      %swap3A_1135 = tpu.vector_load %arg7[%swap3A_1132, %swap3A_1133, %swap3A_1134] {strides = array<i32>} : memref<2x64x64xf32, #tpu.memory_space<vmem>>, vector<16xf32>,
      tpu.vector_store %arg7[%swap3A_1132, %swap3A_1133, %swap3A_1134], %gather3A_1130 {strides = array<i32>} : memref<2x64x64xf32, #tpu.memory_space<vmem>>, vector<16xf32>,
      %add3A_1136 = arith.constant 35 : i32
      %add3A_1137 = arith.addi %mul3A_159, %add3A_1136 : i32
      %broadcast_in_dim3A_1138 = vector.broadcast %add3A_1137 : i32 to vector<16xi32>
      %gather3A_1139 = tpu.vector_load_idx %arg6[%broadcast_in_dim3A_1138, %add3A_179] : memref<256x72xf32, #tpu.memory_space<vmem>>[vector<16xi32>, vector<16xi32>], vector<16xf32>,
      %swap3A_1140 = arith.constant 35 : i32
      %swap3A_1141 = arith.index_cast %select_n3A_175 : i32 to index
      %swap3A_1142 = arith.index_cast %swap3A_1140 : i32 to index
      %swap3A_1143 = arith.constant 0 : index
      %swap3A_1144 = tpu.vector_load %arg7[%swap3A_1141, %swap3A_1142, %swap3A_1143] {strides = array<i32>} : memref<2x64x64xf32, #tpu.memory_space<vmem>>, vector<16xf32>,
      tpu.vector_store %arg7[%swap3A_1141, %swap3A_1142, %swap3A_1143], %gather3A_1139 {strides = array<i32>} : memref<2x64x64xf32, #tpu.memory_space<vmem>>, vector<16xf32>,
      %gather3A_1145 = tpu.vector_load_idx %arg6[%broadcast_in_dim3A_1138, %add3A_183] : memref<256x72xf32, #tpu.memory_space<vmem>>[vector<16xi32>, vector<16xi32>], vector<16xf32>,
      %swap3A_1146 = arith.constant 35 : i32
      %swap3A_1147 = arith.index_cast %select_n3A_175 : i32 to index
      %swap3A_1148 = arith.index_cast %swap3A_1146 : i32 to index
      %swap3A_1149 = arith.constant 16 : index
      %swap3A_1150 = tpu.vector_load %arg7[%swap3A_1147, %swap3A_1148, %swap3A_1149] {strides = array<i32>} : memref<2x64x64xf32, #tpu.memory_space<vmem>>, vector<16xf32>,
      tpu.vector_store %arg7[%swap3A_1147, %swap3A_1148, %swap3A_1149], %gather3A_1145 {strides = array<i32>} : memref<2x64x64xf32, #tpu.memory_space<vmem>>, vector<16xf32>,
      %gather3A_1151 = tpu.vector_load_idx %arg6[%broadcast_in_dim3A_1138, %add3A_187] : memref<256x72xf32, #tpu.memory_space<vmem>>[vector<16xi32>, vector<16xi32>], vector<16xf32>,
      %swap3A_1152 = arith.constant 35 : i32
      %swap3A_1153 = arith.index_cast %select_n3A_175 : i32 to index
      %swap3A_1154 = arith.index_cast %swap3A_1152 : i32 to index
      %swap3A_1155 = arith.constant 32 : index
      %swap3A_1156 = tpu.vector_load %arg7[%swap3A_1153, %swap3A_1154, %swap3A_1155] {strides = array<i32>} : memref<2x64x64xf32, #tpu.memory_space<vmem>>, vector<16xf32>,
      tpu.vector_store %arg7[%swap3A_1153, %swap3A_1154, %swap3A_1155], %gather3A_1151 {strides = array<i32>} : memref<2x64x64xf32, #tpu.memory_space<vmem>>, vector<16xf32>,
      %gather3A_1157 = tpu.vector_load_idx %arg6[%broadcast_in_dim3A_1138, %add3A_191] : memref<256x72xf32, #tpu.memory_space<vmem>>[vector<16xi32>, vector<16xi32>], vector<16xf32>,
      %swap3A_1158 = arith.constant 35 : i32
      %swap3A_1159 = arith.index_cast %select_n3A_175 : i32 to index
      %swap3A_1160 = arith.index_cast %swap3A_1158 : i32 to index
      %swap3A_1161 = arith.constant 48 : index
      %swap3A_1162 = tpu.vector_load %arg7[%swap3A_1159, %swap3A_1160, %swap3A_1161] {strides = array<i32>} : memref<2x64x64xf32, #tpu.memory_space<vmem>>, vector<16xf32>,
      tpu.vector_store %arg7[%swap3A_1159, %swap3A_1160, %swap3A_1161], %gather3A_1157 {strides = array<i32>} : memref<2x64x64xf32, #tpu.memory_space<vmem>>, vector<16xf32>,
      %add3A_1163 = arith.constant 36 : i32
      %add3A_1164 = arith.addi %mul3A_159, %add3A_1163 : i32
      %broadcast_in_dim3A_1165 = vector.broadcast %add3A_1164 : i32 to vector<16xi32>
      %gather3A_1166 = tpu.vector_load_idx %arg6[%broadcast_in_dim3A_1165, %add3A_179] : memref<256x72xf32, #tpu.memory_space<vmem>>[vector<16xi32>, vector<16xi32>], vector<16xf32>,
      %swap3A_1167 = arith.constant 36 : i32
      %swap3A_1168 = arith.index_cast %select_n3A_175 : i32 to index
      %swap3A_1169 = arith.index_cast %swap3A_1167 : i32 to index
      %swap3A_1170 = arith.constant 0 : index
      %swap3A_1171 = tpu.vector_load %arg7[%swap3A_1168, %swap3A_1169, %swap3A_1170] {strides = array<i32>} : memref<2x64x64xf32, #tpu.memory_space<vmem>>, vector<16xf32>,
      tpu.vector_store %arg7[%swap3A_1168, %swap3A_1169, %swap3A_1170], %gather3A_1166 {strides = array<i32>} : memref<2x64x64xf32, #tpu.memory_space<vmem>>, vector<16xf32>,
      %gather3A_1172 = tpu.vector_load_idx %arg6[%broadcast_in_dim3A_1165, %add3A_183] : memref<256x72xf32, #tpu.memory_space<vmem>>[vector<16xi32>, vector<16xi32>], vector<16xf32>,
      %swap3A_1173 = arith.constant 36 : i32
      %swap3A_1174 = arith.index_cast %select_n3A_175 : i32 to index
      %swap3A_1175 = arith.index_cast %swap3A_1173 : i32 to index
      %swap3A_1176 = arith.constant 16 : index
      %swap3A_1177 = tpu.vector_load %arg7[%swap3A_1174, %swap3A_1175, %swap3A_1176] {strides = array<i32>} : memref<2x64x64xf32, #tpu.memory_space<vmem>>, vector<16xf32>,
      tpu.vector_store %arg7[%swap3A_1174, %swap3A_1175, %swap3A_1176], %gather3A_1172 {strides = array<i32>} : memref<2x64x64xf32, #tpu.memory_space<vmem>>, vector<16xf32>,
      %gather3A_1178 = tpu.vector_load_idx %arg6[%broadcast_in_dim3A_1165, %add3A_187] : memref<256x72xf32, #tpu.memory_space<vmem>>[vector<16xi32>, vector<16xi32>], vector<16xf32>,
      %swap3A_1179 = arith.constant 36 : i32
      %swap3A_1180 = arith.index_cast %select_n3A_175 : i32 to index
      %swap3A_1181 = arith.index_cast %swap3A_1179 : i32 to index
      %swap3A_1182 = arith.constant 32 : index
      %swap3A_1183 = tpu.vector_load %arg7[%swap3A_1180, %swap3A_1181, %swap3A_1182] {strides = array<i32>} : memref<2x64x64xf32, #tpu.memory_space<vmem>>, vector<16xf32>,
      tpu.vector_store %arg7[%swap3A_1180, %swap3A_1181, %swap3A_1182], %gather3A_1178 {strides = array<i32>} : memref<2x64x64xf32, #tpu.memory_space<vmem>>, vector<16xf32>,
      %gather3A_1184 = tpu.vector_load_idx %arg6[%broadcast_in_dim3A_1165, %add3A_191] : memref<256x72xf32, #tpu.memory_space<vmem>>[vector<16xi32>, vector<16xi32>], vector<16xf32>,
      %swap3A_1185 = arith.constant 36 : i32
      %swap3A_1186 = arith.index_cast %select_n3A_175 : i32 to index
      %swap3A_1187 = arith.index_cast %swap3A_1185 : i32 to index
      %swap3A_1188 = arith.constant 48 : index
      %swap3A_1189 = tpu.vector_load %arg7[%swap3A_1186, %swap3A_1187, %swap3A_1188] {strides = array<i32>} : memref<2x64x64xf32, #tpu.memory_space<vmem>>, vector<16xf32>,
      tpu.vector_store %arg7[%swap3A_1186, %swap3A_1187, %swap3A_1188], %gather3A_1184 {strides = array<i32>} : memref<2x64x64xf32, #tpu.memory_space<vmem>>, vector<16xf32>,
      %add3A_1190 = arith.constant 37 : i32
      %add3A_1191 = arith.addi %mul3A_159, %add3A_1190 : i32
      %broadcast_in_dim3A_1192 = vector.broadcast %add3A_1191 : i32 to vector<16xi32>
      %gather3A_1193 = tpu.vector_load_idx %arg6[%broadcast_in_dim3A_1192, %add3A_179] : memref<256x72xf32, #tpu.memory_space<vmem>>[vector<16xi32>, vector<16xi32>], vector<16xf32>,
      %swap3A_1194 = arith.constant 37 : i32
      %swap3A_1195 = arith.index_cast %select_n3A_175 : i32 to index
      %swap3A_1196 = arith.index_cast %swap3A_1194 : i32 to index
      %swap3A_1197 = arith.constant 0 : index
      %swap3A_1198 = tpu.vector_load %arg7[%swap3A_1195, %swap3A_1196, %swap3A_1197] {strides = array<i32>} : memref<2x64x64xf32, #tpu.memory_space<vmem>>, vector<16xf32>,
      tpu.vector_store %arg7[%swap3A_1195, %swap3A_1196, %swap3A_1197], %gather3A_1193 {strides = array<i32>} : memref<2x64x64xf32, #tpu.memory_space<vmem>>, vector<16xf32>,
      %gather3A_1199 = tpu.vector_load_idx %arg6[%broadcast_in_dim3A_1192, %add3A_183] : memref<256x72xf32, #tpu.memory_space<vmem>>[vector<16xi32>, vector<16xi32>], vector<16xf32>,
      %swap3A_1200 = arith.constant 37 : i32
      %swap3A_1201 = arith.index_cast %select_n3A_175 : i32 to index
      %swap3A_1202 = arith.index_cast %swap3A_1200 : i32 to index
      %swap3A_1203 = arith.constant 16 : index
      %swap3A_1204 = tpu.vector_load %arg7[%swap3A_1201, %swap3A_1202, %swap3A_1203] {strides = array<i32>} : memref<2x64x64xf32, #tpu.memory_space<vmem>>, vector<16xf32>,
      tpu.vector_store %arg7[%swap3A_1201, %swap3A_1202, %swap3A_1203], %gather3A_1199 {strides = array<i32>} : memref<2x64x64xf32, #tpu.memory_space<vmem>>, vector<16xf32>,
      %gather3A_1205 = tpu.vector_load_idx %arg6[%broadcast_in_dim3A_1192, %add3A_187] : memref<256x72xf32, #tpu.memory_space<vmem>>[vector<16xi32>, vector<16xi32>], vector<16xf32>,
      %swap3A_1206 = arith.constant 37 : i32
      %swap3A_1207 = arith.index_cast %select_n3A_175 : i32 to index
      %swap3A_1208 = arith.index_cast %swap3A_1206 : i32 to index
      %swap3A_1209 = arith.constant 32 : index
      %swap3A_1210 = tpu.vector_load %arg7[%swap3A_1207, %swap3A_1208, %swap3A_1209] {strides = array<i32>} : memref<2x64x64xf32, #tpu.memory_space<vmem>>, vector<16xf32>,
      tpu.vector_store %arg7[%swap3A_1207, %swap3A_1208, %swap3A_1209], %gather3A_1205 {strides = array<i32>} : memref<2x64x64xf32, #tpu.memory_space<vmem>>, vector<16xf32>,
      %gather3A_1211 = tpu.vector_load_idx %arg6[%broadcast_in_dim3A_1192, %add3A_191] : memref<256x72xf32, #tpu.memory_space<vmem>>[vector<16xi32>, vector<16xi32>], vector<16xf32>,
      %swap3A_1212 = arith.constant 37 : i32
      %swap3A_1213 = arith.index_cast %select_n3A_175 : i32 to index
      %swap3A_1214 = arith.index_cast %swap3A_1212 : i32 to index
      %swap3A_1215 = arith.constant 48 : index
      %swap3A_1216 = tpu.vector_load %arg7[%swap3A_1213, %swap3A_1214, %swap3A_1215] {strides = array<i32>} : memref<2x64x64xf32, #tpu.memory_space<vmem>>, vector<16xf32>,
      tpu.vector_store %arg7[%swap3A_1213, %swap3A_1214, %swap3A_1215], %gather3A_1211 {strides = array<i32>} : memref<2x64x64xf32, #tpu.memory_space<vmem>>, vector<16xf32>,
      %add3A_1217 = arith.constant 38 : i32
      %add3A_1218 = arith.addi %mul3A_159, %add3A_1217 : i32
      %broadcast_in_dim3A_1219 = vector.broadcast %add3A_1218 : i32 to vector<16xi32>
      %gather3A_1220 = tpu.vector_load_idx %arg6[%broadcast_in_dim3A_1219, %add3A_179] : memref<256x72xf32, #tpu.memory_space<vmem>>[vector<16xi32>, vector<16xi32>], vector<16xf32>,
      %swap3A_1221 = arith.constant 38 : i32
      %swap3A_1222 = arith.index_cast %select_n3A_175 : i32 to index
      %swap3A_1223 = arith.index_cast %swap3A_1221 : i32 to index
      %swap3A_1224 = arith.constant 0 : index
      %swap3A_1225 = tpu.vector_load %arg7[%swap3A_1222, %swap3A_1223, %swap3A_1224] {strides = array<i32>} : memref<2x64x64xf32, #tpu.memory_space<vmem>>, vector<16xf32>,
      tpu.vector_store %arg7[%swap3A_1222, %swap3A_1223, %swap3A_1224], %gather3A_1220 {strides = array<i32>} : memref<2x64x64xf32, #tpu.memory_space<vmem>>, vector<16xf32>,
      %gather3A_1226 = tpu.vector_load_idx %arg6[%broadcast_in_dim3A_1219, %add3A_183] : memref<256x72xf32, #tpu.memory_space<vmem>>[vector<16xi32>, vector<16xi32>], vector<16xf32>,
      %swap3A_1227 = arith.constant 38 : i32
      %swap3A_1228 = arith.index_cast %select_n3A_175 : i32 to index
      %swap3A_1229 = arith.index_cast %swap3A_1227 : i32 to index
      %swap3A_1230 = arith.constant 16 : index
      %swap3A_1231 = tpu.vector_load %arg7[%swap3A_1228, %swap3A_1229, %swap3A_1230] {strides = array<i32>} : memref<2x64x64xf32, #tpu.memory_space<vmem>>, vector<16xf32>,
      tpu.vector_store %arg7[%swap3A_1228, %swap3A_1229, %swap3A_1230], %gather3A_1226 {strides = array<i32>} : memref<2x64x64xf32, #tpu.memory_space<vmem>>, vector<16xf32>,
      %gather3A_1232 = tpu.vector_load_idx %arg6[%broadcast_in_dim3A_1219, %add3A_187] : memref<256x72xf32, #tpu.memory_space<vmem>>[vector<16xi32>, vector<16xi32>], vector<16xf32>,
      %swap3A_1233 = arith.constant 38 : i32
      %swap3A_1234 = arith.index_cast %select_n3A_175 : i32 to index
      %swap3A_1235 = arith.index_cast %swap3A_1233 : i32 to index
      %swap3A_1236 = arith.constant 32 : index
      %swap3A_1237 = tpu.vector_load %arg7[%swap3A_1234, %swap3A_1235, %swap3A_1236] {strides = array<i32>} : memref<2x64x64xf32, #tpu.memory_space<vmem>>, vector<16xf32>,
      tpu.vector_store %arg7[%swap3A_1234, %swap3A_1235, %swap3A_1236], %gather3A_1232 {strides = array<i32>} : memref<2x64x64xf32, #tpu.memory_space<vmem>>, vector<16xf32>,
      %gather3A_1238 = tpu.vector_load_idx %arg6[%broadcast_in_dim3A_1219, %add3A_191] : memref<256x72xf32, #tpu.memory_space<vmem>>[vector<16xi32>, vector<16xi32>], vector<16xf32>,
      %swap3A_1239 = arith.constant 38 : i32
      %swap3A_1240 = arith.index_cast %select_n3A_175 : i32 to index
      %swap3A_1241 = arith.index_cast %swap3A_1239 : i32 to index
      %swap3A_1242 = arith.constant 48 : index
      %swap3A_1243 = tpu.vector_load %arg7[%swap3A_1240, %swap3A_1241, %swap3A_1242] {strides = array<i32>} : memref<2x64x64xf32, #tpu.memory_space<vmem>>, vector<16xf32>,
      tpu.vector_store %arg7[%swap3A_1240, %swap3A_1241, %swap3A_1242], %gather3A_1238 {strides = array<i32>} : memref<2x64x64xf32, #tpu.memory_space<vmem>>, vector<16xf32>,
      %add3A_1244 = arith.constant 39 : i32
      %add3A_1245 = arith.addi %mul3A_159, %add3A_1244 : i32
      %broadcast_in_dim3A_1246 = vector.broadcast %add3A_1245 : i32 to vector<16xi32>
      %gather3A_1247 = tpu.vector_load_idx %arg6[%broadcast_in_dim3A_1246, %add3A_179] : memref<256x72xf32, #tpu.memory_space<vmem>>[vector<16xi32>, vector<16xi32>], vector<16xf32>,
      %swap3A_1248 = arith.constant 39 : i32
      %swap3A_1249 = arith.index_cast %select_n3A_175 : i32 to index
      %swap3A_1250 = arith.index_cast %swap3A_1248 : i32 to index
      %swap3A_1251 = arith.constant 0 : index
      %swap3A_1252 = tpu.vector_load %arg7[%swap3A_1249, %swap3A_1250, %swap3A_1251] {strides = array<i32>} : memref<2x64x64xf32, #tpu.memory_space<vmem>>, vector<16xf32>,
      tpu.vector_store %arg7[%swap3A_1249, %swap3A_1250, %swap3A_1251], %gather3A_1247 {strides = array<i32>} : memref<2x64x64xf32, #tpu.memory_space<vmem>>, vector<16xf32>,
      %gather3A_1253 = tpu.vector_load_idx %arg6[%broadcast_in_dim3A_1246, %add3A_183] : memref<256x72xf32, #tpu.memory_space<vmem>>[vector<16xi32>, vector<16xi32>], vector<16xf32>,
      %swap3A_1254 = arith.constant 39 : i32
      %swap3A_1255 = arith.index_cast %select_n3A_175 : i32 to index
      %swap3A_1256 = arith.index_cast %swap3A_1254 : i32 to index
      %swap3A_1257 = arith.constant 16 : index
      %swap3A_1258 = tpu.vector_load %arg7[%swap3A_1255, %swap3A_1256, %swap3A_1257] {strides = array<i32>} : memref<2x64x64xf32, #tpu.memory_space<vmem>>, vector<16xf32>,
      tpu.vector_store %arg7[%swap3A_1255, %swap3A_1256, %swap3A_1257], %gather3A_1253 {strides = array<i32>} : memref<2x64x64xf32, #tpu.memory_space<vmem>>, vector<16xf32>,
      %gather3A_1259 = tpu.vector_load_idx %arg6[%broadcast_in_dim3A_1246, %add3A_187] : memref<256x72xf32, #tpu.memory_space<vmem>>[vector<16xi32>, vector<16xi32>], vector<16xf32>,
      %swap3A_1260 = arith.constant 39 : i32
      %swap3A_1261 = arith.index_cast %select_n3A_175 : i32 to index
      %swap3A_1262 = arith.index_cast %swap3A_1260 : i32 to index
      %swap3A_1263 = arith.constant 32 : index
      %swap3A_1264 = tpu.vector_load %arg7[%swap3A_1261, %swap3A_1262, %swap3A_1263] {strides = array<i32>} : memref<2x64x64xf32, #tpu.memory_space<vmem>>, vector<16xf32>,
      tpu.vector_store %arg7[%swap3A_1261, %swap3A_1262, %swap3A_1263], %gather3A_1259 {strides = array<i32>} : memref<2x64x64xf32, #tpu.memory_space<vmem>>, vector<16xf32>,
      %gather3A_1265 = tpu.vector_load_idx %arg6[%broadcast_in_dim3A_1246, %add3A_191] : memref<256x72xf32, #tpu.memory_space<vmem>>[vector<16xi32>, vector<16xi32>], vector<16xf32>,
      %swap3A_1266 = arith.constant 39 : i32
      %swap3A_1267 = arith.index_cast %select_n3A_175 : i32 to index
      %swap3A_1268 = arith.index_cast %swap3A_1266 : i32 to index
      %swap3A_1269 = arith.constant 48 : index
      %swap3A_1270 = tpu.vector_load %arg7[%swap3A_1267, %swap3A_1268, %swap3A_1269] {strides = array<i32>} : memref<2x64x64xf32, #tpu.memory_space<vmem>>, vector<16xf32>,
      tpu.vector_store %arg7[%swap3A_1267, %swap3A_1268, %swap3A_1269], %gather3A_1265 {strides = array<i32>} : memref<2x64x64xf32, #tpu.memory_space<vmem>>, vector<16xf32>,
      %add3A_1271 = arith.constant 40 : i32
      %add3A_1272 = arith.addi %mul3A_159, %add3A_1271 : i32
      %broadcast_in_dim3A_1273 = vector.broadcast %add3A_1272 : i32 to vector<16xi32>
      %gather3A_1274 = tpu.vector_load_idx %arg6[%broadcast_in_dim3A_1273, %add3A_179] : memref<256x72xf32, #tpu.memory_space<vmem>>[vector<16xi32>, vector<16xi32>], vector<16xf32>,
      %swap3A_1275 = arith.constant 40 : i32
      %swap3A_1276 = arith.index_cast %select_n3A_175 : i32 to index
      %swap3A_1277 = arith.index_cast %swap3A_1275 : i32 to index
      %swap3A_1278 = arith.constant 0 : index
      %swap3A_1279 = tpu.vector_load %arg7[%swap3A_1276, %swap3A_1277, %swap3A_1278] {strides = array<i32>} : memref<2x64x64xf32, #tpu.memory_space<vmem>>, vector<16xf32>,
      tpu.vector_store %arg7[%swap3A_1276, %swap3A_1277, %swap3A_1278], %gather3A_1274 {strides = array<i32>} : memref<2x64x64xf32, #tpu.memory_space<vmem>>, vector<16xf32>,
      %gather3A_1280 = tpu.vector_load_idx %arg6[%broadcast_in_dim3A_1273, %add3A_183] : memref<256x72xf32, #tpu.memory_space<vmem>>[vector<16xi32>, vector<16xi32>], vector<16xf32>,
      %swap3A_1281 = arith.constant 40 : i32
      %swap3A_1282 = arith.index_cast %select_n3A_175 : i32 to index
      %swap3A_1283 = arith.index_cast %swap3A_1281 : i32 to index
      %swap3A_1284 = arith.constant 16 : index
      %swap3A_1285 = tpu.vector_load %arg7[%swap3A_1282, %swap3A_1283, %swap3A_1284] {strides = array<i32>} : memref<2x64x64xf32, #tpu.memory_space<vmem>>, vector<16xf32>,
      tpu.vector_store %arg7[%swap3A_1282, %swap3A_1283, %swap3A_1284], %gather3A_1280 {strides = array<i32>} : memref<2x64x64xf32, #tpu.memory_space<vmem>>, vector<16xf32>,
      %gather3A_1286 = tpu.vector_load_idx %arg6[%broadcast_in_dim3A_1273, %add3A_187] : memref<256x72xf32, #tpu.memory_space<vmem>>[vector<16xi32>, vector<16xi32>], vector<16xf32>,
      %swap3A_1287 = arith.constant 40 : i32
      %swap3A_1288 = arith.index_cast %select_n3A_175 : i32 to index
      %swap3A_1289 = arith.index_cast %swap3A_1287 : i32 to index
      %swap3A_1290 = arith.constant 32 : index
      %swap3A_1291 = tpu.vector_load %arg7[%swap3A_1288, %swap3A_1289, %swap3A_1290] {strides = array<i32>} : memref<2x64x64xf32, #tpu.memory_space<vmem>>, vector<16xf32>,
      tpu.vector_store %arg7[%swap3A_1288, %swap3A_1289, %swap3A_1290], %gather3A_1286 {strides = array<i32>} : memref<2x64x64xf32, #tpu.memory_space<vmem>>, vector<16xf32>,
      %gather3A_1292 = tpu.vector_load_idx %arg6[%broadcast_in_dim3A_1273, %add3A_191] : memref<256x72xf32, #tpu.memory_space<vmem>>[vector<16xi32>, vector<16xi32>], vector<16xf32>,
      %swap3A_1293 = arith.constant 40 : i32
      %swap3A_1294 = arith.index_cast %select_n3A_175 : i32 to index
      %swap3A_1295 = arith.index_cast %swap3A_1293 : i32 to index
      %swap3A_1296 = arith.constant 48 : index
      %swap3A_1297 = tpu.vector_load %arg7[%swap3A_1294, %swap3A_1295, %swap3A_1296] {strides = array<i32>} : memref<2x64x64xf32, #tpu.memory_space<vmem>>, vector<16xf32>,
      tpu.vector_store %arg7[%swap3A_1294, %swap3A_1295, %swap3A_1296], %gather3A_1292 {strides = array<i32>} : memref<2x64x64xf32, #tpu.memory_space<vmem>>, vector<16xf32>,
      %add3A_1298 = arith.constant 41 : i32
      %add3A_1299 = arith.addi %mul3A_159, %add3A_1298 : i32
      %broadcast_in_dim3A_1300 = vector.broadcast %add3A_1299 : i32 to vector<16xi32>
      %gather3A_1301 = tpu.vector_load_idx %arg6[%broadcast_in_dim3A_1300, %add3A_179] : memref<256x72xf32, #tpu.memory_space<vmem>>[vector<16xi32>, vector<16xi32>], vector<16xf32>,
      %swap3A_1302 = arith.constant 41 : i32
      %swap3A_1303 = arith.index_cast %select_n3A_175 : i32 to index
      %swap3A_1304 = arith.index_cast %swap3A_1302 : i32 to index
      %swap3A_1305 = arith.constant 0 : index
      %swap3A_1306 = tpu.vector_load %arg7[%swap3A_1303, %swap3A_1304, %swap3A_1305] {strides = array<i32>} : memref<2x64x64xf32, #tpu.memory_space<vmem>>, vector<16xf32>,
      tpu.vector_store %arg7[%swap3A_1303, %swap3A_1304, %swap3A_1305], %gather3A_1301 {strides = array<i32>} : memref<2x64x64xf32, #tpu.memory_space<vmem>>, vector<16xf32>,
      %gather3A_1307 = tpu.vector_load_idx %arg6[%broadcast_in_dim3A_1300, %add3A_183] : memref<256x72xf32, #tpu.memory_space<vmem>>[vector<16xi32>, vector<16xi32>], vector<16xf32>,
      %swap3A_1308 = arith.constant 41 : i32
      %swap3A_1309 = arith.index_cast %select_n3A_175 : i32 to index
      %swap3A_1310 = arith.index_cast %swap3A_1308 : i32 to index
      %swap3A_1311 = arith.constant 16 : index
      %swap3A_1312 = tpu.vector_load %arg7[%swap3A_1309, %swap3A_1310, %swap3A_1311] {strides = array<i32>} : memref<2x64x64xf32, #tpu.memory_space<vmem>>, vector<16xf32>,
      tpu.vector_store %arg7[%swap3A_1309, %swap3A_1310, %swap3A_1311], %gather3A_1307 {strides = array<i32>} : memref<2x64x64xf32, #tpu.memory_space<vmem>>, vector<16xf32>,
      %gather3A_1313 = tpu.vector_load_idx %arg6[%broadcast_in_dim3A_1300, %add3A_187] : memref<256x72xf32, #tpu.memory_space<vmem>>[vector<16xi32>, vector<16xi32>], vector<16xf32>,
      %swap3A_1314 = arith.constant 41 : i32
      %swap3A_1315 = arith.index_cast %select_n3A_175 : i32 to index
      %swap3A_1316 = arith.index_cast %swap3A_1314 : i32 to index
      %swap3A_1317 = arith.constant 32 : index
      %swap3A_1318 = tpu.vector_load %arg7[%swap3A_1315, %swap3A_1316, %swap3A_1317] {strides = array<i32>} : memref<2x64x64xf32, #tpu.memory_space<vmem>>, vector<16xf32>,
      tpu.vector_store %arg7[%swap3A_1315, %swap3A_1316, %swap3A_1317], %gather3A_1313 {strides = array<i32>} : memref<2x64x64xf32, #tpu.memory_space<vmem>>, vector<16xf32>,
      %gather3A_1319 = tpu.vector_load_idx %arg6[%broadcast_in_dim3A_1300, %add3A_191] : memref<256x72xf32, #tpu.memory_space<vmem>>[vector<16xi32>, vector<16xi32>], vector<16xf32>,
      %swap3A_1320 = arith.constant 41 : i32
      %swap3A_1321 = arith.index_cast %select_n3A_175 : i32 to index
      %swap3A_1322 = arith.index_cast %swap3A_1320 : i32 to index
      %swap3A_1323 = arith.constant 48 : index
      %swap3A_1324 = tpu.vector_load %arg7[%swap3A_1321, %swap3A_1322, %swap3A_1323] {strides = array<i32>} : memref<2x64x64xf32, #tpu.memory_space<vmem>>, vector<16xf32>,
      tpu.vector_store %arg7[%swap3A_1321, %swap3A_1322, %swap3A_1323], %gather3A_1319 {strides = array<i32>} : memref<2x64x64xf32, #tpu.memory_space<vmem>>, vector<16xf32>,
      %add3A_1325 = arith.constant 42 : i32
      %add3A_1326 = arith.addi %mul3A_159, %add3A_1325 : i32
      %broadcast_in_dim3A_1327 = vector.broadcast %add3A_1326 : i32 to vector<16xi32>
      %gather3A_1328 = tpu.vector_load_idx %arg6[%broadcast_in_dim3A_1327, %add3A_179] : memref<256x72xf32, #tpu.memory_space<vmem>>[vector<16xi32>, vector<16xi32>], vector<16xf32>,
      %swap3A_1329 = arith.constant 42 : i32
      %swap3A_1330 = arith.index_cast %select_n3A_175 : i32 to index
      %swap3A_1331 = arith.index_cast %swap3A_1329 : i32 to index
      %swap3A_1332 = arith.constant 0 : index
      %swap3A_1333 = tpu.vector_load %arg7[%swap3A_1330, %swap3A_1331, %swap3A_1332] {strides = array<i32>} : memref<2x64x64xf32, #tpu.memory_space<vmem>>, vector<16xf32>,
      tpu.vector_store %arg7[%swap3A_1330, %swap3A_1331, %swap3A_1332], %gather3A_1328 {strides = array<i32>} : memref<2x64x64xf32, #tpu.memory_space<vmem>>, vector<16xf32>,
      %gather3A_1334 = tpu.vector_load_idx %arg6[%broadcast_in_dim3A_1327, %add3A_183] : memref<256x72xf32, #tpu.memory_space<vmem>>[vector<16xi32>, vector<16xi32>], vector<16xf32>,
      %swap3A_1335 = arith.constant 42 : i32
      %swap3A_1336 = arith.index_cast %select_n3A_175 : i32 to index
      %swap3A_1337 = arith.index_cast %swap3A_1335 : i32 to index
      %swap3A_1338 = arith.constant 16 : index
      %swap3A_1339 = tpu.vector_load %arg7[%swap3A_1336, %swap3A_1337, %swap3A_1338] {strides = array<i32>} : memref<2x64x64xf32, #tpu.memory_space<vmem>>, vector<16xf32>,
      tpu.vector_store %arg7[%swap3A_1336, %swap3A_1337, %swap3A_1338], %gather3A_1334 {strides = array<i32>} : memref<2x64x64xf32, #tpu.memory_space<vmem>>, vector<16xf32>,
      %gather3A_1340 = tpu.vector_load_idx %arg6[%broadcast_in_dim3A_1327, %add3A_187] : memref<256x72xf32, #tpu.memory_space<vmem>>[vector<16xi32>, vector<16xi32>], vector<16xf32>,
      %swap3A_1341 = arith.constant 42 : i32
      %swap3A_1342 = arith.index_cast %select_n3A_175 : i32 to index
      %swap3A_1343 = arith.index_cast %swap3A_1341 : i32 to index
      %swap3A_1344 = arith.constant 32 : index
      %swap3A_1345 = tpu.vector_load %arg7[%swap3A_1342, %swap3A_1343, %swap3A_1344] {strides = array<i32>} : memref<2x64x64xf32, #tpu.memory_space<vmem>>, vector<16xf32>,
      tpu.vector_store %arg7[%swap3A_1342, %swap3A_1343, %swap3A_1344], %gather3A_1340 {strides = array<i32>} : memref<2x64x64xf32, #tpu.memory_space<vmem>>, vector<16xf32>,
      %gather3A_1346 = tpu.vector_load_idx %arg6[%broadcast_in_dim3A_1327, %add3A_191] : memref<256x72xf32, #tpu.memory_space<vmem>>[vector<16xi32>, vector<16xi32>], vector<16xf32>,
      %swap3A_1347 = arith.constant 42 : i32
      %swap3A_1348 = arith.index_cast %select_n3A_175 : i32 to index
      %swap3A_1349 = arith.index_cast %swap3A_1347 : i32 to index
      %swap3A_1350 = arith.constant 48 : index
      %swap3A_1351 = tpu.vector_load %arg7[%swap3A_1348, %swap3A_1349, %swap3A_1350] {strides = array<i32>} : memref<2x64x64xf32, #tpu.memory_space<vmem>>, vector<16xf32>,
      tpu.vector_store %arg7[%swap3A_1348, %swap3A_1349, %swap3A_1350], %gather3A_1346 {strides = array<i32>} : memref<2x64x64xf32, #tpu.memory_space<vmem>>, vector<16xf32>,
      %add3A_1352 = arith.constant 43 : i32
      %add3A_1353 = arith.addi %mul3A_159, %add3A_1352 : i32
      %broadcast_in_dim3A_1354 = vector.broadcast %add3A_1353 : i32 to vector<16xi32>
      %gather3A_1355 = tpu.vector_load_idx %arg6[%broadcast_in_dim3A_1354, %add3A_179] : memref<256x72xf32, #tpu.memory_space<vmem>>[vector<16xi32>, vector<16xi32>], vector<16xf32>,
      %swap3A_1356 = arith.constant 43 : i32
      %swap3A_1357 = arith.index_cast %select_n3A_175 : i32 to index
      %swap3A_1358 = arith.index_cast %swap3A_1356 : i32 to index
      %swap3A_1359 = arith.constant 0 : index
      %swap3A_1360 = tpu.vector_load %arg7[%swap3A_1357, %swap3A_1358, %swap3A_1359] {strides = array<i32>} : memref<2x64x64xf32, #tpu.memory_space<vmem>>, vector<16xf32>,
      tpu.vector_store %arg7[%swap3A_1357, %swap3A_1358, %swap3A_1359], %gather3A_1355 {strides = array<i32>} : memref<2x64x64xf32, #tpu.memory_space<vmem>>, vector<16xf32>,
      %gather3A_1361 = tpu.vector_load_idx %arg6[%broadcast_in_dim3A_1354, %add3A_183] : memref<256x72xf32, #tpu.memory_space<vmem>>[vector<16xi32>, vector<16xi32>], vector<16xf32>,
      %swap3A_1362 = arith.constant 43 : i32
      %swap3A_1363 = arith.index_cast %select_n3A_175 : i32 to index
      %swap3A_1364 = arith.index_cast %swap3A_1362 : i32 to index
      %swap3A_1365 = arith.constant 16 : index
      %swap3A_1366 = tpu.vector_load %arg7[%swap3A_1363, %swap3A_1364, %swap3A_1365] {strides = array<i32>} : memref<2x64x64xf32, #tpu.memory_space<vmem>>, vector<16xf32>,
      tpu.vector_store %arg7[%swap3A_1363, %swap3A_1364, %swap3A_1365], %gather3A_1361 {strides = array<i32>} : memref<2x64x64xf32, #tpu.memory_space<vmem>>, vector<16xf32>,
      %gather3A_1367 = tpu.vector_load_idx %arg6[%broadcast_in_dim3A_1354, %add3A_187] : memref<256x72xf32, #tpu.memory_space<vmem>>[vector<16xi32>, vector<16xi32>], vector<16xf32>,
      %swap3A_1368 = arith.constant 43 : i32
      %swap3A_1369 = arith.index_cast %select_n3A_175 : i32 to index
      %swap3A_1370 = arith.index_cast %swap3A_1368 : i32 to index
      %swap3A_1371 = arith.constant 32 : index
      %swap3A_1372 = tpu.vector_load %arg7[%swap3A_1369, %swap3A_1370, %swap3A_1371] {strides = array<i32>} : memref<2x64x64xf32, #tpu.memory_space<vmem>>, vector<16xf32>,
      tpu.vector_store %arg7[%swap3A_1369, %swap3A_1370, %swap3A_1371], %gather3A_1367 {strides = array<i32>} : memref<2x64x64xf32, #tpu.memory_space<vmem>>, vector<16xf32>,
      %gather3A_1373 = tpu.vector_load_idx %arg6[%broadcast_in_dim3A_1354, %add3A_191] : memref<256x72xf32, #tpu.memory_space<vmem>>[vector<16xi32>, vector<16xi32>], vector<16xf32>,
      %swap3A_1374 = arith.constant 43 : i32
      %swap3A_1375 = arith.index_cast %select_n3A_175 : i32 to index
      %swap3A_1376 = arith.index_cast %swap3A_1374 : i32 to index
      %swap3A_1377 = arith.constant 48 : index
      %swap3A_1378 = tpu.vector_load %arg7[%swap3A_1375, %swap3A_1376, %swap3A_1377] {strides = array<i32>} : memref<2x64x64xf32, #tpu.memory_space<vmem>>, vector<16xf32>,
      tpu.vector_store %arg7[%swap3A_1375, %swap3A_1376, %swap3A_1377], %gather3A_1373 {strides = array<i32>} : memref<2x64x64xf32, #tpu.memory_space<vmem>>, vector<16xf32>,
      %add3A_1379 = arith.constant 44 : i32
      %add3A_1380 = arith.addi %mul3A_159, %add3A_1379 : i32
      %broadcast_in_dim3A_1381 = vector.broadcast %add3A_1380 : i32 to vector<16xi32>
      %gather3A_1382 = tpu.vector_load_idx %arg6[%broadcast_in_dim3A_1381, %add3A_179] : memref<256x72xf32, #tpu.memory_space<vmem>>[vector<16xi32>, vector<16xi32>], vector<16xf32>,
      %swap3A_1383 = arith.constant 44 : i32
      %swap3A_1384 = arith.index_cast %select_n3A_175 : i32 to index
      %swap3A_1385 = arith.index_cast %swap3A_1383 : i32 to index
      %swap3A_1386 = arith.constant 0 : index
      %swap3A_1387 = tpu.vector_load %arg7[%swap3A_1384, %swap3A_1385, %swap3A_1386] {strides = array<i32>} : memref<2x64x64xf32, #tpu.memory_space<vmem>>, vector<16xf32>,
      tpu.vector_store %arg7[%swap3A_1384, %swap3A_1385, %swap3A_1386], %gather3A_1382 {strides = array<i32>} : memref<2x64x64xf32, #tpu.memory_space<vmem>>, vector<16xf32>,
      %gather3A_1388 = tpu.vector_load_idx %arg6[%broadcast_in_dim3A_1381, %add3A_183] : memref<256x72xf32, #tpu.memory_space<vmem>>[vector<16xi32>, vector<16xi32>], vector<16xf32>,
      %swap3A_1389 = arith.constant 44 : i32
      %swap3A_1390 = arith.index_cast %select_n3A_175 : i32 to index
      %swap3A_1391 = arith.index_cast %swap3A_1389 : i32 to index
      %swap3A_1392 = arith.constant 16 : index
      %swap3A_1393 = tpu.vector_load %arg7[%swap3A_1390, %swap3A_1391, %swap3A_1392] {strides = array<i32>} : memref<2x64x64xf32, #tpu.memory_space<vmem>>, vector<16xf32>,
      tpu.vector_store %arg7[%swap3A_1390, %swap3A_1391, %swap3A_1392], %gather3A_1388 {strides = array<i32>} : memref<2x64x64xf32, #tpu.memory_space<vmem>>, vector<16xf32>,
      %gather3A_1394 = tpu.vector_load_idx %arg6[%broadcast_in_dim3A_1381, %add3A_187] : memref<256x72xf32, #tpu.memory_space<vmem>>[vector<16xi32>, vector<16xi32>], vector<16xf32>,
      %swap3A_1395 = arith.constant 44 : i32
      %swap3A_1396 = arith.index_cast %select_n3A_175 : i32 to index
      %swap3A_1397 = arith.index_cast %swap3A_1395 : i32 to index
      %swap3A_1398 = arith.constant 32 : index
      %swap3A_1399 = tpu.vector_load %arg7[%swap3A_1396, %swap3A_1397, %swap3A_1398] {strides = array<i32>} : memref<2x64x64xf32, #tpu.memory_space<vmem>>, vector<16xf32>,
      tpu.vector_store %arg7[%swap3A_1396, %swap3A_1397, %swap3A_1398], %gather3A_1394 {strides = array<i32>} : memref<2x64x64xf32, #tpu.memory_space<vmem>>, vector<16xf32>,
      %gather3A_1400 = tpu.vector_load_idx %arg6[%broadcast_in_dim3A_1381, %add3A_191] : memref<256x72xf32, #tpu.memory_space<vmem>>[vector<16xi32>, vector<16xi32>], vector<16xf32>,
      %swap3A_1401 = arith.constant 44 : i32
      %swap3A_1402 = arith.index_cast %select_n3A_175 : i32 to index
      %swap3A_1403 = arith.index_cast %swap3A_1401 : i32 to index
      %swap3A_1404 = arith.constant 48 : index
      %swap3A_1405 = tpu.vector_load %arg7[%swap3A_1402, %swap3A_1403, %swap3A_1404] {strides = array<i32>} : memref<2x64x64xf32, #tpu.memory_space<vmem>>, vector<16xf32>,
      tpu.vector_store %arg7[%swap3A_1402, %swap3A_1403, %swap3A_1404], %gather3A_1400 {strides = array<i32>} : memref<2x64x64xf32, #tpu.memory_space<vmem>>, vector<16xf32>,
      %add3A_1406 = arith.constant 45 : i32
      %add3A_1407 = arith.addi %mul3A_159, %add3A_1406 : i32
      %broadcast_in_dim3A_1408 = vector.broadcast %add3A_1407 : i32 to vector<16xi32>
      %gather3A_1409 = tpu.vector_load_idx %arg6[%broadcast_in_dim3A_1408, %add3A_179] : memref<256x72xf32, #tpu.memory_space<vmem>>[vector<16xi32>, vector<16xi32>], vector<16xf32>,
      %swap3A_1410 = arith.constant 45 : i32
      %swap3A_1411 = arith.index_cast %select_n3A_175 : i32 to index
      %swap3A_1412 = arith.index_cast %swap3A_1410 : i32 to index
      %swap3A_1413 = arith.constant 0 : index
      %swap3A_1414 = tpu.vector_load %arg7[%swap3A_1411, %swap3A_1412, %swap3A_1413] {strides = array<i32>} : memref<2x64x64xf32, #tpu.memory_space<vmem>>, vector<16xf32>,
      tpu.vector_store %arg7[%swap3A_1411, %swap3A_1412, %swap3A_1413], %gather3A_1409 {strides = array<i32>} : memref<2x64x64xf32, #tpu.memory_space<vmem>>, vector<16xf32>,
      %gather3A_1415 = tpu.vector_load_idx %arg6[%broadcast_in_dim3A_1408, %add3A_183] : memref<256x72xf32, #tpu.memory_space<vmem>>[vector<16xi32>, vector<16xi32>], vector<16xf32>,
      %swap3A_1416 = arith.constant 45 : i32
      %swap3A_1417 = arith.index_cast %select_n3A_175 : i32 to index
      %swap3A_1418 = arith.index_cast %swap3A_1416 : i32 to index
      %swap3A_1419 = arith.constant 16 : index
      %swap3A_1420 = tpu.vector_load %arg7[%swap3A_1417, %swap3A_1418, %swap3A_1419] {strides = array<i32>} : memref<2x64x64xf32, #tpu.memory_space<vmem>>, vector<16xf32>,
      tpu.vector_store %arg7[%swap3A_1417, %swap3A_1418, %swap3A_1419], %gather3A_1415 {strides = array<i32>} : memref<2x64x64xf32, #tpu.memory_space<vmem>>, vector<16xf32>,
      %gather3A_1421 = tpu.vector_load_idx %arg6[%broadcast_in_dim3A_1408, %add3A_187] : memref<256x72xf32, #tpu.memory_space<vmem>>[vector<16xi32>, vector<16xi32>], vector<16xf32>,
      %swap3A_1422 = arith.constant 45 : i32
      %swap3A_1423 = arith.index_cast %select_n3A_175 : i32 to index
      %swap3A_1424 = arith.index_cast %swap3A_1422 : i32 to index
      %swap3A_1425 = arith.constant 32 : index
      %swap3A_1426 = tpu.vector_load %arg7[%swap3A_1423, %swap3A_1424, %swap3A_1425] {strides = array<i32>} : memref<2x64x64xf32, #tpu.memory_space<vmem>>, vector<16xf32>,
      tpu.vector_store %arg7[%swap3A_1423, %swap3A_1424, %swap3A_1425], %gather3A_1421 {strides = array<i32>} : memref<2x64x64xf32, #tpu.memory_space<vmem>>, vector<16xf32>,
      %gather3A_1427 = tpu.vector_load_idx %arg6[%broadcast_in_dim3A_1408, %add3A_191] : memref<256x72xf32, #tpu.memory_space<vmem>>[vector<16xi32>, vector<16xi32>], vector<16xf32>,
      %swap3A_1428 = arith.constant 45 : i32
      %swap3A_1429 = arith.index_cast %select_n3A_175 : i32 to index
      %swap3A_1430 = arith.index_cast %swap3A_1428 : i32 to index
      %swap3A_1431 = arith.constant 48 : index
      %swap3A_1432 = tpu.vector_load %arg7[%swap3A_1429, %swap3A_1430, %swap3A_1431] {strides = array<i32>} : memref<2x64x64xf32, #tpu.memory_space<vmem>>, vector<16xf32>,
      tpu.vector_store %arg7[%swap3A_1429, %swap3A_1430, %swap3A_1431], %gather3A_1427 {strides = array<i32>} : memref<2x64x64xf32, #tpu.memory_space<vmem>>, vector<16xf32>,
      %add3A_1433 = arith.constant 46 : i32
      %add3A_1434 = arith.addi %mul3A_159, %add3A_1433 : i32
      %broadcast_in_dim3A_1435 = vector.broadcast %add3A_1434 : i32 to vector<16xi32>
      %gather3A_1436 = tpu.vector_load_idx %arg6[%broadcast_in_dim3A_1435, %add3A_179] : memref<256x72xf32, #tpu.memory_space<vmem>>[vector<16xi32>, vector<16xi32>], vector<16xf32>,
      %swap3A_1437 = arith.constant 46 : i32
      %swap3A_1438 = arith.index_cast %select_n3A_175 : i32 to index
      %swap3A_1439 = arith.index_cast %swap3A_1437 : i32 to index
      %swap3A_1440 = arith.constant 0 : index
      %swap3A_1441 = tpu.vector_load %arg7[%swap3A_1438, %swap3A_1439, %swap3A_1440] {strides = array<i32>} : memref<2x64x64xf32, #tpu.memory_space<vmem>>, vector<16xf32>,
      tpu.vector_store %arg7[%swap3A_1438, %swap3A_1439, %swap3A_1440], %gather3A_1436 {strides = array<i32>} : memref<2x64x64xf32, #tpu.memory_space<vmem>>, vector<16xf32>,
      %gather3A_1442 = tpu.vector_load_idx %arg6[%broadcast_in_dim3A_1435, %add3A_183] : memref<256x72xf32, #tpu.memory_space<vmem>>[vector<16xi32>, vector<16xi32>], vector<16xf32>,
      %swap3A_1443 = arith.constant 46 : i32
      %swap3A_1444 = arith.index_cast %select_n3A_175 : i32 to index
      %swap3A_1445 = arith.index_cast %swap3A_1443 : i32 to index
      %swap3A_1446 = arith.constant 16 : index
      %swap3A_1447 = tpu.vector_load %arg7[%swap3A_1444, %swap3A_1445, %swap3A_1446] {strides = array<i32>} : memref<2x64x64xf32, #tpu.memory_space<vmem>>, vector<16xf32>,
      tpu.vector_store %arg7[%swap3A_1444, %swap3A_1445, %swap3A_1446], %gather3A_1442 {strides = array<i32>} : memref<2x64x64xf32, #tpu.memory_space<vmem>>, vector<16xf32>,
      %gather3A_1448 = tpu.vector_load_idx %arg6[%broadcast_in_dim3A_1435, %add3A_187] : memref<256x72xf32, #tpu.memory_space<vmem>>[vector<16xi32>, vector<16xi32>], vector<16xf32>,
      %swap3A_1449 = arith.constant 46 : i32
      %swap3A_1450 = arith.index_cast %select_n3A_175 : i32 to index
      %swap3A_1451 = arith.index_cast %swap3A_1449 : i32 to index
      %swap3A_1452 = arith.constant 32 : index
      %swap3A_1453 = tpu.vector_load %arg7[%swap3A_1450, %swap3A_1451, %swap3A_1452] {strides = array<i32>} : memref<2x64x64xf32, #tpu.memory_space<vmem>>, vector<16xf32>,
      tpu.vector_store %arg7[%swap3A_1450, %swap3A_1451, %swap3A_1452], %gather3A_1448 {strides = array<i32>} : memref<2x64x64xf32, #tpu.memory_space<vmem>>, vector<16xf32>,
      %gather3A_1454 = tpu.vector_load_idx %arg6[%broadcast_in_dim3A_1435, %add3A_191] : memref<256x72xf32, #tpu.memory_space<vmem>>[vector<16xi32>, vector<16xi32>], vector<16xf32>,
      %swap3A_1455 = arith.constant 46 : i32
      %swap3A_1456 = arith.index_cast %select_n3A_175 : i32 to index
      %swap3A_1457 = arith.index_cast %swap3A_1455 : i32 to index
      %swap3A_1458 = arith.constant 48 : index
      %swap3A_1459 = tpu.vector_load %arg7[%swap3A_1456, %swap3A_1457, %swap3A_1458] {strides = array<i32>} : memref<2x64x64xf32, #tpu.memory_space<vmem>>, vector<16xf32>,
      tpu.vector_store %arg7[%swap3A_1456, %swap3A_1457, %swap3A_1458], %gather3A_1454 {strides = array<i32>} : memref<2x64x64xf32, #tpu.memory_space<vmem>>, vector<16xf32>,
      %add3A_1460 = arith.constant 47 : i32
      %add3A_1461 = arith.addi %mul3A_159, %add3A_1460 : i32
      %broadcast_in_dim3A_1462 = vector.broadcast %add3A_1461 : i32 to vector<16xi32>
      %gather3A_1463 = tpu.vector_load_idx %arg6[%broadcast_in_dim3A_1462, %add3A_179] : memref<256x72xf32, #tpu.memory_space<vmem>>[vector<16xi32>, vector<16xi32>], vector<16xf32>,
      %swap3A_1464 = arith.constant 47 : i32
      %swap3A_1465 = arith.index_cast %select_n3A_175 : i32 to index
      %swap3A_1466 = arith.index_cast %swap3A_1464 : i32 to index
      %swap3A_1467 = arith.constant 0 : index
      %swap3A_1468 = tpu.vector_load %arg7[%swap3A_1465, %swap3A_1466, %swap3A_1467] {strides = array<i32>} : memref<2x64x64xf32, #tpu.memory_space<vmem>>, vector<16xf32>,
      tpu.vector_store %arg7[%swap3A_1465, %swap3A_1466, %swap3A_1467], %gather3A_1463 {strides = array<i32>} : memref<2x64x64xf32, #tpu.memory_space<vmem>>, vector<16xf32>,
      %gather3A_1469 = tpu.vector_load_idx %arg6[%broadcast_in_dim3A_1462, %add3A_183] : memref<256x72xf32, #tpu.memory_space<vmem>>[vector<16xi32>, vector<16xi32>], vector<16xf32>,
      %swap3A_1470 = arith.constant 47 : i32
      %swap3A_1471 = arith.index_cast %select_n3A_175 : i32 to index
      %swap3A_1472 = arith.index_cast %swap3A_1470 : i32 to index
      %swap3A_1473 = arith.constant 16 : index
      %swap3A_1474 = tpu.vector_load %arg7[%swap3A_1471, %swap3A_1472, %swap3A_1473] {strides = array<i32>} : memref<2x64x64xf32, #tpu.memory_space<vmem>>, vector<16xf32>,
      tpu.vector_store %arg7[%swap3A_1471, %swap3A_1472, %swap3A_1473], %gather3A_1469 {strides = array<i32>} : memref<2x64x64xf32, #tpu.memory_space<vmem>>, vector<16xf32>,
      %gather3A_1475 = tpu.vector_load_idx %arg6[%broadcast_in_dim3A_1462, %add3A_187] : memref<256x72xf32, #tpu.memory_space<vmem>>[vector<16xi32>, vector<16xi32>], vector<16xf32>,
      %swap3A_1476 = arith.constant 47 : i32
      %swap3A_1477 = arith.index_cast %select_n3A_175 : i32 to index
      %swap3A_1478 = arith.index_cast %swap3A_1476 : i32 to index
      %swap3A_1479 = arith.constant 32 : index
      %swap3A_1480 = tpu.vector_load %arg7[%swap3A_1477, %swap3A_1478, %swap3A_1479] {strides = array<i32>} : memref<2x64x64xf32, #tpu.memory_space<vmem>>, vector<16xf32>,
      tpu.vector_store %arg7[%swap3A_1477, %swap3A_1478, %swap3A_1479], %gather3A_1475 {strides = array<i32>} : memref<2x64x64xf32, #tpu.memory_space<vmem>>, vector<16xf32>,
      %gather3A_1481 = tpu.vector_load_idx %arg6[%broadcast_in_dim3A_1462, %add3A_191] : memref<256x72xf32, #tpu.memory_space<vmem>>[vector<16xi32>, vector<16xi32>], vector<16xf32>,
      %swap3A_1482 = arith.constant 47 : i32
      %swap3A_1483 = arith.index_cast %select_n3A_175 : i32 to index
      %swap3A_1484 = arith.index_cast %swap3A_1482 : i32 to index
      %swap3A_1485 = arith.constant 48 : index
      %swap3A_1486 = tpu.vector_load %arg7[%swap3A_1483, %swap3A_1484, %swap3A_1485] {strides = array<i32>} : memref<2x64x64xf32, #tpu.memory_space<vmem>>, vector<16xf32>,
      tpu.vector_store %arg7[%swap3A_1483, %swap3A_1484, %swap3A_1485], %gather3A_1481 {strides = array<i32>} : memref<2x64x64xf32, #tpu.memory_space<vmem>>, vector<16xf32>,
      %add3A_1487 = arith.constant 48 : i32
      %add3A_1488 = arith.addi %mul3A_159, %add3A_1487 : i32
      %broadcast_in_dim3A_1489 = vector.broadcast %add3A_1488 : i32 to vector<16xi32>
      %gather3A_1490 = tpu.vector_load_idx %arg6[%broadcast_in_dim3A_1489, %add3A_179] : memref<256x72xf32, #tpu.memory_space<vmem>>[vector<16xi32>, vector<16xi32>], vector<16xf32>,
      %swap3A_1491 = arith.constant 48 : i32
      %swap3A_1492 = arith.index_cast %select_n3A_175 : i32 to index
      %swap3A_1493 = arith.index_cast %swap3A_1491 : i32 to index
      %swap3A_1494 = arith.constant 0 : index
      %swap3A_1495 = tpu.vector_load %arg7[%swap3A_1492, %swap3A_1493, %swap3A_1494] {strides = array<i32>} : memref<2x64x64xf32, #tpu.memory_space<vmem>>, vector<16xf32>,
      tpu.vector_store %arg7[%swap3A_1492, %swap3A_1493, %swap3A_1494], %gather3A_1490 {strides = array<i32>} : memref<2x64x64xf32, #tpu.memory_space<vmem>>, vector<16xf32>,
      %gather3A_1496 = tpu.vector_load_idx %arg6[%broadcast_in_dim3A_1489, %add3A_183] : memref<256x72xf32, #tpu.memory_space<vmem>>[vector<16xi32>, vector<16xi32>], vector<16xf32>,
      %swap3A_1497 = arith.constant 48 : i32
      %swap3A_1498 = arith.index_cast %select_n3A_175 : i32 to index
      %swap3A_1499 = arith.index_cast %swap3A_1497 : i32 to index
      %swap3A_1500 = arith.constant 16 : index
      %swap3A_1501 = tpu.vector_load %arg7[%swap3A_1498, %swap3A_1499, %swap3A_1500] {strides = array<i32>} : memref<2x64x64xf32, #tpu.memory_space<vmem>>, vector<16xf32>,
      tpu.vector_store %arg7[%swap3A_1498, %swap3A_1499, %swap3A_1500], %gather3A_1496 {strides = array<i32>} : memref<2x64x64xf32, #tpu.memory_space<vmem>>, vector<16xf32>,
      %gather3A_1502 = tpu.vector_load_idx %arg6[%broadcast_in_dim3A_1489, %add3A_187] : memref<256x72xf32, #tpu.memory_space<vmem>>[vector<16xi32>, vector<16xi32>], vector<16xf32>,
      %swap3A_1503 = arith.constant 48 : i32
      %swap3A_1504 = arith.index_cast %select_n3A_175 : i32 to index
      %swap3A_1505 = arith.index_cast %swap3A_1503 : i32 to index
      %swap3A_1506 = arith.constant 32 : index
      %swap3A_1507 = tpu.vector_load %arg7[%swap3A_1504, %swap3A_1505, %swap3A_1506] {strides = array<i32>} : memref<2x64x64xf32, #tpu.memory_space<vmem>>, vector<16xf32>,
      tpu.vector_store %arg7[%swap3A_1504, %swap3A_1505, %swap3A_1506], %gather3A_1502 {strides = array<i32>} : memref<2x64x64xf32, #tpu.memory_space<vmem>>, vector<16xf32>,
      %gather3A_1508 = tpu.vector_load_idx %arg6[%broadcast_in_dim3A_1489, %add3A_191] : memref<256x72xf32, #tpu.memory_space<vmem>>[vector<16xi32>, vector<16xi32>], vector<16xf32>,
      %swap3A_1509 = arith.constant 48 : i32
      %swap3A_1510 = arith.index_cast %select_n3A_175 : i32 to index
      %swap3A_1511 = arith.index_cast %swap3A_1509 : i32 to index
      %swap3A_1512 = arith.constant 48 : index
      %swap3A_1513 = tpu.vector_load %arg7[%swap3A_1510, %swap3A_1511, %swap3A_1512] {strides = array<i32>} : memref<2x64x64xf32, #tpu.memory_space<vmem>>, vector<16xf32>,
      tpu.vector_store %arg7[%swap3A_1510, %swap3A_1511, %swap3A_1512], %gather3A_1508 {strides = array<i32>} : memref<2x64x64xf32, #tpu.memory_space<vmem>>, vector<16xf32>,
      %add3A_1514 = arith.constant 49 : i32
      %add3A_1515 = arith.addi %mul3A_159, %add3A_1514 : i32
      %broadcast_in_dim3A_1516 = vector.broadcast %add3A_1515 : i32 to vector<16xi32>
      %gather3A_1517 = tpu.vector_load_idx %arg6[%broadcast_in_dim3A_1516, %add3A_179] : memref<256x72xf32, #tpu.memory_space<vmem>>[vector<16xi32>, vector<16xi32>], vector<16xf32>,
      %swap3A_1518 = arith.constant 49 : i32
      %swap3A_1519 = arith.index_cast %select_n3A_175 : i32 to index
      %swap3A_1520 = arith.index_cast %swap3A_1518 : i32 to index
      %swap3A_1521 = arith.constant 0 : index
      %swap3A_1522 = tpu.vector_load %arg7[%swap3A_1519, %swap3A_1520, %swap3A_1521] {strides = array<i32>} : memref<2x64x64xf32, #tpu.memory_space<vmem>>, vector<16xf32>,
      tpu.vector_store %arg7[%swap3A_1519, %swap3A_1520, %swap3A_1521], %gather3A_1517 {strides = array<i32>} : memref<2x64x64xf32, #tpu.memory_space<vmem>>, vector<16xf32>,
      %gather3A_1523 = tpu.vector_load_idx %arg6[%broadcast_in_dim3A_1516, %add3A_183] : memref<256x72xf32, #tpu.memory_space<vmem>>[vector<16xi32>, vector<16xi32>], vector<16xf32>,
      %swap3A_1524 = arith.constant 49 : i32
      %swap3A_1525 = arith.index_cast %select_n3A_175 : i32 to index
      %swap3A_1526 = arith.index_cast %swap3A_1524 : i32 to index
      %swap3A_1527 = arith.constant 16 : index
      %swap3A_1528 = tpu.vector_load %arg7[%swap3A_1525, %swap3A_1526, %swap3A_1527] {strides = array<i32>} : memref<2x64x64xf32, #tpu.memory_space<vmem>>, vector<16xf32>,
      tpu.vector_store %arg7[%swap3A_1525, %swap3A_1526, %swap3A_1527], %gather3A_1523 {strides = array<i32>} : memref<2x64x64xf32, #tpu.memory_space<vmem>>, vector<16xf32>,
      %gather3A_1529 = tpu.vector_load_idx %arg6[%broadcast_in_dim3A_1516, %add3A_187] : memref<256x72xf32, #tpu.memory_space<vmem>>[vector<16xi32>, vector<16xi32>], vector<16xf32>,
      %swap3A_1530 = arith.constant 49 : i32
      %swap3A_1531 = arith.index_cast %select_n3A_175 : i32 to index
      %swap3A_1532 = arith.index_cast %swap3A_1530 : i32 to index
      %swap3A_1533 = arith.constant 32 : index
      %swap3A_1534 = tpu.vector_load %arg7[%swap3A_1531, %swap3A_1532, %swap3A_1533] {strides = array<i32>} : memref<2x64x64xf32, #tpu.memory_space<vmem>>, vector<16xf32>,
      tpu.vector_store %arg7[%swap3A_1531, %swap3A_1532, %swap3A_1533], %gather3A_1529 {strides = array<i32>} : memref<2x64x64xf32, #tpu.memory_space<vmem>>, vector<16xf32>,
      %gather3A_1535 = tpu.vector_load_idx %arg6[%broadcast_in_dim3A_1516, %add3A_191] : memref<256x72xf32, #tpu.memory_space<vmem>>[vector<16xi32>, vector<16xi32>], vector<16xf32>,
      %swap3A_1536 = arith.constant 49 : i32
      %swap3A_1537 = arith.index_cast %select_n3A_175 : i32 to index
      %swap3A_1538 = arith.index_cast %swap3A_1536 : i32 to index
      %swap3A_1539 = arith.constant 48 : index
      %swap3A_1540 = tpu.vector_load %arg7[%swap3A_1537, %swap3A_1538, %swap3A_1539] {strides = array<i32>} : memref<2x64x64xf32, #tpu.memory_space<vmem>>, vector<16xf32>,
      tpu.vector_store %arg7[%swap3A_1537, %swap3A_1538, %swap3A_1539], %gather3A_1535 {strides = array<i32>} : memref<2x64x64xf32, #tpu.memory_space<vmem>>, vector<16xf32>,
      %add3A_1541 = arith.constant 50 : i32
      %add3A_1542 = arith.addi %mul3A_159, %add3A_1541 : i32
      %broadcast_in_dim3A_1543 = vector.broadcast %add3A_1542 : i32 to vector<16xi32>
      %gather3A_1544 = tpu.vector_load_idx %arg6[%broadcast_in_dim3A_1543, %add3A_179] : memref<256x72xf32, #tpu.memory_space<vmem>>[vector<16xi32>, vector<16xi32>], vector<16xf32>,
      %swap3A_1545 = arith.constant 50 : i32
      %swap3A_1546 = arith.index_cast %select_n3A_175 : i32 to index
      %swap3A_1547 = arith.index_cast %swap3A_1545 : i32 to index
      %swap3A_1548 = arith.constant 0 : index
      %swap3A_1549 = tpu.vector_load %arg7[%swap3A_1546, %swap3A_1547, %swap3A_1548] {strides = array<i32>} : memref<2x64x64xf32, #tpu.memory_space<vmem>>, vector<16xf32>,
      tpu.vector_store %arg7[%swap3A_1546, %swap3A_1547, %swap3A_1548], %gather3A_1544 {strides = array<i32>} : memref<2x64x64xf32, #tpu.memory_space<vmem>>, vector<16xf32>,
      %gather3A_1550 = tpu.vector_load_idx %arg6[%broadcast_in_dim3A_1543, %add3A_183] : memref<256x72xf32, #tpu.memory_space<vmem>>[vector<16xi32>, vector<16xi32>], vector<16xf32>,
      %swap3A_1551 = arith.constant 50 : i32
      %swap3A_1552 = arith.index_cast %select_n3A_175 : i32 to index
      %swap3A_1553 = arith.index_cast %swap3A_1551 : i32 to index
      %swap3A_1554 = arith.constant 16 : index
      %swap3A_1555 = tpu.vector_load %arg7[%swap3A_1552, %swap3A_1553, %swap3A_1554] {strides = array<i32>} : memref<2x64x64xf32, #tpu.memory_space<vmem>>, vector<16xf32>,
      tpu.vector_store %arg7[%swap3A_1552, %swap3A_1553, %swap3A_1554], %gather3A_1550 {strides = array<i32>} : memref<2x64x64xf32, #tpu.memory_space<vmem>>, vector<16xf32>,
      %gather3A_1556 = tpu.vector_load_idx %arg6[%broadcast_in_dim3A_1543, %add3A_187] : memref<256x72xf32, #tpu.memory_space<vmem>>[vector<16xi32>, vector<16xi32>], vector<16xf32>,
      %swap3A_1557 = arith.constant 50 : i32
      %swap3A_1558 = arith.index_cast %select_n3A_175 : i32 to index
      %swap3A_1559 = arith.index_cast %swap3A_1557 : i32 to index
      %swap3A_1560 = arith.constant 32 : index
      %swap3A_1561 = tpu.vector_load %arg7[%swap3A_1558, %swap3A_1559, %swap3A_1560] {strides = array<i32>} : memref<2x64x64xf32, #tpu.memory_space<vmem>>, vector<16xf32>,
      tpu.vector_store %arg7[%swap3A_1558, %swap3A_1559, %swap3A_1560], %gather3A_1556 {strides = array<i32>} : memref<2x64x64xf32, #tpu.memory_space<vmem>>, vector<16xf32>,
      %gather3A_1562 = tpu.vector_load_idx %arg6[%broadcast_in_dim3A_1543, %add3A_191] : memref<256x72xf32, #tpu.memory_space<vmem>>[vector<16xi32>, vector<16xi32>], vector<16xf32>,
      %swap3A_1563 = arith.constant 50 : i32
      %swap3A_1564 = arith.index_cast %select_n3A_175 : i32 to index
      %swap3A_1565 = arith.index_cast %swap3A_1563 : i32 to index
      %swap3A_1566 = arith.constant 48 : index
      %swap3A_1567 = tpu.vector_load %arg7[%swap3A_1564, %swap3A_1565, %swap3A_1566] {strides = array<i32>} : memref<2x64x64xf32, #tpu.memory_space<vmem>>, vector<16xf32>,
      tpu.vector_store %arg7[%swap3A_1564, %swap3A_1565, %swap3A_1566], %gather3A_1562 {strides = array<i32>} : memref<2x64x64xf32, #tpu.memory_space<vmem>>, vector<16xf32>,
      %add3A_1568 = arith.constant 51 : i32
      %add3A_1569 = arith.addi %mul3A_159, %add3A_1568 : i32
      %broadcast_in_dim3A_1570 = vector.broadcast %add3A_1569 : i32 to vector<16xi32>
      %gather3A_1571 = tpu.vector_load_idx %arg6[%broadcast_in_dim3A_1570, %add3A_179] : memref<256x72xf32, #tpu.memory_space<vmem>>[vector<16xi32>, vector<16xi32>], vector<16xf32>,
      %swap3A_1572 = arith.constant 51 : i32
      %swap3A_1573 = arith.index_cast %select_n3A_175 : i32 to index
      %swap3A_1574 = arith.index_cast %swap3A_1572 : i32 to index
      %swap3A_1575 = arith.constant 0 : index
      %swap3A_1576 = tpu.vector_load %arg7[%swap3A_1573, %swap3A_1574, %swap3A_1575] {strides = array<i32>} : memref<2x64x64xf32, #tpu.memory_space<vmem>>, vector<16xf32>,
      tpu.vector_store %arg7[%swap3A_1573, %swap3A_1574, %swap3A_1575], %gather3A_1571 {strides = array<i32>} : memref<2x64x64xf32, #tpu.memory_space<vmem>>, vector<16xf32>,
      %gather3A_1577 = tpu.vector_load_idx %arg6[%broadcast_in_dim3A_1570, %add3A_183] : memref<256x72xf32, #tpu.memory_space<vmem>>[vector<16xi32>, vector<16xi32>], vector<16xf32>,
      %swap3A_1578 = arith.constant 51 : i32
      %swap3A_1579 = arith.index_cast %select_n3A_175 : i32 to index
      %swap3A_1580 = arith.index_cast %swap3A_1578 : i32 to index
      %swap3A_1581 = arith.constant 16 : index
      %swap3A_1582 = tpu.vector_load %arg7[%swap3A_1579, %swap3A_1580, %swap3A_1581] {strides = array<i32>} : memref<2x64x64xf32, #tpu.memory_space<vmem>>, vector<16xf32>,
      tpu.vector_store %arg7[%swap3A_1579, %swap3A_1580, %swap3A_1581], %gather3A_1577 {strides = array<i32>} : memref<2x64x64xf32, #tpu.memory_space<vmem>>, vector<16xf32>,
      %gather3A_1583 = tpu.vector_load_idx %arg6[%broadcast_in_dim3A_1570, %add3A_187] : memref<256x72xf32, #tpu.memory_space<vmem>>[vector<16xi32>, vector<16xi32>], vector<16xf32>,
      %swap3A_1584 = arith.constant 51 : i32
      %swap3A_1585 = arith.index_cast %select_n3A_175 : i32 to index
      %swap3A_1586 = arith.index_cast %swap3A_1584 : i32 to index
      %swap3A_1587 = arith.constant 32 : index
      %swap3A_1588 = tpu.vector_load %arg7[%swap3A_1585, %swap3A_1586, %swap3A_1587] {strides = array<i32>} : memref<2x64x64xf32, #tpu.memory_space<vmem>>, vector<16xf32>,
      tpu.vector_store %arg7[%swap3A_1585, %swap3A_1586, %swap3A_1587], %gather3A_1583 {strides = array<i32>} : memref<2x64x64xf32, #tpu.memory_space<vmem>>, vector<16xf32>,
      %gather3A_1589 = tpu.vector_load_idx %arg6[%broadcast_in_dim3A_1570, %add3A_191] : memref<256x72xf32, #tpu.memory_space<vmem>>[vector<16xi32>, vector<16xi32>], vector<16xf32>,
      %swap3A_1590 = arith.constant 51 : i32
      %swap3A_1591 = arith.index_cast %select_n3A_175 : i32 to index
      %swap3A_1592 = arith.index_cast %swap3A_1590 : i32 to index
      %swap3A_1593 = arith.constant 48 : index
      %swap3A_1594 = tpu.vector_load %arg7[%swap3A_1591, %swap3A_1592, %swap3A_1593] {strides = array<i32>} : memref<2x64x64xf32, #tpu.memory_space<vmem>>, vector<16xf32>,
      tpu.vector_store %arg7[%swap3A_1591, %swap3A_1592, %swap3A_1593], %gather3A_1589 {strides = array<i32>} : memref<2x64x64xf32, #tpu.memory_space<vmem>>, vector<16xf32>,
      %add3A_1595 = arith.constant 52 : i32
      %add3A_1596 = arith.addi %mul3A_159, %add3A_1595 : i32
      %broadcast_in_dim3A_1597 = vector.broadcast %add3A_1596 : i32 to vector<16xi32>
      %gather3A_1598 = tpu.vector_load_idx %arg6[%broadcast_in_dim3A_1597, %add3A_179] : memref<256x72xf32, #tpu.memory_space<vmem>>[vector<16xi32>, vector<16xi32>], vector<16xf32>,
      %swap3A_1599 = arith.constant 52 : i32
      %swap3A_1600 = arith.index_cast %select_n3A_175 : i32 to index
      %swap3A_1601 = arith.index_cast %swap3A_1599 : i32 to index
      %swap3A_1602 = arith.constant 0 : index
      %swap3A_1603 = tpu.vector_load %arg7[%swap3A_1600, %swap3A_1601, %swap3A_1602] {strides = array<i32>} : memref<2x64x64xf32, #tpu.memory_space<vmem>>, vector<16xf32>,
      tpu.vector_store %arg7[%swap3A_1600, %swap3A_1601, %swap3A_1602], %gather3A_1598 {strides = array<i32>} : memref<2x64x64xf32, #tpu.memory_space<vmem>>, vector<16xf32>,
      %gather3A_1604 = tpu.vector_load_idx %arg6[%broadcast_in_dim3A_1597, %add3A_183] : memref<256x72xf32, #tpu.memory_space<vmem>>[vector<16xi32>, vector<16xi32>], vector<16xf32>,
      %swap3A_1605 = arith.constant 52 : i32
      %swap3A_1606 = arith.index_cast %select_n3A_175 : i32 to index
      %swap3A_1607 = arith.index_cast %swap3A_1605 : i32 to index
      %swap3A_1608 = arith.constant 16 : index
      %swap3A_1609 = tpu.vector_load %arg7[%swap3A_1606, %swap3A_1607, %swap3A_1608] {strides = array<i32>} : memref<2x64x64xf32, #tpu.memory_space<vmem>>, vector<16xf32>,
      tpu.vector_store %arg7[%swap3A_1606, %swap3A_1607, %swap3A_1608], %gather3A_1604 {strides = array<i32>} : memref<2x64x64xf32, #tpu.memory_space<vmem>>, vector<16xf32>,
      %gather3A_1610 = tpu.vector_load_idx %arg6[%broadcast_in_dim3A_1597, %add3A_187] : memref<256x72xf32, #tpu.memory_space<vmem>>[vector<16xi32>, vector<16xi32>], vector<16xf32>,
      %swap3A_1611 = arith.constant 52 : i32
      %swap3A_1612 = arith.index_cast %select_n3A_175 : i32 to index
      %swap3A_1613 = arith.index_cast %swap3A_1611 : i32 to index
      %swap3A_1614 = arith.constant 32 : index
      %swap3A_1615 = tpu.vector_load %arg7[%swap3A_1612, %swap3A_1613, %swap3A_1614] {strides = array<i32>} : memref<2x64x64xf32, #tpu.memory_space<vmem>>, vector<16xf32>,
      tpu.vector_store %arg7[%swap3A_1612, %swap3A_1613, %swap3A_1614], %gather3A_1610 {strides = array<i32>} : memref<2x64x64xf32, #tpu.memory_space<vmem>>, vector<16xf32>,
      %gather3A_1616 = tpu.vector_load_idx %arg6[%broadcast_in_dim3A_1597, %add3A_191] : memref<256x72xf32, #tpu.memory_space<vmem>>[vector<16xi32>, vector<16xi32>], vector<16xf32>,
      %swap3A_1617 = arith.constant 52 : i32
      %swap3A_1618 = arith.index_cast %select_n3A_175 : i32 to index
      %swap3A_1619 = arith.index_cast %swap3A_1617 : i32 to index
      %swap3A_1620 = arith.constant 48 : index
      %swap3A_1621 = tpu.vector_load %arg7[%swap3A_1618, %swap3A_1619, %swap3A_1620] {strides = array<i32>} : memref<2x64x64xf32, #tpu.memory_space<vmem>>, vector<16xf32>,
      tpu.vector_store %arg7[%swap3A_1618, %swap3A_1619, %swap3A_1620], %gather3A_1616 {strides = array<i32>} : memref<2x64x64xf32, #tpu.memory_space<vmem>>, vector<16xf32>,
      %add3A_1622 = arith.constant 53 : i32
      %add3A_1623 = arith.addi %mul3A_159, %add3A_1622 : i32
      %broadcast_in_dim3A_1624 = vector.broadcast %add3A_1623 : i32 to vector<16xi32>
      %gather3A_1625 = tpu.vector_load_idx %arg6[%broadcast_in_dim3A_1624, %add3A_179] : memref<256x72xf32, #tpu.memory_space<vmem>>[vector<16xi32>, vector<16xi32>], vector<16xf32>,
      %swap3A_1626 = arith.constant 53 : i32
      %swap3A_1627 = arith.index_cast %select_n3A_175 : i32 to index
      %swap3A_1628 = arith.index_cast %swap3A_1626 : i32 to index
      %swap3A_1629 = arith.constant 0 : index
      %swap3A_1630 = tpu.vector_load %arg7[%swap3A_1627, %swap3A_1628, %swap3A_1629] {strides = array<i32>} : memref<2x64x64xf32, #tpu.memory_space<vmem>>, vector<16xf32>,
      tpu.vector_store %arg7[%swap3A_1627, %swap3A_1628, %swap3A_1629], %gather3A_1625 {strides = array<i32>} : memref<2x64x64xf32, #tpu.memory_space<vmem>>, vector<16xf32>,
      %gather3A_1631 = tpu.vector_load_idx %arg6[%broadcast_in_dim3A_1624, %add3A_183] : memref<256x72xf32, #tpu.memory_space<vmem>>[vector<16xi32>, vector<16xi32>], vector<16xf32>,
      %swap3A_1632 = arith.constant 53 : i32
      %swap3A_1633 = arith.index_cast %select_n3A_175 : i32 to index
      %swap3A_1634 = arith.index_cast %swap3A_1632 : i32 to index
      %swap3A_1635 = arith.constant 16 : index
      %swap3A_1636 = tpu.vector_load %arg7[%swap3A_1633, %swap3A_1634, %swap3A_1635] {strides = array<i32>} : memref<2x64x64xf32, #tpu.memory_space<vmem>>, vector<16xf32>,
      tpu.vector_store %arg7[%swap3A_1633, %swap3A_1634, %swap3A_1635], %gather3A_1631 {strides = array<i32>} : memref<2x64x64xf32, #tpu.memory_space<vmem>>, vector<16xf32>,
      %gather3A_1637 = tpu.vector_load_idx %arg6[%broadcast_in_dim3A_1624, %add3A_187] : memref<256x72xf32, #tpu.memory_space<vmem>>[vector<16xi32>, vector<16xi32>], vector<16xf32>,
      %swap3A_1638 = arith.constant 53 : i32
      %swap3A_1639 = arith.index_cast %select_n3A_175 : i32 to index
      %swap3A_1640 = arith.index_cast %swap3A_1638 : i32 to index
      %swap3A_1641 = arith.constant 32 : index
      %swap3A_1642 = tpu.vector_load %arg7[%swap3A_1639, %swap3A_1640, %swap3A_1641] {strides = array<i32>} : memref<2x64x64xf32, #tpu.memory_space<vmem>>, vector<16xf32>,
      tpu.vector_store %arg7[%swap3A_1639, %swap3A_1640, %swap3A_1641], %gather3A_1637 {strides = array<i32>} : memref<2x64x64xf32, #tpu.memory_space<vmem>>, vector<16xf32>,
      %gather3A_1643 = tpu.vector_load_idx %arg6[%broadcast_in_dim3A_1624, %add3A_191] : memref<256x72xf32, #tpu.memory_space<vmem>>[vector<16xi32>, vector<16xi32>], vector<16xf32>,
      %swap3A_1644 = arith.constant 53 : i32
      %swap3A_1645 = arith.index_cast %select_n3A_175 : i32 to index
      %swap3A_1646 = arith.index_cast %swap3A_1644 : i32 to index
      %swap3A_1647 = arith.constant 48 : index
      %swap3A_1648 = tpu.vector_load %arg7[%swap3A_1645, %swap3A_1646, %swap3A_1647] {strides = array<i32>} : memref<2x64x64xf32, #tpu.memory_space<vmem>>, vector<16xf32>,
      tpu.vector_store %arg7[%swap3A_1645, %swap3A_1646, %swap3A_1647], %gather3A_1643 {strides = array<i32>} : memref<2x64x64xf32, #tpu.memory_space<vmem>>, vector<16xf32>,
      %add3A_1649 = arith.constant 54 : i32
      %add3A_1650 = arith.addi %mul3A_159, %add3A_1649 : i32
      %broadcast_in_dim3A_1651 = vector.broadcast %add3A_1650 : i32 to vector<16xi32>
      %gather3A_1652 = tpu.vector_load_idx %arg6[%broadcast_in_dim3A_1651, %add3A_179] : memref<256x72xf32, #tpu.memory_space<vmem>>[vector<16xi32>, vector<16xi32>], vector<16xf32>,
      %swap3A_1653 = arith.constant 54 : i32
      %swap3A_1654 = arith.index_cast %select_n3A_175 : i32 to index
      %swap3A_1655 = arith.index_cast %swap3A_1653 : i32 to index
      %swap3A_1656 = arith.constant 0 : index
      %swap3A_1657 = tpu.vector_load %arg7[%swap3A_1654, %swap3A_1655, %swap3A_1656] {strides = array<i32>} : memref<2x64x64xf32, #tpu.memory_space<vmem>>, vector<16xf32>,
      tpu.vector_store %arg7[%swap3A_1654, %swap3A_1655, %swap3A_1656], %gather3A_1652 {strides = array<i32>} : memref<2x64x64xf32, #tpu.memory_space<vmem>>, vector<16xf32>,
      %gather3A_1658 = tpu.vector_load_idx %arg6[%broadcast_in_dim3A_1651, %add3A_183] : memref<256x72xf32, #tpu.memory_space<vmem>>[vector<16xi32>, vector<16xi32>], vector<16xf32>,
      %swap3A_1659 = arith.constant 54 : i32
      %swap3A_1660 = arith.index_cast %select_n3A_175 : i32 to index
      %swap3A_1661 = arith.index_cast %swap3A_1659 : i32 to index
      %swap3A_1662 = arith.constant 16 : index
      %swap3A_1663 = tpu.vector_load %arg7[%swap3A_1660, %swap3A_1661, %swap3A_1662] {strides = array<i32>} : memref<2x64x64xf32, #tpu.memory_space<vmem>>, vector<16xf32>,
      tpu.vector_store %arg7[%swap3A_1660, %swap3A_1661, %swap3A_1662], %gather3A_1658 {strides = array<i32>} : memref<2x64x64xf32, #tpu.memory_space<vmem>>, vector<16xf32>,
      %gather3A_1664 = tpu.vector_load_idx %arg6[%broadcast_in_dim3A_1651, %add3A_187] : memref<256x72xf32, #tpu.memory_space<vmem>>[vector<16xi32>, vector<16xi32>], vector<16xf32>,
      %swap3A_1665 = arith.constant 54 : i32
      %swap3A_1666 = arith.index_cast %select_n3A_175 : i32 to index
      %swap3A_1667 = arith.index_cast %swap3A_1665 : i32 to index
      %swap3A_1668 = arith.constant 32 : index
      %swap3A_1669 = tpu.vector_load %arg7[%swap3A_1666, %swap3A_1667, %swap3A_1668] {strides = array<i32>} : memref<2x64x64xf32, #tpu.memory_space<vmem>>, vector<16xf32>,
      tpu.vector_store %arg7[%swap3A_1666, %swap3A_1667, %swap3A_1668], %gather3A_1664 {strides = array<i32>} : memref<2x64x64xf32, #tpu.memory_space<vmem>>, vector<16xf32>,
      %gather3A_1670 = tpu.vector_load_idx %arg6[%broadcast_in_dim3A_1651, %add3A_191] : memref<256x72xf32, #tpu.memory_space<vmem>>[vector<16xi32>, vector<16xi32>], vector<16xf32>,
      %swap3A_1671 = arith.constant 54 : i32
      %swap3A_1672 = arith.index_cast %select_n3A_175 : i32 to index
      %swap3A_1673 = arith.index_cast %swap3A_1671 : i32 to index
      %swap3A_1674 = arith.constant 48 : index
      %swap3A_1675 = tpu.vector_load %arg7[%swap3A_1672, %swap3A_1673, %swap3A_1674] {strides = array<i32>} : memref<2x64x64xf32, #tpu.memory_space<vmem>>, vector<16xf32>,
      tpu.vector_store %arg7[%swap3A_1672, %swap3A_1673, %swap3A_1674], %gather3A_1670 {strides = array<i32>} : memref<2x64x64xf32, #tpu.memory_space<vmem>>, vector<16xf32>,
      %add3A_1676 = arith.constant 55 : i32
      %add3A_1677 = arith.addi %mul3A_159, %add3A_1676 : i32
      %broadcast_in_dim3A_1678 = vector.broadcast %add3A_1677 : i32 to vector<16xi32>
      %gather3A_1679 = tpu.vector_load_idx %arg6[%broadcast_in_dim3A_1678, %add3A_179] : memref<256x72xf32, #tpu.memory_space<vmem>>[vector<16xi32>, vector<16xi32>], vector<16xf32>,
      %swap3A_1680 = arith.constant 55 : i32
      %swap3A_1681 = arith.index_cast %select_n3A_175 : i32 to index
      %swap3A_1682 = arith.index_cast %swap3A_1680 : i32 to index
      %swap3A_1683 = arith.constant 0 : index
      %swap3A_1684 = tpu.vector_load %arg7[%swap3A_1681, %swap3A_1682, %swap3A_1683] {strides = array<i32>} : memref<2x64x64xf32, #tpu.memory_space<vmem>>, vector<16xf32>,
      tpu.vector_store %arg7[%swap3A_1681, %swap3A_1682, %swap3A_1683], %gather3A_1679 {strides = array<i32>} : memref<2x64x64xf32, #tpu.memory_space<vmem>>, vector<16xf32>,
      %gather3A_1685 = tpu.vector_load_idx %arg6[%broadcast_in_dim3A_1678, %add3A_183] : memref<256x72xf32, #tpu.memory_space<vmem>>[vector<16xi32>, vector<16xi32>], vector<16xf32>,
      %swap3A_1686 = arith.constant 55 : i32
      %swap3A_1687 = arith.index_cast %select_n3A_175 : i32 to index
      %swap3A_1688 = arith.index_cast %swap3A_1686 : i32 to index
      %swap3A_1689 = arith.constant 16 : index
      %swap3A_1690 = tpu.vector_load %arg7[%swap3A_1687, %swap3A_1688, %swap3A_1689] {strides = array<i32>} : memref<2x64x64xf32, #tpu.memory_space<vmem>>, vector<16xf32>,
      tpu.vector_store %arg7[%swap3A_1687, %swap3A_1688, %swap3A_1689], %gather3A_1685 {strides = array<i32>} : memref<2x64x64xf32, #tpu.memory_space<vmem>>, vector<16xf32>,
      %gather3A_1691 = tpu.vector_load_idx %arg6[%broadcast_in_dim3A_1678, %add3A_187] : memref<256x72xf32, #tpu.memory_space<vmem>>[vector<16xi32>, vector<16xi32>], vector<16xf32>,
      %swap3A_1692 = arith.constant 55 : i32
      %swap3A_1693 = arith.index_cast %select_n3A_175 : i32 to index
      %swap3A_1694 = arith.index_cast %swap3A_1692 : i32 to index
      %swap3A_1695 = arith.constant 32 : index
      %swap3A_1696 = tpu.vector_load %arg7[%swap3A_1693, %swap3A_1694, %swap3A_1695] {strides = array<i32>} : memref<2x64x64xf32, #tpu.memory_space<vmem>>, vector<16xf32>,
      tpu.vector_store %arg7[%swap3A_1693, %swap3A_1694, %swap3A_1695], %gather3A_1691 {strides = array<i32>} : memref<2x64x64xf32, #tpu.memory_space<vmem>>, vector<16xf32>,
      %gather3A_1697 = tpu.vector_load_idx %arg6[%broadcast_in_dim3A_1678, %add3A_191] : memref<256x72xf32, #tpu.memory_space<vmem>>[vector<16xi32>, vector<16xi32>], vector<16xf32>,
      %swap3A_1698 = arith.constant 55 : i32
      %swap3A_1699 = arith.index_cast %select_n3A_175 : i32 to index
      %swap3A_1700 = arith.index_cast %swap3A_1698 : i32 to index
      %swap3A_1701 = arith.constant 48 : index
      %swap3A_1702 = tpu.vector_load %arg7[%swap3A_1699, %swap3A_1700, %swap3A_1701] {strides = array<i32>} : memref<2x64x64xf32, #tpu.memory_space<vmem>>, vector<16xf32>,
      tpu.vector_store %arg7[%swap3A_1699, %swap3A_1700, %swap3A_1701], %gather3A_1697 {strides = array<i32>} : memref<2x64x64xf32, #tpu.memory_space<vmem>>, vector<16xf32>,
      %add3A_1703 = arith.constant 56 : i32
      %add3A_1704 = arith.addi %mul3A_159, %add3A_1703 : i32
      %broadcast_in_dim3A_1705 = vector.broadcast %add3A_1704 : i32 to vector<16xi32>
      %gather3A_1706 = tpu.vector_load_idx %arg6[%broadcast_in_dim3A_1705, %add3A_179] : memref<256x72xf32, #tpu.memory_space<vmem>>[vector<16xi32>, vector<16xi32>], vector<16xf32>,
      %swap3A_1707 = arith.constant 56 : i32
      %swap3A_1708 = arith.index_cast %select_n3A_175 : i32 to index
      %swap3A_1709 = arith.index_cast %swap3A_1707 : i32 to index
      %swap3A_1710 = arith.constant 0 : index
      %swap3A_1711 = tpu.vector_load %arg7[%swap3A_1708, %swap3A_1709, %swap3A_1710] {strides = array<i32>} : memref<2x64x64xf32, #tpu.memory_space<vmem>>, vector<16xf32>,
      tpu.vector_store %arg7[%swap3A_1708, %swap3A_1709, %swap3A_1710], %gather3A_1706 {strides = array<i32>} : memref<2x64x64xf32, #tpu.memory_space<vmem>>, vector<16xf32>,
      %gather3A_1712 = tpu.vector_load_idx %arg6[%broadcast_in_dim3A_1705, %add3A_183] : memref<256x72xf32, #tpu.memory_space<vmem>>[vector<16xi32>, vector<16xi32>], vector<16xf32>,
      %swap3A_1713 = arith.constant 56 : i32
      %swap3A_1714 = arith.index_cast %select_n3A_175 : i32 to index
      %swap3A_1715 = arith.index_cast %swap3A_1713 : i32 to index
      %swap3A_1716 = arith.constant 16 : index
      %swap3A_1717 = tpu.vector_load %arg7[%swap3A_1714, %swap3A_1715, %swap3A_1716] {strides = array<i32>} : memref<2x64x64xf32, #tpu.memory_space<vmem>>, vector<16xf32>,
      tpu.vector_store %arg7[%swap3A_1714, %swap3A_1715, %swap3A_1716], %gather3A_1712 {strides = array<i32>} : memref<2x64x64xf32, #tpu.memory_space<vmem>>, vector<16xf32>,
      %gather3A_1718 = tpu.vector_load_idx %arg6[%broadcast_in_dim3A_1705, %add3A_187] : memref<256x72xf32, #tpu.memory_space<vmem>>[vector<16xi32>, vector<16xi32>], vector<16xf32>,
      %swap3A_1719 = arith.constant 56 : i32
      %swap3A_1720 = arith.index_cast %select_n3A_175 : i32 to index
      %swap3A_1721 = arith.index_cast %swap3A_1719 : i32 to index
      %swap3A_1722 = arith.constant 32 : index
      %swap3A_1723 = tpu.vector_load %arg7[%swap3A_1720, %swap3A_1721, %swap3A_1722] {strides = array<i32>} : memref<2x64x64xf32, #tpu.memory_space<vmem>>, vector<16xf32>,
      tpu.vector_store %arg7[%swap3A_1720, %swap3A_1721, %swap3A_1722], %gather3A_1718 {strides = array<i32>} : memref<2x64x64xf32, #tpu.memory_space<vmem>>, vector<16xf32>,
      %gather3A_1724 = tpu.vector_load_idx %arg6[%broadcast_in_dim3A_1705, %add3A_191] : memref<256x72xf32, #tpu.memory_space<vmem>>[vector<16xi32>, vector<16xi32>], vector<16xf32>,
      %swap3A_1725 = arith.constant 56 : i32
      %swap3A_1726 = arith.index_cast %select_n3A_175 : i32 to index
      %swap3A_1727 = arith.index_cast %swap3A_1725 : i32 to index
      %swap3A_1728 = arith.constant 48 : index
      %swap3A_1729 = tpu.vector_load %arg7[%swap3A_1726, %swap3A_1727, %swap3A_1728] {strides = array<i32>} : memref<2x64x64xf32, #tpu.memory_space<vmem>>, vector<16xf32>,
      tpu.vector_store %arg7[%swap3A_1726, %swap3A_1727, %swap3A_1728], %gather3A_1724 {strides = array<i32>} : memref<2x64x64xf32, #tpu.memory_space<vmem>>, vector<16xf32>,
      %add3A_1730 = arith.constant 57 : i32
      %add3A_1731 = arith.addi %mul3A_159, %add3A_1730 : i32
      %broadcast_in_dim3A_1732 = vector.broadcast %add3A_1731 : i32 to vector<16xi32>
      %gather3A_1733 = tpu.vector_load_idx %arg6[%broadcast_in_dim3A_1732, %add3A_179] : memref<256x72xf32, #tpu.memory_space<vmem>>[vector<16xi32>, vector<16xi32>], vector<16xf32>,
      %swap3A_1734 = arith.constant 57 : i32
      %swap3A_1735 = arith.index_cast %select_n3A_175 : i32 to index
      %swap3A_1736 = arith.index_cast %swap3A_1734 : i32 to index
      %swap3A_1737 = arith.constant 0 : index
      %swap3A_1738 = tpu.vector_load %arg7[%swap3A_1735, %swap3A_1736, %swap3A_1737] {strides = array<i32>} : memref<2x64x64xf32, #tpu.memory_space<vmem>>, vector<16xf32>,
      tpu.vector_store %arg7[%swap3A_1735, %swap3A_1736, %swap3A_1737], %gather3A_1733 {strides = array<i32>} : memref<2x64x64xf32, #tpu.memory_space<vmem>>, vector<16xf32>,
      %gather3A_1739 = tpu.vector_load_idx %arg6[%broadcast_in_dim3A_1732, %add3A_183] : memref<256x72xf32, #tpu.memory_space<vmem>>[vector<16xi32>, vector<16xi32>], vector<16xf32>,
      %swap3A_1740 = arith.constant 57 : i32
      %swap3A_1741 = arith.index_cast %select_n3A_175 : i32 to index
      %swap3A_1742 = arith.index_cast %swap3A_1740 : i32 to index
      %swap3A_1743 = arith.constant 16 : index
      %swap3A_1744 = tpu.vector_load %arg7[%swap3A_1741, %swap3A_1742, %swap3A_1743] {strides = array<i32>} : memref<2x64x64xf32, #tpu.memory_space<vmem>>, vector<16xf32>,
      tpu.vector_store %arg7[%swap3A_1741, %swap3A_1742, %swap3A_1743], %gather3A_1739 {strides = array<i32>} : memref<2x64x64xf32, #tpu.memory_space<vmem>>, vector<16xf32>,
      %gather3A_1745 = tpu.vector_load_idx %arg6[%broadcast_in_dim3A_1732, %add3A_187] : memref<256x72xf32, #tpu.memory_space<vmem>>[vector<16xi32>, vector<16xi32>], vector<16xf32>,
      %swap3A_1746 = arith.constant 57 : i32
      %swap3A_1747 = arith.index_cast %select_n3A_175 : i32 to index
      %swap3A_1748 = arith.index_cast %swap3A_1746 : i32 to index
      %swap3A_1749 = arith.constant 32 : index
      %swap3A_1750 = tpu.vector_load %arg7[%swap3A_1747, %swap3A_1748, %swap3A_1749] {strides = array<i32>} : memref<2x64x64xf32, #tpu.memory_space<vmem>>, vector<16xf32>,
      tpu.vector_store %arg7[%swap3A_1747, %swap3A_1748, %swap3A_1749], %gather3A_1745 {strides = array<i32>} : memref<2x64x64xf32, #tpu.memory_space<vmem>>, vector<16xf32>,
      %gather3A_1751 = tpu.vector_load_idx %arg6[%broadcast_in_dim3A_1732, %add3A_191] : memref<256x72xf32, #tpu.memory_space<vmem>>[vector<16xi32>, vector<16xi32>], vector<16xf32>,
      %swap3A_1752 = arith.constant 57 : i32
      %swap3A_1753 = arith.index_cast %select_n3A_175 : i32 to index
      %swap3A_1754 = arith.index_cast %swap3A_1752 : i32 to index
      %swap3A_1755 = arith.constant 48 : index
      %swap3A_1756 = tpu.vector_load %arg7[%swap3A_1753, %swap3A_1754, %swap3A_1755] {strides = array<i32>} : memref<2x64x64xf32, #tpu.memory_space<vmem>>, vector<16xf32>,
      tpu.vector_store %arg7[%swap3A_1753, %swap3A_1754, %swap3A_1755], %gather3A_1751 {strides = array<i32>} : memref<2x64x64xf32, #tpu.memory_space<vmem>>, vector<16xf32>,
      %add3A_1757 = arith.constant 58 : i32
      %add3A_1758 = arith.addi %mul3A_159, %add3A_1757 : i32
      %broadcast_in_dim3A_1759 = vector.broadcast %add3A_1758 : i32 to vector<16xi32>
      %gather3A_1760 = tpu.vector_load_idx %arg6[%broadcast_in_dim3A_1759, %add3A_179] : memref<256x72xf32, #tpu.memory_space<vmem>>[vector<16xi32>, vector<16xi32>], vector<16xf32>,
      %swap3A_1761 = arith.constant 58 : i32
      %swap3A_1762 = arith.index_cast %select_n3A_175 : i32 to index
      %swap3A_1763 = arith.index_cast %swap3A_1761 : i32 to index
      %swap3A_1764 = arith.constant 0 : index
      %swap3A_1765 = tpu.vector_load %arg7[%swap3A_1762, %swap3A_1763, %swap3A_1764] {strides = array<i32>} : memref<2x64x64xf32, #tpu.memory_space<vmem>>, vector<16xf32>,
      tpu.vector_store %arg7[%swap3A_1762, %swap3A_1763, %swap3A_1764], %gather3A_1760 {strides = array<i32>} : memref<2x64x64xf32, #tpu.memory_space<vmem>>, vector<16xf32>,
      %gather3A_1766 = tpu.vector_load_idx %arg6[%broadcast_in_dim3A_1759, %add3A_183] : memref<256x72xf32, #tpu.memory_space<vmem>>[vector<16xi32>, vector<16xi32>], vector<16xf32>,
      %swap3A_1767 = arith.constant 58 : i32
      %swap3A_1768 = arith.index_cast %select_n3A_175 : i32 to index
      %swap3A_1769 = arith.index_cast %swap3A_1767 : i32 to index
      %swap3A_1770 = arith.constant 16 : index
      %swap3A_1771 = tpu.vector_load %arg7[%swap3A_1768, %swap3A_1769, %swap3A_1770] {strides = array<i32>} : memref<2x64x64xf32, #tpu.memory_space<vmem>>, vector<16xf32>,
      tpu.vector_store %arg7[%swap3A_1768, %swap3A_1769, %swap3A_1770], %gather3A_1766 {strides = array<i32>} : memref<2x64x64xf32, #tpu.memory_space<vmem>>, vector<16xf32>,
      %gather3A_1772 = tpu.vector_load_idx %arg6[%broadcast_in_dim3A_1759, %add3A_187] : memref<256x72xf32, #tpu.memory_space<vmem>>[vector<16xi32>, vector<16xi32>], vector<16xf32>,
      %swap3A_1773 = arith.constant 58 : i32
      %swap3A_1774 = arith.index_cast %select_n3A_175 : i32 to index
      %swap3A_1775 = arith.index_cast %swap3A_1773 : i32 to index
      %swap3A_1776 = arith.constant 32 : index
      %swap3A_1777 = tpu.vector_load %arg7[%swap3A_1774, %swap3A_1775, %swap3A_1776] {strides = array<i32>} : memref<2x64x64xf32, #tpu.memory_space<vmem>>, vector<16xf32>,
      tpu.vector_store %arg7[%swap3A_1774, %swap3A_1775, %swap3A_1776], %gather3A_1772 {strides = array<i32>} : memref<2x64x64xf32, #tpu.memory_space<vmem>>, vector<16xf32>,
      %gather3A_1778 = tpu.vector_load_idx %arg6[%broadcast_in_dim3A_1759, %add3A_191] : memref<256x72xf32, #tpu.memory_space<vmem>>[vector<16xi32>, vector<16xi32>], vector<16xf32>,
      %swap3A_1779 = arith.constant 58 : i32
      %swap3A_1780 = arith.index_cast %select_n3A_175 : i32 to index
      %swap3A_1781 = arith.index_cast %swap3A_1779 : i32 to index
      %swap3A_1782 = arith.constant 48 : index
      %swap3A_1783 = tpu.vector_load %arg7[%swap3A_1780, %swap3A_1781, %swap3A_1782] {strides = array<i32>} : memref<2x64x64xf32, #tpu.memory_space<vmem>>, vector<16xf32>,
      tpu.vector_store %arg7[%swap3A_1780, %swap3A_1781, %swap3A_1782], %gather3A_1778 {strides = array<i32>} : memref<2x64x64xf32, #tpu.memory_space<vmem>>, vector<16xf32>,
      %add3A_1784 = arith.constant 59 : i32
      %add3A_1785 = arith.addi %mul3A_159, %add3A_1784 : i32
      %broadcast_in_dim3A_1786 = vector.broadcast %add3A_1785 : i32 to vector<16xi32>
      %gather3A_1787 = tpu.vector_load_idx %arg6[%broadcast_in_dim3A_1786, %add3A_179] : memref<256x72xf32, #tpu.memory_space<vmem>>[vector<16xi32>, vector<16xi32>], vector<16xf32>,
      %swap3A_1788 = arith.constant 59 : i32
      %swap3A_1789 = arith.index_cast %select_n3A_175 : i32 to index
      %swap3A_1790 = arith.index_cast %swap3A_1788 : i32 to index
      %swap3A_1791 = arith.constant 0 : index
      %swap3A_1792 = tpu.vector_load %arg7[%swap3A_1789, %swap3A_1790, %swap3A_1791] {strides = array<i32>} : memref<2x64x64xf32, #tpu.memory_space<vmem>>, vector<16xf32>,
      tpu.vector_store %arg7[%swap3A_1789, %swap3A_1790, %swap3A_1791], %gather3A_1787 {strides = array<i32>} : memref<2x64x64xf32, #tpu.memory_space<vmem>>, vector<16xf32>,
      %gather3A_1793 = tpu.vector_load_idx %arg6[%broadcast_in_dim3A_1786, %add3A_183] : memref<256x72xf32, #tpu.memory_space<vmem>>[vector<16xi32>, vector<16xi32>], vector<16xf32>,
      %swap3A_1794 = arith.constant 59 : i32
      %swap3A_1795 = arith.index_cast %select_n3A_175 : i32 to index
      %swap3A_1796 = arith.index_cast %swap3A_1794 : i32 to index
      %swap3A_1797 = arith.constant 16 : index
      %swap3A_1798 = tpu.vector_load %arg7[%swap3A_1795, %swap3A_1796, %swap3A_1797] {strides = array<i32>} : memref<2x64x64xf32, #tpu.memory_space<vmem>>, vector<16xf32>,
      tpu.vector_store %arg7[%swap3A_1795, %swap3A_1796, %swap3A_1797], %gather3A_1793 {strides = array<i32>} : memref<2x64x64xf32, #tpu.memory_space<vmem>>, vector<16xf32>,
      %gather3A_1799 = tpu.vector_load_idx %arg6[%broadcast_in_dim3A_1786, %add3A_187] : memref<256x72xf32, #tpu.memory_space<vmem>>[vector<16xi32>, vector<16xi32>], vector<16xf32>,
      %swap3A_1800 = arith.constant 59 : i32
      %swap3A_1801 = arith.index_cast %select_n3A_175 : i32 to index
      %swap3A_1802 = arith.index_cast %swap3A_1800 : i32 to index
      %swap3A_1803 = arith.constant 32 : index
      %swap3A_1804 = tpu.vector_load %arg7[%swap3A_1801, %swap3A_1802, %swap3A_1803] {strides = array<i32>} : memref<2x64x64xf32, #tpu.memory_space<vmem>>, vector<16xf32>,
      tpu.vector_store %arg7[%swap3A_1801, %swap3A_1802, %swap3A_1803], %gather3A_1799 {strides = array<i32>} : memref<2x64x64xf32, #tpu.memory_space<vmem>>, vector<16xf32>,
      %gather3A_1805 = tpu.vector_load_idx %arg6[%broadcast_in_dim3A_1786, %add3A_191] : memref<256x72xf32, #tpu.memory_space<vmem>>[vector<16xi32>, vector<16xi32>], vector<16xf32>,
      %swap3A_1806 = arith.constant 59 : i32
      %swap3A_1807 = arith.index_cast %select_n3A_175 : i32 to index
      %swap3A_1808 = arith.index_cast %swap3A_1806 : i32 to index
      %swap3A_1809 = arith.constant 48 : index
      %swap3A_1810 = tpu.vector_load %arg7[%swap3A_1807, %swap3A_1808, %swap3A_1809] {strides = array<i32>} : memref<2x64x64xf32, #tpu.memory_space<vmem>>, vector<16xf32>,
      tpu.vector_store %arg7[%swap3A_1807, %swap3A_1808, %swap3A_1809], %gather3A_1805 {strides = array<i32>} : memref<2x64x64xf32, #tpu.memory_space<vmem>>, vector<16xf32>,
      %add3A_1811 = arith.constant 60 : i32
      %add3A_1812 = arith.addi %mul3A_159, %add3A_1811 : i32
      %broadcast_in_dim3A_1813 = vector.broadcast %add3A_1812 : i32 to vector<16xi32>
      %gather3A_1814 = tpu.vector_load_idx %arg6[%broadcast_in_dim3A_1813, %add3A_179] : memref<256x72xf32, #tpu.memory_space<vmem>>[vector<16xi32>, vector<16xi32>], vector<16xf32>,
      %swap3A_1815 = arith.constant 60 : i32
      %swap3A_1816 = arith.index_cast %select_n3A_175 : i32 to index
      %swap3A_1817 = arith.index_cast %swap3A_1815 : i32 to index
      %swap3A_1818 = arith.constant 0 : index
      %swap3A_1819 = tpu.vector_load %arg7[%swap3A_1816, %swap3A_1817, %swap3A_1818] {strides = array<i32>} : memref<2x64x64xf32, #tpu.memory_space<vmem>>, vector<16xf32>,
      tpu.vector_store %arg7[%swap3A_1816, %swap3A_1817, %swap3A_1818], %gather3A_1814 {strides = array<i32>} : memref<2x64x64xf32, #tpu.memory_space<vmem>>, vector<16xf32>,
      %gather3A_1820 = tpu.vector_load_idx %arg6[%broadcast_in_dim3A_1813, %add3A_183] : memref<256x72xf32, #tpu.memory_space<vmem>>[vector<16xi32>, vector<16xi32>], vector<16xf32>,
      %swap3A_1821 = arith.constant 60 : i32
      %swap3A_1822 = arith.index_cast %select_n3A_175 : i32 to index
      %swap3A_1823 = arith.index_cast %swap3A_1821 : i32 to index
      %swap3A_1824 = arith.constant 16 : index
      %swap3A_1825 = tpu.vector_load %arg7[%swap3A_1822, %swap3A_1823, %swap3A_1824] {strides = array<i32>} : memref<2x64x64xf32, #tpu.memory_space<vmem>>, vector<16xf32>,
      tpu.vector_store %arg7[%swap3A_1822, %swap3A_1823, %swap3A_1824], %gather3A_1820 {strides = array<i32>} : memref<2x64x64xf32, #tpu.memory_space<vmem>>, vector<16xf32>,
      %gather3A_1826 = tpu.vector_load_idx %arg6[%broadcast_in_dim3A_1813, %add3A_187] : memref<256x72xf32, #tpu.memory_space<vmem>>[vector<16xi32>, vector<16xi32>], vector<16xf32>,
      %swap3A_1827 = arith.constant 60 : i32
      %swap3A_1828 = arith.index_cast %select_n3A_175 : i32 to index
      %swap3A_1829 = arith.index_cast %swap3A_1827 : i32 to index
      %swap3A_1830 = arith.constant 32 : index
      %swap3A_1831 = tpu.vector_load %arg7[%swap3A_1828, %swap3A_1829, %swap3A_1830] {strides = array<i32>} : memref<2x64x64xf32, #tpu.memory_space<vmem>>, vector<16xf32>,
      tpu.vector_store %arg7[%swap3A_1828, %swap3A_1829, %swap3A_1830], %gather3A_1826 {strides = array<i32>} : memref<2x64x64xf32, #tpu.memory_space<vmem>>, vector<16xf32>,
      %gather3A_1832 = tpu.vector_load_idx %arg6[%broadcast_in_dim3A_1813, %add3A_191] : memref<256x72xf32, #tpu.memory_space<vmem>>[vector<16xi32>, vector<16xi32>], vector<16xf32>,
      %swap3A_1833 = arith.constant 60 : i32
      %swap3A_1834 = arith.index_cast %select_n3A_175 : i32 to index
      %swap3A_1835 = arith.index_cast %swap3A_1833 : i32 to index
      %swap3A_1836 = arith.constant 48 : index
      %swap3A_1837 = tpu.vector_load %arg7[%swap3A_1834, %swap3A_1835, %swap3A_1836] {strides = array<i32>} : memref<2x64x64xf32, #tpu.memory_space<vmem>>, vector<16xf32>,
      tpu.vector_store %arg7[%swap3A_1834, %swap3A_1835, %swap3A_1836], %gather3A_1832 {strides = array<i32>} : memref<2x64x64xf32, #tpu.memory_space<vmem>>, vector<16xf32>,
      %add3A_1838 = arith.constant 61 : i32
      %add3A_1839 = arith.addi %mul3A_159, %add3A_1838 : i32
      %broadcast_in_dim3A_1840 = vector.broadcast %add3A_1839 : i32 to vector<16xi32>
      %gather3A_1841 = tpu.vector_load_idx %arg6[%broadcast_in_dim3A_1840, %add3A_179] : memref<256x72xf32, #tpu.memory_space<vmem>>[vector<16xi32>, vector<16xi32>], vector<16xf32>,
      %swap3A_1842 = arith.constant 61 : i32
      %swap3A_1843 = arith.index_cast %select_n3A_175 : i32 to index
      %swap3A_1844 = arith.index_cast %swap3A_1842 : i32 to index
      %swap3A_1845 = arith.constant 0 : index
      %swap3A_1846 = tpu.vector_load %arg7[%swap3A_1843, %swap3A_1844, %swap3A_1845] {strides = array<i32>} : memref<2x64x64xf32, #tpu.memory_space<vmem>>, vector<16xf32>,
      tpu.vector_store %arg7[%swap3A_1843, %swap3A_1844, %swap3A_1845], %gather3A_1841 {strides = array<i32>} : memref<2x64x64xf32, #tpu.memory_space<vmem>>, vector<16xf32>,
      %gather3A_1847 = tpu.vector_load_idx %arg6[%broadcast_in_dim3A_1840, %add3A_183] : memref<256x72xf32, #tpu.memory_space<vmem>>[vector<16xi32>, vector<16xi32>], vector<16xf32>,
      %swap3A_1848 = arith.constant 61 : i32
      %swap3A_1849 = arith.index_cast %select_n3A_175 : i32 to index
      %swap3A_1850 = arith.index_cast %swap3A_1848 : i32 to index
      %swap3A_1851 = arith.constant 16 : index
      %swap3A_1852 = tpu.vector_load %arg7[%swap3A_1849, %swap3A_1850, %swap3A_1851] {strides = array<i32>} : memref<2x64x64xf32, #tpu.memory_space<vmem>>, vector<16xf32>,
      tpu.vector_store %arg7[%swap3A_1849, %swap3A_1850, %swap3A_1851], %gather3A_1847 {strides = array<i32>} : memref<2x64x64xf32, #tpu.memory_space<vmem>>, vector<16xf32>,
      %gather3A_1853 = tpu.vector_load_idx %arg6[%broadcast_in_dim3A_1840, %add3A_187] : memref<256x72xf32, #tpu.memory_space<vmem>>[vector<16xi32>, vector<16xi32>], vector<16xf32>,
      %swap3A_1854 = arith.constant 61 : i32
      %swap3A_1855 = arith.index_cast %select_n3A_175 : i32 to index
      %swap3A_1856 = arith.index_cast %swap3A_1854 : i32 to index
      %swap3A_1857 = arith.constant 32 : index
      %swap3A_1858 = tpu.vector_load %arg7[%swap3A_1855, %swap3A_1856, %swap3A_1857] {strides = array<i32>} : memref<2x64x64xf32, #tpu.memory_space<vmem>>, vector<16xf32>,
      tpu.vector_store %arg7[%swap3A_1855, %swap3A_1856, %swap3A_1857], %gather3A_1853 {strides = array<i32>} : memref<2x64x64xf32, #tpu.memory_space<vmem>>, vector<16xf32>,
      %gather3A_1859 = tpu.vector_load_idx %arg6[%broadcast_in_dim3A_1840, %add3A_191] : memref<256x72xf32, #tpu.memory_space<vmem>>[vector<16xi32>, vector<16xi32>], vector<16xf32>,
      %swap3A_1860 = arith.constant 61 : i32
      %swap3A_1861 = arith.index_cast %select_n3A_175 : i32 to index
      %swap3A_1862 = arith.index_cast %swap3A_1860 : i32 to index
      %swap3A_1863 = arith.constant 48 : index
      %swap3A_1864 = tpu.vector_load %arg7[%swap3A_1861, %swap3A_1862, %swap3A_1863] {strides = array<i32>} : memref<2x64x64xf32, #tpu.memory_space<vmem>>, vector<16xf32>,
      tpu.vector_store %arg7[%swap3A_1861, %swap3A_1862, %swap3A_1863], %gather3A_1859 {strides = array<i32>} : memref<2x64x64xf32, #tpu.memory_space<vmem>>, vector<16xf32>,
      %add3A_1865 = arith.constant 62 : i32
      %add3A_1866 = arith.addi %mul3A_159, %add3A_1865 : i32
      %broadcast_in_dim3A_1867 = vector.broadcast %add3A_1866 : i32 to vector<16xi32>
      %gather3A_1868 = tpu.vector_load_idx %arg6[%broadcast_in_dim3A_1867, %add3A_179] : memref<256x72xf32, #tpu.memory_space<vmem>>[vector<16xi32>, vector<16xi32>], vector<16xf32>,
      %swap3A_1869 = arith.constant 62 : i32
      %swap3A_1870 = arith.index_cast %select_n3A_175 : i32 to index
      %swap3A_1871 = arith.index_cast %swap3A_1869 : i32 to index
      %swap3A_1872 = arith.constant 0 : index
      %swap3A_1873 = tpu.vector_load %arg7[%swap3A_1870, %swap3A_1871, %swap3A_1872] {strides = array<i32>} : memref<2x64x64xf32, #tpu.memory_space<vmem>>, vector<16xf32>,
      tpu.vector_store %arg7[%swap3A_1870, %swap3A_1871, %swap3A_1872], %gather3A_1868 {strides = array<i32>} : memref<2x64x64xf32, #tpu.memory_space<vmem>>, vector<16xf32>,
      %gather3A_1874 = tpu.vector_load_idx %arg6[%broadcast_in_dim3A_1867, %add3A_183] : memref<256x72xf32, #tpu.memory_space<vmem>>[vector<16xi32>, vector<16xi32>], vector<16xf32>,
      %swap3A_1875 = arith.constant 62 : i32
      %swap3A_1876 = arith.index_cast %select_n3A_175 : i32 to index
      %swap3A_1877 = arith.index_cast %swap3A_1875 : i32 to index
      %swap3A_1878 = arith.constant 16 : index
      %swap3A_1879 = tpu.vector_load %arg7[%swap3A_1876, %swap3A_1877, %swap3A_1878] {strides = array<i32>} : memref<2x64x64xf32, #tpu.memory_space<vmem>>, vector<16xf32>,
      tpu.vector_store %arg7[%swap3A_1876, %swap3A_1877, %swap3A_1878], %gather3A_1874 {strides = array<i32>} : memref<2x64x64xf32, #tpu.memory_space<vmem>>, vector<16xf32>,
      %gather3A_1880 = tpu.vector_load_idx %arg6[%broadcast_in_dim3A_1867, %add3A_187] : memref<256x72xf32, #tpu.memory_space<vmem>>[vector<16xi32>, vector<16xi32>], vector<16xf32>,
      %swap3A_1881 = arith.constant 62 : i32
      %swap3A_1882 = arith.index_cast %select_n3A_175 : i32 to index
      %swap3A_1883 = arith.index_cast %swap3A_1881 : i32 to index
      %swap3A_1884 = arith.constant 32 : index
      %swap3A_1885 = tpu.vector_load %arg7[%swap3A_1882, %swap3A_1883, %swap3A_1884] {strides = array<i32>} : memref<2x64x64xf32, #tpu.memory_space<vmem>>, vector<16xf32>,
      tpu.vector_store %arg7[%swap3A_1882, %swap3A_1883, %swap3A_1884], %gather3A_1880 {strides = array<i32>} : memref<2x64x64xf32, #tpu.memory_space<vmem>>, vector<16xf32>,
      %gather3A_1886 = tpu.vector_load_idx %arg6[%broadcast_in_dim3A_1867, %add3A_191] : memref<256x72xf32, #tpu.memory_space<vmem>>[vector<16xi32>, vector<16xi32>], vector<16xf32>,
      %swap3A_1887 = arith.constant 62 : i32
      %swap3A_1888 = arith.index_cast %select_n3A_175 : i32 to index
      %swap3A_1889 = arith.index_cast %swap3A_1887 : i32 to index
      %swap3A_1890 = arith.constant 48 : index
      %swap3A_1891 = tpu.vector_load %arg7[%swap3A_1888, %swap3A_1889, %swap3A_1890] {strides = array<i32>} : memref<2x64x64xf32, #tpu.memory_space<vmem>>, vector<16xf32>,
      tpu.vector_store %arg7[%swap3A_1888, %swap3A_1889, %swap3A_1890], %gather3A_1886 {strides = array<i32>} : memref<2x64x64xf32, #tpu.memory_space<vmem>>, vector<16xf32>,
      %add3A_1892 = arith.constant 63 : i32
      %add3A_1893 = arith.addi %mul3A_159, %add3A_1892 : i32
      %broadcast_in_dim3A_1894 = vector.broadcast %add3A_1893 : i32 to vector<16xi32>
      %gather3A_1895 = tpu.vector_load_idx %arg6[%broadcast_in_dim3A_1894, %add3A_179] : memref<256x72xf32, #tpu.memory_space<vmem>>[vector<16xi32>, vector<16xi32>], vector<16xf32>,
      %swap3A_1896 = arith.constant 63 : i32
      %swap3A_1897 = arith.index_cast %select_n3A_175 : i32 to index
      %swap3A_1898 = arith.index_cast %swap3A_1896 : i32 to index
      %swap3A_1899 = arith.constant 0 : index
      %swap3A_1900 = tpu.vector_load %arg7[%swap3A_1897, %swap3A_1898, %swap3A_1899] {strides = array<i32>} : memref<2x64x64xf32, #tpu.memory_space<vmem>>, vector<16xf32>,
      tpu.vector_store %arg7[%swap3A_1897, %swap3A_1898, %swap3A_1899], %gather3A_1895 {strides = array<i32>} : memref<2x64x64xf32, #tpu.memory_space<vmem>>, vector<16xf32>,
      %gather3A_1901 = tpu.vector_load_idx %arg6[%broadcast_in_dim3A_1894, %add3A_183] : memref<256x72xf32, #tpu.memory_space<vmem>>[vector<16xi32>, vector<16xi32>], vector<16xf32>,
      %swap3A_1902 = arith.constant 63 : i32
      %swap3A_1903 = arith.index_cast %select_n3A_175 : i32 to index
      %swap3A_1904 = arith.index_cast %swap3A_1902 : i32 to index
      %swap3A_1905 = arith.constant 16 : index
      %swap3A_1906 = tpu.vector_load %arg7[%swap3A_1903, %swap3A_1904, %swap3A_1905] {strides = array<i32>} : memref<2x64x64xf32, #tpu.memory_space<vmem>>, vector<16xf32>,
      tpu.vector_store %arg7[%swap3A_1903, %swap3A_1904, %swap3A_1905], %gather3A_1901 {strides = array<i32>} : memref<2x64x64xf32, #tpu.memory_space<vmem>>, vector<16xf32>,
      %gather3A_1907 = tpu.vector_load_idx %arg6[%broadcast_in_dim3A_1894, %add3A_187] : memref<256x72xf32, #tpu.memory_space<vmem>>[vector<16xi32>, vector<16xi32>], vector<16xf32>,
      %swap3A_1908 = arith.constant 63 : i32
      %swap3A_1909 = arith.index_cast %select_n3A_175 : i32 to index
      %swap3A_1910 = arith.index_cast %swap3A_1908 : i32 to index
      %swap3A_1911 = arith.constant 32 : index
      %swap3A_1912 = tpu.vector_load %arg7[%swap3A_1909, %swap3A_1910, %swap3A_1911] {strides = array<i32>} : memref<2x64x64xf32, #tpu.memory_space<vmem>>, vector<16xf32>,
      tpu.vector_store %arg7[%swap3A_1909, %swap3A_1910, %swap3A_1911], %gather3A_1907 {strides = array<i32>} : memref<2x64x64xf32, #tpu.memory_space<vmem>>, vector<16xf32>,
      %gather3A_1913 = tpu.vector_load_idx %arg6[%broadcast_in_dim3A_1894, %add3A_191] : memref<256x72xf32, #tpu.memory_space<vmem>>[vector<16xi32>, vector<16xi32>], vector<16xf32>,
      %swap3A_1914 = arith.constant 63 : i32
      %swap3A_1915 = arith.index_cast %select_n3A_175 : i32 to index
      %swap3A_1916 = arith.index_cast %swap3A_1914 : i32 to index
      %swap3A_1917 = arith.constant 48 : index
      %swap3A_1918 = tpu.vector_load %arg7[%swap3A_1915, %swap3A_1916, %swap3A_1917] {strides = array<i32>} : memref<2x64x64xf32, #tpu.memory_space<vmem>>, vector<16xf32>,
      tpu.vector_store %arg7[%swap3A_1915, %swap3A_1916, %swap3A_1917], %gather3A_1913 {strides = array<i32>} : memref<2x64x64xf32, #tpu.memory_space<vmem>>, vector<16xf32>,
      %add3A_1919 = arith.addi %mul3A_2, %scan3A_97 : i32
      %dma_start3A_1920 = arith.constant 0 : i32
      %dma_start3A_1921 = arith.constant 0 : i32
      %dma_start3A_1922 = tpu.memref_slice %arg7[%select_n3A_175, %dma_start3A_1920, %dma_start3A_1921] : memref<2x64x64xf32, #tpu.memory_space<vmem>> -> memref<1x64x64xf32, #tpu.memory_space<vmem>>
      %dma_start3A_1923 = tpu.memref_squeeze %dma_start3A_1922 : memref<1x64x64xf32, #tpu.memory_space<vmem>> -> memref<64x64xf32, #tpu.memory_space<vmem>>
      %dma_start3A_1924 = arith.constant 0 : i32
      %dma_start3A_1925 = arith.constant 0 : i32
      %dma_start3A_1926 = tpu.memref_slice %arg4[%add3A_1919, %dma_start3A_1924, %dma_start3A_1925] : memref<8192x64x64xf32, #tpu.memory_space<hbm>> -> memref<1x64x64xf32, #tpu.memory_space<hbm>>
      %dma_start3A_1927 = tpu.memref_squeeze %dma_start3A_1926 : memref<1x64x64xf32, #tpu.memory_space<hbm>> -> memref<64x64xf32, #tpu.memory_space<hbm>>
      %dma_start3A_1928 = arith.constant 0 : i32
      %dma_start3A_1929 = arith.constant 0 : i32
      %dma_start3A_1930 = tpu.memref_slice %arg4[%add3A_1919, %dma_start3A_1928, %dma_start3A_1929] : memref<8192x64x64xf32, #tpu.memory_space<hbm>> -> memref<1x64x64xf32, #tpu.memory_space<hbm>>
      %dma_start3A_1931 = tpu.memref_squeeze %dma_start3A_1930 : memref<1x64x64xf32, #tpu.memory_space<hbm>> -> memref<64x64xf32, #tpu.memory_space<hbm>>
      %dma_start3A_1932 = arith.constant 0 : i32
      %dma_start3A_1933 = arith.constant 0 : i32
      %dma_start3A_1934 = tpu.memref_slice %arg7[%select_n3A_175, %dma_start3A_1932, %dma_start3A_1933] : memref<2x64x64xf32, #tpu.memory_space<vmem>> -> memref<1x64x64xf32, #tpu.memory_space<vmem>>
      %dma_start3A_1935 = tpu.memref_squeeze %dma_start3A_1934 : memref<1x64x64xf32, #tpu.memory_space<vmem>> -> memref<64x64xf32, #tpu.memory_space<vmem>>
      tpu.enqueue_dma source(%dma_start3A_1935 : memref<64x64xf32, #tpu.memory_space<vmem>>) target(%dma_start3A_1931 : memref<64x64xf32, #tpu.memory_space<hbm>>) target_semaphore(%arg9 : memref<!tpu.dma_semaphore, #tpu.memory_space<semaphore_mem>>)
      %scan3A_1936 = arith.constant 0 : i32
      scf.yield %scan3A_1936 : i32
    }
    %scan3A_61 = arith.constant 256 : i32
    %dma_wait3A = arith.constant 0 : i32
    %dma_wait3A_62 = arith.constant 0 : i32
    %dma_wait3A_63 = arith.constant 0 : i32
    %dma_wait3A_64 = arith.constant 0 : i32
    %dma_wait3A_65 = tpu.memref_slice %arg7[%dma_wait3A, %dma_wait3A_63, %dma_wait3A_64] : memref<2x64x64xf32, #tpu.memory_space<vmem>> -> memref<1x64x64xf32, #tpu.memory_space<vmem>>
    %dma_wait3A_66 = tpu.memref_squeeze %dma_wait3A_65 : memref<1x64x64xf32, #tpu.memory_space<vmem>> -> memref<64x64xf32, #tpu.memory_space<vmem>>
    %dma_wait3A_67 = arith.constant 0 : i32
    %dma_wait3A_68 = arith.constant 0 : i32
    %dma_wait3A_69 = tpu.memref_slice %arg4[%dma_wait3A_62, %dma_wait3A_67, %dma_wait3A_68] : memref<8192x64x64xf32, #tpu.memory_space<hbm>> -> memref<1x64x64xf32, #tpu.memory_space<hbm>>
    %dma_wait3A_70 = tpu.memref_squeeze %dma_wait3A_69 : memref<1x64x64xf32, #tpu.memory_space<hbm>> -> memref<64x64xf32, #tpu.memory_space<hbm>>
    %dma_wait3A_71 = arith.constant 0 : i32
    %dma_wait3A_72 = arith.constant 0 : i32
    %dma_wait3A_73 = tpu.memref_slice %arg4[%dma_wait3A_62, %dma_wait3A_71, %dma_wait3A_72] : memref<8192x64x64xf32, #tpu.memory_space<hbm>> -> memref<1x64x64xf32, #tpu.memory_space<hbm>>
    %dma_wait3A_74 = tpu.memref_squeeze %dma_wait3A_73 : memref<1x64x64xf32, #tpu.memory_space<hbm>> -> memref<64x64xf32, #tpu.memory_space<hbm>>
    %dma_wait3A_75 = arith.constant 0 : i32
    %dma_wait3A_76 = arith.constant 0 : i32
    %dma_wait3A_77 = tpu.memref_slice %arg7[%dma_wait3A, %dma_wait3A_75, %dma_wait3A_76] : memref<2x64x64xf32, #tpu.memory_space<vmem>> -> memref<1x64x64xf32, #tpu.memory_space<vmem>>
    %dma_wait3A_78 = tpu.memref_squeeze %dma_wait3A_77 : memref<1x64x64xf32, #tpu.memory_space<vmem>> -> memref<64x64xf32, #tpu.memory_space<vmem>>
    tpu.wait_dma2 semaphore(%arg9 : memref<!tpu.dma_semaphore, #tpu.memory_space<semaphore_mem>>) src(%dma_wait3A_78 : memref<64x64xf32, #tpu.memory_space<vmem>>) dst(%dma_wait3A_74 : memref<64x64xf32, #tpu.memory_space<hbm>>)
    %dma_wait3A_79 = arith.constant 0 : i32
    %dma_wait3A_80 = arith.constant 0 : i32
    %dma_wait3A_81 = arith.constant 0 : i32
    %dma_wait3A_82 = arith.constant 0 : i32
    %dma_wait3A_83 = tpu.memref_slice %arg7[%dma_wait3A_79, %dma_wait3A_81, %dma_wait3A_82] : memref<2x64x64xf32, #tpu.memory_space<vmem>> -> memref<1x64x64xf32, #tpu.memory_space<vmem>>
    %dma_wait3A_84 = tpu.memref_squeeze %dma_wait3A_83 : memref<1x64x64xf32, #tpu.memory_space<vmem>> -> memref<64x64xf32, #tpu.memory_space<vmem>>
    %dma_wait3A_85 = arith.constant 0 : i32
    %dma_wait3A_86 = arith.constant 0 : i32
    %dma_wait3A_87 = tpu.memref_slice %arg4[%dma_wait3A_80, %dma_wait3A_85, %dma_wait3A_86] : memref<8192x64x64xf32, #tpu.memory_space<hbm>> -> memref<1x64x64xf32, #tpu.memory_space<hbm>>
    %dma_wait3A_88 = tpu.memref_squeeze %dma_wait3A_87 : memref<1x64x64xf32, #tpu.memory_space<hbm>> -> memref<64x64xf32, #tpu.memory_space<hbm>>
    %dma_wait3A_89 = arith.constant 0 : i32
    %dma_wait3A_90 = arith.constant 0 : i32
    %dma_wait3A_91 = tpu.memref_slice %arg4[%dma_wait3A_80, %dma_wait3A_89, %dma_wait3A_90] : memref<8192x64x64xf32, #tpu.memory_space<hbm>> -> memref<1x64x64xf32, #tpu.memory_space<hbm>>
    %dma_wait3A_92 = tpu.memref_squeeze %dma_wait3A_91 : memref<1x64x64xf32, #tpu.memory_space<hbm>> -> memref<64x64xf32, #tpu.memory_space<hbm>>
    %dma_wait3A_93 = arith.constant 0 : i32
    %dma_wait3A_94 = arith.constant 0 : i32
    %dma_wait3A_95 = tpu.memref_slice %arg7[%dma_wait3A_79, %dma_wait3A_93, %dma_wait3A_94] : memref<2x64x64xf32, #tpu.memory_space<vmem>> -> memref<1x64x64xf32, #tpu.memory_space<vmem>>
    %dma_wait3A_96 = tpu.memref_squeeze %dma_wait3A_95 : memref<1x64x64xf32, #tpu.memory_space<vmem>> -> memref<64x64xf32, #tpu.memory_space<vmem>>
    tpu.wait_dma2 semaphore(%arg9 : memref<!tpu.dma_semaphore, #tpu.memory_space<semaphore_mem>>) src(%dma_wait3A_96 : memref<64x64xf32, #tpu.memory_space<vmem>>) dst(%dma_wait3A_92 : memref<64x64xf32, #tpu.memory_space<hbm>>)
    return
  }
}

</mosaic_0001>

<sc_bundles>
// kernel: kernel.3.cloned.1.call-start
scs
__scs_entry_jumppad:
0x0: {  	(pc) =	sbr.rel $0x88, $3  }
0x1: {  	(tag) =	ssettag $0x0;
	lr =	simm.s32 $0x1  }
0x2: {  	[smem:$0x3F9F] =	sst lr;
	_ =	strace $0xD0000000  }
0x3: {  	_ = 	snop  }
0x4: {  	_ = 	snop  }
0x5: {  	_ = 	snop  }
0x6: {  	_ = 	snop  }
0x7: {  	_ = 	snop  }
__scs_overlays_trampoline_lowered:
0x8: {  	[smem:$0x3FAE] =	sst s0  }
0x9: {  	[smem:$0x3FAF] =	sst s1  }
0xa: {  	[smem:$0x3FB0] =	sst s2  }
0xb: {  	[smem:$0x3FB1] =	sst s3  }
0xc: {  	[smem:$0x3FB2] =	sst s4  }
0xd: {  	[smem:$0x3FB3] =	sst s5  }
0xe: {  	[smem:$0x3FB4] =	sst s6  }
0xf: {  	[smem:$0x3FB5] =	sst s7  }
0x10: {  	[smem:$0x3FB6] =	sst s8  }
0x11: {  	[smem:$0x3FB7] =	sst s9;
	s0 =	simm.s32 @!p0 $0x0  }
0x12: {  	s1 =	sld [smem:$0x3F9D];
	s0 =	simm.s32 @p0 $0x1  }
0x13: {  	[smem:$0x3FB8] =	sst s0;
	s0 =	simm.s32 @!p1 $0x0  }
0x14: {  	s2 =	sld [smem:$0x3F9C];
	s0 =	simm.s32 @p1 $0x1  }
0x15: {  	[smem:$0x3FB9] =	sst s0;
	s0 =	simm.s32 @!p2 $0x0  }
0x16: {  	s3 =	sld [smem:$0x3FDB];
	s0 =	simm.s32 @p2 $0x1  }
0x17: {  	s4 =	simm.s32 $0x1BF5;
	[smem:$0x3FBB] =	sst s0  }
0x18: {  	s0 =	sld [smem:$0x3F9E];
	_ =	swait.ge [sflag:s4], $0x0  }
0x19: {  	s7 =	sld [smem:$0x3F9F]  }
0x1a: {  	s8 =	sadd.s32 $0xFFFFE003, lr  }
0x1b: {  	s9 =	sadd.s32 $0xFFFFFEF7, lr;
	s5 =	simm.s32 $0xFFFFFFFF;
	p2 =	slt.u32 s8, $0xFFFFF086  }
0x1c: {  	p1 =	slt.u32 s9, $0xF7A;
	s5 =	simm.s32 @!p2 $0x0  }
0x1d: {  	s5 =	simm.s32 @p1 $0x1;
	p0 =	seq.s32 s7, s2  }
0x1e: {  	s7 =	smul.u32 @!p0 $0xF7A, s2;
	p2 =	seq.s32 @!p0 s5, $0x0  }
0x1f: {  	s9 =	smul.u32 $0xF7A, s1;
	s8 =	simm.s32 @!p0 $0x1BF5;
	p2 =	por !p2, p0  }
0x20: {  	[sflag:s8] =	ssyncset.s32 @!p0 $0xFFFFF086;
	s6 =	sadd.s32 @!p0 s3, s7;
	s7 =	simm.s32 @!p0 $0x108  }
0x21: {  	s3 =	sadd.s32 s3, s9;
	s6 =	sadd.s32 @!p0 $0x88, s6;
	s7 =	simm.s32 @p2 $0x1082  }
0x22: {  	[simem:s7], [sflag:s8] =	dma.local @!p0 [hbm:s6], $0xF7A  }
0x23: {  	s9 =	sor.u32 $0xD0000000, s2;
	s6 =	simm.s32 $0x108;
	_ =	swait.ge @!p0 [sflag:s8], $0x0  }
0x24: {  	s3 =	sadd.s32 $0x88, s3;
	s6 =	simm.s32 @!p1 $0x1082;
	[sflag:s4] =	ssyncset.s32 $0xFFFFF086  }
0x25: {  	[simem:s6], [sflag:s4] =	dma.local [hbm:s3], $0xF7A  }
0x26: {  	[smem:$0x3F9F] =	sst s1;
	(tag) =	ssettag s2;
	_ =	strace s9  }
0x27: {  	s1 =	sld [smem:$0x3FAF]  }
0x28: {  	s2 =	sld [smem:$0x3FB0]  }
0x29: {  	s4 =	sld [smem:$0x3FB2]  }
0x2a: {  	p0 =	seq.s32 s5, $0x0;
	s5 =	sld [smem:$0x3FB3]  }
0x2b: {  	s6 =	sld [smem:$0x3FB4]  }
0x2c: {  	s7 =	sld [smem:$0x3FB5]  }
0x2d: {  	s3 =	simm.s32 $0x108;
	s8 =	sld [smem:$0x3FB6]  }
0x2e: {  	s3 =	simm.s32 @!p0 $0x1082;
	s9 =	sld [smem:$0x3FB7]  }
0x2f: {  	lr =	sadd.s32 s0, s3;
	s0 =	sld [smem:$0x3FAE]  }
0x30: {  	s3 =	sld [smem:$0x3FB1]  }
0x31: {  	[smem:$0x3FBA] =	sst s10  }
0x32: {  	s10 =	sld [smem:$0x3FB8];
	_ =	sdelay $0x3  }
0x33: {  	p0 =	seq.s32 s10, $0x1;
	s10 =	sld [smem:$0x3FBA];
	_ =	sdelay $0x3  }
0x34: {  	[smem:$0x3FBA] =	sst s10  }
0x35: {  	s10 =	sld [smem:$0x3FB9];
	_ =	sdelay $0x3  }
0x36: {  	p1 =	seq.s32 s10, $0x1;
	s10 =	sld [smem:$0x3FBA];
	_ =	sdelay $0x3  }
0x37: {  	[smem:$0x3FBA] =	sst s10  }
0x38: {  	s10 =	sld [smem:$0x3FBB]  }
0x39: {  	_ = 	snop;
	(pc) =	sbr.ind lr, $3  }
0x3a: {  	_ = 	snop  }
0x3b: {  	_ = 	snop  }
0x3c: {  	p2 =	seq.s32 s10, $0x1;
	s10 =	sld [smem:$0x3FBA]  }
0x3d: {  	_ =	shalt  }
0x3e: {  	_ =	shalt  }
0x3f: {  	_ =	shalt  }
0x40: {  	_ =	shalt  }
0x41: {  	_ =	shalt  }
0x42: {  	_ =	shalt  }
0x43: {  	_ =	shalt  }
0x44: {  	_ =	shalt  }
0x45: {  	_ =	shalt  }
0x46: {  	_ =	shalt  }
0x47: {  	_ =	shalt  }
0x48: {  	_ =	shalt  }
0x49: {  	_ =	shalt  }
0x4a: {  	_ =	shalt  }
0x4b: {  	_ =	shalt  }
0x4c: {  	_ =	shalt  }
0x4d: {  	_ =	shalt  }
0x4e: {  	_ =	shalt  }
0x4f: {  	_ =	shalt  }
0x50: {  	_ =	shalt  }
0x51: {  	_ =	shalt  }
0x52: {  	_ =	shalt  }
0x53: {  	_ =	shalt  }
0x54: {  	_ =	shalt  }
0x55: {  	_ =	shalt  }
0x56: {  	_ =	shalt  }
0x57: {  	_ =	shalt  }
0x58: {  	_ =	shalt  }
0x59: {  	_ =	shalt  }
0x5a: {  	_ =	shalt  }
0x5b: {  	_ =	shalt  }
0x5c: {  	_ =	shalt  }
0x5d: {  	_ =	shalt  }
0x5e: {  	_ =	shalt  }
0x5f: {  	_ =	shalt  }
0x60: {  	_ =	shalt  }
0x61: {  	_ =	shalt  }
0x62: {  	_ =	shalt  }
0x63: {  	_ =	shalt  }
0x64: {  	_ =	shalt  }
0x65: {  	_ =	shalt  }
0x66: {  	_ =	shalt  }
0x67: {  	_ =	shalt  }
0x68: {  	_ =	shalt  }
0x69: {  	_ =	shalt  }
0x6a: {  	_ =	shalt  }
0x6b: {  	_ =	shalt  }
0x6c: {  	_ =	shalt  }
0x6d: {  	_ =	shalt  }
0x6e: {  	_ =	shalt  }
0x6f: {  	_ =	shalt  }
0x70: {  	_ =	shalt  }
0x71: {  	_ =	shalt  }
0x72: {  	_ =	shalt  }
0x73: {  	_ =	shalt  }
0x74: {  	_ =	shalt  }
0x75: {  	_ =	shalt  }
0x76: {  	_ =	shalt  }
0x77: {  	_ =	shalt  }
0x78: {  	_ =	shalt  }
0x79: {  	_ =	shalt  }
0x7a: {  	_ =	shalt  }
0x7b: {  	_ =	shalt  }
0x7c: {  	_ =	shalt  }
0x7d: {  	_ =	shalt  }
0x7e: {  	_ =	shalt  }
0x7f: {  	_ =	shalt  }
0x80: {  	_ =	shalt  }
0x81: {  	_ =	shalt  }
0x82: {  	_ =	shalt  }
0x83: {  	_ =	shalt  }
0x84: {  	_ =	shalt  }
0x85: {  	_ =	shalt  }
0x86: {  	_ =	shalt  }
0x87: {  	_ =	shalt  }
.Lfunc_end0:
.L_simem_size_0:
called_computation.2_lowered:
.L_overlay_start_0:
0x88: {  	s2 =	sld [smem:$0x3FD9]  }
0x89: {  	s3 =	sld [smem:$0x3FFE];
	_ =	sdelay $0x1  }
0x8a: {  	s1 =	srdreg.scid  }
0x8b: {  	s0 =	sand.u32 $0x1, s1  }
0x8c: {  	s17 =	sshll.u32 s0, $0xA;
	s2 =	sadd.s32 s3, s2  }
0x8d: {  	s2 =	sadd.s32 s2, s17  }
0x8e: {  	[smem:$0x3FC6] =	sst s2  }
0x8f: {  	_ = 	snop  }
0x90: {  	s2 =	sld [smem:$0x3FD0];
	(tm) =	ssettm $0x1  }
0x91: {  	s18 =	sld [smem:$0x3FFB];
	_ =	sdelay $0x3  }
0x92: {  	_ =	strace s18  }
0x93: {  	s3 =	sld [smem:$0x3FFC];
	_ =	sdelay $0x3  }
0x94: {  	_ =	strace s3  }
0x95: {  	s3 =	sld [smem:$0x3FFD];
	_ =	sdelay $0x3  }
0x96: {  	_ =	strace s3  }
0x97: {  	_ =	strace $0x8FFFFFFF  }
0x98: {  	s19 =	sld [smem:$0x3FDB];
	_ =	sdelay $0x1  }
0x99: {  	s4 =	simm.s32 $_scs_section_size  }
0x9a: {  	s5 =	simm.s32 $_size__tile_overlayer_lowered;
	s6 =	simm.s32 $_tile_overlayer_lowered  }
0x9b: {  	s22 =	simm.s32 $0x1BFF;
	s21 =	sshll.u32 s6, $0x1;
	s3 =	sadd.s32 s4, s19  }
0x9c: {  	s7 =	simm.s32 $0x0;
	s20 =	sshll.u32 s5, $0x1;
	s5 =	sadd.s32 s21, s3  }
0x9d: {  	[timem:s7], [sflag:s22] =	dma.local [hbm:s5], s20  }
0x9e: {  	_ =	swait.ge [sflag:s22], s20  }
0x9f: {  	s4 =	ssub.s32 $0x0, s20;
	[sflag:s22] =	ssyncset.done $0x0  }
0xa0: {  	[sflag:s22] =	ssyncadd.s32 s4;
	_ =	sdelay $0x1  }
0xa1: {  	s23 =	simm.s32 $0x1B8B  }
0xa2: {  	_ =	swait.ge [sflag:s23], $0x1  }
0xa3: {  	[sflag:s23] =	ssyncset.done $0x0  }
0xa4: {  	s25 =	simm.s32 $0x1B8E;
	s24 =	sld [smem:$0x3FFE];
	[sflag:s23] =	ssyncadd.s32 $0xFFFFFFFF  }
0xa5: {  	s26 =	simm.s32 $execute0_lowered;
	[smem:$0x3FD2] =	sst s25  }
0xa6: {  	s5 =	sshll.u32 s26, $0x1;
	_ =	strace $0x80000049;
	[dreg:$0x1] =	wrdreg $0xFFFFFFFF  }
0xa7: {  	s28 =	simm.s32 $_size_execute0_lowered;
	s3 =	sadd.s32 s3, s5;
	[dreg:$0x0] =	wrdreg $0x0  }
0xa8: {  	s5 =	sshll.u32 s28, $0x1;
	[dreg:$0x2] =	wrdreg s3  }
0xa9: {  	[dreg:$0x3] =	wrdreg s5  }
0xaa: {  	[dreg:$0x4] =	wrdreg $0xC0  }
0xab: {  	_ =	task [dreg:s7], $0x5FFFF  }
0xac: {  	[dreg:$0x1] =	wrdreg $0xFFFFFFFF  }
0xad: {  	[dreg:$0x0] =	wrdreg $0x60  }
0xae: {  	[dreg:$0x2] =	wrdreg s24  }
0xaf: {  	[dreg:$0x3] =	wrdreg s2  }
0xb0: {  	[dreg:$0x4] =	wrdreg $0x9  }
0xb1: {  	_ =	task.clear_ibuf [dreg:s7], $0x5FFFF;
	_ =	strace $0x90000049  }
0xb2: {  	s29 =	simm.s32 $0x9;
	_ =	strace $0x8000004B  }
0xb3: {  	_ =	swait.ge [sflag:s29], $0x1  }
0xb4: {  	[sflag:s29] =	ssyncadd.s32 $0xFFFFFFFF  }
0xb5: {  	_ =	strace $0x9000004B  }
0xb6: {  	_ =	sfence  }
0xb7: {  	s30 =	sld [smem:$0x0];
	_ =	sdelay $0x2  }
0xb8: {  	s31 =	sshll.u32 s1, $0xD;
	s1 =	sshrl.u32 s1, $0x2  }
0xb9: {  	s3 =	sand.u32 $0x4000, s31;
	s1 =	sadd.s32 s1, s30  }
0xba: {  	s0 =	sor.u32 s3, s0;
	s1 =	sshll.u32 s1, $0x11  }
0xbb: {  	s0 =	sor.u32 s1, s0  }
0xbc: {  	s0 =	sadd.s32 $0x8F2B, s0  }
0xbd: {  	[sflag:s0] =	ssyncadd.remote.s32 $0x1  }
0xbe: {  	_ =	sfence.sel $0xFFFF  }
0xbf: {  	[dreg:$0x0] =	wrdreg $0xFFFFFFFF;
	(pc) =	sbr.abs _section_cstart, $3  }
0xc0: {  	[dreg:$0x1] =	wrdreg $0xFFFFFFFF  }
0xc1: {  	_ =	task.clear_ibuf [dreg:s7], $0x2FFFF;
	_ =	strace $0x9FFFFFFF  }
0xc2: {  	(tm) =	ssettm $0x7FFFFFFF  }
0xc3: {  	_ =	shalt  }
tec
execute0_lowered:
.L_overlay_start_1:
0x0: {  	(tag) =	ssettag $0x1  }
0x1: {  	s4 =	rddreg [dreg:$0x0]  }
0x2: {  	s5 =	rddreg [dreg:$0x1]  }
0x3: {  	s0 =	rddreg [dreg:$0x2];
	s2 =	simm.s32 $0x0;
	s3 =	srdreg.scid  }
0x4: {  	s1 =	stileid.u32;
	s10 =	simm.s32 $0x200;
	s11 =	simm.s32 $0x1400  }
0x5: {  	s12 =	simm.s32 $0x2600;
	s13 =	simm.s32 $0x1;
	s14 =	simm.s32 $0x2  }
0x6: {  	s15 =	simm.s32 $0x0;
	[smem:$0x7FF] =	sst s2;
	s6 =	sand.u32 $0x1, s3  }
0x7: {  	s7 =	sshll.u32 s1, $0x7;
	s3 =	sadd.s32 $0xE00, s4;
	s9 =	sshll.u32 s1, $0x12  }
0x8: {  	_ =	strace $0x8000004A;
	s8 =	sshll.u32 s6, $0x6;
	s29 =	ssub.s32 $0x2, s6  }
0x9: {  	s31 =	sadd.s32 s9, s5;
	s6 =	sshll.u32 s6, $0x11;
	s9 =	simm.s32 $0x1000  }
0xa: {  	v0 =	vlaneseq.u32;
	s7 =	sor.u32 s8, s7;
	s30 =	sshrl.u32 s29, $0x1;
	s6 =	sadd.s32 s6, s31  }
0xb: {  	v1 =	vadd.s32 $0x2, v0;
	v2 =	vadd.s32 $0x4, v0;
	s8 =	simm.s32 $0x48;
	s4 =	sadd.s32 s7, s4;
	s7 =	ssub.s32 s29, s30  }
0xc: {  	v3 =	vor.u32 $0x10, v0;
	v4 =	vor.u32 $0x20, v0;
	v5 =	vor.u32 $0x30, v0;
	s4 =	sadd.s32 $0x200E00, s4;
	s5 =	smax.u32 s7, $0x1;
	s7 =	simm.s32 $0x3  }
.LBB2_1:
0xd: {  	[tilespmem:s2], [sflag:$0x3] =	stream.linear.gather [hbm4b:s4+s2], $0x200, $0x38;
	[tilespmem:$0x6A00] =	vst v63  }
0xe: {  	_ =	swait.ge [sflag:s7], $0x200  }
0xf: {  	[sflag:s7] =	ssyncset.done $0x0  }
0x10: {  	[sflag:s7] =	ssyncadd.s32 $0xFFFFFE00  }
0x11: {  	v6 =	vld.idx.msk [tilespmem:v0+s2+$0x0], $0xffff;
	_ =	sdelay $0x4  }
0x12: {  	(v2sf) =	vpush v6, $0x0  }
0x13: {  	(v2sf) =	vpush v6, $0x1;
	_ =	sdelay $0xd  }
0x14: {  	s16 =	spop (v2sf)  }
0x15: {  	s17 =	spop (v2sf)  }
0x16: {  	s16 =	sshll.u32 s16, $0xC;
	s17 =	sand.u32 $0xFFFFFFF8, s17  }
0x17: {  	s16 =	sadd.s32 s17, s16  }
0x18: {  	s16 =	sshrl.u32 s16, $0x3  }
0x19: {  	s16 =	sadd.s32 s3, s16  }
0x1a: {  	[tilespmem:s10], [sflag:$0x1] =	stream.strided.gather [hbm4b:s16+s8], $0x1200, s9, s8, $0x38;
	[tilespmem:$0x6A00] =	vst v63  }
0x1b: {  	v6 =	vld.idx.msk [tilespmem:v1+s2+$0x0], $0xffff;
	_ =	sdelay $0x4  }
0x1c: {  	(v2sf) =	vpush v6, $0x0  }
0x1d: {  	(v2sf) =	vpush v6, $0x1;
	_ =	sdelay $0xd  }
0x1e: {  	s28 =	spop (v2sf)  }
0x1f: {  	s29 =	spop (v2sf)  }
0x20: {  	s16 =	sshll.u32 s28, $0xC;
	s17 =	sand.u32 $0xFFFFFFF8, s29  }
0x21: {  	s16 =	sadd.s32 s17, s16  }
0x22: {  	s16 =	sshrl.u32 s16, $0x3  }
0x23: {  	s16 =	sadd.s32 s3, s16  }
0x24: {  	[tilespmem:s11], [sflag:$0x1] =	stream.strided.gather [hbm4b:s16+s8], $0x1200, s9, s8, $0x38;
	[tilespmem:$0x6A00] =	vst v63  }
0x25: {  	v6 =	vld.idx.msk [tilespmem:v2+s2+$0x0], $0xffff;
	_ =	sdelay $0x4  }
0x26: {  	(v2sf) =	vpush v6, $0x0  }
0x27: {  	(v2sf) =	vpush v6, $0x1;
	_ =	sdelay $0xd  }
0x28: {  	s30 =	spop (v2sf)  }
0x29: {  	s31 =	spop (v2sf)  }
0x2a: {  	s16 =	sshll.u32 s30, $0xC;
	s17 =	sand.u32 $0xFFFFFFF8, s31  }
0x2b: {  	s16 =	sadd.s32 s17, s16  }
0x2c: {  	s16 =	sshrl.u32 s16, $0x3  }
0x2d: {  	s18 =	smov.u32 s6;
	s19 =	simm.s32 $0x0;
	s16 =	sadd.s32 s3, s16  }
0x2e: {  	[tilespmem:s12], [sflag:$0x1] =	stream.strided.gather [hbm4b:s16+s8], $0x1200, s9, s8, $0x38;
	[tilespmem:$0x6A00] =	vst v63  }
0x2f: {  	s20 =	simm.s32 $0x0;
	s17 =	simm.s32 $0x0;
	s16 =	simm.s32 $0xC0  }
.LBB2_2:
0x30: {  	p0 =	sgt.u32 s20, $0xFC  }
0x31: {  	s21 =	sadd.s32 @!p0 $0x6, s19;
	v6 =	vlaneseq.u32 @!p0  }
0x32: {  	v6 =	vadd.s32 @!p0 s21, v6;
	_ =	sdelay $0x3  }
0x33: {  	s21 =	simm.s32 @!p0 $0x0  }
0x34: {  	v6 =	vld.idx.msk @!p0 [tilespmem:v6+s21+$0x0], $0xffff;
	_ =	sdelay $0x4  }
0x35: {  	(v2sf) =	vpush @!p0 v6, $0x0  }
0x36: {  	(v2sf) =	vpush @!p0 v6, $0x1;
	_ =	sdelay $0xd  }
0x37: {  	s21 =	spop @!p0 (v2sf)  }
0x38: {  	s22 =	sand.u32 @!p0 $0xC0, s16;
	s23 =	spop @!p0 (v2sf)  }
0x39: {  	s22 =	smul.u32 @!p0 $0x120, s22;
	s21 =	sshll.u32 @!p0 s21, $0xC;
	s23 =	sand.u32 @!p0 $0xFFFFFFF8, s23  }
0x3a: {  	s21 =	sadd.s32 @!p0 s23, s21  }
0x3b: {  	s24 =	simm.s32 @!p0 $0x1000;
	s22 =	sshrl.u32 @!p0 s22, $0x2;
	s21 =	sshrl.u32 @!p0 s21, $0x3  }
0x3c: {  	s22 =	sadd.s32 @!p0 $0x200, s22;
	s23 =	simm.s32 @!p0 $0x48;
	s21 =	sadd.s32 @!p0 s3, s21  }
0x3d: {  	[tilespmem:s22], [sflag:$0x1] =	stream.strided.gather @!p0 [hbm4b:s21+s23], $0x1200, s24, s23, $0x38;
	[tilespmem:$0x6A00] =	vst v63  }
0x3e: {  	_ =	swait.ge [sflag:s13], $0x1200  }
0x3f: {  	v6 =	vadd.s32 s19, v0;
	p0 =	slt.u32 s20, $0x2;
	[sflag:s13] =	ssyncset.done $0x0  }
0x40: {  	s21 =	simm.s32 @!p0 $0x2;
	[sflag:s13] =	ssyncadd.s32 $0xFFFFEE00  }
0x41: {  	_ =	swait.ge @!p0 [sflag:s21], $0x1000  }
0x42: {  	[sflag:s21] =	ssyncset.done @!p0 $0x0  }
0x43: {  	[sflag:s21] =	ssyncadd.s32 @!p0 $0xFFFFF000  }
0x44: {  	v6 =	vld.idx.msk [tilespmem:v6+s2+$0x0], $0xffff;
	_ =	sdelay $0x1  }
0x45: {  	s23 =	sadd.s32 $0xFFFFFF40, s16  }
0x46: {  	s22 =	sand.u32 $0xC0, s23  }
0x47: {  	v7 =	vmov s22  }
0x48: {  	v7 =	vmul.u32 $0x48, v7;
	v6 =	vand.u32 $0x7, v6  }
0x49: {  	v6 =	vbroadcast v6, $0x1  }
0x4a: {  	v7 =	vbroadcast v7, $0x0  }
0x4b: {  	v14 =	vadd.s32 v0, v6  }
0x4c: {  	v8 =	vor.u32 v7, v14;
	_ =	sdelay $0x4  }
0x4d: {  	v15 =	vadd.s32 v3, v6;
	v8 =	vld.idx.msk [tilespmem:v8+s10+$0x0], $0xffff  }
0x4e: {  	v9 =	vor.u32 v7, v15;
	_ =	sdelay $0x2  }
0x4f: {  	s21 =	sand.u32 $0x1000, s17  }
0x50: {  	[tilespmem:s21+$0x4A00] =	vst v8  }
0x51: {  	v16 =	vadd.s32 v4, v6;
	v8 =	vld.idx.msk [tilespmem:v9+s10+$0x0], $0xffff  }
0x52: {  	v21 =	vor.u32 v7, v16;
	_ =	sdelay $0x3  }
0x53: {  	[tilespmem:s21+$0x4A10] =	vst v8  }
0x54: {  	s24 =	sor.u32 $0x1, s22;
	v17 =	vadd.s32 v5, v6;
	v8 =	vld.idx.msk [tilespmem:v21+s10+$0x0], $0xffff  }
0x55: {  	v6 =	vmov s24;
	v22 =	vor.u32 v7, v17  }
0x56: {  	v6 =	vmul.u32 $0x48, v6;
	_ =	sdelay $0x1  }
0x57: {  	v18 =	vbroadcast v6, $0x0  }
0x58: {  	v6 =	vand.u32 $0x18, v14;
	[tilespmem:s21+$0x4A20] =	vst v8  }
0x59: {  	v7 =	vand.u32 $0x7, v14;
	v23 =	vadd.s32 v18, v6;
	v9 =	vld.idx.msk [tilespmem:v22+s10+$0x0], $0xffff  }
0x5a: {  	v10 =	vor.u32 v7, v23;
	_ =	sdelay $0x3  }
0x5b: {  	v8 =	vand.u32 $0x38, v15;
	[tilespmem:s21+$0x4A30] =	vst v9  }
0x5c: {  	v24 =	vadd.s32 v18, v8;
	v9 =	vand.u32 $0x7, v15;
	v11 =	vld.idx.msk [tilespmem:v10+s10+$0x0], $0xffff  }
0x5d: {  	v12 =	vor.u32 v9, v24;
	_ =	sdelay $0x3  }
0x5e: {  	v10 =	vand.u32 $0x38, v16;
	[tilespmem:s21+$0x4A40] =	vst v11  }
0x5f: {  	v25 =	vadd.s32 v18, v10;
	v11 =	vand.u32 $0x7, v16;
	v13 =	vld.idx.msk [tilespmem:v12+s10+$0x0], $0xffff  }
0x60: {  	v19 =	vor.u32 v11, v25;
	_ =	sdelay $0x3  }
0x61: {  	v12 =	vand.u32 $0x78, v17;
	[tilespmem:s21+$0x4A50] =	vst v13  }
0x62: {  	s25 =	sor.u32 $0x2, s22;
	v18 =	vadd.s32 v18, v12;
	v13 =	vand.u32 $0x7, v17;
	v19 =	vld.idx.msk [tilespmem:v19+s10+$0x0], $0xffff  }
0x63: {  	v20 =	vmov s25;
	v18 =	vor.u32 v13, v18  }
0x64: {  	v20 =	vmul.u32 $0x48, v20;
	_ =	sdelay $0x1  }
0x65: {  	v20 =	vbroadcast v20, $0x0  }
0x66: {  	[tilespmem:s21+$0x4A60] =	vst v19  }
0x67: {  	v26 =	vadd.s32 v20, v6;
	v18 =	vld.idx.msk [tilespmem:v18+s10+$0x0], $0xffff  }
0x68: {  	v19 =	vor.u32 v7, v26;
	_ =	sdelay $0x3  }
0x69: {  	[tilespmem:s21+$0x4A70] =	vst v18  }
0x6a: {  	v27 =	vadd.s32 v20, v8;
	v18 =	vld.idx.msk [tilespmem:v19+s10+$0x0], $0xffff  }
0x6b: {  	v19 =	vor.u32 v9, v27;
	_ =	sdelay $0x3  }
0x6c: {  	[tilespmem:s21+$0x4A80] =	vst v18  }
0x6d: {  	v28 =	vadd.s32 v20, v10;
	v18 =	vld.idx.msk [tilespmem:v19+s10+$0x0], $0xffff  }
0x6e: {  	v19 =	vor.u32 v11, v28;
	_ =	sdelay $0x3  }
0x6f: {  	[tilespmem:s21+$0x4A90] =	vst v18  }
0x70: {  	s26 =	sor.u32 $0x3, s22;
	v29 =	vadd.s32 v20, v12;
	v18 =	vld.idx.msk [tilespmem:v19+s10+$0x0], $0xffff  }
0x71: {  	v30 =	vmov s26;
	v19 =	vor.u32 v13, v29  }
0x72: {  	v20 =	vmul.u32 $0x48, v30;
	_ =	sdelay $0x1  }
0x73: {  	v20 =	vbroadcast v20, $0x0  }
0x74: {  	[tilespmem:s21+$0x4AA0] =	vst v18  }
0x75: {  	v31 =	vadd.s32 v20, v6;
	v18 =	vld.idx.msk [tilespmem:v19+s10+$0x0], $0xffff  }
0x76: {  	v19 =	vor.u32 v7, v31;
	_ =	sdelay $0x3  }
0x77: {  	[tilespmem:s21+$0x4AB0] =	vst v18  }
0x78: {  	v32 =	vadd.s32 v20, v8;
	v18 =	vld.idx.msk [tilespmem:v19+s10+$0x0], $0xffff  }
0x79: {  	v19 =	vor.u32 v9, v32;
	_ =	sdelay $0x3  }
0x7a: {  	[tilespmem:s21+$0x4AC0] =	vst v18  }
0x7b: {  	v33 =	vadd.s32 v20, v10;
	v18 =	vld.idx.msk [tilespmem:v19+s10+$0x0], $0xffff  }
0x7c: {  	v19 =	vor.u32 v11, v33;
	_ =	sdelay $0x3  }
0x7d: {  	[tilespmem:s21+$0x4AD0] =	vst v18  }
0x7e: {  	v34 =	vadd.s32 v20, v12;
	v18 =	vld.idx.msk [tilespmem:v19+s10+$0x0], $0xffff  }
0x7f: {  	s28 =	sor.u32 $0x4, s22;
	v19 =	vor.u32 v13, v34  }
0x80: {  	v35 =	vmov s28  }
0x81: {  	v20 =	vmul.u32 $0x48, v35;
	_ =	sdelay $0x1  }
0x82: {  	v36 =	vbroadcast v20, $0x0;
	[tilespmem:s21+$0x4AE0] =	vst v18  }
0x83: {  	v19 =	vld.idx.msk [tilespmem:v19+s10+$0x0], $0xffff  }
0x84: {  	v20 =	vor.u32 v36, v14;
	_ =	sdelay $0x3  }
0x85: {  	[tilespmem:s21+$0x4AF0] =	vst v19  }
0x86: {  	v37 =	vadd.s32 v36, v8;
	v19 =	vld.idx.msk [tilespmem:v20+s10+$0x0], $0xffff  }
0x87: {  	v20 =	vor.u32 v9, v37;
	_ =	sdelay $0x3  }
0x88: {  	[tilespmem:s21+$0x4B00] =	vst v19  }
0x89: {  	v38 =	vadd.s32 v36, v10;
	v19 =	vld.idx.msk [tilespmem:v20+s10+$0x0], $0xffff  }
0x8a: {  	v20 =	vor.u32 v11, v38;
	_ =	sdelay $0x3  }
0x8b: {  	[tilespmem:s21+$0x4B10] =	vst v19  }
0x8c: {  	s29 =	sor.u32 $0x5, s22;
	v18 =	vadd.s32 v36, v12;
	v19 =	vld.idx.msk [tilespmem:v20+s10+$0x0], $0xffff  }
0x8d: {  	v39 =	vmov s29;
	v18 =	vor.u32 v13, v18  }
0x8e: {  	v20 =	vmul.u32 $0x48, v39;
	_ =	sdelay $0x1  }
0x8f: {  	v20 =	vbroadcast v20, $0x0  }
0x90: {  	[tilespmem:s21+$0x4B20] =	vst v19  }
0x91: {  	v40 =	vadd.s32 v20, v6;
	v18 =	vld.idx.msk [tilespmem:v18+s10+$0x0], $0xffff  }
0x92: {  	v19 =	vor.u32 v7, v40;
	_ =	sdelay $0x3  }
0x93: {  	[tilespmem:s21+$0x4B30] =	vst v18  }
0x94: {  	v41 =	vadd.s32 v20, v8;
	v18 =	vld.idx.msk [tilespmem:v19+s10+$0x0], $0xffff  }
0x95: {  	v19 =	vor.u32 v9, v41;
	_ =	sdelay $0x3  }
0x96: {  	[tilespmem:s21+$0x4B40] =	vst v18  }
0x97: {  	v42 =	vadd.s32 v20, v10;
	v18 =	vld.idx.msk [tilespmem:v19+s10+$0x0], $0xffff  }
0x98: {  	v19 =	vor.u32 v11, v42;
	_ =	sdelay $0x3  }
0x99: {  	[tilespmem:s21+$0x4B50] =	vst v18  }
0x9a: {  	s30 =	sor.u32 $0x6, s22;
	v43 =	vadd.s32 v20, v12;
	v18 =	vld.idx.msk [tilespmem:v19+s10+$0x0], $0xffff  }
0x9b: {  	v44 =	vmov s30;
	v19 =	vor.u32 v13, v43  }
0x9c: {  	v20 =	vmul.u32 $0x48, v44;
	_ =	sdelay $0x1  }
0x9d: {  	v20 =	vbroadcast v20, $0x0  }
0x9e: {  	[tilespmem:s21+$0x4B60] =	vst v18  }
0x9f: {  	v45 =	vadd.s32 v20, v6;
	v18 =	vld.idx.msk [tilespmem:v19+s10+$0x0], $0xffff  }
0xa0: {  	v19 =	vor.u32 v7, v45;
	_ =	sdelay $0x3  }
0xa1: {  	[tilespmem:s21+$0x4B70] =	vst v18  }
0xa2: {  	v46 =	vadd.s32 v20, v8;
	v18 =	vld.idx.msk [tilespmem:v19+s10+$0x0], $0xffff  }
0xa3: {  	v19 =	vor.u32 v9, v46;
	_ =	sdelay $0x3  }
0xa4: {  	[tilespmem:s21+$0x4B80] =	vst v18  }
0xa5: {  	v47 =	vadd.s32 v20, v10;
	v18 =	vld.idx.msk [tilespmem:v19+s10+$0x0], $0xffff  }
0xa6: {  	v19 =	vor.u32 v11, v47;
	_ =	sdelay $0x3  }
0xa7: {  	[tilespmem:s21+$0x4B90] =	vst v18  }
0xa8: {  	s31 =	sor.u32 $0x7, s22;
	v48 =	vadd.s32 v20, v12;
	v18 =	vld.idx.msk [tilespmem:v19+s10+$0x0], $0xffff  }
0xa9: {  	v49 =	vmov s31;
	v19 =	vor.u32 v13, v48  }
0xaa: {  	v20 =	vmul.u32 $0x48, v49;
	_ =	sdelay $0x1  }
0xab: {  	v20 =	vbroadcast v20, $0x0  }
0xac: {  	[tilespmem:s21+$0x4BA0] =	vst v18  }
0xad: {  	v50 =	vadd.s32 v20, v6;
	v18 =	vld.idx.msk [tilespmem:v19+s10+$0x0], $0xffff  }
0xae: {  	v19 =	vor.u32 v7, v50;
	_ =	sdelay $0x3  }
0xaf: {  	[tilespmem:s21+$0x4BB0] =	vst v18  }
0xb0: {  	v51 =	vadd.s32 v20, v8;
	v18 =	vld.idx.msk [tilespmem:v19+s10+$0x0], $0xffff  }
0xb1: {  	v19 =	vor.u32 v9, v51;
	_ =	sdelay $0x3  }
0xb2: {  	[tilespmem:s21+$0x4BC0] =	vst v18  }
0xb3: {  	v52 =	vadd.s32 v20, v10;
	v18 =	vld.idx.msk [tilespmem:v19+s10+$0x0], $0xffff  }
0xb4: {  	v19 =	vor.u32 v11, v52;
	_ =	sdelay $0x3  }
0xb5: {  	[tilespmem:s21+$0x4BD0] =	vst v18  }
0xb6: {  	v53 =	vadd.s32 v20, v12;
	v18 =	vld.idx.msk [tilespmem:v19+s10+$0x0], $0xffff  }
0xb7: {  	s24 =	sor.u32 $0x8, s22;
	v19 =	vor.u32 v13, v53  }
0xb8: {  	v54 =	vmov s24  }
0xb9: {  	v20 =	vmul.u32 $0x48, v54;
	_ =	sdelay $0x1  }
0xba: {  	v55 =	vbroadcast v20, $0x0;
	[tilespmem:s21+$0x4BE0] =	vst v18  }
0xbb: {  	v19 =	vld.idx.msk [tilespmem:v19+s10+$0x0], $0xffff  }
0xbc: {  	v20 =	vor.u32 v55, v14;
	_ =	sdelay $0x3  }
0xbd: {  	[tilespmem:s21+$0x4BF0] =	vst v19  }
0xbe: {  	v19 =	vld.idx.msk [tilespmem:v20+s10+$0x0], $0xffff  }
0xbf: {  	v56 =	vor.u32 v55, v15;
	_ =	sdelay $0x3  }
0xc0: {  	[tilespmem:s21+$0x4C00] =	vst v19  }
0xc1: {  	v19 =	vld.idx.msk [tilespmem:v56+s10+$0x0], $0xffff  }
0xc2: {  	v57 =	vor.u32 v55, v16;
	_ =	sdelay $0x3  }
0xc3: {  	[tilespmem:s21+$0x4C10] =	vst v19  }
0xc4: {  	s25 =	sor.u32 $0x9, s22;
	v18 =	vadd.s32 v55, v12;
	v19 =	vld.idx.msk [tilespmem:v57+s10+$0x0], $0xffff  }
0xc5: {  	v58 =	vmov s25;
	v18 =	vor.u32 v13, v18  }
0xc6: {  	v20 =	vmul.u32 $0x48, v58;
	_ =	sdelay $0x1  }
0xc7: {  	v20 =	vbroadcast v20, $0x0  }
0xc8: {  	[tilespmem:s21+$0x4C20] =	vst v19  }
0xc9: {  	v59 =	vadd.s32 v20, v6;
	v18 =	vld.idx.msk [tilespmem:v18+s10+$0x0], $0xffff  }
0xca: {  	v19 =	vor.u32 v7, v59;
	_ =	sdelay $0x3  }
0xcb: {  	[tilespmem:s21+$0x4C30] =	vst v18  }
0xcc: {  	v60 =	vadd.s32 v20, v8;
	v18 =	vld.idx.msk [tilespmem:v19+s10+$0x0], $0xffff  }
0xcd: {  	v19 =	vor.u32 v9, v60;
	_ =	sdelay $0x3  }
0xce: {  	[tilespmem:s21+$0x4C40] =	vst v18  }
0xcf: {  	v61 =	vadd.s32 v20, v10;
	v18 =	vld.idx.msk [tilespmem:v19+s10+$0x0], $0xffff  }
0xd0: {  	v19 =	vor.u32 v11, v61;
	_ =	sdelay $0x3  }
0xd1: {  	[tilespmem:s21+$0x4C50] =	vst v18  }
0xd2: {  	s26 =	sor.u32 $0xA, s22;
	v62 =	vadd.s32 v20, v12;
	v18 =	vld.idx.msk [tilespmem:v19+s10+$0x0], $0xffff  }
0xd3: {  	v63 =	vmov s26;
	v19 =	vor.u32 v13, v62  }
0xd4: {  	v20 =	vmul.u32 $0x48, v63;
	_ =	sdelay $0x1  }
0xd5: {  	v20 =	vbroadcast v20, $0x0  }
0xd6: {  	[tilespmem:s21+$0x4C60] =	vst v18  }
0xd7: {  	v21 =	vadd.s32 v20, v6;
	v18 =	vld.idx.msk [tilespmem:v19+s10+$0x0], $0xffff  }
0xd8: {  	v19 =	vor.u32 v7, v21;
	_ =	sdelay $0x3  }
0xd9: {  	[tilespmem:s21+$0x4C70] =	vst v18  }
0xda: {  	v22 =	vadd.s32 v20, v8;
	v18 =	vld.idx.msk [tilespmem:v19+s10+$0x0], $0xffff  }
0xdb: {  	v19 =	vor.u32 v9, v22;
	_ =	sdelay $0x3  }
0xdc: {  	[tilespmem:s21+$0x4C80] =	vst v18  }
0xdd: {  	v23 =	vadd.s32 v20, v10;
	v18 =	vld.idx.msk [tilespmem:v19+s10+$0x0], $0xffff  }
0xde: {  	v19 =	vor.u32 v11, v23;
	_ =	sdelay $0x3  }
0xdf: {  	[tilespmem:s21+$0x4C90] =	vst v18  }
0xe0: {  	s28 =	sor.u32 $0xB, s22;
	v24 =	vadd.s32 v20, v12;
	v18 =	vld.idx.msk [tilespmem:v19+s10+$0x0], $0xffff  }
0xe1: {  	v25 =	vmov s28;
	v19 =	vor.u32 v13, v24  }
0xe2: {  	v20 =	vmul.u32 $0x48, v25;
	_ =	sdelay $0x1  }
0xe3: {  	v20 =	vbroadcast v20, $0x0  }
0xe4: {  	[tilespmem:s21+$0x4CA0] =	vst v18  }
0xe5: {  	v26 =	vadd.s32 v20, v6;
	v18 =	vld.idx.msk [tilespmem:v19+s10+$0x0], $0xffff  }
0xe6: {  	v19 =	vor.u32 v7, v26;
	_ =	sdelay $0x3  }
0xe7: {  	[tilespmem:s21+$0x4CB0] =	vst v18  }
0xe8: {  	v27 =	vadd.s32 v20, v8;
	v18 =	vld.idx.msk [tilespmem:v19+s10+$0x0], $0xffff  }
0xe9: {  	v19 =	vor.u32 v9, v27;
	_ =	sdelay $0x3  }
0xea: {  	[tilespmem:s21+$0x4CC0] =	vst v18  }
0xeb: {  	v28 =	vadd.s32 v20, v10;
	v18 =	vld.idx.msk [tilespmem:v19+s10+$0x0], $0xffff  }
0xec: {  	v19 =	vor.u32 v11, v28;
	_ =	sdelay $0x3  }
0xed: {  	[tilespmem:s21+$0x4CD0] =	vst v18  }
0xee: {  	v29 =	vadd.s32 v20, v12;
	v18 =	vld.idx.msk [tilespmem:v19+s10+$0x0], $0xffff  }
0xef: {  	s29 =	sor.u32 $0xC, s22;
	v19 =	vor.u32 v13, v29  }
0xf0: {  	v30 =	vmov s29  }
0xf1: {  	v20 =	vmul.u32 $0x48, v30;
	_ =	sdelay $0x1  }
0xf2: {  	v31 =	vbroadcast v20, $0x0;
	[tilespmem:s21+$0x4CE0] =	vst v18  }
0xf3: {  	v19 =	vld.idx.msk [tilespmem:v19+s10+$0x0], $0xffff  }
0xf4: {  	v20 =	vor.u32 v31, v14;
	_ =	sdelay $0x3  }
0xf5: {  	[tilespmem:s21+$0x4CF0] =	vst v19  }
0xf6: {  	v32 =	vadd.s32 v31, v8;
	v19 =	vld.idx.msk [tilespmem:v20+s10+$0x0], $0xffff  }
0xf7: {  	v20 =	vor.u32 v9, v32;
	_ =	sdelay $0x3  }
0xf8: {  	[tilespmem:s21+$0x4D00] =	vst v19  }
0xf9: {  	v33 =	vadd.s32 v31, v10;
	v19 =	vld.idx.msk [tilespmem:v20+s10+$0x0], $0xffff  }
0xfa: {  	v20 =	vor.u32 v11, v33;
	_ =	sdelay $0x3  }
0xfb: {  	[tilespmem:s21+$0x4D10] =	vst v19  }
0xfc: {  	s30 =	sor.u32 $0xD, s22;
	v18 =	vadd.s32 v31, v12;
	v19 =	vld.idx.msk [tilespmem:v20+s10+$0x0], $0xffff  }
0xfd: {  	v34 =	vmov s30;
	v18 =	vor.u32 v13, v18  }
0xfe: {  	v20 =	vmul.u32 $0x48, v34;
	_ =	sdelay $0x1  }
0xff: {  	v20 =	vbroadcast v20, $0x0  }
0x100: {  	[tilespmem:s21+$0x4D20] =	vst v19  }
0x101: {  	v35 =	vadd.s32 v20, v6;
	v18 =	vld.idx.msk [tilespmem:v18+s10+$0x0], $0xffff  }
0x102: {  	v19 =	vor.u32 v7, v35;
	_ =	sdelay $0x3  }
0x103: {  	[tilespmem:s21+$0x4D30] =	vst v18  }
0x104: {  	v36 =	vadd.s32 v20, v8;
	v18 =	vld.idx.msk [tilespmem:v19+s10+$0x0], $0xffff  }
0x105: {  	v19 =	vor.u32 v9, v36;
	_ =	sdelay $0x3  }
0x106: {  	[tilespmem:s21+$0x4D40] =	vst v18  }
0x107: {  	v37 =	vadd.s32 v20, v10;
	v18 =	vld.idx.msk [tilespmem:v19+s10+$0x0], $0xffff  }
0x108: {  	v19 =	vor.u32 v11, v37;
	_ =	sdelay $0x3  }
0x109: {  	[tilespmem:s21+$0x4D50] =	vst v18  }
0x10a: {  	s31 =	sor.u32 $0xE, s22;
	v38 =	vadd.s32 v20, v12;
	v18 =	vld.idx.msk [tilespmem:v19+s10+$0x0], $0xffff  }
0x10b: {  	v39 =	vmov s31;
	v19 =	vor.u32 v13, v38  }
0x10c: {  	v20 =	vmul.u32 $0x48, v39;
	_ =	sdelay $0x1  }
0x10d: {  	v20 =	vbroadcast v20, $0x0  }
0x10e: {  	[tilespmem:s21+$0x4D60] =	vst v18  }
0x10f: {  	v40 =	vadd.s32 v20, v6;
	v18 =	vld.idx.msk [tilespmem:v19+s10+$0x0], $0xffff  }
0x110: {  	v19 =	vor.u32 v7, v40;
	_ =	sdelay $0x3  }
0x111: {  	[tilespmem:s21+$0x4D70] =	vst v18  }
0x112: {  	v41 =	vadd.s32 v20, v8;
	v18 =	vld.idx.msk [tilespmem:v19+s10+$0x0], $0xffff  }
0x113: {  	v19 =	vor.u32 v9, v41;
	_ =	sdelay $0x3  }
0x114: {  	[tilespmem:s21+$0x4D80] =	vst v18  }
0x115: {  	v42 =	vadd.s32 v20, v10;
	v18 =	vld.idx.msk [tilespmem:v19+s10+$0x0], $0xffff  }
0x116: {  	v19 =	vor.u32 v11, v42;
	_ =	sdelay $0x3  }
0x117: {  	[tilespmem:s21+$0x4D90] =	vst v18  }
0x118: {  	s24 =	sor.u32 $0xF, s22;
	v43 =	vadd.s32 v20, v12;
	v18 =	vld.idx.msk [tilespmem:v19+s10+$0x0], $0xffff  }
0x119: {  	v44 =	vmov s24;
	v19 =	vor.u32 v13, v43  }
0x11a: {  	v20 =	vmul.u32 $0x48, v44;
	_ =	sdelay $0x1  }
0x11b: {  	v20 =	vbroadcast v20, $0x0  }
0x11c: {  	[tilespmem:s21+$0x4DA0] =	vst v18  }
0x11d: {  	v45 =	vadd.s32 v20, v6;
	v18 =	vld.idx.msk [tilespmem:v19+s10+$0x0], $0xffff  }
0x11e: {  	v19 =	vor.u32 v7, v45;
	_ =	sdelay $0x3  }
0x11f: {  	[tilespmem:s21+$0x4DB0] =	vst v18  }
0x120: {  	v46 =	vadd.s32 v20, v8;
	v18 =	vld.idx.msk [tilespmem:v19+s10+$0x0], $0xffff  }
0x121: {  	v19 =	vor.u32 v9, v46;
	_ =	sdelay $0x3  }
0x122: {  	[tilespmem:s21+$0x4DC0] =	vst v18  }
0x123: {  	v47 =	vadd.s32 v20, v10;
	v18 =	vld.idx.msk [tilespmem:v19+s10+$0x0], $0xffff  }
0x124: {  	v19 =	vor.u32 v11, v47;
	_ =	sdelay $0x3  }
0x125: {  	[tilespmem:s21+$0x4DD0] =	vst v18  }
0x126: {  	v48 =	vadd.s32 v20, v12;
	v18 =	vld.idx.msk [tilespmem:v19+s10+$0x0], $0xffff  }
0x127: {  	s25 =	sor.u32 $0x10, s22;
	v19 =	vor.u32 v13, v48  }
0x128: {  	v49 =	vmov s25  }
0x129: {  	v20 =	vmul.u32 $0x48, v49;
	_ =	sdelay $0x1  }
0x12a: {  	v50 =	vbroadcast v20, $0x0;
	[tilespmem:s21+$0x4DE0] =	vst v18  }
0x12b: {  	v19 =	vld.idx.msk [tilespmem:v19+s10+$0x0], $0xffff  }
0x12c: {  	v20 =	vor.u32 v50, v14;
	_ =	sdelay $0x3  }
0x12d: {  	[tilespmem:s21+$0x4DF0] =	vst v19  }
0x12e: {  	v19 =	vld.idx.msk [tilespmem:v20+s10+$0x0], $0xffff  }
0x12f: {  	v51 =	vor.u32 v50, v15;
	_ =	sdelay $0x3  }
0x130: {  	[tilespmem:s21+$0x4E00] =	vst v19  }
0x131: {  	v19 =	vld.idx.msk [tilespmem:v51+s10+$0x0], $0xffff  }
0x132: {  	v52 =	vor.u32 v50, v16;
	_ =	sdelay $0x3  }
0x133: {  	[tilespmem:s21+$0x4E10] =	vst v19  }
0x134: {  	s26 =	sor.u32 $0x11, s22;
	v19 =	vld.idx.msk [tilespmem:v52+s10+$0x0], $0xffff  }
0x135: {  	v53 =	vmov s26;
	v18 =	vor.u32 v50, v17  }
0x136: {  	v20 =	vmul.u32 $0x48, v53;
	_ =	sdelay $0x1  }
0x137: {  	v20 =	vbroadcast v20, $0x0  }
0x138: {  	[tilespmem:s21+$0x4E20] =	vst v19  }
0x139: {  	v54 =	vadd.s32 v20, v6;
	v18 =	vld.idx.msk [tilespmem:v18+s10+$0x0], $0xffff  }
0x13a: {  	v19 =	vor.u32 v7, v54;
	_ =	sdelay $0x3  }
0x13b: {  	[tilespmem:s21+$0x4E30] =	vst v18  }
0x13c: {  	v55 =	vadd.s32 v20, v8;
	v18 =	vld.idx.msk [tilespmem:v19+s10+$0x0], $0xffff  }
0x13d: {  	v19 =	vor.u32 v9, v55;
	_ =	sdelay $0x3  }
0x13e: {  	[tilespmem:s21+$0x4E40] =	vst v18  }
0x13f: {  	v56 =	vadd.s32 v20, v10;
	v18 =	vld.idx.msk [tilespmem:v19+s10+$0x0], $0xffff  }
0x140: {  	v19 =	vor.u32 v11, v56;
	_ =	sdelay $0x3  }
0x141: {  	[tilespmem:s21+$0x4E50] =	vst v18  }
0x142: {  	s28 =	sor.u32 $0x12, s22;
	v57 =	vadd.s32 v20, v12;
	v18 =	vld.idx.msk [tilespmem:v19+s10+$0x0], $0xffff  }
0x143: {  	v58 =	vmov s28;
	v19 =	vor.u32 v13, v57  }
0x144: {  	v20 =	vmul.u32 $0x48, v58;
	_ =	sdelay $0x1  }
0x145: {  	v20 =	vbroadcast v20, $0x0  }
0x146: {  	[tilespmem:s21+$0x4E60] =	vst v18  }
0x147: {  	v59 =	vadd.s32 v20, v6;
	v18 =	vld.idx.msk [tilespmem:v19+s10+$0x0], $0xffff  }
0x148: {  	v19 =	vor.u32 v7, v59;
	_ =	sdelay $0x3  }
0x149: {  	[tilespmem:s21+$0x4E70] =	vst v18  }
0x14a: {  	v60 =	vadd.s32 v20, v8;
	v18 =	vld.idx.msk [tilespmem:v19+s10+$0x0], $0xffff  }
0x14b: {  	v19 =	vor.u32 v9, v60;
	_ =	sdelay $0x3  }
0x14c: {  	[tilespmem:s21+$0x4E80] =	vst v18  }
0x14d: {  	v61 =	vadd.s32 v20, v10;
	v18 =	vld.idx.msk [tilespmem:v19+s10+$0x0], $0xffff  }
0x14e: {  	v19 =	vor.u32 v11, v61;
	_ =	sdelay $0x3  }
0x14f: {  	[tilespmem:s21+$0x4E90] =	vst v18  }
0x150: {  	s29 =	sor.u32 $0x13, s22;
	v62 =	vadd.s32 v20, v12;
	v18 =	vld.idx.msk [tilespmem:v19+s10+$0x0], $0xffff  }
0x151: {  	v63 =	vmov s29;
	v19 =	vor.u32 v13, v62  }
0x152: {  	v20 =	vmul.u32 $0x48, v63;
	_ =	sdelay $0x1  }
0x153: {  	v20 =	vbroadcast v20, $0x0  }
0x154: {  	[tilespmem:s21+$0x4EA0] =	vst v18  }
0x155: {  	v21 =	vadd.s32 v20, v6;
	v18 =	vld.idx.msk [tilespmem:v19+s10+$0x0], $0xffff  }
0x156: {  	v19 =	vor.u32 v7, v21;
	_ =	sdelay $0x3  }
0x157: {  	[tilespmem:s21+$0x4EB0] =	vst v18  }
0x158: {  	v22 =	vadd.s32 v20, v8;
	v18 =	vld.idx.msk [tilespmem:v19+s10+$0x0], $0xffff  }
0x159: {  	v19 =	vor.u32 v9, v22;
	_ =	sdelay $0x3  }
0x15a: {  	[tilespmem:s21+$0x4EC0] =	vst v18  }
0x15b: {  	v23 =	vadd.s32 v20, v10;
	v18 =	vld.idx.msk [tilespmem:v19+s10+$0x0], $0xffff  }
0x15c: {  	v19 =	vor.u32 v11, v23;
	_ =	sdelay $0x3  }
0x15d: {  	[tilespmem:s21+$0x4ED0] =	vst v18  }
0x15e: {  	v24 =	vadd.s32 v20, v12;
	v18 =	vld.idx.msk [tilespmem:v19+s10+$0x0], $0xffff  }
0x15f: {  	s30 =	sor.u32 $0x14, s22;
	v19 =	vor.u32 v13, v24  }
0x160: {  	v25 =	vmov s30  }
0x161: {  	v20 =	vmul.u32 $0x48, v25;
	_ =	sdelay $0x1  }
0x162: {  	v26 =	vbroadcast v20, $0x0;
	[tilespmem:s21+$0x4EE0] =	vst v18  }
0x163: {  	v19 =	vld.idx.msk [tilespmem:v19+s10+$0x0], $0xffff  }
0x164: {  	v20 =	vor.u32 v26, v14;
	_ =	sdelay $0x3  }
0x165: {  	[tilespmem:s21+$0x4EF0] =	vst v19  }
0x166: {  	v27 =	vadd.s32 v26, v8;
	v19 =	vld.idx.msk [tilespmem:v20+s10+$0x0], $0xffff  }
0x167: {  	v20 =	vor.u32 v9, v27;
	_ =	sdelay $0x3  }
0x168: {  	[tilespmem:s21+$0x4F00] =	vst v19  }
0x169: {  	v28 =	vadd.s32 v26, v10;
	v19 =	vld.idx.msk [tilespmem:v20+s10+$0x0], $0xffff  }
0x16a: {  	v20 =	vor.u32 v11, v28;
	_ =	sdelay $0x3  }
0x16b: {  	[tilespmem:s21+$0x4F10] =	vst v19  }
0x16c: {  	s31 =	sor.u32 $0x15, s22;
	v18 =	vadd.s32 v26, v12;
	v19 =	vld.idx.msk [tilespmem:v20+s10+$0x0], $0xffff  }
0x16d: {  	v29 =	vmov s31;
	v18 =	vor.u32 v13, v18  }
0x16e: {  	v20 =	vmul.u32 $0x48, v29;
	_ =	sdelay $0x1  }
0x16f: {  	v20 =	vbroadcast v20, $0x0  }
0x170: {  	[tilespmem:s21+$0x4F20] =	vst v19  }
0x171: {  	v30 =	vadd.s32 v20, v6;
	v18 =	vld.idx.msk [tilespmem:v18+s10+$0x0], $0xffff  }
0x172: {  	v19 =	vor.u32 v7, v30;
	_ =	sdelay $0x3  }
0x173: {  	[tilespmem:s21+$0x4F30] =	vst v18  }
0x174: {  	v31 =	vadd.s32 v20, v8;
	v18 =	vld.idx.msk [tilespmem:v19+s10+$0x0], $0xffff  }
0x175: {  	v19 =	vor.u32 v9, v31;
	_ =	sdelay $0x3  }
0x176: {  	[tilespmem:s21+$0x4F40] =	vst v18  }
0x177: {  	v32 =	vadd.s32 v20, v10;
	v18 =	vld.idx.msk [tilespmem:v19+s10+$0x0], $0xffff  }
0x178: {  	v19 =	vor.u32 v11, v32;
	_ =	sdelay $0x3  }
0x179: {  	[tilespmem:s21+$0x4F50] =	vst v18  }
0x17a: {  	s24 =	sor.u32 $0x16, s22;
	v33 =	vadd.s32 v20, v12;
	v18 =	vld.idx.msk [tilespmem:v19+s10+$0x0], $0xffff  }
0x17b: {  	v34 =	vmov s24;
	v19 =	vor.u32 v13, v33  }
0x17c: {  	v20 =	vmul.u32 $0x48, v34;
	_ =	sdelay $0x1  }
0x17d: {  	v20 =	vbroadcast v20, $0x0  }
0x17e: {  	[tilespmem:s21+$0x4F60] =	vst v18  }
0x17f: {  	v35 =	vadd.s32 v20, v6;
	v18 =	vld.idx.msk [tilespmem:v19+s10+$0x0], $0xffff  }
0x180: {  	v19 =	vor.u32 v7, v35;
	_ =	sdelay $0x3  }
0x181: {  	[tilespmem:s21+$0x4F70] =	vst v18  }
0x182: {  	v36 =	vadd.s32 v20, v8;
	v18 =	vld.idx.msk [tilespmem:v19+s10+$0x0], $0xffff  }
0x183: {  	v19 =	vor.u32 v9, v36;
	_ =	sdelay $0x3  }
0x184: {  	[tilespmem:s21+$0x4F80] =	vst v18  }
0x185: {  	v37 =	vadd.s32 v20, v10;
	v18 =	vld.idx.msk [tilespmem:v19+s10+$0x0], $0xffff  }
0x186: {  	v19 =	vor.u32 v11, v37;
	_ =	sdelay $0x3  }
0x187: {  	[tilespmem:s21+$0x4F90] =	vst v18  }
0x188: {  	s25 =	sor.u32 $0x17, s22;
	v38 =	vadd.s32 v20, v12;
	v18 =	vld.idx.msk [tilespmem:v19+s10+$0x0], $0xffff  }
0x189: {  	v39 =	vmov s25;
	v19 =	vor.u32 v13, v38  }
0x18a: {  	v20 =	vmul.u32 $0x48, v39;
	_ =	sdelay $0x1  }
0x18b: {  	v20 =	vbroadcast v20, $0x0  }
0x18c: {  	[tilespmem:s21+$0x4FA0] =	vst v18  }
0x18d: {  	v40 =	vadd.s32 v20, v6;
	v18 =	vld.idx.msk [tilespmem:v19+s10+$0x0], $0xffff  }
0x18e: {  	v19 =	vor.u32 v7, v40;
	_ =	sdelay $0x3  }
0x18f: {  	[tilespmem:s21+$0x4FB0] =	vst v18  }
0x190: {  	v41 =	vadd.s32 v20, v8;
	v18 =	vld.idx.msk [tilespmem:v19+s10+$0x0], $0xffff  }
0x191: {  	v19 =	vor.u32 v9, v41;
	_ =	sdelay $0x3  }
0x192: {  	[tilespmem:s21+$0x4FC0] =	vst v18  }
0x193: {  	v42 =	vadd.s32 v20, v10;
	v18 =	vld.idx.msk [tilespmem:v19+s10+$0x0], $0xffff  }
0x194: {  	v19 =	vor.u32 v11, v42;
	_ =	sdelay $0x3  }
0x195: {  	[tilespmem:s21+$0x4FD0] =	vst v18  }
0x196: {  	v43 =	vadd.s32 v20, v12;
	v18 =	vld.idx.msk [tilespmem:v19+s10+$0x0], $0xffff  }
0x197: {  	s26 =	sor.u32 $0x18, s22;
	v19 =	vor.u32 v13, v43  }
0x198: {  	v44 =	vmov s26  }
0x199: {  	v20 =	vmul.u32 $0x48, v44;
	_ =	sdelay $0x1  }
0x19a: {  	v45 =	vbroadcast v20, $0x0;
	[tilespmem:s21+$0x4FE0] =	vst v18  }
0x19b: {  	v19 =	vld.idx.msk [tilespmem:v19+s10+$0x0], $0xffff  }
0x19c: {  	v20 =	vor.u32 v45, v14;
	_ =	sdelay $0x3  }
0x19d: {  	[tilespmem:s21+$0x4FF0] =	vst v19  }
0x19e: {  	v19 =	vld.idx.msk [tilespmem:v20+s10+$0x0], $0xffff  }
0x19f: {  	v46 =	vor.u32 v45, v15;
	_ =	sdelay $0x3  }
0x1a0: {  	[tilespmem:s21+$0x5000] =	vst v19  }
0x1a1: {  	v19 =	vld.idx.msk [tilespmem:v46+s10+$0x0], $0xffff  }
0x1a2: {  	v47 =	vor.u32 v45, v16;
	_ =	sdelay $0x3  }
0x1a3: {  	[tilespmem:s21+$0x5010] =	vst v19  }
0x1a4: {  	s28 =	sor.u32 $0x19, s22;
	v18 =	vadd.s32 v45, v12;
	v19 =	vld.idx.msk [tilespmem:v47+s10+$0x0], $0xffff  }
0x1a5: {  	v48 =	vmov s28;
	v18 =	vor.u32 v13, v18  }
0x1a6: {  	v20 =	vmul.u32 $0x48, v48;
	_ =	sdelay $0x1  }
0x1a7: {  	v20 =	vbroadcast v20, $0x0  }
0x1a8: {  	[tilespmem:s21+$0x5020] =	vst v19  }
0x1a9: {  	v49 =	vadd.s32 v20, v6;
	v18 =	vld.idx.msk [tilespmem:v18+s10+$0x0], $0xffff  }
0x1aa: {  	v19 =	vor.u32 v7, v49;
	_ =	sdelay $0x3  }
0x1ab: {  	[tilespmem:s21+$0x5030] =	vst v18  }
0x1ac: {  	v50 =	vadd.s32 v20, v8;
	v18 =	vld.idx.msk [tilespmem:v19+s10+$0x0], $0xffff  }
0x1ad: {  	v19 =	vor.u32 v9, v50;
	_ =	sdelay $0x3  }
0x1ae: {  	[tilespmem:s21+$0x5040] =	vst v18  }
0x1af: {  	v51 =	vadd.s32 v20, v10;
	v18 =	vld.idx.msk [tilespmem:v19+s10+$0x0], $0xffff  }
0x1b0: {  	v19 =	vor.u32 v11, v51;
	_ =	sdelay $0x3  }
0x1b1: {  	[tilespmem:s21+$0x5050] =	vst v18  }
0x1b2: {  	s29 =	sor.u32 $0x1A, s22;
	v52 =	vadd.s32 v20, v12;
	v18 =	vld.idx.msk [tilespmem:v19+s10+$0x0], $0xffff  }
0x1b3: {  	v53 =	vmov s29;
	v19 =	vor.u32 v13, v52  }
0x1b4: {  	v20 =	vmul.u32 $0x48, v53;
	_ =	sdelay $0x1  }
0x1b5: {  	v20 =	vbroadcast v20, $0x0  }
0x1b6: {  	[tilespmem:s21+$0x5060] =	vst v18  }
0x1b7: {  	v54 =	vadd.s32 v20, v6;
	v18 =	vld.idx.msk [tilespmem:v19+s10+$0x0], $0xffff  }
0x1b8: {  	v19 =	vor.u32 v7, v54;
	_ =	sdelay $0x3  }
0x1b9: {  	[tilespmem:s21+$0x5070] =	vst v18  }
0x1ba: {  	v55 =	vadd.s32 v20, v8;
	v18 =	vld.idx.msk [tilespmem:v19+s10+$0x0], $0xffff  }
0x1bb: {  	v19 =	vor.u32 v9, v55;
	_ =	sdelay $0x3  }
0x1bc: {  	[tilespmem:s21+$0x5080] =	vst v18  }
0x1bd: {  	v56 =	vadd.s32 v20, v10;
	v18 =	vld.idx.msk [tilespmem:v19+s10+$0x0], $0xffff  }
0x1be: {  	v19 =	vor.u32 v11, v56;
	_ =	sdelay $0x3  }
0x1bf: {  	[tilespmem:s21+$0x5090] =	vst v18  }
0x1c0: {  	s30 =	sor.u32 $0x1B, s22;
	v57 =	vadd.s32 v20, v12;
	v18 =	vld.idx.msk [tilespmem:v19+s10+$0x0], $0xffff  }
0x1c1: {  	v58 =	vmov s30;
	v19 =	vor.u32 v13, v57  }
0x1c2: {  	v20 =	vmul.u32 $0x48, v58;
	_ =	sdelay $0x1  }
0x1c3: {  	v20 =	vbroadcast v20, $0x0  }
0x1c4: {  	[tilespmem:s21+$0x50A0] =	vst v18  }
0x1c5: {  	v59 =	vadd.s32 v20, v6;
	v18 =	vld.idx.msk [tilespmem:v19+s10+$0x0], $0xffff  }
0x1c6: {  	v19 =	vor.u32 v7, v59;
	_ =	sdelay $0x3  }
0x1c7: {  	[tilespmem:s21+$0x50B0] =	vst v18  }
0x1c8: {  	v60 =	vadd.s32 v20, v8;
	v18 =	vld.idx.msk [tilespmem:v19+s10+$0x0], $0xffff  }
0x1c9: {  	v19 =	vor.u32 v9, v60;
	_ =	sdelay $0x3  }
0x1ca: {  	[tilespmem:s21+$0x50C0] =	vst v18  }
0x1cb: {  	v61 =	vadd.s32 v20, v10;
	v18 =	vld.idx.msk [tilespmem:v19+s10+$0x0], $0xffff  }
0x1cc: {  	v19 =	vor.u32 v11, v61;
	_ =	sdelay $0x3  }
0x1cd: {  	[tilespmem:s21+$0x50D0] =	vst v18  }
0x1ce: {  	v62 =	vadd.s32 v20, v12;
	v18 =	vld.idx.msk [tilespmem:v19+s10+$0x0], $0xffff  }
0x1cf: {  	s31 =	sor.u32 $0x1C, s22;
	v19 =	vor.u32 v13, v62  }
0x1d0: {  	v63 =	vmov s31  }
0x1d1: {  	v20 =	vmul.u32 $0x48, v63;
	_ =	sdelay $0x1  }
0x1d2: {  	v24 =	vbroadcast v20, $0x0;
	[tilespmem:s21+$0x50E0] =	vst v18  }
0x1d3: {  	v19 =	vld.idx.msk [tilespmem:v19+s10+$0x0], $0xffff  }
0x1d4: {  	v20 =	vor.u32 v24, v14;
	_ =	sdelay $0x3  }
0x1d5: {  	[tilespmem:s21+$0x50F0] =	vst v19  }
0x1d6: {  	v25 =	vadd.s32 v24, v8;
	v19 =	vld.idx.msk [tilespmem:v20+s10+$0x0], $0xffff  }
0x1d7: {  	v20 =	vor.u32 v9, v25;
	_ =	sdelay $0x3  }
0x1d8: {  	[tilespmem:s21+$0x5100] =	vst v19  }
0x1d9: {  	v26 =	vadd.s32 v24, v10;
	v19 =	vld.idx.msk [tilespmem:v20+s10+$0x0], $0xffff  }
0x1da: {  	v20 =	vor.u32 v11, v26;
	_ =	sdelay $0x3  }
0x1db: {  	[tilespmem:s21+$0x5110] =	vst v19  }
0x1dc: {  	s24 =	sor.u32 $0x1D, s22;
	v18 =	vadd.s32 v24, v12;
	v19 =	vld.idx.msk [tilespmem:v20+s10+$0x0], $0xffff  }
0x1dd: {  	v27 =	vmov s24;
	v18 =	vor.u32 v13, v18  }
0x1de: {  	v20 =	vmul.u32 $0x48, v27;
	_ =	sdelay $0x1  }
0x1df: {  	v20 =	vbroadcast v20, $0x0  }
0x1e0: {  	[tilespmem:s21+$0x5120] =	vst v19  }
0x1e1: {  	v28 =	vadd.s32 v20, v6;
	v18 =	vld.idx.msk [tilespmem:v18+s10+$0x0], $0xffff  }
0x1e2: {  	v19 =	vor.u32 v7, v28;
	_ =	sdelay $0x3  }
0x1e3: {  	[tilespmem:s21+$0x5130] =	vst v18  }
0x1e4: {  	v29 =	vadd.s32 v20, v8;
	v18 =	vld.idx.msk [tilespmem:v19+s10+$0x0], $0xffff  }
0x1e5: {  	v19 =	vor.u32 v9, v29;
	_ =	sdelay $0x3  }
0x1e6: {  	[tilespmem:s21+$0x5140] =	vst v18  }
0x1e7: {  	v30 =	vadd.s32 v20, v10;
	v18 =	vld.idx.msk [tilespmem:v19+s10+$0x0], $0xffff  }
0x1e8: {  	v19 =	vor.u32 v11, v30;
	_ =	sdelay $0x3  }
0x1e9: {  	[tilespmem:s21+$0x5150] =	vst v18  }
0x1ea: {  	s25 =	sor.u32 $0x1E, s22;
	v31 =	vadd.s32 v20, v12;
	v18 =	vld.idx.msk [tilespmem:v19+s10+$0x0], $0xffff  }
0x1eb: {  	v32 =	vmov s25;
	v19 =	vor.u32 v13, v31  }
0x1ec: {  	v20 =	vmul.u32 $0x48, v32;
	_ =	sdelay $0x1  }
0x1ed: {  	v20 =	vbroadcast v20, $0x0  }
0x1ee: {  	[tilespmem:s21+$0x5160] =	vst v18  }
0x1ef: {  	v33 =	vadd.s32 v20, v6;
	v18 =	vld.idx.msk [tilespmem:v19+s10+$0x0], $0xffff  }
0x1f0: {  	v19 =	vor.u32 v7, v33;
	_ =	sdelay $0x3  }
0x1f1: {  	[tilespmem:s21+$0x5170] =	vst v18  }
0x1f2: {  	v34 =	vadd.s32 v20, v8;
	v18 =	vld.idx.msk [tilespmem:v19+s10+$0x0], $0xffff  }
0x1f3: {  	v19 =	vor.u32 v9, v34;
	_ =	sdelay $0x3  }
0x1f4: {  	[tilespmem:s21+$0x5180] =	vst v18  }
0x1f5: {  	v35 =	vadd.s32 v20, v10;
	v18 =	vld.idx.msk [tilespmem:v19+s10+$0x0], $0xffff  }
0x1f6: {  	v19 =	vor.u32 v11, v35;
	_ =	sdelay $0x3  }
0x1f7: {  	[tilespmem:s21+$0x5190] =	vst v18  }
0x1f8: {  	s26 =	sor.u32 $0x1F, s22;
	v36 =	vadd.s32 v20, v12;
	v18 =	vld.idx.msk [tilespmem:v19+s10+$0x0], $0xffff  }
0x1f9: {  	v37 =	vmov s26;
	v19 =	vor.u32 v13, v36  }
0x1fa: {  	v20 =	vmul.u32 $0x48, v37;
	_ =	sdelay $0x1  }
0x1fb: {  	v20 =	vbroadcast v20, $0x0  }
0x1fc: {  	[tilespmem:s21+$0x51A0] =	vst v18  }
0x1fd: {  	v38 =	vadd.s32 v20, v6;
	v18 =	vld.idx.msk [tilespmem:v19+s10+$0x0], $0xffff  }
0x1fe: {  	v19 =	vor.u32 v7, v38;
	_ =	sdelay $0x3  }
0x1ff: {  	[tilespmem:s21+$0x51B0] =	vst v18  }
0x200: {  	v39 =	vadd.s32 v20, v8;
	v18 =	vld.idx.msk [tilespmem:v19+s10+$0x0], $0xffff  }
0x201: {  	v19 =	vor.u32 v9, v39;
	_ =	sdelay $0x3  }
0x202: {  	[tilespmem:s21+$0x51C0] =	vst v18  }
0x203: {  	v40 =	vadd.s32 v20, v10;
	v18 =	vld.idx.msk [tilespmem:v19+s10+$0x0], $0xffff  }
0x204: {  	v19 =	vor.u32 v11, v40;
	_ =	sdelay $0x3  }
0x205: {  	[tilespmem:s21+$0x51D0] =	vst v18  }
0x206: {  	v41 =	vadd.s32 v20, v12;
	v18 =	vld.idx.msk [tilespmem:v19+s10+$0x0], $0xffff  }
0x207: {  	s28 =	sor.u32 $0x20, s22;
	v19 =	vor.u32 v13, v41  }
0x208: {  	v42 =	vmov s28  }
0x209: {  	v20 =	vmul.u32 $0x48, v42;
	_ =	sdelay $0x1  }
0x20a: {  	v43 =	vbroadcast v20, $0x0;
	[tilespmem:s21+$0x51E0] =	vst v18  }
0x20b: {  	v19 =	vld.idx.msk [tilespmem:v19+s10+$0x0], $0xffff  }
0x20c: {  	v20 =	vor.u32 v43, v14;
	_ =	sdelay $0x3  }
0x20d: {  	[tilespmem:s21+$0x51F0] =	vst v19  }
0x20e: {  	v19 =	vld.idx.msk [tilespmem:v20+s10+$0x0], $0xffff  }
0x20f: {  	v44 =	vor.u32 v43, v15;
	_ =	sdelay $0x3  }
0x210: {  	[tilespmem:s21+$0x5200] =	vst v19  }
0x211: {  	v19 =	vld.idx.msk [tilespmem:v44+s10+$0x0], $0xffff  }
0x212: {  	v45 =	vor.u32 v43, v16;
	_ =	sdelay $0x3  }
0x213: {  	[tilespmem:s21+$0x5210] =	vst v19  }
0x214: {  	s29 =	sor.u32 $0x21, s22;
	v19 =	vld.idx.msk [tilespmem:v45+s10+$0x0], $0xffff  }
0x215: {  	v46 =	vmov s29;
	v18 =	vor.u32 v43, v17  }
0x216: {  	v20 =	vmul.u32 $0x48, v46;
	_ =	sdelay $0x1  }
0x217: {  	v20 =	vbroadcast v20, $0x0  }
0x218: {  	[tilespmem:s21+$0x5220] =	vst v19  }
0x219: {  	v47 =	vadd.s32 v20, v6;
	v18 =	vld.idx.msk [tilespmem:v18+s10+$0x0], $0xffff  }
0x21a: {  	v19 =	vor.u32 v7, v47;
	_ =	sdelay $0x3  }
0x21b: {  	[tilespmem:s21+$0x5230] =	vst v18  }
0x21c: {  	v48 =	vadd.s32 v20, v8;
	v18 =	vld.idx.msk [tilespmem:v19+s10+$0x0], $0xffff  }
0x21d: {  	v19 =	vor.u32 v9, v48;
	_ =	sdelay $0x3  }
0x21e: {  	[tilespmem:s21+$0x5240] =	vst v18  }
0x21f: {  	v49 =	vadd.s32 v20, v10;
	v18 =	vld.idx.msk [tilespmem:v19+s10+$0x0], $0xffff  }
0x220: {  	v19 =	vor.u32 v11, v49;
	_ =	sdelay $0x3  }
0x221: {  	[tilespmem:s21+$0x5250] =	vst v18  }
0x222: {  	s30 =	sor.u32 $0x22, s22;
	v50 =	vadd.s32 v20, v12;
	v18 =	vld.idx.msk [tilespmem:v19+s10+$0x0], $0xffff  }
0x223: {  	v51 =	vmov s30;
	v19 =	vor.u32 v13, v50  }
0x224: {  	v20 =	vmul.u32 $0x48, v51;
	_ =	sdelay $0x1  }
0x225: {  	v20 =	vbroadcast v20, $0x0  }
0x226: {  	[tilespmem:s21+$0x5260] =	vst v18  }
0x227: {  	v52 =	vadd.s32 v20, v6;
	v18 =	vld.idx.msk [tilespmem:v19+s10+$0x0], $0xffff  }
0x228: {  	v19 =	vor.u32 v7, v52;
	_ =	sdelay $0x3  }
0x229: {  	[tilespmem:s21+$0x5270] =	vst v18  }
0x22a: {  	v53 =	vadd.s32 v20, v8;
	v18 =	vld.idx.msk [tilespmem:v19+s10+$0x0], $0xffff  }
0x22b: {  	v19 =	vor.u32 v9, v53;
	_ =	sdelay $0x3  }
0x22c: {  	[tilespmem:s21+$0x5280] =	vst v18  }
0x22d: {  	v54 =	vadd.s32 v20, v10;
	v18 =	vld.idx.msk [tilespmem:v19+s10+$0x0], $0xffff  }
0x22e: {  	v19 =	vor.u32 v11, v54;
	_ =	sdelay $0x3  }
0x22f: {  	[tilespmem:s21+$0x5290] =	vst v18  }
0x230: {  	s31 =	sor.u32 $0x23, s22;
	v55 =	vadd.s32 v20, v12;
	v18 =	vld.idx.msk [tilespmem:v19+s10+$0x0], $0xffff  }
0x231: {  	v56 =	vmov s31;
	v19 =	vor.u32 v13, v55  }
0x232: {  	v20 =	vmul.u32 $0x48, v56;
	_ =	sdelay $0x1  }
0x233: {  	v20 =	vbroadcast v20, $0x0  }
0x234: {  	[tilespmem:s21+$0x52A0] =	vst v18  }
0x235: {  	v57 =	vadd.s32 v20, v6;
	v18 =	vld.idx.msk [tilespmem:v19+s10+$0x0], $0xffff  }
0x236: {  	v19 =	vor.u32 v7, v57;
	_ =	sdelay $0x3  }
0x237: {  	[tilespmem:s21+$0x52B0] =	vst v18  }
0x238: {  	v58 =	vadd.s32 v20, v8;
	v18 =	vld.idx.msk [tilespmem:v19+s10+$0x0], $0xffff  }
0x239: {  	v19 =	vor.u32 v9, v58;
	_ =	sdelay $0x3  }
0x23a: {  	[tilespmem:s21+$0x52C0] =	vst v18  }
0x23b: {  	v59 =	vadd.s32 v20, v10;
	v18 =	vld.idx.msk [tilespmem:v19+s10+$0x0], $0xffff  }
0x23c: {  	v19 =	vor.u32 v11, v59;
	_ =	sdelay $0x3  }
0x23d: {  	[tilespmem:s21+$0x52D0] =	vst v18  }
0x23e: {  	v60 =	vadd.s32 v20, v12;
	v18 =	vld.idx.msk [tilespmem:v19+s10+$0x0], $0xffff  }
0x23f: {  	s24 =	sor.u32 $0x24, s22;
	v19 =	vor.u32 v13, v60  }
0x240: {  	v61 =	vmov s24  }
0x241: {  	v20 =	vmul.u32 $0x48, v61;
	_ =	sdelay $0x1  }
0x242: {  	v62 =	vbroadcast v20, $0x0;
	[tilespmem:s21+$0x52E0] =	vst v18  }
0x243: {  	v19 =	vld.idx.msk [tilespmem:v19+s10+$0x0], $0xffff  }
0x244: {  	v20 =	vor.u32 v62, v14;
	_ =	sdelay $0x3  }
0x245: {  	[tilespmem:s21+$0x52F0] =	vst v19  }
0x246: {  	v63 =	vadd.s32 v62, v8;
	v19 =	vld.idx.msk [tilespmem:v20+s10+$0x0], $0xffff  }
0x247: {  	v20 =	vor.u32 v9, v63;
	_ =	sdelay $0x3  }
0x248: {  	[tilespmem:s21+$0x5300] =	vst v19  }
0x249: {  	v24 =	vadd.s32 v62, v10;
	v19 =	vld.idx.msk [tilespmem:v20+s10+$0x0], $0xffff  }
0x24a: {  	v20 =	vor.u32 v11, v24;
	_ =	sdelay $0x3  }
0x24b: {  	[tilespmem:s21+$0x5310] =	vst v19  }
0x24c: {  	s25 =	sor.u32 $0x25, s22;
	v18 =	vadd.s32 v62, v12;
	v19 =	vld.idx.msk [tilespmem:v20+s10+$0x0], $0xffff  }
0x24d: {  	v25 =	vmov s25;
	v18 =	vor.u32 v13, v18  }
0x24e: {  	v20 =	vmul.u32 $0x48, v25;
	_ =	sdelay $0x1  }
0x24f: {  	v20 =	vbroadcast v20, $0x0  }
0x250: {  	[tilespmem:s21+$0x5320] =	vst v19  }
0x251: {  	v26 =	vadd.s32 v20, v6;
	v18 =	vld.idx.msk [tilespmem:v18+s10+$0x0], $0xffff  }
0x252: {  	v19 =	vor.u32 v7, v26;
	_ =	sdelay $0x3  }
0x253: {  	[tilespmem:s21+$0x5330] =	vst v18  }
0x254: {  	v27 =	vadd.s32 v20, v8;
	v18 =	vld.idx.msk [tilespmem:v19+s10+$0x0], $0xffff  }
0x255: {  	v19 =	vor.u32 v9, v27;
	_ =	sdelay $0x3  }
0x256: {  	[tilespmem:s21+$0x5340] =	vst v18  }
0x257: {  	v28 =	vadd.s32 v20, v10;
	v18 =	vld.idx.msk [tilespmem:v19+s10+$0x0], $0xffff  }
0x258: {  	v19 =	vor.u32 v11, v28;
	_ =	sdelay $0x3  }
0x259: {  	[tilespmem:s21+$0x5350] =	vst v18  }
0x25a: {  	s26 =	sor.u32 $0x26, s22;
	v29 =	vadd.s32 v20, v12;
	v18 =	vld.idx.msk [tilespmem:v19+s10+$0x0], $0xffff  }
0x25b: {  	v30 =	vmov s26;
	v19 =	vor.u32 v13, v29  }
0x25c: {  	v20 =	vmul.u32 $0x48, v30;
	_ =	sdelay $0x1  }
0x25d: {  	v20 =	vbroadcast v20, $0x0  }
0x25e: {  	[tilespmem:s21+$0x5360] =	vst v18  }
0x25f: {  	v31 =	vadd.s32 v20, v6;
	v18 =	vld.idx.msk [tilespmem:v19+s10+$0x0], $0xffff  }
0x260: {  	v19 =	vor.u32 v7, v31;
	_ =	sdelay $0x3  }
0x261: {  	[tilespmem:s21+$0x5370] =	vst v18  }
0x262: {  	v32 =	vadd.s32 v20, v8;
	v18 =	vld.idx.msk [tilespmem:v19+s10+$0x0], $0xffff  }
0x263: {  	v19 =	vor.u32 v9, v32;
	_ =	sdelay $0x3  }
0x264: {  	[tilespmem:s21+$0x5380] =	vst v18  }
0x265: {  	v33 =	vadd.s32 v20, v10;
	v18 =	vld.idx.msk [tilespmem:v19+s10+$0x0], $0xffff  }
0x266: {  	v19 =	vor.u32 v11, v33;
	_ =	sdelay $0x3  }
0x267: {  	[tilespmem:s21+$0x5390] =	vst v18  }
0x268: {  	s28 =	sor.u32 $0x27, s22;
	v34 =	vadd.s32 v20, v12;
	v18 =	vld.idx.msk [tilespmem:v19+s10+$0x0], $0xffff  }
0x269: {  	v35 =	vmov s28;
	v19 =	vor.u32 v13, v34  }
0x26a: {  	v20 =	vmul.u32 $0x48, v35;
	_ =	sdelay $0x1  }
0x26b: {  	v20 =	vbroadcast v20, $0x0  }
0x26c: {  	[tilespmem:s21+$0x53A0] =	vst v18  }
0x26d: {  	v36 =	vadd.s32 v20, v6;
	v18 =	vld.idx.msk [tilespmem:v19+s10+$0x0], $0xffff  }
0x26e: {  	v19 =	vor.u32 v7, v36;
	_ =	sdelay $0x3  }
0x26f: {  	[tilespmem:s21+$0x53B0] =	vst v18  }
0x270: {  	v37 =	vadd.s32 v20, v8;
	v18 =	vld.idx.msk [tilespmem:v19+s10+$0x0], $0xffff  }
0x271: {  	v19 =	vor.u32 v9, v37;
	_ =	sdelay $0x3  }
0x272: {  	[tilespmem:s21+$0x53C0] =	vst v18  }
0x273: {  	v38 =	vadd.s32 v20, v10;
	v18 =	vld.idx.msk [tilespmem:v19+s10+$0x0], $0xffff  }
0x274: {  	v19 =	vor.u32 v11, v38;
	_ =	sdelay $0x3  }
0x275: {  	[tilespmem:s21+$0x53D0] =	vst v18  }
0x276: {  	v39 =	vadd.s32 v20, v12;
	v18 =	vld.idx.msk [tilespmem:v19+s10+$0x0], $0xffff  }
0x277: {  	s29 =	sor.u32 $0x28, s22;
	v19 =	vor.u32 v13, v39  }
0x278: {  	v40 =	vmov s29  }
0x279: {  	v20 =	vmul.u32 $0x48, v40;
	_ =	sdelay $0x1  }
0x27a: {  	v41 =	vbroadcast v20, $0x0;
	[tilespmem:s21+$0x53E0] =	vst v18  }
0x27b: {  	v19 =	vld.idx.msk [tilespmem:v19+s10+$0x0], $0xffff  }
0x27c: {  	v20 =	vor.u32 v41, v14;
	_ =	sdelay $0x3  }
0x27d: {  	[tilespmem:s21+$0x53F0] =	vst v19  }
0x27e: {  	v19 =	vld.idx.msk [tilespmem:v20+s10+$0x0], $0xffff  }
0x27f: {  	v42 =	vor.u32 v41, v15;
	_ =	sdelay $0x3  }
0x280: {  	[tilespmem:s21+$0x5400] =	vst v19  }
0x281: {  	v19 =	vld.idx.msk [tilespmem:v42+s10+$0x0], $0xffff  }
0x282: {  	v43 =	vor.u32 v41, v16;
	_ =	sdelay $0x3  }
0x283: {  	[tilespmem:s21+$0x5410] =	vst v19  }
0x284: {  	s30 =	sor.u32 $0x29, s22;
	v18 =	vadd.s32 v41, v12;
	v19 =	vld.idx.msk [tilespmem:v43+s10+$0x0], $0xffff  }
0x285: {  	v44 =	vmov s30;
	v18 =	vor.u32 v13, v18  }
0x286: {  	v20 =	vmul.u32 $0x48, v44;
	_ =	sdelay $0x1  }
0x287: {  	v20 =	vbroadcast v20, $0x0  }
0x288: {  	[tilespmem:s21+$0x5420] =	vst v19  }
0x289: {  	v45 =	vadd.s32 v20, v6;
	v18 =	vld.idx.msk [tilespmem:v18+s10+$0x0], $0xffff  }
0x28a: {  	v19 =	vor.u32 v7, v45;
	_ =	sdelay $0x3  }
0x28b: {  	[tilespmem:s21+$0x5430] =	vst v18  }
0x28c: {  	v46 =	vadd.s32 v20, v8;
	v18 =	vld.idx.msk [tilespmem:v19+s10+$0x0], $0xffff  }
0x28d: {  	v19 =	vor.u32 v9, v46;
	_ =	sdelay $0x3  }
0x28e: {  	[tilespmem:s21+$0x5440] =	vst v18  }
0x28f: {  	v47 =	vadd.s32 v20, v10;
	v18 =	vld.idx.msk [tilespmem:v19+s10+$0x0], $0xffff  }
0x290: {  	v19 =	vor.u32 v11, v47;
	_ =	sdelay $0x3  }
0x291: {  	[tilespmem:s21+$0x5450] =	vst v18  }
0x292: {  	s31 =	sor.u32 $0x2A, s22;
	v48 =	vadd.s32 v20, v12;
	v18 =	vld.idx.msk [tilespmem:v19+s10+$0x0], $0xffff  }
0x293: {  	v49 =	vmov s31;
	v19 =	vor.u32 v13, v48  }
0x294: {  	v20 =	vmul.u32 $0x48, v49;
	_ =	sdelay $0x1  }
0x295: {  	v20 =	vbroadcast v20, $0x0  }
0x296: {  	[tilespmem:s21+$0x5460] =	vst v18  }
0x297: {  	v50 =	vadd.s32 v20, v6;
	v18 =	vld.idx.msk [tilespmem:v19+s10+$0x0], $0xffff  }
0x298: {  	v19 =	vor.u32 v7, v50;
	_ =	sdelay $0x3  }
0x299: {  	[tilespmem:s21+$0x5470] =	vst v18  }
0x29a: {  	v51 =	vadd.s32 v20, v8;
	v18 =	vld.idx.msk [tilespmem:v19+s10+$0x0], $0xffff  }
0x29b: {  	v19 =	vor.u32 v9, v51;
	_ =	sdelay $0x3  }
0x29c: {  	[tilespmem:s21+$0x5480] =	vst v18  }
0x29d: {  	v52 =	vadd.s32 v20, v10;
	v18 =	vld.idx.msk [tilespmem:v19+s10+$0x0], $0xffff  }
0x29e: {  	v19 =	vor.u32 v11, v52;
	_ =	sdelay $0x3  }
0x29f: {  	[tilespmem:s21+$0x5490] =	vst v18  }
0x2a0: {  	s24 =	sor.u32 $0x2B, s22;
	v53 =	vadd.s32 v20, v12;
	v18 =	vld.idx.msk [tilespmem:v19+s10+$0x0], $0xffff  }
0x2a1: {  	v54 =	vmov s24;
	v19 =	vor.u32 v13, v53  }
0x2a2: {  	v20 =	vmul.u32 $0x48, v54;
	_ =	sdelay $0x1  }
0x2a3: {  	v20 =	vbroadcast v20, $0x0  }
0x2a4: {  	[tilespmem:s21+$0x54A0] =	vst v18  }
0x2a5: {  	v55 =	vadd.s32 v20, v6;
	v18 =	vld.idx.msk [tilespmem:v19+s10+$0x0], $0xffff  }
0x2a6: {  	v19 =	vor.u32 v7, v55;
	_ =	sdelay $0x3  }
0x2a7: {  	[tilespmem:s21+$0x54B0] =	vst v18  }
0x2a8: {  	v56 =	vadd.s32 v20, v8;
	v18 =	vld.idx.msk [tilespmem:v19+s10+$0x0], $0xffff  }
0x2a9: {  	v19 =	vor.u32 v9, v56;
	_ =	sdelay $0x3  }
0x2aa: {  	[tilespmem:s21+$0x54C0] =	vst v18  }
0x2ab: {  	v57 =	vadd.s32 v20, v10;
	v18 =	vld.idx.msk [tilespmem:v19+s10+$0x0], $0xffff  }
0x2ac: {  	v19 =	vor.u32 v11, v57;
	_ =	sdelay $0x3  }
0x2ad: {  	[tilespmem:s21+$0x54D0] =	vst v18  }
0x2ae: {  	v58 =	vadd.s32 v20, v12;
	v18 =	vld.idx.msk [tilespmem:v19+s10+$0x0], $0xffff  }
0x2af: {  	s25 =	sor.u32 $0x2C, s22;
	v19 =	vor.u32 v13, v58  }
0x2b0: {  	v59 =	vmov s25  }
0x2b1: {  	v20 =	vmul.u32 $0x48, v59;
	_ =	sdelay $0x1  }
0x2b2: {  	v60 =	vbroadcast v20, $0x0;
	[tilespmem:s21+$0x54E0] =	vst v18  }
0x2b3: {  	v19 =	vld.idx.msk [tilespmem:v19+s10+$0x0], $0xffff  }
0x2b4: {  	v20 =	vor.u32 v60, v14;
	_ =	sdelay $0x3  }
0x2b5: {  	[tilespmem:s21+$0x54F0] =	vst v19  }
0x2b6: {  	v61 =	vadd.s32 v60, v8;
	v19 =	vld.idx.msk [tilespmem:v20+s10+$0x0], $0xffff  }
0x2b7: {  	v20 =	vor.u32 v9, v61;
	_ =	sdelay $0x3  }
0x2b8: {  	[tilespmem:s21+$0x5500] =	vst v19  }
0x2b9: {  	v62 =	vadd.s32 v60, v10;
	v19 =	vld.idx.msk [tilespmem:v20+s10+$0x0], $0xffff  }
0x2ba: {  	v20 =	vor.u32 v11, v62;
	_ =	sdelay $0x3  }
0x2bb: {  	[tilespmem:s21+$0x5510] =	vst v19  }
0x2bc: {  	s26 =	sor.u32 $0x2D, s22;
	v18 =	vadd.s32 v60, v12;
	v19 =	vld.idx.msk [tilespmem:v20+s10+$0x0], $0xffff  }
0x2bd: {  	v63 =	vmov s26;
	v18 =	vor.u32 v13, v18  }
0x2be: {  	v20 =	vmul.u32 $0x48, v63;
	_ =	sdelay $0x1  }
0x2bf: {  	v20 =	vbroadcast v20, $0x0  }
0x2c0: {  	[tilespmem:s21+$0x5520] =	vst v19  }
0x2c1: {  	v23 =	vadd.s32 v20, v6;
	v18 =	vld.idx.msk [tilespmem:v18+s10+$0x0], $0xffff  }
0x2c2: {  	v19 =	vor.u32 v7, v23;
	_ =	sdelay $0x3  }
0x2c3: {  	[tilespmem:s21+$0x5530] =	vst v18  }
0x2c4: {  	v24 =	vadd.s32 v20, v8;
	v18 =	vld.idx.msk [tilespmem:v19+s10+$0x0], $0xffff  }
0x2c5: {  	v19 =	vor.u32 v9, v24;
	_ =	sdelay $0x3  }
0x2c6: {  	[tilespmem:s21+$0x5540] =	vst v18  }
0x2c7: {  	v25 =	vadd.s32 v20, v10;
	v18 =	vld.idx.msk [tilespmem:v19+s10+$0x0], $0xffff  }
0x2c8: {  	v19 =	vor.u32 v11, v25;
	_ =	sdelay $0x3  }
0x2c9: {  	[tilespmem:s21+$0x5550] =	vst v18  }
0x2ca: {  	s28 =	sor.u32 $0x2E, s22;
	v26 =	vadd.s32 v20, v12;
	v18 =	vld.idx.msk [tilespmem:v19+s10+$0x0], $0xffff  }
0x2cb: {  	v27 =	vmov s28;
	v19 =	vor.u32 v13, v26  }
0x2cc: {  	v20 =	vmul.u32 $0x48, v27;
	_ =	sdelay $0x1  }
0x2cd: {  	v20 =	vbroadcast v20, $0x0  }
0x2ce: {  	[tilespmem:s21+$0x5560] =	vst v18  }
0x2cf: {  	v28 =	vadd.s32 v20, v6;
	v18 =	vld.idx.msk [tilespmem:v19+s10+$0x0], $0xffff  }
0x2d0: {  	v19 =	vor.u32 v7, v28;
	_ =	sdelay $0x3  }
0x2d1: {  	[tilespmem:s21+$0x5570] =	vst v18  }
0x2d2: {  	v29 =	vadd.s32 v20, v8;
	v18 =	vld.idx.msk [tilespmem:v19+s10+$0x0], $0xffff  }
0x2d3: {  	v19 =	vor.u32 v9, v29;
	_ =	sdelay $0x3  }
0x2d4: {  	[tilespmem:s21+$0x5580] =	vst v18  }
0x2d5: {  	v30 =	vadd.s32 v20, v10;
	v18 =	vld.idx.msk [tilespmem:v19+s10+$0x0], $0xffff  }
0x2d6: {  	v19 =	vor.u32 v11, v30;
	_ =	sdelay $0x3  }
0x2d7: {  	[tilespmem:s21+$0x5590] =	vst v18  }
0x2d8: {  	s29 =	sor.u32 $0x2F, s22;
	v31 =	vadd.s32 v20, v12;
	v18 =	vld.idx.msk [tilespmem:v19+s10+$0x0], $0xffff  }
0x2d9: {  	v32 =	vmov s29;
	v19 =	vor.u32 v13, v31  }
0x2da: {  	v20 =	vmul.u32 $0x48, v32;
	_ =	sdelay $0x1  }
0x2db: {  	v20 =	vbroadcast v20, $0x0  }
0x2dc: {  	[tilespmem:s21+$0x55A0] =	vst v18  }
0x2dd: {  	v33 =	vadd.s32 v20, v6;
	v18 =	vld.idx.msk [tilespmem:v19+s10+$0x0], $0xffff  }
0x2de: {  	v19 =	vor.u32 v7, v33;
	_ =	sdelay $0x3  }
0x2df: {  	[tilespmem:s21+$0x55B0] =	vst v18  }
0x2e0: {  	v34 =	vadd.s32 v20, v8;
	v18 =	vld.idx.msk [tilespmem:v19+s10+$0x0], $0xffff  }
0x2e1: {  	v19 =	vor.u32 v9, v34;
	_ =	sdelay $0x3  }
0x2e2: {  	[tilespmem:s21+$0x55C0] =	vst v18  }
0x2e3: {  	v35 =	vadd.s32 v20, v10;
	v18 =	vld.idx.msk [tilespmem:v19+s10+$0x0], $0xffff  }
0x2e4: {  	v19 =	vor.u32 v11, v35;
	_ =	sdelay $0x3  }
0x2e5: {  	[tilespmem:s21+$0x55D0] =	vst v18  }
0x2e6: {  	v36 =	vadd.s32 v20, v12;
	v18 =	vld.idx.msk [tilespmem:v19+s10+$0x0], $0xffff  }
0x2e7: {  	s30 =	sor.u32 $0x30, s22;
	v19 =	vor.u32 v13, v36  }
0x2e8: {  	v37 =	vmov s30  }
0x2e9: {  	v20 =	vmul.u32 $0x48, v37;
	_ =	sdelay $0x1  }
0x2ea: {  	v38 =	vbroadcast v20, $0x0;
	[tilespmem:s21+$0x55E0] =	vst v18  }
0x2eb: {  	v19 =	vld.idx.msk [tilespmem:v19+s10+$0x0], $0xffff  }
0x2ec: {  	v20 =	vor.u32 v38, v14;
	_ =	sdelay $0x3  }
0x2ed: {  	[tilespmem:s21+$0x55F0] =	vst v19  }
0x2ee: {  	v19 =	vld.idx.msk [tilespmem:v20+s10+$0x0], $0xffff  }
0x2ef: {  	v39 =	vor.u32 v38, v15;
	_ =	sdelay $0x3  }
0x2f0: {  	[tilespmem:s21+$0x5600] =	vst v19  }
0x2f1: {  	v19 =	vld.idx.msk [tilespmem:v39+s10+$0x0], $0xffff  }
0x2f2: {  	v40 =	vor.u32 v38, v16;
	_ =	sdelay $0x3  }
0x2f3: {  	[tilespmem:s21+$0x5610] =	vst v19  }
0x2f4: {  	s31 =	sor.u32 $0x31, s22;
	v19 =	vld.idx.msk [tilespmem:v40+s10+$0x0], $0xffff  }
0x2f5: {  	v41 =	vmov s31;
	v17 =	vor.u32 v38, v17  }
0x2f6: {  	v18 =	vmul.u32 $0x48, v41;
	_ =	sdelay $0x1  }
0x2f7: {  	v18 =	vbroadcast v18, $0x0  }
0x2f8: {  	[tilespmem:s21+$0x5620] =	vst v19  }
0x2f9: {  	v42 =	vadd.s32 v18, v6;
	v17 =	vld.idx.msk [tilespmem:v17+s10+$0x0], $0xffff  }
0x2fa: {  	v19 =	vor.u32 v7, v42;
	_ =	sdelay $0x3  }
0x2fb: {  	[tilespmem:s21+$0x5630] =	vst v17  }
0x2fc: {  	v43 =	vadd.s32 v18, v8;
	v17 =	vld.idx.msk [tilespmem:v19+s10+$0x0], $0xffff  }
0x2fd: {  	v19 =	vor.u32 v9, v43;
	_ =	sdelay $0x3  }
0x2fe: {  	[tilespmem:s21+$0x5640] =	vst v17  }
0x2ff: {  	v44 =	vadd.s32 v18, v10;
	v17 =	vld.idx.msk [tilespmem:v19+s10+$0x0], $0xffff  }
0x300: {  	v19 =	vor.u32 v11, v44;
	_ =	sdelay $0x3  }
0x301: {  	[tilespmem:s21+$0x5650] =	vst v17  }
0x302: {  	s24 =	sor.u32 $0x32, s22;
	v18 =	vadd.s32 v18, v12;
	v17 =	vld.idx.msk [tilespmem:v19+s10+$0x0], $0xffff  }
0x303: {  	v45 =	vmov s24;
	v18 =	vor.u32 v13, v18  }
0x304: {  	v19 =	vmul.u32 $0x48, v45;
	_ =	sdelay $0x1  }
0x305: {  	v19 =	vbroadcast v19, $0x0  }
0x306: {  	[tilespmem:s21+$0x5660] =	vst v17  }
0x307: {  	v46 =	vadd.s32 v19, v6;
	v17 =	vld.idx.msk [tilespmem:v18+s10+$0x0], $0xffff  }
0x308: {  	v18 =	vor.u32 v7, v46;
	_ =	sdelay $0x3  }
0x309: {  	[tilespmem:s21+$0x5670] =	vst v17  }
0x30a: {  	v47 =	vadd.s32 v19, v8;
	v17 =	vld.idx.msk [tilespmem:v18+s10+$0x0], $0xffff  }
0x30b: {  	v18 =	vor.u32 v9, v47;
	_ =	sdelay $0x3  }
0x30c: {  	[tilespmem:s21+$0x5680] =	vst v17  }
0x30d: {  	v48 =	vadd.s32 v19, v10;
	v17 =	vld.idx.msk [tilespmem:v18+s10+$0x0], $0xffff  }
0x30e: {  	v18 =	vor.u32 v11, v48;
	_ =	sdelay $0x3  }
0x30f: {  	[tilespmem:s21+$0x5690] =	vst v17  }
0x310: {  	s25 =	sor.u32 $0x33, s22;
	v49 =	vadd.s32 v19, v12;
	v17 =	vld.idx.msk [tilespmem:v18+s10+$0x0], $0xffff  }
0x311: {  	v50 =	vmov s25;
	v18 =	vor.u32 v13, v49  }
0x312: {  	v19 =	vmul.u32 $0x48, v50;
	_ =	sdelay $0x1  }
0x313: {  	v19 =	vbroadcast v19, $0x0  }
0x314: {  	[tilespmem:s21+$0x56A0] =	vst v17  }
0x315: {  	v51 =	vadd.s32 v19, v6;
	v17 =	vld.idx.msk [tilespmem:v18+s10+$0x0], $0xffff  }
0x316: {  	v18 =	vor.u32 v7, v51;
	_ =	sdelay $0x3  }
0x317: {  	[tilespmem:s21+$0x56B0] =	vst v17  }
0x318: {  	v52 =	vadd.s32 v19, v8;
	v17 =	vld.idx.msk [tilespmem:v18+s10+$0x0], $0xffff  }
0x319: {  	v18 =	vor.u32 v9, v52;
	_ =	sdelay $0x3  }
0x31a: {  	[tilespmem:s21+$0x56C0] =	vst v17  }
0x31b: {  	v53 =	vadd.s32 v19, v10;
	v17 =	vld.idx.msk [tilespmem:v18+s10+$0x0], $0xffff  }
0x31c: {  	v18 =	vor.u32 v11, v53;
	_ =	sdelay $0x3  }
0x31d: {  	[tilespmem:s21+$0x56D0] =	vst v17  }
0x31e: {  	v54 =	vadd.s32 v19, v12;
	v17 =	vld.idx.msk [tilespmem:v18+s10+$0x0], $0xffff  }
0x31f: {  	s26 =	sor.u32 $0x34, s22;
	v18 =	vor.u32 v13, v54  }
0x320: {  	v55 =	vmov s26  }
0x321: {  	v19 =	vmul.u32 $0x48, v55;
	_ =	sdelay $0x1  }
0x322: {  	v56 =	vbroadcast v19, $0x0;
	[tilespmem:s21+$0x56E0] =	vst v17  }
0x323: {  	v18 =	vld.idx.msk [tilespmem:v18+s10+$0x0], $0xffff  }
0x324: {  	v19 =	vor.u32 v56, v14;
	_ =	sdelay $0x3  }
0x325: {  	[tilespmem:s21+$0x56F0] =	vst v18  }
0x326: {  	v57 =	vadd.s32 v56, v8;
	v18 =	vld.idx.msk [tilespmem:v19+s10+$0x0], $0xffff  }
0x327: {  	v19 =	vor.u32 v9, v57;
	_ =	sdelay $0x3  }
0x328: {  	[tilespmem:s21+$0x5700] =	vst v18  }
0x329: {  	v58 =	vadd.s32 v56, v10;
	v18 =	vld.idx.msk [tilespmem:v19+s10+$0x0], $0xffff  }
0x32a: {  	v19 =	vor.u32 v11, v58;
	_ =	sdelay $0x3  }
0x32b: {  	[tilespmem:s21+$0x5710] =	vst v18  }
0x32c: {  	s28 =	sor.u32 $0x35, s22;
	v17 =	vadd.s32 v56, v12;
	v18 =	vld.idx.msk [tilespmem:v19+s10+$0x0], $0xffff  }
0x32d: {  	v59 =	vmov s28;
	v17 =	vor.u32 v13, v17  }
0x32e: {  	v19 =	vmul.u32 $0x48, v59;
	_ =	sdelay $0x1  }
0x32f: {  	v19 =	vbroadcast v19, $0x0  }
0x330: {  	[tilespmem:s21+$0x5720] =	vst v18  }
0x331: {  	v60 =	vadd.s32 v19, v6;
	v17 =	vld.idx.msk [tilespmem:v17+s10+$0x0], $0xffff  }
0x332: {  	v18 =	vor.u32 v7, v60;
	_ =	sdelay $0x3  }
0x333: {  	[tilespmem:s21+$0x5730] =	vst v17  }
0x334: {  	v61 =	vadd.s32 v19, v8;
	v17 =	vld.idx.msk [tilespmem:v18+s10+$0x0], $0xffff  }
0x335: {  	v18 =	vor.u32 v9, v61;
	_ =	sdelay $0x3  }
0x336: {  	[tilespmem:s21+$0x5740] =	vst v17  }
0x337: {  	v62 =	vadd.s32 v19, v10;
	v17 =	vld.idx.msk [tilespmem:v18+s10+$0x0], $0xffff  }
0x338: {  	v18 =	vor.u32 v11, v62;
	_ =	sdelay $0x3  }
0x339: {  	[tilespmem:s21+$0x5750] =	vst v17  }
0x33a: {  	s29 =	sor.u32 $0x36, s22;
	v63 =	vadd.s32 v19, v12;
	v17 =	vld.idx.msk [tilespmem:v18+s10+$0x0], $0xffff  }
0x33b: {  	v21 =	vmov s29;
	v18 =	vor.u32 v13, v63  }
0x33c: {  	v19 =	vmul.u32 $0x48, v21;
	_ =	sdelay $0x1  }
0x33d: {  	v19 =	vbroadcast v19, $0x0  }
0x33e: {  	[tilespmem:s21+$0x5760] =	vst v17  }
0x33f: {  	v22 =	vadd.s32 v19, v6;
	v17 =	vld.idx.msk [tilespmem:v18+s10+$0x0], $0xffff  }
0x340: {  	v18 =	vor.u32 v7, v22;
	_ =	sdelay $0x3  }
0x341: {  	[tilespmem:s21+$0x5770] =	vst v17  }
0x342: {  	v23 =	vadd.s32 v19, v8;
	v17 =	vld.idx.msk [tilespmem:v18+s10+$0x0], $0xffff  }
0x343: {  	v18 =	vor.u32 v9, v23;
	_ =	sdelay $0x3  }
0x344: {  	[tilespmem:s21+$0x5780] =	vst v17  }
0x345: {  	v24 =	vadd.s32 v19, v10;
	v17 =	vld.idx.msk [tilespmem:v18+s10+$0x0], $0xffff  }
0x346: {  	v18 =	vor.u32 v11, v24;
	_ =	sdelay $0x3  }
0x347: {  	[tilespmem:s21+$0x5790] =	vst v17  }
0x348: {  	s30 =	sor.u32 $0x37, s22;
	v25 =	vadd.s32 v19, v12;
	v17 =	vld.idx.msk [tilespmem:v18+s10+$0x0], $0xffff  }
0x349: {  	v26 =	vmov s30;
	v18 =	vor.u32 v13, v25  }
0x34a: {  	v19 =	vmul.u32 $0x48, v26;
	_ =	sdelay $0x1  }
0x34b: {  	v19 =	vbroadcast v19, $0x0  }
0x34c: {  	[tilespmem:s21+$0x57A0] =	vst v17  }
0x34d: {  	v27 =	vadd.s32 v19, v6;
	v17 =	vld.idx.msk [tilespmem:v18+s10+$0x0], $0xffff  }
0x34e: {  	v18 =	vor.u32 v7, v27;
	_ =	sdelay $0x3  }
0x34f: {  	[tilespmem:s21+$0x57B0] =	vst v17  }
0x350: {  	v28 =	vadd.s32 v19, v8;
	v17 =	vld.idx.msk [tilespmem:v18+s10+$0x0], $0xffff  }
0x351: {  	v18 =	vor.u32 v9, v28;
	_ =	sdelay $0x3  }
0x352: {  	[tilespmem:s21+$0x57C0] =	vst v17  }
0x353: {  	v29 =	vadd.s32 v19, v10;
	v17 =	vld.idx.msk [tilespmem:v18+s10+$0x0], $0xffff  }
0x354: {  	v18 =	vor.u32 v11, v29;
	_ =	sdelay $0x3  }
0x355: {  	[tilespmem:s21+$0x57D0] =	vst v17  }
0x356: {  	v30 =	vadd.s32 v19, v12;
	v17 =	vld.idx.msk [tilespmem:v18+s10+$0x0], $0xffff  }
0x357: {  	s31 =	sor.u32 $0x38, s22;
	v18 =	vor.u32 v13, v30  }
0x358: {  	v31 =	vmov s31  }
0x359: {  	v19 =	vmul.u32 $0x48, v31;
	_ =	sdelay $0x1  }
0x35a: {  	v32 =	vbroadcast v19, $0x0;
	[tilespmem:s21+$0x57E0] =	vst v17  }
0x35b: {  	v18 =	vld.idx.msk [tilespmem:v18+s10+$0x0], $0xffff  }
0x35c: {  	v19 =	vor.u32 v32, v14;
	_ =	sdelay $0x3  }
0x35d: {  	[tilespmem:s21+$0x57F0] =	vst v18  }
0x35e: {  	v18 =	vld.idx.msk [tilespmem:v19+s10+$0x0], $0xffff  }
0x35f: {  	v15 =	vor.u32 v32, v15;
	_ =	sdelay $0x3  }
0x360: {  	[tilespmem:s21+$0x5800] =	vst v18  }
0x361: {  	v15 =	vld.idx.msk [tilespmem:v15+s10+$0x0], $0xffff  }
0x362: {  	v16 =	vor.u32 v32, v16;
	_ =	sdelay $0x3  }
0x363: {  	[tilespmem:s21+$0x5810] =	vst v15  }
0x364: {  	s24 =	sor.u32 $0x39, s22;
	v33 =	vadd.s32 v32, v12;
	v15 =	vld.idx.msk [tilespmem:v16+s10+$0x0], $0xffff  }
0x365: {  	v34 =	vmov s24;
	v16 =	vor.u32 v13, v33  }
0x366: {  	v17 =	vmul.u32 $0x48, v34;
	_ =	sdelay $0x1  }
0x367: {  	v17 =	vbroadcast v17, $0x0  }
0x368: {  	[tilespmem:s21+$0x5820] =	vst v15  }
0x369: {  	v35 =	vadd.s32 v17, v6;
	v15 =	vld.idx.msk [tilespmem:v16+s10+$0x0], $0xffff  }
0x36a: {  	v16 =	vor.u32 v7, v35;
	_ =	sdelay $0x3  }
0x36b: {  	[tilespmem:s21+$0x5830] =	vst v15  }
0x36c: {  	v36 =	vadd.s32 v17, v8;
	v15 =	vld.idx.msk [tilespmem:v16+s10+$0x0], $0xffff  }
0x36d: {  	v16 =	vor.u32 v9, v36;
	_ =	sdelay $0x3  }
0x36e: {  	[tilespmem:s21+$0x5840] =	vst v15  }
0x36f: {  	v37 =	vadd.s32 v17, v10;
	v15 =	vld.idx.msk [tilespmem:v16+s10+$0x0], $0xffff  }
0x370: {  	v16 =	vor.u32 v11, v37;
	_ =	sdelay $0x3  }
0x371: {  	[tilespmem:s21+$0x5850] =	vst v15  }
0x372: {  	s25 =	sor.u32 $0x3A, s22;
	v38 =	vadd.s32 v17, v12;
	v15 =	vld.idx.msk [tilespmem:v16+s10+$0x0], $0xffff  }
0x373: {  	v39 =	vmov s25;
	v16 =	vor.u32 v13, v38  }
0x374: {  	v17 =	vmul.u32 $0x48, v39;
	_ =	sdelay $0x1  }
0x375: {  	v17 =	vbroadcast v17, $0x0  }
0x376: {  	[tilespmem:s21+$0x5860] =	vst v15  }
0x377: {  	v40 =	vadd.s32 v17, v6;
	v15 =	vld.idx.msk [tilespmem:v16+s10+$0x0], $0xffff  }
0x378: {  	v16 =	vor.u32 v7, v40;
	_ =	sdelay $0x3  }
0x379: {  	[tilespmem:s21+$0x5870] =	vst v15  }
0x37a: {  	v41 =	vadd.s32 v17, v8;
	v15 =	vld.idx.msk [tilespmem:v16+s10+$0x0], $0xffff  }
0x37b: {  	v16 =	vor.u32 v9, v41;
	_ =	sdelay $0x3  }
0x37c: {  	[tilespmem:s21+$0x5880] =	vst v15  }
0x37d: {  	v42 =	vadd.s32 v17, v10;
	v15 =	vld.idx.msk [tilespmem:v16+s10+$0x0], $0xffff  }
0x37e: {  	v16 =	vor.u32 v11, v42;
	_ =	sdelay $0x3  }
0x37f: {  	[tilespmem:s21+$0x5890] =	vst v15  }
0x380: {  	s26 =	sor.u32 $0x3B, s22;
	v43 =	vadd.s32 v17, v12;
	v15 =	vld.idx.msk [tilespmem:v16+s10+$0x0], $0xffff  }
0x381: {  	v44 =	vmov s26;
	v16 =	vor.u32 v13, v43  }
0x382: {  	v17 =	vmul.u32 $0x48, v44;
	_ =	sdelay $0x1  }
0x383: {  	v17 =	vbroadcast v17, $0x0  }
0x384: {  	[tilespmem:s21+$0x58A0] =	vst v15  }
0x385: {  	v45 =	vadd.s32 v17, v6;
	v15 =	vld.idx.msk [tilespmem:v16+s10+$0x0], $0xffff  }
0x386: {  	v16 =	vor.u32 v7, v45;
	_ =	sdelay $0x3  }
0x387: {  	[tilespmem:s21+$0x58B0] =	vst v15  }
0x388: {  	v46 =	vadd.s32 v17, v8;
	v15 =	vld.idx.msk [tilespmem:v16+s10+$0x0], $0xffff  }
0x389: {  	v16 =	vor.u32 v9, v46;
	_ =	sdelay $0x3  }
0x38a: {  	[tilespmem:s21+$0x58C0] =	vst v15  }
0x38b: {  	v47 =	vadd.s32 v17, v10;
	v15 =	vld.idx.msk [tilespmem:v16+s10+$0x0], $0xffff  }
0x38c: {  	v16 =	vor.u32 v11, v47;
	_ =	sdelay $0x3  }
0x38d: {  	[tilespmem:s21+$0x58D0] =	vst v15  }
0x38e: {  	v48 =	vadd.s32 v17, v12;
	v15 =	vld.idx.msk [tilespmem:v16+s10+$0x0], $0xffff  }
0x38f: {  	s28 =	sor.u32 $0x3C, s22;
	v16 =	vor.u32 v13, v48  }
0x390: {  	v49 =	vmov s28  }
0x391: {  	v17 =	vmul.u32 $0x48, v49;
	_ =	sdelay $0x1  }
0x392: {  	v50 =	vbroadcast v17, $0x0;
	[tilespmem:s21+$0x58E0] =	vst v15  }
0x393: {  	v16 =	vld.idx.msk [tilespmem:v16+s10+$0x0], $0xffff  }
0x394: {  	v14 =	vor.u32 v50, v14;
	_ =	sdelay $0x3  }
0x395: {  	[tilespmem:s21+$0x58F0] =	vst v16  }
0x396: {  	v51 =	vadd.s32 v50, v8;
	v14 =	vld.idx.msk [tilespmem:v14+s10+$0x0], $0xffff  }
0x397: {  	v16 =	vor.u32 v9, v51;
	_ =	sdelay $0x3  }
0x398: {  	[tilespmem:s21+$0x5900] =	vst v14  }
0x399: {  	v52 =	vadd.s32 v50, v10;
	v14 =	vld.idx.msk [tilespmem:v16+s10+$0x0], $0xffff  }
0x39a: {  	v16 =	vor.u32 v11, v52;
	_ =	sdelay $0x3  }
0x39b: {  	[tilespmem:s21+$0x5910] =	vst v14  }
0x39c: {  	s29 =	sor.u32 $0x3D, s22;
	v15 =	vadd.s32 v50, v12;
	v14 =	vld.idx.msk [tilespmem:v16+s10+$0x0], $0xffff  }
0x39d: {  	v53 =	vmov s29;
	v15 =	vor.u32 v13, v15  }
0x39e: {  	v16 =	vmul.u32 $0x48, v53;
	_ =	sdelay $0x1  }
0x39f: {  	v16 =	vbroadcast v16, $0x0  }
0x3a0: {  	[tilespmem:s21+$0x5920] =	vst v14  }
0x3a1: {  	v54 =	vadd.s32 v16, v6;
	v14 =	vld.idx.msk [tilespmem:v15+s10+$0x0], $0xffff  }
0x3a2: {  	v15 =	vor.u32 v7, v54;
	_ =	sdelay $0x3  }
0x3a3: {  	[tilespmem:s21+$0x5930] =	vst v14  }
0x3a4: {  	v55 =	vadd.s32 v16, v8;
	v14 =	vld.idx.msk [tilespmem:v15+s10+$0x0], $0xffff  }
0x3a5: {  	v15 =	vor.u32 v9, v55;
	_ =	sdelay $0x3  }
0x3a6: {  	[tilespmem:s21+$0x5940] =	vst v14  }
0x3a7: {  	v56 =	vadd.s32 v16, v10;
	v14 =	vld.idx.msk [tilespmem:v15+s10+$0x0], $0xffff  }
0x3a8: {  	v15 =	vor.u32 v11, v56;
	_ =	sdelay $0x3  }
0x3a9: {  	[tilespmem:s21+$0x5950] =	vst v14  }
0x3aa: {  	s30 =	sor.u32 $0x3E, s22;
	v57 =	vadd.s32 v16, v12;
	v14 =	vld.idx.msk [tilespmem:v15+s10+$0x0], $0xffff  }
0x3ab: {  	v58 =	vmov s30;
	v15 =	vor.u32 v13, v57  }
0x3ac: {  	v16 =	vmul.u32 $0x48, v58;
	_ =	sdelay $0x1  }
0x3ad: {  	v16 =	vbroadcast v16, $0x0  }
0x3ae: {  	[tilespmem:s21+$0x5960] =	vst v14  }
0x3af: {  	v59 =	vadd.s32 v16, v6;
	v14 =	vld.idx.msk [tilespmem:v15+s10+$0x0], $0xffff  }
0x3b0: {  	v15 =	vor.u32 v7, v59;
	_ =	sdelay $0x3  }
0x3b1: {  	[tilespmem:s21+$0x5970] =	vst v14  }
0x3b2: {  	v60 =	vadd.s32 v16, v8;
	v14 =	vld.idx.msk [tilespmem:v15+s10+$0x0], $0xffff  }
0x3b3: {  	v15 =	vor.u32 v9, v60;
	_ =	sdelay $0x3  }
0x3b4: {  	[tilespmem:s21+$0x5980] =	vst v14  }
0x3b5: {  	v61 =	vadd.s32 v16, v10;
	v14 =	vld.idx.msk [tilespmem:v15+s10+$0x0], $0xffff  }
0x3b6: {  	v15 =	vor.u32 v11, v61;
	_ =	sdelay $0x3  }
0x3b7: {  	[tilespmem:s21+$0x5990] =	vst v14  }
0x3b8: {  	s22 =	sor.u32 $0x3F, s22;
	v62 =	vadd.s32 v16, v12;
	v14 =	vld.idx.msk [tilespmem:v15+s10+$0x0], $0xffff  }
0x3b9: {  	v63 =	vmov s22;
	v15 =	vor.u32 v13, v62  }
0x3ba: {  	v16 =	vmul.u32 $0x48, v63;
	_ =	sdelay $0x1  }
0x3bb: {  	v16 =	vbroadcast v16, $0x0  }
0x3bc: {  	[tilespmem:s21+$0x59A0] =	vst v14  }
0x3bd: {  	v6 =	vadd.s32 v16, v6;
	v14 =	vld.idx.msk [tilespmem:v15+s10+$0x0], $0xffff  }
0x3be: {  	v6 =	vor.u32 v7, v6;
	_ =	sdelay $0x3  }
0x3bf: {  	[tilespmem:s21+$0x59B0] =	vst v14  }
0x3c0: {  	v7 =	vadd.s32 v16, v8;
	v6 =	vld.idx.msk [tilespmem:v6+s10+$0x0], $0xffff  }
0x3c1: {  	v7 =	vor.u32 v9, v7;
	_ =	sdelay $0x3  }
0x3c2: {  	[tilespmem:s21+$0x59C0] =	vst v6  }
0x3c3: {  	v6 =	vld.idx.msk [tilespmem:v7+s10+$0x0], $0xffff;
	v7 =	vadd.s32 v16, v10  }
0x3c4: {  	v7 =	vor.u32 v11, v7;
	_ =	sdelay $0x3  }
0x3c5: {  	[tilespmem:s21+$0x59D0] =	vst v6  }
0x3c6: {  	v6 =	vld.idx.msk [tilespmem:v7+s10+$0x0], $0xffff;
	v7 =	vadd.s32 v16, v12  }
0x3c7: {  	v7 =	vor.u32 v13, v7;
	_ =	sdelay $0x3  }
0x3c8: {  	[tilespmem:s21+$0x59E0] =	vst v6  }
0x3c9: {  	v6 =	vld.idx.msk [tilespmem:v7+s10+$0x0], $0xffff  }
0x3ca: {  	s19 =	sadd.s32 $0x2, s19  }
0x3cb: {  	p0 =	sne.s32 s19, $0x200  }
.Ltmp0:
0x3cc: {  	_ = 	snop;
	(pc) =	sbr.rel @p0 .LBB2_2-.Ltmp0, $4  }
0x3cd: {  	_ = 	snop  }
0x3ce: {  	s20 =	sadd.s32 $0x1, s20;
	s31 =	sor.u32 $0x4A00, s21;
	[tilespmem:s21+$0x59F0] =	vst v6  }
0x3cf: {  	[hbm4b:s18+s2] =	stream.linear.scatter [tilespmem:s31], [sflag:$0x2], $0x1000, $0x38;
	[tilespmem:$0x6A00] =	vst v63  }
0x3d0: {  	s16 =	sadd.s32 $0x40, s16;
	s17 =	sadd.s32 $0x1000, s17;
	s18 =	sadd.s32 $0x200, s18  }
0x3d1: {  	s15 =	sadd.s32 $0x1, s15  }
0x3d2: {  	_ =	swait.ge [sflag:s14], $0x1000;
	p0 =	sne.s32 s15, s5  }
.Ltmp1:
0x3d3: {  	[sflag:s14] =	ssyncset.done $0x0;
	(pc) =	sbr.rel @p0 .LBB2_1-.Ltmp1, $4  }
0x3d4: {  	[sflag:s14] =	ssyncadd.s32 $0xFFFFF000  }
0x3d5: {  	_ =	swait.ge [sflag:s14], $0x1000  }
0x3d6: {  	[sflag:s14] =	ssyncset.done $0x0  }
0x3d7: {  	[sflag:s14] =	ssyncadd.s32 $0xFFFFF000  }
0x3d8: {  	_ =	sfence.sel $0x180000  }
0x3d9: {  	[bflag:$0x0] =	sbarrier.arrive $0xFFFF  }
0x3da: {  	p0 =	sne.s32 s1, $0x0;
	_ =	strace $0x9000004A  }
0x3db: {  	s0 =	sadd.s32 @!p0 $0x100000, s0;
	[bflag:$0x2] =	sbarrier.arrive $0xFFFF  }
0x3dc: {  	[sflag:s0] =	ssyncadd.tile.s32 @!p0 $0x1;
	_ =	shalt  }
.Lfunc_end2:
_tile_overlayer_lowered:
.L_overlay_start_2:
0x3dd: {  	(tag) =	ssettag $0x2  }
0x3de: {  	s0 =	rddreg [dreg:$0x0];
	s2 =	stileid.u32  }
0x3df: {  	s1 =	rddreg [dreg:$0x1];
	p0 =	sne.s32 s2, $0x0  }
0x3e0: {  	s3 =	rddreg [dreg:$0x2];
	[bflag:$0x3] =	sbarrier.arrive $0xFFFF;
	s2 =	simm.s32 @!p0 $0x1C03  }
0x3e1: {  	[timem:s3], [sflag:s2] =	dma.local @!p0 [hbm:s0], s1  }
0x3e2: {  	s0 =	simm.s32 @!p0 $0x3  }
0x3e3: {  	_ =	swait.ge @!p0 [sflag:s0], s1  }
0x3e4: {  	s1 =	ssub.s32 @!p0 $0x0, s1;
	[sflag:s0] =	ssyncset.done @!p0 $0x0  }
0x3e5: {  	[sflag:s0] =	ssyncadd.s32 @!p0 s1  }
0x3e6: {  	[bflag:$0x3] =	sbarrier.arrive $0xFFFF  }
0x3e7: {  	_ =	shalt  }

// kernel: sparse-core-data-format-call.1.cloned.1.call-start
scs
called_computation.1_lowered:
.L_overlay_start_0:
0x0: {  	s2 =	sld [smem:$0x3FD9]  }
0x1: {  	s3 =	sld [smem:$0x3FFE];
	_ =	sdelay $0x1  }
0x2: {  	s1 =	srdreg.scid  }
0x3: {  	s0 =	sand.u32 $0x1, s1  }
0x4: {  	s18 =	sshll.u32 s0, $0xA;
	s2 =	sadd.s32 s3, s2  }
0x5: {  	s2 =	sadd.s32 s2, s18  }
0x6: {  	[smem:$0x3FC6] =	sst s2  }
0x7: {  	_ = 	snop  }
0x8: {  	s2 =	sld [smem:$0x3FC9];
	(tm) =	ssettm $0x1  }
0x9: {  	s19 =	sld [smem:$0x3FFB];
	_ =	sdelay $0x3  }
0xa: {  	_ =	strace s19  }
0xb: {  	s3 =	sld [smem:$0x3FFC];
	_ =	sdelay $0x3  }
0xc: {  	_ =	strace s3  }
0xd: {  	s3 =	sld [smem:$0x3FFD];
	_ =	sdelay $0x3  }
0xe: {  	_ =	strace s3  }
0xf: {  	_ =	strace $0x8FFFFFFF  }
0x10: {  	s20 =	sld [smem:$0x3FDB];
	_ =	sdelay $0x1  }
0x11: {  	s4 =	simm.s32 $_scs_section_size  }
0x12: {  	s5 =	simm.s32 $_size__tile_overlayer_lowered;
	s6 =	simm.s32 $_tile_overlayer_lowered  }
0x13: {  	s23 =	simm.s32 $0x1BFF;
	s22 =	sshll.u32 s6, $0x1;
	s3 =	sadd.s32 s4, s20  }
0x14: {  	s7 =	simm.s32 $0x0;
	s21 =	sshll.u32 s5, $0x1;
	s5 =	sadd.s32 s22, s3  }
0x15: {  	[timem:s7], [sflag:s23] =	dma.local [hbm:s5], s21  }
0x16: {  	_ =	swait.ge [sflag:s23], s21  }
0x17: {  	s4 =	ssub.s32 $0x0, s21;
	[sflag:s23] =	ssyncset.done $0x0  }
0x18: {  	[sflag:s23] =	ssyncadd.s32 s4;
	_ =	sdelay $0x1  }
0x19: {  	s24 =	simm.s32 $0x1B8B  }
0x1a: {  	_ =	swait.ge [sflag:s24], $0x1  }
0x1b: {  	[sflag:s24] =	ssyncset.done $0x0  }
0x1c: {  	s26 =	simm.s32 $0x1B8E;
	s25 =	sld [smem:$0x3FFE];
	[sflag:s24] =	ssyncadd.s32 $0xFFFFFFFF  }
0x1d: {  	s27 =	simm.s32 $execute0_lowered;
	[smem:$0x3FD2] =	sst s26  }
0x1e: {  	s5 =	sshll.u32 s27, $0x1;
	_ =	strace $0x80000046;
	[dreg:$0x1] =	wrdreg $0xFFFFFFFF  }
0x1f: {  	s28 =	simm.s32 $_size_execute0_lowered;
	s3 =	sadd.s32 s3, s5;
	[dreg:$0x0] =	wrdreg $0x0  }
0x20: {  	s5 =	sshll.u32 s28, $0x1;
	[dreg:$0x2] =	wrdreg s3  }
0x21: {  	[dreg:$0x3] =	wrdreg s5  }
0x22: {  	[dreg:$0x4] =	wrdreg $0xC0  }
0x23: {  	_ =	task [dreg:s7], $0x5FFFF  }
0x24: {  	[dreg:$0x1] =	wrdreg $0xFFFFFFFF  }
0x25: {  	[dreg:$0x0] =	wrdreg $0x60  }
0x26: {  	[dreg:$0x2] =	wrdreg s2  }
0x27: {  	[dreg:$0x3] =	wrdreg s25  }
0x28: {  	[dreg:$0x4] =	wrdreg $0x9  }
0x29: {  	_ =	task.clear_ibuf [dreg:s7], $0x5FFFF;
	_ =	strace $0x90000046  }
0x2a: {  	s29 =	simm.s32 $0x9;
	_ =	strace $0x80000048  }
0x2b: {  	_ =	swait.ge [sflag:s29], $0x1  }
0x2c: {  	[sflag:s29] =	ssyncadd.s32 $0xFFFFFFFF  }
0x2d: {  	_ =	strace $0x90000048  }
0x2e: {  	_ =	sfence  }
0x2f: {  	s30 =	sld [smem:$0x0];
	_ =	sdelay $0x2  }
0x30: {  	s31 =	sshll.u32 s1, $0xD;
	s1 =	sshrl.u32 s1, $0x2  }
0x31: {  	s3 =	sand.u32 $0x4000, s31;
	s1 =	sadd.s32 s1, s30  }
0x32: {  	s0 =	sor.u32 s3, s0;
	s1 =	sshll.u32 s1, $0x11  }
0x33: {  	s0 =	sor.u32 s1, s0  }
0x34: {  	s0 =	sadd.s32 $0x8F2B, s0  }
0x35: {  	[sflag:s0] =	ssyncadd.remote.s32 $0x1  }
0x36: {  	_ =	sfence.sel $0xFFFF  }
0x37: {  	[dreg:$0x0] =	wrdreg $0xFFFFFFFF;
	(pc) =	sbr.abs _section_cstart, $3  }
0x38: {  	[dreg:$0x1] =	wrdreg $0xFFFFFFFF  }
0x39: {  	_ =	task.clear_ibuf [dreg:s7], $0x2FFFF;
	_ =	strace $0x9FFFFFFF  }
0x3a: {  	(tm) =	ssettm $0x7FFFFFFF  }
0x3b: {  	_ =	shalt  }
tec
execute0_lowered:
.L_overlay_start_1:
0x0: {  	(tag) =	ssettag $0x1  }
0x1: {  	s2 =	rddreg [dreg:$0x0]  }
0x2: {  	s1 =	rddreg [dreg:$0x1]  }
0x3: {  	s0 =	rddreg [dreg:$0x2];
	_ =	strace $0x80000047;
	s4 =	srdreg.scid  }
0x4: {  	s6 =	simm.s32 $0x2;
	s11 =	simm.s32 $0x0;
	p0 =	por $0x0, $0x0  }
.Ltmp0:
0x5: {  	s7 =	simm.s32 $0x1000;
	s12 =	simm.s32 $0x0;
	(pc) =	sbr.rel .LBB1_1-.Ltmp0, $4  }
0x6: {  	s9 =	simm.s32 $0x0;
	s3 =	sadd.s32 $0xE00, s1;
	s5 =	sshll.u32 s4, $0x4  }
0x7: {  	s1 =	stileid.u32;
	s4 =	simm.s32 $0x1;
	s5 =	sand.u32 $0x10, s5  }
0x8: {  	s8 =	simm.s32 $0x0;
	[sflag:s4] =	ssyncpa.u1 $0x0;
	s5 =	sor.u32 s1, s5  }
0x9: {  	[sflag:s6] =	ssyncpa.u1 $0x0;
	s6 =	simm.s32 $0x800;
	s10 =	smov.u32 s5  }
.LBB1_7:
0xa: {  	s13 =	sadd.s32 $0x10, s9  }
0xb: {  	s11 =	sadd.s32 $0x20, s10;
	s15 =	smov.u32 s10;
	p2 =	sgt.s32 s13, $0x1F  }
0xc: {  	p1 =	slt.u32 s8, $0x2;
	s15 =	smov.u32 @p2 s11  }
0xd: {  	s8 =	sadd.s32 $0x1, s8;
	s13 =	simm.s32 @p2 $0x0;
	p2 =	sgt.s32 s15, $0x1FF  }
0xe: {  	s15 =	smov.u32 @p2 s5;
	p2 =	sne.s32 s8, $0x22  }
.Ltmp1:
0xf: {  	_ = 	snop;
	(pc) =	sbr.rel @!p2 .LBB1_8-.Ltmp1, $4  }
0x10: {  	s14 =	simm.s32 @!p1 $0x2  }
0x11: {  	s12 =	smov.u32 s10;
	_ =	swait.ge @!p1 [sflag:s14], $0x4000  }
0x12: {  	p0 =	por !p0, !p0;
	s11 =	smov.u32 s9;
	[sflag:s14] =	ssyncset.done @!p1 $0x0  }
0x13: {  	s9 =	smov.u32 s13;
	[sflag:s14] =	ssyncadd.s32 @!p1 $0xFFFFC000;
	s10 =	smov.u32 s15  }
.LBB1_1:
0x14: {  	p1 =	sgt.u32 s8, $0x1F  }
0x15: {  	s13 =	sxor.u32 @!p1 $0xFFFFFFFF, s8;
	s14 =	sshll.u32 @!p1 s10, $0xC  }
0x16: {  	s15 =	sshll.u32 @!p1 s9, $0x7;
	s13 =	sshll.u32 @!p1 s13, $0xE;
	s14 =	sadd.s32 @!p1 s2, s14  }
0x17: {  	s13 =	sand.u32 @!p1 $0x4000, s13;
	s14 =	sadd.s32 @!p1 s15, s14;
	s15 =	simm.s32 @!p1 $0x0  }
0x18: {  	[tilespmem:s13], [sflag:$0x1] =	stream.linear.gather @!p1 [hbm4b:s14+s15], $0x4000, $0x38;
	[tilespmem:$0x10000] =	vst v63  }
0x19: {  	p1 =	seq.s32 s8, $0x0  }
0x1a: {  	p2 =	seq.s32 @!p1 s8, $0x21  }
0x1b: {  	p1 =	por p1, p2  }
.Ltmp2:
0x1c: {  	_ = 	snop;
	(pc) =	sbr.rel @p1 .LBB1_7-.Ltmp2, $1  }
0x1d: {  	_ =	sdelay $0x3  }
0x1e: {  	s13 =	simm.s32 $0x1;
	_ =	swait.ge [sflag:s4], $0x4000;
	s16 =	sshll.u32 s8, $0xE  }
0x1f: {  	s13 =	simm.s32 @!p0 $0x0;
	[sflag:s4] =	ssyncset.done $0x0;
	s31 =	sand.u32 $0x4000, s16  }
0x20: {  	s16 =	simm.s32 $0x0;
	s14 =	sshll.u32 s13, $0xE;
	[sflag:s4] =	ssyncadd.s32 $0xFFFFC000  }
0x21: {  	s13 =	sor.u32 $0x8040, s14;
	s15 =	sor.u32 $0x40, s14;
	s14 =	sor.u32 $0x8000, s31  }
.LBB1_3:
0x22: {  	v0 =	vmov s15;
	_ =	sdelay $0x3  }
0x23: {  	s18 =	simm.s32 $0x0  }
0x24: {  	v6 =	vld.idx.msk [tilespmem:v0+s18+$0x30 ss:$0x1], $0xffff  }
0x25: {  	v7 =	vld.idx.msk [tilespmem:v0+s18+$0xFFFFFFC0 ss:$0x1], $0xffff  }
0x26: {  	v5 =	vld.idx.msk [tilespmem:v0+s18+$0xFFFFFFD0 ss:$0x1], $0xffff  }
0x27: {  	v4 =	vld.idx.msk [tilespmem:v0+s18+$0xFFFFFFE0 ss:$0x1], $0xffff  }
0x28: {  	v3 =	vld.idx.msk [tilespmem:v0+s18+$0xFFFFFFF0 ss:$0x1], $0xffff  }
0x29: {  	v1 =	vld.idx.msk [tilespmem:v0+s18+$0x0 ss:$0x1], $0xffff  }
0x2a: {  	v2 =	vld.idx.msk [tilespmem:v0+s18+$0x10 ss:$0x1], $0xffff;
	[tilespmem:s13+$0x30] =	vst v6  }
0x2b: {  	s17 =	simm.s32 $0x80;
	s19 =	simm.s32 $0x400;
	[tilespmem:s13+$0xFFFFFFC0] =	vst v7;
	v6 =	vld.idx.msk [tilespmem:v0+s18+$0x20 ss:$0x1], $0xffff;
	s18 =	smov.u32 s13  }
.LBB1_4:
0x2c: {  	p1 =	sne.s32 s19, $0xE00;
	v7 =	vld.idx.msk [tilespmem:v0+s17+$0x30 ss:$0x1], $0xffff;
	[tilespmem:s18+$0xFFFFFFD0] =	vst v5  }
0x2d: {  	v8 =	vld.idx.msk [tilespmem:v0+s17+$0xFFFFFFC0 ss:$0x1], $0xffff;
	[tilespmem:s18+$0xFFFFFFE0] =	vst v4  }
0x2e: {  	v5 =	vld.idx.msk [tilespmem:v0+s17+$0xFFFFFFD0 ss:$0x1], $0xffff;
	[tilespmem:s18+$0xFFFFFFF0] =	vst v3  }
.Ltmp3:
0x2f: {  	v4 =	vld.idx.msk [tilespmem:v0+s17+$0xFFFFFFE0 ss:$0x1], $0xffff;
	[tilespmem:s18+$0x0] =	vst v1;
	(pc) =	sbr.rel @p1 .LBB1_4-.Ltmp3, $4  }
0x30: {  	v3 =	vld.idx.msk [tilespmem:v0+s17+$0xFFFFFFF0 ss:$0x1], $0xffff;
	[tilespmem:s18+$0x10] =	vst v2  }
0x31: {  	v1 =	vld.idx.msk [tilespmem:v0+s17+$0x0 ss:$0x1], $0xffff;
	[tilespmem:s18+$0x20] =	vst v6;
	s18 =	sadd.s32 $0x800, s18  }
0x32: {  	v2 =	vld.idx.msk [tilespmem:v0+s17+$0x10 ss:$0x1], $0xffff;
	[tilespmem:s18+$0x30] =	vst v7  }
0x33: {  	[tilespmem:s18+$0xFFFFFFC0] =	vst v8;
	v6 =	vld.idx.msk [tilespmem:v0+s17+$0x20 ss:$0x1], $0xffff;
	s17 =	sshra.s32 s19, $0x2;
	s19 =	sadd.s32 $0x200, s19  }
0x34: {  	_ =	sdelay $0x2  }
0x35: {  	[tilespmem:s18+$0xFFFFFFD0] =	vst v5  }
0x36: {  	v56 =	vld.idx.msk [tilespmem:v0+s17+$0x30 ss:$0x1], $0xffff;
	[tilespmem:s18+$0xFFFFFFE0] =	vst v4  }
0x37: {  	v57 =	vld.idx.msk [tilespmem:v0+s17+$0xFFFFFFC0 ss:$0x1], $0xffff;
	[tilespmem:s18+$0xFFFFFFF0] =	vst v3  }
0x38: {  	v58 =	vld.idx.msk [tilespmem:v0+s17+$0xFFFFFFD0 ss:$0x1], $0xffff;
	[tilespmem:s18+$0x0] =	vst v1  }
0x39: {  	v59 =	vld.idx.msk [tilespmem:v0+s17+$0xFFFFFFE0 ss:$0x1], $0xffff;
	[tilespmem:s18+$0x10] =	vst v2  }
0x3a: {  	v60 =	vld.idx.msk [tilespmem:v0+s17+$0xFFFFFFF0 ss:$0x1], $0xffff;
	s31 =	sadd.s32 $0x800, s18;
	[tilespmem:s18+$0x20] =	vst v6  }
0x3b: {  	v61 =	vld.idx.msk [tilespmem:v0+s17+$0x0 ss:$0x1], $0xffff;
	[tilespmem:s31+$0x30] =	vst v56  }
0x3c: {  	v62 =	vld.idx.msk [tilespmem:v0+s17+$0x10 ss:$0x1], $0xffff;
	s16 =	sadd.s32 $0x1, s16;
	[tilespmem:s31+$0xFFFFFFC0] =	vst v57  }
0x3d: {  	v63 =	vld.idx.msk [tilespmem:v0+s17+$0x20 ss:$0x1], $0xffff;
	p1 =	sne.s32 s16, $0x10;
	[tilespmem:s31+$0xFFFFFFD0] =	vst v58  }
.Ltmp4:
0x3e: {  	[tilespmem:s31+$0xFFFFFFE0] =	vst v59;
	(pc) =	sbr.rel @p1 .LBB1_3-.Ltmp4, $4  }
0x3f: {  	[tilespmem:s31+$0xFFFFFFF0] =	vst v60  }
0x40: {  	[tilespmem:s31+$0x0] =	vst v61  }
0x41: {  	[tilespmem:s31+$0x10] =	vst v62  }
0x42: {  	s13 =	sadd.s32 $0x80, s13;
	s15 =	sadd.s32 $0x400, s15;
	[tilespmem:s31+$0x20] =	vst v63  }
.Ltmp5:
0x43: {  	(pc) =	sbr.rel .LBB1_7-.Ltmp5, $4  }
0x44: {  	s12 =	sshll.u32 s12, $0xC;
	s11 =	sshll.u32 s11, $0x4  }
0x45: {  	s11 =	sand.u32 $0x1F0, s11;
	s12 =	sadd.s32 s3, s12  }
0x46: {  	s11 =	sadd.s32 s11, s12  }
0x47: {  	[hbm4b:s11+s6] =	stream.strided.scatter [tilespmem:s14], [sflag:$0x2], $0x4000, s7, s6, $0x38;
	[tilespmem:$0x10000] =	vst v63  }
.LBB1_8:
0x48: {  	_ =	sfence.sel $0x180000  }
0x49: {  	s2 =	simm.s32 $0x1;
	[bflag:$0x0] =	sbarrier.arrive $0xFFFF  }
0x4a: {  	s31 =	simm.s32 $0x2;
	[sflag:s2] =	ssyncpa.u1 $0x1  }
0x4b: {  	[sflag:s31] =	ssyncpa.u1 $0x1  }
0x4c: {  	p0 =	sne.s32 s1, $0x0;
	_ =	strace $0x90000047  }
0x4d: {  	s0 =	sadd.s32 @!p0 $0x100000, s0;
	[bflag:$0x2] =	sbarrier.arrive $0xFFFF  }
0x4e: {  	[sflag:s0] =	ssyncadd.tile.s32 @!p0 $0x1;
	_ =	shalt  }
.Lfunc_end1:
_tile_overlayer_lowered:
.L_overlay_start_2:
0x4f: {  	(tag) =	ssettag $0x2  }
0x50: {  	s0 =	rddreg [dreg:$0x0];
	s2 =	stileid.u32  }
0x51: {  	s1 =	rddreg [dreg:$0x1];
	p0 =	sne.s32 s2, $0x0  }
0x52: {  	s3 =	rddreg [dreg:$0x2];
	[bflag:$0x3] =	sbarrier.arrive $0xFFFF;
	s2 =	simm.s32 @!p0 $0x1C01  }
0x53: {  	[timem:s3], [sflag:s2] =	dma.local @!p0 [hbm:s0], s1  }
0x54: {  	s0 =	simm.s32 @!p0 $0x1  }
0x55: {  	_ =	swait.ge @!p0 [sflag:s0], s1  }
0x56: {  	s1 =	ssub.s32 @!p0 $0x0, s1;
	[sflag:s0] =	ssyncset.done @!p0 $0x0  }
0x57: {  	[sflag:s0] =	ssyncadd.s32 @!p0 s1  }
0x58: {  	[bflag:$0x3] =	sbarrier.arrive $0xFFFF  }
0x59: {  	_ =	shalt  }

// kernel: sparse-core-data-format-call.cloned.1.call-start
scs
called_computation_lowered:
.L_overlay_start_0:
0x0: {  	s2 =	sld [smem:$0x3FD9]  }
0x1: {  	s3 =	sld [smem:$0x3FFE];
	_ =	sdelay $0x1  }
0x2: {  	s1 =	srdreg.scid  }
0x3: {  	s0 =	sand.u32 $0x1, s1  }
0x4: {  	s18 =	sshll.u32 s0, $0xA;
	s2 =	sadd.s32 s3, s2  }
0x5: {  	s2 =	sadd.s32 s2, s18  }
0x6: {  	[smem:$0x3FC6] =	sst s2  }
0x7: {  	_ = 	snop  }
0x8: {  	s2 =	sld [smem:$0x3FD0];
	(tm) =	ssettm $0x1  }
0x9: {  	s19 =	sld [smem:$0x3FFB];
	_ =	sdelay $0x3  }
0xa: {  	_ =	strace s19  }
0xb: {  	s3 =	sld [smem:$0x3FFC];
	_ =	sdelay $0x3  }
0xc: {  	_ =	strace s3  }
0xd: {  	s3 =	sld [smem:$0x3FFD];
	_ =	sdelay $0x3  }
0xe: {  	_ =	strace s3  }
0xf: {  	_ =	strace $0x8FFFFFFF  }
0x10: {  	s20 =	sld [smem:$0x3FDB];
	_ =	sdelay $0x1  }
0x11: {  	s4 =	simm.s32 $_scs_section_size  }
0x12: {  	s5 =	simm.s32 $_size__tile_overlayer_lowered;
	s6 =	simm.s32 $_tile_overlayer_lowered  }
0x13: {  	s23 =	simm.s32 $0x1BFF;
	s22 =	sshll.u32 s6, $0x1;
	s3 =	sadd.s32 s4, s20  }
0x14: {  	s7 =	simm.s32 $0x0;
	s21 =	sshll.u32 s5, $0x1;
	s5 =	sadd.s32 s22, s3  }
0x15: {  	[timem:s7], [sflag:s23] =	dma.local [hbm:s5], s21  }
0x16: {  	_ =	swait.ge [sflag:s23], s21  }
0x17: {  	s4 =	ssub.s32 $0x0, s21;
	[sflag:s23] =	ssyncset.done $0x0  }
0x18: {  	[sflag:s23] =	ssyncadd.s32 s4;
	_ =	sdelay $0x1  }
0x19: {  	s24 =	simm.s32 $0x1B8B  }
0x1a: {  	_ =	swait.ge [sflag:s24], $0x1  }
0x1b: {  	[sflag:s24] =	ssyncset.done $0x0  }
0x1c: {  	s26 =	simm.s32 $0x1B8E;
	s25 =	sld [smem:$0x3FFE];
	[sflag:s24] =	ssyncadd.s32 $0xFFFFFFFF  }
0x1d: {  	s27 =	simm.s32 $execute0_lowered;
	[smem:$0x3FD2] =	sst s26  }
0x1e: {  	s5 =	sshll.u32 s27, $0x1;
	_ =	strace $0x8000004C;
	[dreg:$0x1] =	wrdreg $0xFFFFFFFF  }
0x1f: {  	s28 =	simm.s32 $_size_execute0_lowered;
	s3 =	sadd.s32 s3, s5;
	[dreg:$0x0] =	wrdreg $0x0  }
0x20: {  	s5 =	sshll.u32 s28, $0x1;
	[dreg:$0x2] =	wrdreg s3  }
0x21: {  	[dreg:$0x3] =	wrdreg s5  }
0x22: {  	[dreg:$0x4] =	wrdreg $0xC0  }
0x23: {  	_ =	task [dreg:s7], $0x5FFFF  }
0x24: {  	[dreg:$0x1] =	wrdreg $0xFFFFFFFF  }
0x25: {  	[dreg:$0x0] =	wrdreg $0x60  }
0x26: {  	[dreg:$0x2] =	wrdreg s25  }
0x27: {  	[dreg:$0x3] =	wrdreg s2  }
0x28: {  	[dreg:$0x4] =	wrdreg $0x9  }
0x29: {  	_ =	task.clear_ibuf [dreg:s7], $0x5FFFF;
	_ =	strace $0x9000004C  }
0x2a: {  	s29 =	simm.s32 $0x9;
	_ =	strace $0x8000004E  }
0x2b: {  	_ =	swait.ge [sflag:s29], $0x1  }
0x2c: {  	[sflag:s29] =	ssyncadd.s32 $0xFFFFFFFF  }
0x2d: {  	_ =	strace $0x9000004E  }
0x2e: {  	_ =	sfence  }
0x2f: {  	s30 =	sld [smem:$0x0];
	_ =	sdelay $0x2  }
0x30: {  	s31 =	sshll.u32 s1, $0xD;
	s1 =	sshrl.u32 s1, $0x2  }
0x31: {  	s3 =	sand.u32 $0x4000, s31;
	s1 =	sadd.s32 s1, s30  }
0x32: {  	s0 =	sor.u32 s3, s0;
	s1 =	sshll.u32 s1, $0x11  }
0x33: {  	s0 =	sor.u32 s1, s0  }
0x34: {  	s0 =	sadd.s32 $0x8F2B, s0  }
0x35: {  	[sflag:s0] =	ssyncadd.remote.s32 $0x1  }
0x36: {  	_ =	sfence.sel $0xFFFF  }
0x37: {  	[dreg:$0x0] =	wrdreg $0xFFFFFFFF;
	(pc) =	sbr.abs _section_cstart, $3  }
0x38: {  	[dreg:$0x1] =	wrdreg $0xFFFFFFFF  }
0x39: {  	_ =	task.clear_ibuf [dreg:s7], $0x2FFFF;
	_ =	strace $0x9FFFFFFF  }
0x3a: {  	(tm) =	ssettm $0x7FFFFFFF  }
0x3b: {  	_ =	shalt  }
tec
execute0_lowered:
.L_overlay_start_1:
0x0: {  	(tag) =	ssettag $0x1  }
0x1: {  	s0 =	srdreg.scid  }
0x2: {  	s1 =	sshll.u32 s0, $0x4  }
0x3: {  	s6 =	rddreg [dreg:$0x0];
	s0 =	stileid.u32;
	s1 =	sand.u32 $0x10, s1  }
0x4: {  	s3 =	rddreg [dreg:$0x1];
	s5 =	simm.s32 $0x1;
	s1 =	sor.u32 s0, s1  }
0x5: {  	s31 =	simm.s32 $0x2;
	s12 =	simm.s32 $0x0;
	s2 =	sshll.u32 s1, $0x7  }
0x6: {  	s8 =	simm.s32 $0x10000;
	s13 =	simm.s32 $0x0;
	s4 =	ssub.s32 $0x2000, s2  }
0x7: {  	s9 =	simm.s32 $0x0;
	s11 =	simm.s32 $0x0;
	s30 =	sand.u32 $0xF80, s4  }
.Ltmp0:
0x8: {  	s6 =	sadd.s32 $0xE00, s6;
	p0 =	sne.s32 s30, $0x0;
	(pc) =	sbr.rel .LBB1_1-.Ltmp0, $4  }
0x9: {  	s1 =	rddreg [dreg:$0x2];
	s7 =	sshrl.u32 s4, $0xC;
	s5 =	simm.s32 @!p0 $0x0  }
0xa: {  	_ =	strace $0x8000004D;
	s4 =	simm.s32 $0x1;
	s5 =	sadd.s32 s5, s7  }
0xb: {  	s10 =	smov.u32 s2;
	[sflag:s4] =	ssyncpa.u1 $0x0;
	s5 =	sshll.u32 s5, $0x6  }
0xc: {  	[sflag:s31] =	ssyncpa.u1 $0x0;
	p0 =	por $0x0, $0x0;
	s7 =	sor.u32 $0x1, s5  }
.LBB1_4:
0xd: {  	s16 =	sshll.u32 s13, $0x3;
	s17 =	sand.u32 $0x78, s13  }
0xe: {  	s30 =	sand.u32 $0xFC00, s13;
	s12 =	sshll.u32 s12, $0x10;
	s16 =	sand.u32 $0x1C00, s16  }
0xf: {  	[tilespmem:s15+$0x810 ss:$0x81] =	vst.msk $0xffff, v2;
	s31 =	sand.u32 $0x7, s13;
	s16 =	sor.u32 s17, s16;
	s17 =	sadd.s32 s3, s30  }
0x10: {  	[tilespmem:s15+$0x1020 ss:$0x81] =	vst.msk $0xffff, v0;
	s13 =	sshll.u32 s31, $0x12;
	s12 =	sadd.s32 s12, s17;
	s16 =	sshrl.u32 s16, $0x3  }
0x11: {  	[tilespmem:s15+$0x0 ss:$0x81] =	vst.msk $0xffff, v1;
	s13 =	sor.u32 $0x400, s13;
	s12 =	sadd.s32 s16, s12  }
0x12: {  	[hbm4b:s12+s13] =	stream.strided.scatter [tilespmem:s14], [sflag:$0x2], $0x2000, s8, s13, $0x20;
	[tilespmem:$0x8080] =	vst v63  }
.LBB1_5:
0x13: {  	s14 =	sadd.s32 $0x1, s9  }
0x14: {  	s12 =	sadd.s32 $0x1000, s10;
	s16 =	smov.u32 s10;
	p2 =	sgt.s32 s14, $0x3F  }
0x15: {  	s16 =	smov.u32 @p2 s12  }
0x16: {  	s14 =	simm.s32 @p2 $0x0;
	p2 =	sgt.s32 s16, $0x1FFF  }
0x17: {  	s16 =	smov.u32 @p2 s2;
	p2 =	sne.s32 s11, s7  }
.Ltmp1:
0x18: {  	p1 =	slt.u32 s11, $0x2;
	(pc) =	sbr.rel @!p2 .LBB1_6-.Ltmp1, $4  }
0x19: {  	s15 =	simm.s32 @!p1 $0x2  }
0x1a: {  	s13 =	smov.u32 s10;
	p0 =	por !p0, !p0;
	_ =	swait.ge @!p1 [sflag:s15], $0x2000  }
0x1b: {  	s12 =	smov.u32 s9;
	[sflag:s15] =	ssyncset.done @!p1 $0x0;
	s9 =	smov.u32 s14  }
0x1c: {  	s11 =	sadd.s32 $0x1, s11;
	[sflag:s15] =	ssyncadd.s32 @!p1 $0xFFFFE000;
	s10 =	smov.u32 s16  }
.LBB1_1:
0x1d: {  	p1 =	sge.u32 s11, s5  }
0x1e: {  	s31 =	sadd.s32 $0xFFFFFFFF, s11;
	s14 =	sxor.u32 @!p1 $0xFFFFFFFF, s11  }
0x1f: {  	s15 =	sshll.u32 @!p1 s10, $0xA;
	s16 =	sshll.u32 @!p1 s9, $0x4;
	s17 =	simm.s32 @!p1 $0x2000  }
0x20: {  	s14 =	sshll.u32 @!p1 s14, $0xD;
	s16 =	sand.u32 @!p1 $0x3F0, s16;
	s15 =	sadd.s32 @!p1 s6, s15  }
0x21: {  	s14 =	sand.u32 @!p1 $0x2000, s14;
	s15 =	sadd.s32 @!p1 s16, s15;
	s16 =	simm.s32 @!p1 $0x40  }
0x22: {  	[tilespmem:s14], [sflag:$0x1] =	stream.strided.gather @!p1 [hbm4b:s15+s16], $0x2000, s17, s16, $0x38;
	[tilespmem:$0x8080] =	vst v63  }
0x23: {  	p1 =	sge.u32 s31, s5  }
.Ltmp2:
0x24: {  	_ = 	snop;
	(pc) =	sbr.rel @p1 .LBB1_5-.Ltmp2, $1  }
0x25: {  	_ =	sdelay $0x3  }
0x26: {  	s14 =	simm.s32 $0x1  }
0x27: {  	_ =	swait.ge [sflag:s4], $0x2000;
	s14 =	simm.s32 @!p0 $0x0  }
0x28: {  	[sflag:s4] =	ssyncset.done $0x0;
	s15 =	sshll.u32 s14, $0xD  }
0x29: {  	[sflag:s4] =	ssyncadd.s32 $0xFFFFE000;
	s18 =	sor.u32 $0x20, s15  }
0x2a: {  	s14 =	smul.u32 $0x8100, s14;
	v3 =	vld [tilespmem:s18+$0x10]  }
0x2b: {  	s30 =	sand.u32 $0x1, s11;
	v2 =	vld [tilespmem:s18+$0xFFFFFFF0]  }
0x2c: {  	s15 =	smul.u32 $0x8100, s30;
	s14 =	sshrl.u32 s14, $0x2;
	v0 =	vld [tilespmem:s18+$0x0]  }
0x2d: {  	v1 =	vld [tilespmem:s18+$0xFFFFFFE0];
	s16 =	sor.u32 $0x4000, s14  }
0x2e: {  	s31 =	sshrl.u32 s15, $0x2;
	s15 =	sadd.s32 $0x0, s16  }
0x2f: {  	s17 =	simm.s32 $0x4;
	s18 =	sadd.s32 $0x40, s18;
	s14 =	sor.u32 $0x4000, s31;
	[tilespmem:s15+$0x1830 ss:$0x81] =	vst.msk $0xffff, v3  }
.LBB1_3:
0x30: {  	v3 =	vld [tilespmem:s18+$0x10];
	p1 =	sne.s32 s17, $0x1FC;
	[tilespmem:s15+$0x810 ss:$0x81] =	vst.msk $0xffff, v2;
	s19 =	smov.u32 s17;
	s17 =	sadd.s32 $0x4, s17  }
.Ltmp3:
0x31: {  	v2 =	vld [tilespmem:s18+$0xFFFFFFF0];
	[tilespmem:s15+$0x1020 ss:$0x81] =	vst.msk $0xffff, v0;
	(pc) =	sbr.rel @p1 .LBB1_3-.Ltmp3, $4  }
0x32: {  	v0 =	vld [tilespmem:s18+$0x0];
	[tilespmem:s15+$0x0 ss:$0x81] =	vst.msk $0xffff, v1  }
0x33: {  	s15 =	sshra.s32 s19, $0x2;
	v1 =	vld [tilespmem:s18+$0xFFFFFFE0]  }
0x34: {  	s15 =	sadd.s32 s15, s16  }
0x35: {  	s18 =	sadd.s32 $0x40, s18;
	[tilespmem:s15+$0x1830 ss:$0x81] =	vst.msk $0xffff, v3  }
.Ltmp4:
0x36: {  	_ = 	snop;
	(pc) =	sbr.rel .LBB1_4-.Ltmp4, $1  }
0x37: {  	_ =	sdelay $0x3  }
.LBB1_6:
0x38: {  	_ =	sfence.sel $0x180000  }
0x39: {  	s2 =	simm.s32 $0x1;
	[bflag:$0x0] =	sbarrier.arrive $0xFFFF  }
0x3a: {  	s31 =	simm.s32 $0x2;
	[sflag:s2] =	ssyncpa.u1 $0x1  }
0x3b: {  	[sflag:s31] =	ssyncpa.u1 $0x1  }
0x3c: {  	p0 =	sne.s32 s0, $0x0;
	_ =	strace $0x9000004D  }
0x3d: {  	s0 =	sadd.s32 @!p0 $0x100000, s1;
	[bflag:$0x2] =	sbarrier.arrive $0xFFFF  }
0x3e: {  	[sflag:s0] =	ssyncadd.tile.s32 @!p0 $0x1;
	_ =	shalt  }
.Lfunc_end1:
_tile_overlayer_lowered:
.L_overlay_start_2:
0x3f: {  	(tag) =	ssettag $0x2  }
0x40: {  	s0 =	rddreg [dreg:$0x0];
	s2 =	stileid.u32  }
0x41: {  	s1 =	rddreg [dreg:$0x1];
	p0 =	sne.s32 s2, $0x0  }
0x42: {  	s3 =	rddreg [dreg:$0x2];
	[bflag:$0x3] =	sbarrier.arrive $0xFFFF;
	s2 =	simm.s32 @!p0 $0x1C01  }
0x43: {  	[timem:s3], [sflag:s2] =	dma.local @!p0 [hbm:s0], s1  }
0x44: {  	s0 =	simm.s32 @!p0 $0x1  }
0x45: {  	_ =	swait.ge @!p0 [sflag:s0], s1  }
0x46: {  	s1 =	ssub.s32 @!p0 $0x0, s1;
	[sflag:s0] =	ssyncset.done @!p0 $0x0  }
0x47: {  	[sflag:s0] =	ssyncadd.s32 @!p0 s1  }
0x48: {  	[bflag:$0x3] =	sbarrier.arrive $0xFFFF  }
0x49: {  	_ =	shalt  }

</sc_bundles>
